<compile_context>
chip_gen: v7x
topology: tpu7x:2x2x1
jax: 0.10.2.dev20260603
libtpu: 0.0.44.dev20260713+nightly
codegen_flags: <defaults>
</compile_context>

<pallas_src>
import functools

import jax
import jax.numpy as jnp
import numpy as np
from jax import lax
from jax.experimental import pallas as pl
from jax.experimental.pallas import tpu as pltpu
from jax.experimental.pallas import tpu_sc as plsc

N = 10000
E = 320000
D_IN = 128
HID = 16

NC = 2
NS = 16
NW = NC * NS
LANES = 16

EB = 128
NBLK = 80
EPW = NBLK * EB
SLOTS = 4
SB = 256
SPB = SB // EB
NSB = EPW // SB
E_PAD = EPW * NW
NROWS = 10240
ROWS_PER_TILE = NROWS // NS
ACC_W = 2 * HID

_GDN = lax.GatherDimensionNumbers(
    offset_dims=(), collapsed_slice_dims=(0,), start_index_map=(0,))


def _shuf(v, perm):
  return lax.gather(v, perm.reshape(LANES, 1), dimension_numbers=_GDN,
                    slice_sizes=(1,),
                    mode=lax.GatherScatterMode.PROMISE_IN_BOUNDS)


def _edge_kernel_body(xors, srcp, dstp, xl, xr, atth, acc_out,
                      attb, sidx, didx,
                      xlb0, xrb0, xlb1, xrb1, xlb2, xrb2, xlb3, xrb3,
                      exb0, msgb0, exb1, msgb1, exb2, msgb2, exb3, msgb3,
                      zbuf, den_sh, msg_sh,
                      semg0, semg1, semg2, semg3,
                      sems0, sems1, sems2, sems3):
  c = lax.axis_index("c")
  s = lax.axis_index("s")
  wid = s * NC + c

  xlbs = (xlb0, xlb1, xlb2, xlb3)
  xrbs = (xrb0, xrb1, xrb2, xrb3)
  exbs = (exb0, exb1, exb2, exb3)
  msgbs = (msgb0, msgb1, msgb2, msgb3)
  semgs = (semg0, semg1, semg2, semg3)
  semss = (sems0, sems1, sems2, sems3)

  zero = jnp.zeros((LANES,), jnp.float32)

  def zb(i, carry):
    zbuf[i, :] = zero
    return carry

  lax.fori_loop(0, ROWS_PER_TILE // 2, zb, 0)
  zbase = s * ROWS_PER_TILE
  half = ROWS_PER_TILE // 2
  pltpu.sync_copy(zbuf, den_sh.at[pl.ds(zbase, half)])
  pltpu.sync_copy(zbuf, den_sh.at[pl.ds(zbase + half, half)])
  pltpu.sync_copy(zbuf, msg_sh.at[pl.ds(zbase, half)])
  pltpu.sync_copy(zbuf, msg_sh.at[pl.ds(zbase + half, half)])
  pltpu.sync_copy(atth, attb)
  pltpu.sync_copy(srcp.at[pl.ds(wid * NBLK, NBLK)], sidx)
  pltpu.sync_copy(dstp.at[pl.ds(wid * NBLK, NBLK)], didx)
  plsc.subcore_barrier()

  att = attb[...]
  att5 = att * jnp.float32(0.2)
  perms = [jnp.arange(LANES, dtype=jnp.int32) ^ x for x in xors]

  def gather_start(g, slot):
    for j in range(SPB):
      pltpu.make_async_copy(xl.at[sidx.at[g * SPB + j]],
                            xlbs[slot].at[pl.ds(j * EB, EB)],
                            semgs[slot]).start()
      pltpu.make_async_copy(xr.at[didx.at[g * SPB + j]],
                            xrbs[slot].at[pl.ds(j * EB, EB)],
                            semgs[slot]).start()

  def gather_wait(slot):
    for j in range(SPB):
      pltpu.make_async_copy(xl.at[sidx.at[0]],
                            xlbs[slot].at[pl.ds(j * EB, EB)],
                            semgs[slot]).wait()
      pltpu.make_async_copy(xr.at[didx.at[0]],
                            xrbs[slot].at[pl.ds(j * EB, EB)],
                            semgs[slot]).wait()

  def scatter_start(g, slot):
    for j in range(SPB):
      pltpu.make_async_copy(exbs[slot].at[pl.ds(j * EB, EB)],
                            den_sh.at[didx.at[g * SPB + j]],
                            semss[slot]).start(add=True)
      pltpu.make_async_copy(msgbs[slot].at[pl.ds(j * EB, EB)],
                            msg_sh.at[didx.at[g * SPB + j]],
                            semss[slot]).start(add=True)

  def scatter_wait(slot):
    for j in range(SPB):
      pltpu.make_async_copy(exbs[slot].at[pl.ds(j * EB, EB)],
                            den_sh.at[didx.at[0]],
                            semss[slot]).wait()
      pltpu.make_async_copy(msgbs[slot].at[pl.ds(j * EB, EB)],
                            msg_sh.at[didx.at[0]],
                            semss[slot]).wait()

  def compute(slot):
    xlb, xrb, exb, msgb = xlbs[slot], xrbs[slot], exbs[slot], msgbs[slot]

    @plsc.parallel_loop(0, SB, unroll=4)
    def _edge(i):
      vl = xlb[i, :]
      sv = vl + xrb[i, :]
      p = jnp.where(sv > 0, sv * att, sv * att5)
      for perm in perms:
        p = p + _shuf(p, perm)
      ex = jnp.exp(p)
      exb[i, :] = ex
      msgb[i, :] = ex * vl

  for h in range(SLOTS - 1):
    gather_start(h, h)

  def macro(m, carry):
    for r in range(SLOTS):
      g = m * SLOTS + r
      gather_wait(r)

      @pl.when(m > 0)
      def _():
        scatter_wait(r)

      @pl.when(g + SLOTS - 1 < NSB)
      def _():
        gather_start(g + SLOTS - 1, (r + SLOTS - 1) % SLOTS)

      compute(r)
      scatter_start(g, r)
    return carry

  lax.fori_loop(0, NSB // SLOTS, macro, 0)
  for r in range(SLOTS):
    scatter_wait(r)
  plsc.subcore_barrier()

  pltpu.sync_copy(den_sh.at[pl.ds(zbase, ROWS_PER_TILE)],
                  acc_out.at[c, 0, pl.ds(zbase, ROWS_PER_TILE)])
  pltpu.sync_copy(msg_sh.at[pl.ds(zbase, ROWS_PER_TILE)],
                  acc_out.at[c, 1, pl.ds(zbase, ROWS_PER_TILE)])


def _make_edge_kernel(xors):
  mesh = plsc.VectorSubcoreMesh(core_axis_name="c", subcore_axis_name="s",
                                num_cores=NC, num_subcores=NS)
  return pl.kernel(
      functools.partial(_edge_kernel_body, xors),
      out_type=jax.ShapeDtypeStruct((NC, 2, NROWS, HID), jnp.float32),
      mesh=mesh,
      scratch_types=[
          pltpu.VMEM((LANES,), jnp.float32),
          pltpu.VMEM((NBLK, EB), jnp.int32),
          pltpu.VMEM((NBLK, EB), jnp.int32),
      ] + [pltpu.VMEM((SB, HID), jnp.float32)] * 16 + [
          pltpu.VMEM((ROWS_PER_TILE // 2, HID), jnp.float32),
          pltpu.VMEM_SHARED((NROWS, HID), jnp.float32),
          pltpu.VMEM_SHARED((NROWS, HID), jnp.float32),
      ] + [pltpu.SemaphoreType.DMA] * 8,
      compiler_params=pltpu.CompilerParams(use_tc_tiling_on_sc=False),
      name="gat_edge_pass",
  )


_edge_l1 = _make_edge_kernel((1, 2))
_edge_l2 = _make_edge_kernel((1, 2, 4, 8))

_G1 = np.kron(np.eye(4, dtype=np.float32), np.ones((4, 4), np.float32))
_G2 = np.ones((HID, HID), np.float32)


def _leaky(v):
  return jnp.where(v > 0, v, v * jnp.float32(0.2))


def _proj1_body(x_ref, w_ref, b_ref, ei_ref, padi_ref, ol_ref, or_ref,
                sp_ref, dp_ref):
  acc = jnp.dot(x_ref[...], w_ref[...],
                preferred_element_type=jnp.float32) + b_ref[...]
  ol_ref[...] = acc[:, :HID]
  or_ref[...] = acc[:, HID:]
  padi = padi_ref[...]
  sp_ref[...] = jnp.concatenate([ei_ref[0].reshape(E // EB, EB), padi], axis=0)
  dp_ref[...] = jnp.concatenate([ei_ref[1].reshape(E // EB, EB), padi], axis=0)


def _proj1(xpad, wcat, bcat, edge_index, padi):
  return pl.pallas_call(
      _proj1_body,
      out_shape=[
          jax.ShapeDtypeStruct((NROWS, HID), jnp.float32),
          jax.ShapeDtypeStruct((NROWS, HID), jnp.float32),
          jax.ShapeDtypeStruct((E_PAD // EB, EB), jnp.int32),
          jax.ShapeDtypeStruct((E_PAD // EB, EB), jnp.int32),
      ],
  )(xpad, wcat, bcat, edge_index, padi)


def _fuse_body(acc_ref, xl_ref, xr_ref, att_ref, g_ref, b1_ref, w_ref,
               b2_ref, ol_ref, or_ref):
  xl = xl_ref[...]
  lg = jnp.dot(_leaky(xl + xr_ref[...]) * att_ref[...], g_ref[...],
               preferred_element_type=jnp.float32)
  ex = jnp.exp(lg)
  den = acc_ref[0, 0] + acc_ref[1, 0] + ex
  msg = acc_ref[0, 1] + acc_ref[1, 1] + ex * xl
  h = jnp.maximum(msg / (den + 1e-16) + b1_ref[...], 0.0)
  acc = jnp.dot(h, w_ref[...], preferred_element_type=jnp.float32) + b2_ref[...]
  ol_ref[...] = acc[:, :HID]
  or_ref[...] = acc[:, HID:]


def _fuse(acc1, xl1, xr1, att1v, bias1, wcat2, bcat2):
  return pl.pallas_call(
      _fuse_body,
      out_shape=[
          jax.ShapeDtypeStruct((NROWS, HID), jnp.float32),
          jax.ShapeDtypeStruct((NROWS, HID), jnp.float32),
      ],
  )(acc1, xl1, xr1, att1v, _G1, bias1, wcat2, bcat2)


def _final_body(acc_ref, xl_ref, xr_ref, att_ref, g_ref, b_ref, o_ref):
  xl = xl_ref[...]
  lg = jnp.dot(_leaky(xl + xr_ref[...]) * att_ref[...], g_ref[...],
               preferred_element_type=jnp.float32)
  ex = jnp.exp(lg)
  den = acc_ref[0, 0] + acc_ref[1, 0] + ex
  msg = acc_ref[0, 1] + acc_ref[1, 1] + ex * xl
  out = msg / (den + 1e-16) + b_ref[...]
  o_ref[...] = out[:N]


def _final(acc2, xl2, xr2, att2v, bias2):
  return pl.pallas_call(
      _final_body,
      out_shape=jax.ShapeDtypeStruct((N, HID), jnp.float32),
  )(acc2, xl2, xr2, att2v, _G2, bias2)


@jax.jit
def _impl(x, edge_index, Wl1, bl1, Wr1, br1, att1, bias1,
          Wl2, bl2, Wr2, br2, att2, bias2):
  padi = np.asarray(N + (np.arange(E_PAD - E) % (NROWS - N)),
                    np.int32).reshape((E_PAD - E) // EB, EB)

  xpad = jnp.pad(x, ((0, NROWS - N), (0, 0)))
  w1 = jnp.concatenate([Wl1, Wr1], axis=1)
  b1 = jnp.concatenate([bl1, br1]).reshape(1, 2 * HID)
  xl1, xr1, srcp, dstp = _proj1(xpad, w1, b1, edge_index, padi)

  att1v = att1.reshape(1, HID)
  acc1 = _edge_l1(srcp, dstp, xl1, xr1, att1.reshape(HID))

  w2 = jnp.concatenate([Wl2, Wr2], axis=1)
  b2 = jnp.concatenate([bl2, br2]).reshape(1, 2 * HID)
  xl2, xr2 = _fuse(acc1, xl1, xr1, att1v, bias1.reshape(1, HID), w2, b2)

  att2v = att2.reshape(1, HID)
  acc2 = _edge_l2(srcp, dstp, xl2, xr2, att2.reshape(HID))

  return _final(acc2, xl2, xr2, att2v, bias2.reshape(1, HID))


def kernel(x, edge_index, Wl1, bl1, Wr1, br1, att1, bias1,
           Wl2, bl2, Wr2, br2, att2, bias2):
  return _impl(x, edge_index, Wl1, bl1, Wr1, br1, att1, bias1,
               Wl2, bl2, Wr2, br2, att2, bias2)

# --- scband reference (transcript-rebuilt; emitter-appended) ---
"""Pipeline reference for scband-gat-21766894256417 (READ-ONLY COPY).

The authoritative reference and input builder live on the scoring server;
editing this copy changes nothing except your own understanding.
"""

import jax, jax.numpy as jnp
import numpy as np

N = 10000
E = 320000
D_IN = 128
HID = 16
HEADS = 4
PER_HEAD = HID // HEADS  # 4


def setup_inputs(seed: int = 0) -> dict:
    key = jax.random.key(seed)
    ks = jax.random.split(key, 14)
    x = jax.random.normal(ks[0], (N, D_IN), dtype=jnp.float32)
    edge_index = jax.random.randint(ks[1], (2, E), 0, N, dtype=jnp.int32)
    s1 = 1.0 / np.sqrt(D_IN)
    s2 = 1.0 / np.sqrt(HID)
    return {
        "x": x,
        "edge_index": edge_index,
        # layer 1: GATv2Conv(128, 4, heads=4, concat=True)
        "Wl1": jax.random.normal(ks[2], (D_IN, HID), dtype=jnp.float32) * s1,
        "bl1": jnp.zeros((HID,), dtype=jnp.float32),
        "Wr1": jax.random.normal(ks[3], (D_IN, HID), dtype=jnp.float32) * s1,
        "br1": jnp.zeros((HID,), dtype=jnp.float32),
        "att1": jax.random.normal(ks[4], (HEADS, PER_HEAD), dtype=jnp.float32) * 0.5,
        "bias1": jnp.zeros((HID,), dtype=jnp.float32),
        # layer 2: GATv2Conv(16, 16, heads=1, concat=True)
        "Wl2": jax.random.normal(ks[5], (HID, HID), dtype=jnp.float32) * s2,
        "bl2": jnp.zeros((HID,), dtype=jnp.float32),
        "Wr2": jax.random.normal(ks[6], (HID, HID), dtype=jnp.float32) * s2,
        "br2": jnp.zeros((HID,), dtype=jnp.float32),
        "att2": jax.random.normal(ks[7], (1, HID), dtype=jnp.float32) * 0.5,
        "bias2": jnp.zeros((HID,), dtype=jnp.float32),
    }


def gatv2_layer(x, edge_index, Wl, bl, Wr, br, att, bias, heads, out_ch):
    # Faithful GATv2Conv (PyG semantics, share_weights=False, add_self_loops=True,
    # negative_slope=0.2, concat=True).
    n = x.shape[0]
    loop = jnp.arange(n, dtype=edge_index.dtype)
    src = jnp.concatenate([edge_index[0], loop])  # message source j
    dst = jnp.concatenate([edge_index[1], loop])  # message target i
    xl = (x @ Wl + bl).reshape(n, heads, out_ch)  # lin_l -> x_j
    xr = (x @ Wr + br).reshape(n, heads, out_ch)  # lin_r -> x_i
    e = jax.nn.leaky_relu(xl[src] + xr[dst], negative_slope=0.2)  # [Etot, H, C]
    logits = jnp.sum(e * att[None, :, :], axis=-1)  # [Etot, H]
    # softmax over incoming edges of each dst node
    amax = jax.ops.segment_max(logits, dst, num_segments=n)
    amax = jnp.where(jnp.isfinite(amax), amax, 0.0)
    ex = jnp.exp(logits - amax[dst])
    denom = jax.ops.segment_sum(ex, dst, num_segments=n)
    alpha = ex / (denom[dst] + 1e-16)  # [Etot, H]
    msg = xl[src] * alpha[..., None]  # [Etot, H, C]
    out = jax.ops.segment_sum(msg, dst, num_segments=n)  # [N, H, C]
    return out.reshape(n, heads * out_ch) + bias


def reference(x, edge_index, Wl1, bl1, Wr1, br1, att1, bias1, Wl2, bl2, Wr2, br2, att2, bias2):
    h = gatv2_layer(x, edge_index, Wl1, bl1, Wr1, br1, att1, bias1, HEADS, PER_HEAD)
    h = jax.nn.relu(h)
    out = gatv2_layer(h, edge_index, Wl2, bl2, Wr2, br2, att2, bias2, 1, HID)
    return out

if __name__ == "__main__":
    import jax
    _d = setup_inputs()
    print(jax.jit(kernel)(*tuple(_d.values())))

</pallas_src>

<mosaic_0001>
#map = affine_map<(d0, d1) -> (0, 0)>
#map1 = affine_map<(d0, d1) -> (0)>
#map2 = affine_map<(d0, d1) -> (0, 0, 0, 0)>
module attributes {stable_mosaic.version = 14 : i64} {
  func.func @gat_edge_pass(%arg0: i32, %arg1: i32, %arg2: memref<2560x128xi32, #tpu.memory_space<hbm>>, %arg3: memref<2560x128xi32, #tpu.memory_space<hbm>>, %arg4: memref<10240x16xf32, #tpu.memory_space<hbm>>, %arg5: memref<10240x16xf32, #tpu.memory_space<hbm>>, %arg6: memref<16xf32, #tpu.memory_space<hbm>>, %arg7: memref<2x2x10240x16xf32, #tpu.memory_space<hbm>>, %arg8: memref<16xf32, #tpu.memory_space<vmem>>, %arg9: memref<80x128xi32, #tpu.memory_space<vmem>>, %arg10: memref<80x128xi32, #tpu.memory_space<vmem>>, %arg11: memref<256x16xf32, #tpu.memory_space<vmem>>, %arg12: memref<256x16xf32, #tpu.memory_space<vmem>>, %arg13: memref<256x16xf32, #tpu.memory_space<vmem>>, %arg14: memref<256x16xf32, #tpu.memory_space<vmem>>, %arg15: memref<256x16xf32, #tpu.memory_space<vmem>>, %arg16: memref<256x16xf32, #tpu.memory_space<vmem>>, %arg17: memref<256x16xf32, #tpu.memory_space<vmem>>, %arg18: memref<256x16xf32, #tpu.memory_space<vmem>>, %arg19: memref<256x16xf32, #tpu.memory_space<vmem>>, %arg20: memref<256x16xf32, #tpu.memory_space<vmem>>, %arg21: memref<256x16xf32, #tpu.memory_space<vmem>>, %arg22: memref<256x16xf32, #tpu.memory_space<vmem>>, %arg23: memref<256x16xf32, #tpu.memory_space<vmem>>, %arg24: memref<256x16xf32, #tpu.memory_space<vmem>>, %arg25: memref<256x16xf32, #tpu.memory_space<vmem>>, %arg26: memref<256x16xf32, #tpu.memory_space<vmem>>, %arg27: memref<320x16xf32, #tpu.memory_space<vmem>>, %arg28: memref<10240x16xf32, #tpu.memory_space<vmem_shared>>, %arg29: memref<10240x16xf32, #tpu.memory_space<vmem_shared>>, %arg30: memref<!tpu.dma_semaphore, #tpu.memory_space<semaphore_mem>>, %arg31: memref<!tpu.dma_semaphore, #tpu.memory_space<semaphore_mem>>, %arg32: memref<!tpu.dma_semaphore, #tpu.memory_space<semaphore_mem>>, %arg33: memref<!tpu.dma_semaphore, #tpu.memory_space<semaphore_mem>>, %arg34: memref<!tpu.dma_semaphore, #tpu.memory_space<semaphore_mem>>, %arg35: memref<!tpu.dma_semaphore, #tpu.memory_space<semaphore_mem>>, %arg36: memref<!tpu.dma_semaphore, #tpu.memory_space<semaphore_mem>>, %arg37: memref<!tpu.dma_semaphore, #tpu.memory_space<semaphore_mem>>) attributes {dimension_semantics = [#tpu.dimension_semantics<core_parallel>, #tpu.dimension_semantics<subcore_parallel>], iteration_bounds = array<i64: 2, 16>, scalar_prefetch = 0 : i64, scratch_operands = 30 : i64, tpu.core_type = #tpu.core_type<sc_vector_subcore>, window_params = [{transform_indices = #map}, {transform_indices = #map}, {transform_indices = #map}, {transform_indices = #map}, {transform_indices = #map1}, {transform_indices = #map2}]} {
    %mul3A = arith.constant 2 : i32
    %mul3A_0 = arith.muli %arg1, %mul3A : i32
    %add3A = arith.addi %mul3A_0, %arg0 : i32
    %broadcast_in_dim3A = arith.constant 0.000000e+00 : f32
    %broadcast_in_dim3A_1 = vector.broadcast %broadcast_in_dim3A : f32 to vector<16xf32>
    %scan3A = arith.constant 0 : i32
    %scan3A_2 = arith.constant 0 : i32
    %scan3A_3 = arith.constant 320 : i32
    %scan3A_4 = arith.addi %scan3A_2, %scan3A_3 : i32
    %scan3A_5 = arith.constant 1 : i32
    scf.for %scan3A_314 = %scan3A_2 to %scan3A_4 step %scan3A_5  : i32 {
      %swap3A = arith.index_cast %scan3A_314 : i32 to index
      %swap3A_315 = arith.constant 0 : index
      %swap3A_316 = tpu.vector_load %arg27[%swap3A, %swap3A_315] {strides = array<i32>} : memref<320x16xf32, #tpu.memory_space<vmem>>, vector<1x16xf32>,
      %swap3A_317 = vector.shape_cast %swap3A_316 : vector<1x16xf32> to vector<16xf32>
      %swap3A_318 = vector.shape_cast %broadcast_in_dim3A_1 : vector<16xf32> to vector<1x16xf32>
      tpu.vector_store %arg27[%swap3A, %swap3A_315], %swap3A_318 {strides = array<i32>} : memref<320x16xf32, #tpu.memory_space<vmem>>, vector<1x16xf32>,
    }
    %scan3A_6 = arith.constant 320 : i32
    %mul3A_7 = arith.constant 640 : i32
    %mul3A_8 = arith.muli %arg1, %mul3A_7 : i32
    "tpu.region"() ({
      %run_scoped3A_314 = tpu.sem_alloc : memref<!tpu.dma_semaphore, #tpu.memory_space<semaphore_mem>>
      %dma_start3A_315 = arith.constant 0 : i32
      %dma_start3A_316 = tpu.memref_slice %arg28[%mul3A_8, %dma_start3A_315] : memref<10240x16xf32, #tpu.memory_space<vmem_shared>> -> memref<320x16xf32, #tpu.memory_space<vmem_shared>>
      %dma_start3A_317 = arith.constant 0 : i32
      %dma_start3A_318 = tpu.memref_slice %arg28[%mul3A_8, %dma_start3A_317] : memref<10240x16xf32, #tpu.memory_space<vmem_shared>> -> memref<320x16xf32, #tpu.memory_space<vmem_shared>>
      tpu.enqueue_dma source(%arg27 : memref<320x16xf32, #tpu.memory_space<vmem>>) target(%dma_start3A_318 : memref<320x16xf32, #tpu.memory_space<vmem_shared>>) target_semaphore(%run_scoped3A_314 : memref<!tpu.dma_semaphore, #tpu.memory_space<semaphore_mem>>)
      %dma_wait3A_319 = arith.constant 0 : i32
      %dma_wait3A_320 = tpu.memref_slice %arg28[%mul3A_8, %dma_wait3A_319] : memref<10240x16xf32, #tpu.memory_space<vmem_shared>> -> memref<320x16xf32, #tpu.memory_space<vmem_shared>>
      %dma_wait3A_321 = arith.constant 0 : i32
      %dma_wait3A_322 = tpu.memref_slice %arg28[%mul3A_8, %dma_wait3A_321] : memref<10240x16xf32, #tpu.memory_space<vmem_shared>> -> memref<320x16xf32, #tpu.memory_space<vmem_shared>>
      tpu.wait_dma2 semaphore(%run_scoped3A_314 : memref<!tpu.dma_semaphore, #tpu.memory_space<semaphore_mem>>) src(%arg27 : memref<320x16xf32, #tpu.memory_space<vmem>>) dst(%dma_wait3A_322 : memref<320x16xf32, #tpu.memory_space<vmem_shared>>)
      tpu.yield
    }) : () -> ()
    %add3A_9 = arith.constant 320 : i32
    %add3A_10 = arith.addi %mul3A_8, %add3A_9 : i32
    "tpu.region"() ({
      %run_scoped3A_314 = tpu.sem_alloc : memref<!tpu.dma_semaphore, #tpu.memory_space<semaphore_mem>>
      %dma_start3A_315 = arith.constant 0 : i32
      %dma_start3A_316 = tpu.memref_slice %arg28[%add3A_10, %dma_start3A_315] : memref<10240x16xf32, #tpu.memory_space<vmem_shared>> -> memref<320x16xf32, #tpu.memory_space<vmem_shared>>
      %dma_start3A_317 = arith.constant 0 : i32
      %dma_start3A_318 = tpu.memref_slice %arg28[%add3A_10, %dma_start3A_317] : memref<10240x16xf32, #tpu.memory_space<vmem_shared>> -> memref<320x16xf32, #tpu.memory_space<vmem_shared>>
      tpu.enqueue_dma source(%arg27 : memref<320x16xf32, #tpu.memory_space<vmem>>) target(%dma_start3A_318 : memref<320x16xf32, #tpu.memory_space<vmem_shared>>) target_semaphore(%run_scoped3A_314 : memref<!tpu.dma_semaphore, #tpu.memory_space<semaphore_mem>>)
      %dma_wait3A_319 = arith.constant 0 : i32
      %dma_wait3A_320 = tpu.memref_slice %arg28[%add3A_10, %dma_wait3A_319] : memref<10240x16xf32, #tpu.memory_space<vmem_shared>> -> memref<320x16xf32, #tpu.memory_space<vmem_shared>>
      %dma_wait3A_321 = arith.constant 0 : i32
      %dma_wait3A_322 = tpu.memref_slice %arg28[%add3A_10, %dma_wait3A_321] : memref<10240x16xf32, #tpu.memory_space<vmem_shared>> -> memref<320x16xf32, #tpu.memory_space<vmem_shared>>
      tpu.wait_dma2 semaphore(%run_scoped3A_314 : memref<!tpu.dma_semaphore, #tpu.memory_space<semaphore_mem>>) src(%arg27 : memref<320x16xf32, #tpu.memory_space<vmem>>) dst(%dma_wait3A_322 : memref<320x16xf32, #tpu.memory_space<vmem_shared>>)
      tpu.yield
    }) : () -> ()
    "tpu.region"() ({
      %run_scoped3A_314 = tpu.sem_alloc : memref<!tpu.dma_semaphore, #tpu.memory_space<semaphore_mem>>
      %dma_start3A_315 = arith.constant 0 : i32
      %dma_start3A_316 = tpu.memref_slice %arg29[%mul3A_8, %dma_start3A_315] : memref<10240x16xf32, #tpu.memory_space<vmem_shared>> -> memref<320x16xf32, #tpu.memory_space<vmem_shared>>
      %dma_start3A_317 = arith.constant 0 : i32
      %dma_start3A_318 = tpu.memref_slice %arg29[%mul3A_8, %dma_start3A_317] : memref<10240x16xf32, #tpu.memory_space<vmem_shared>> -> memref<320x16xf32, #tpu.memory_space<vmem_shared>>
      tpu.enqueue_dma source(%arg27 : memref<320x16xf32, #tpu.memory_space<vmem>>) target(%dma_start3A_318 : memref<320x16xf32, #tpu.memory_space<vmem_shared>>) target_semaphore(%run_scoped3A_314 : memref<!tpu.dma_semaphore, #tpu.memory_space<semaphore_mem>>)
      %dma_wait3A_319 = arith.constant 0 : i32
      %dma_wait3A_320 = tpu.memref_slice %arg29[%mul3A_8, %dma_wait3A_319] : memref<10240x16xf32, #tpu.memory_space<vmem_shared>> -> memref<320x16xf32, #tpu.memory_space<vmem_shared>>
      %dma_wait3A_321 = arith.constant 0 : i32
      %dma_wait3A_322 = tpu.memref_slice %arg29[%mul3A_8, %dma_wait3A_321] : memref<10240x16xf32, #tpu.memory_space<vmem_shared>> -> memref<320x16xf32, #tpu.memory_space<vmem_shared>>
      tpu.wait_dma2 semaphore(%run_scoped3A_314 : memref<!tpu.dma_semaphore, #tpu.memory_space<semaphore_mem>>) src(%arg27 : memref<320x16xf32, #tpu.memory_space<vmem>>) dst(%dma_wait3A_322 : memref<320x16xf32, #tpu.memory_space<vmem_shared>>)
      tpu.yield
    }) : () -> ()
    %add3A_11 = arith.constant 320 : i32
    %add3A_12 = arith.addi %mul3A_8, %add3A_11 : i32
    "tpu.region"() ({
      %run_scoped3A_314 = tpu.sem_alloc : memref<!tpu.dma_semaphore, #tpu.memory_space<semaphore_mem>>
      %dma_start3A_315 = arith.constant 0 : i32
      %dma_start3A_316 = tpu.memref_slice %arg29[%add3A_12, %dma_start3A_315] : memref<10240x16xf32, #tpu.memory_space<vmem_shared>> -> memref<320x16xf32, #tpu.memory_space<vmem_shared>>
      %dma_start3A_317 = arith.constant 0 : i32
      %dma_start3A_318 = tpu.memref_slice %arg29[%add3A_12, %dma_start3A_317] : memref<10240x16xf32, #tpu.memory_space<vmem_shared>> -> memref<320x16xf32, #tpu.memory_space<vmem_shared>>
      tpu.enqueue_dma source(%arg27 : memref<320x16xf32, #tpu.memory_space<vmem>>) target(%dma_start3A_318 : memref<320x16xf32, #tpu.memory_space<vmem_shared>>) target_semaphore(%run_scoped3A_314 : memref<!tpu.dma_semaphore, #tpu.memory_space<semaphore_mem>>)
      %dma_wait3A_319 = arith.constant 0 : i32
      %dma_wait3A_320 = tpu.memref_slice %arg29[%add3A_12, %dma_wait3A_319] : memref<10240x16xf32, #tpu.memory_space<vmem_shared>> -> memref<320x16xf32, #tpu.memory_space<vmem_shared>>
      %dma_wait3A_321 = arith.constant 0 : i32
      %dma_wait3A_322 = tpu.memref_slice %arg29[%add3A_12, %dma_wait3A_321] : memref<10240x16xf32, #tpu.memory_space<vmem_shared>> -> memref<320x16xf32, #tpu.memory_space<vmem_shared>>
      tpu.wait_dma2 semaphore(%run_scoped3A_314 : memref<!tpu.dma_semaphore, #tpu.memory_space<semaphore_mem>>) src(%arg27 : memref<320x16xf32, #tpu.memory_space<vmem>>) dst(%dma_wait3A_322 : memref<320x16xf32, #tpu.memory_space<vmem_shared>>)
      tpu.yield
    }) : () -> ()
    "tpu.region"() ({
      %run_scoped3A_314 = tpu.sem_alloc : memref<!tpu.dma_semaphore, #tpu.memory_space<semaphore_mem>>
      tpu.enqueue_dma source(%arg6 : memref<16xf32, #tpu.memory_space<hbm>>) target(%arg8 : memref<16xf32, #tpu.memory_space<vmem>>) target_semaphore(%run_scoped3A_314 : memref<!tpu.dma_semaphore, #tpu.memory_space<semaphore_mem>>)
      tpu.wait_dma2 semaphore(%run_scoped3A_314 : memref<!tpu.dma_semaphore, #tpu.memory_space<semaphore_mem>>) src(%arg6 : memref<16xf32, #tpu.memory_space<hbm>>) dst(%arg8 : memref<16xf32, #tpu.memory_space<vmem>>)
      tpu.yield
    }) : () -> ()
    %mul3A_13 = arith.constant 80 : i32
    %mul3A_14 = arith.muli %add3A, %mul3A_13 : i32
    "tpu.region"() ({
      %run_scoped3A_314 = tpu.sem_alloc : memref<!tpu.dma_semaphore, #tpu.memory_space<semaphore_mem>>
      %dma_start3A_315 = arith.constant 0 : i32
      %dma_start3A_316 = tpu.memref_slice %arg2[%mul3A_14, %dma_start3A_315] : memref<2560x128xi32, #tpu.memory_space<hbm>> -> memref<80x128xi32, #tpu.memory_space<hbm>>
      %dma_start3A_317 = arith.constant 0 : i32
      %dma_start3A_318 = tpu.memref_slice %arg2[%mul3A_14, %dma_start3A_317] : memref<2560x128xi32, #tpu.memory_space<hbm>> -> memref<80x128xi32, #tpu.memory_space<hbm>>
      tpu.enqueue_dma source(%dma_start3A_318 : memref<80x128xi32, #tpu.memory_space<hbm>>) target(%arg9 : memref<80x128xi32, #tpu.memory_space<vmem>>) target_semaphore(%run_scoped3A_314 : memref<!tpu.dma_semaphore, #tpu.memory_space<semaphore_mem>>)
      %dma_wait3A_319 = arith.constant 0 : i32
      %dma_wait3A_320 = tpu.memref_slice %arg2[%mul3A_14, %dma_wait3A_319] : memref<2560x128xi32, #tpu.memory_space<hbm>> -> memref<80x128xi32, #tpu.memory_space<hbm>>
      %dma_wait3A_321 = arith.constant 0 : i32
      %dma_wait3A_322 = tpu.memref_slice %arg2[%mul3A_14, %dma_wait3A_321] : memref<2560x128xi32, #tpu.memory_space<hbm>> -> memref<80x128xi32, #tpu.memory_space<hbm>>
      tpu.wait_dma2 semaphore(%run_scoped3A_314 : memref<!tpu.dma_semaphore, #tpu.memory_space<semaphore_mem>>) src(%dma_wait3A_322 : memref<80x128xi32, #tpu.memory_space<hbm>>) dst(%arg9 : memref<80x128xi32, #tpu.memory_space<vmem>>)
      tpu.yield
    }) : () -> ()
    %mul3A_15 = arith.constant 80 : i32
    %mul3A_16 = arith.muli %add3A, %mul3A_15 : i32
    "tpu.region"() ({
      %run_scoped3A_314 = tpu.sem_alloc : memref<!tpu.dma_semaphore, #tpu.memory_space<semaphore_mem>>
      %dma_start3A_315 = arith.constant 0 : i32
      %dma_start3A_316 = tpu.memref_slice %arg3[%mul3A_16, %dma_start3A_315] : memref<2560x128xi32, #tpu.memory_space<hbm>> -> memref<80x128xi32, #tpu.memory_space<hbm>>
      %dma_start3A_317 = arith.constant 0 : i32
      %dma_start3A_318 = tpu.memref_slice %arg3[%mul3A_16, %dma_start3A_317] : memref<2560x128xi32, #tpu.memory_space<hbm>> -> memref<80x128xi32, #tpu.memory_space<hbm>>
      tpu.enqueue_dma source(%dma_start3A_318 : memref<80x128xi32, #tpu.memory_space<hbm>>) target(%arg10 : memref<80x128xi32, #tpu.memory_space<vmem>>) target_semaphore(%run_scoped3A_314 : memref<!tpu.dma_semaphore, #tpu.memory_space<semaphore_mem>>)
      %dma_wait3A_319 = arith.constant 0 : i32
      %dma_wait3A_320 = tpu.memref_slice %arg3[%mul3A_16, %dma_wait3A_319] : memref<2560x128xi32, #tpu.memory_space<hbm>> -> memref<80x128xi32, #tpu.memory_space<hbm>>
      %dma_wait3A_321 = arith.constant 0 : i32
      %dma_wait3A_322 = tpu.memref_slice %arg3[%mul3A_16, %dma_wait3A_321] : memref<2560x128xi32, #tpu.memory_space<hbm>> -> memref<80x128xi32, #tpu.memory_space<hbm>>
      tpu.wait_dma2 semaphore(%run_scoped3A_314 : memref<!tpu.dma_semaphore, #tpu.memory_space<semaphore_mem>>) src(%dma_wait3A_322 : memref<80x128xi32, #tpu.memory_space<hbm>>) dst(%arg10 : memref<80x128xi32, #tpu.memory_space<vmem>>)
      tpu.yield
    }) : () -> ()
    %barrier3A = arith.constant 0 : index
    tpu.barrier barrier_id(%barrier3A)
    %get3A = arith.constant 0 : index
    %get3A_17 = tpu.vector_load %arg8[%get3A] {strides = array<i32>} : memref<16xf32, #tpu.memory_space<vmem>>, vector<16xf32>,
    %get3A_18 = vector.shape_cast %get3A_17 : vector<16xf32> to vector<16xf32>
    %mul3A_19 = arith.constant 2.000000e-01 : f32
    %mul3A_20 = vector.broadcast %mul3A_19 : f32 to vector<16xf32>
    %mul3A_21 = arith.mulf %get3A_18, %mul3A_20 : vector<16xf32>
    %iota3A = tpu.iota {dimensions = array<i32: 0>} : vector<16xi32>
    %xor3A = arith.constant 1 : i32
    %xor3A_22 = vector.broadcast %xor3A : i32 to vector<16xi32>
    %xor3A_23 = arith.xori %iota3A, %xor3A_22 : vector<16xi32>
    %iota3A_24 = tpu.iota {dimensions = array<i32: 0>} : vector<16xi32>
    %xor3A_25 = arith.constant 2 : i32
    %xor3A_26 = vector.broadcast %xor3A_25 : i32 to vector<16xi32>
    %xor3A_27 = arith.xori %iota3A_24, %xor3A_26 : vector<16xi32>
    %dma_start3A = arith.constant 0 : i32
    %dma_start3A_28 = arith.constant 0 : i32
    %dma_start3A_29 = arith.constant 0 : i32
    %dma_start3A_30 = tpu.memref_slice %arg11[%dma_start3A_28, %dma_start3A_29] : memref<256x16xf32, #tpu.memory_space<vmem>> -> memref<128x16xf32, #tpu.memory_space<vmem>>
    %dma_start3A_31 = arith.constant 0 : i32
    %dma_start3A_32 = tpu.memref_slice %arg9[%dma_start3A, %dma_start3A_31] : memref<80x128xi32, #tpu.memory_space<vmem>> -> memref<1x128xi32, #tpu.memory_space<vmem>>
    %dma_start3A_33 = tpu.memref_squeeze %dma_start3A_32 : memref<1x128xi32, #tpu.memory_space<vmem>> -> memref<128xi32, #tpu.memory_space<vmem>>
    %dma_start3A_34 = arith.constant 0 : i32
    %dma_start3A_35 = arith.constant 0 : i32
    %dma_start3A_36 = tpu.memref_slice %arg4[%dma_start3A_34, %dma_start3A_35] : memref<10240x16xf32, #tpu.memory_space<hbm>> -> memref<10240x16xf32, #tpu.memory_space<hbm>>
    tpu.enqueue_indirect_dma source(%dma_start3A_36 : memref<10240x16xf32, #tpu.memory_space<hbm>>) target(%dma_start3A_30 : memref<128x16xf32, #tpu.memory_space<vmem>>) offsets(%dma_start3A_33 : memref<128xi32, #tpu.memory_space<vmem>>) semaphore(%arg30 : memref<!tpu.dma_semaphore, #tpu.memory_space<semaphore_mem>>)
    %dma_start3A_37 = arith.constant 0 : i32
    %dma_start3A_38 = arith.constant 0 : i32
    %dma_start3A_39 = arith.constant 0 : i32
    %dma_start3A_40 = tpu.memref_slice %arg12[%dma_start3A_38, %dma_start3A_39] : memref<256x16xf32, #tpu.memory_space<vmem>> -> memref<128x16xf32, #tpu.memory_space<vmem>>
    %dma_start3A_41 = arith.constant 0 : i32
    %dma_start3A_42 = tpu.memref_slice %arg10[%dma_start3A_37, %dma_start3A_41] : memref<80x128xi32, #tpu.memory_space<vmem>> -> memref<1x128xi32, #tpu.memory_space<vmem>>
    %dma_start3A_43 = tpu.memref_squeeze %dma_start3A_42 : memref<1x128xi32, #tpu.memory_space<vmem>> -> memref<128xi32, #tpu.memory_space<vmem>>
    %dma_start3A_44 = arith.constant 0 : i32
    %dma_start3A_45 = arith.constant 0 : i32
    %dma_start3A_46 = tpu.memref_slice %arg5[%dma_start3A_44, %dma_start3A_45] : memref<10240x16xf32, #tpu.memory_space<hbm>> -> memref<10240x16xf32, #tpu.memory_space<hbm>>
    tpu.enqueue_indirect_dma source(%dma_start3A_46 : memref<10240x16xf32, #tpu.memory_space<hbm>>) target(%dma_start3A_40 : memref<128x16xf32, #tpu.memory_space<vmem>>) offsets(%dma_start3A_43 : memref<128xi32, #tpu.memory_space<vmem>>) semaphore(%arg30 : memref<!tpu.dma_semaphore, #tpu.memory_space<semaphore_mem>>)
    %dma_start3A_47 = arith.constant 1 : i32
    %dma_start3A_48 = arith.constant 128 : i32
    %dma_start3A_49 = arith.constant 0 : i32
    %dma_start3A_50 = tpu.memref_slice %arg11[%dma_start3A_48, %dma_start3A_49] : memref<256x16xf32, #tpu.memory_space<vmem>> -> memref<128x16xf32, #tpu.memory_space<vmem>>
    %dma_start3A_51 = arith.constant 0 : i32
    %dma_start3A_52 = tpu.memref_slice %arg9[%dma_start3A_47, %dma_start3A_51] : memref<80x128xi32, #tpu.memory_space<vmem>> -> memref<1x128xi32, #tpu.memory_space<vmem>>
    %dma_start3A_53 = tpu.memref_squeeze %dma_start3A_52 : memref<1x128xi32, #tpu.memory_space<vmem>> -> memref<128xi32, #tpu.memory_space<vmem>>
    %dma_start3A_54 = arith.constant 0 : i32
    %dma_start3A_55 = arith.constant 0 : i32
    %dma_start3A_56 = tpu.memref_slice %arg4[%dma_start3A_54, %dma_start3A_55] : memref<10240x16xf32, #tpu.memory_space<hbm>> -> memref<10240x16xf32, #tpu.memory_space<hbm>>
    tpu.enqueue_indirect_dma source(%dma_start3A_56 : memref<10240x16xf32, #tpu.memory_space<hbm>>) target(%dma_start3A_50 : memref<128x16xf32, #tpu.memory_space<vmem>>) offsets(%dma_start3A_53 : memref<128xi32, #tpu.memory_space<vmem>>) semaphore(%arg30 : memref<!tpu.dma_semaphore, #tpu.memory_space<semaphore_mem>>)
    %dma_start3A_57 = arith.constant 1 : i32
    %dma_start3A_58 = arith.constant 128 : i32
    %dma_start3A_59 = arith.constant 0 : i32
    %dma_start3A_60 = tpu.memref_slice %arg12[%dma_start3A_58, %dma_start3A_59] : memref<256x16xf32, #tpu.memory_space<vmem>> -> memref<128x16xf32, #tpu.memory_space<vmem>>
    %dma_start3A_61 = arith.constant 0 : i32
    %dma_start3A_62 = tpu.memref_slice %arg10[%dma_start3A_57, %dma_start3A_61] : memref<80x128xi32, #tpu.memory_space<vmem>> -> memref<1x128xi32, #tpu.memory_space<vmem>>
    %dma_start3A_63 = tpu.memref_squeeze %dma_start3A_62 : memref<1x128xi32, #tpu.memory_space<vmem>> -> memref<128xi32, #tpu.memory_space<vmem>>
    %dma_start3A_64 = arith.constant 0 : i32
    %dma_start3A_65 = arith.constant 0 : i32
    %dma_start3A_66 = tpu.memref_slice %arg5[%dma_start3A_64, %dma_start3A_65] : memref<10240x16xf32, #tpu.memory_space<hbm>> -> memref<10240x16xf32, #tpu.memory_space<hbm>>
    tpu.enqueue_indirect_dma source(%dma_start3A_66 : memref<10240x16xf32, #tpu.memory_space<hbm>>) target(%dma_start3A_60 : memref<128x16xf32, #tpu.memory_space<vmem>>) offsets(%dma_start3A_63 : memref<128xi32, #tpu.memory_space<vmem>>) semaphore(%arg30 : memref<!tpu.dma_semaphore, #tpu.memory_space<semaphore_mem>>)
    %dma_start3A_67 = arith.constant 2 : i32
    %dma_start3A_68 = arith.constant 0 : i32
    %dma_start3A_69 = arith.constant 0 : i32
    %dma_start3A_70 = tpu.memref_slice %arg13[%dma_start3A_68, %dma_start3A_69] : memref<256x16xf32, #tpu.memory_space<vmem>> -> memref<128x16xf32, #tpu.memory_space<vmem>>
    %dma_start3A_71 = arith.constant 0 : i32
    %dma_start3A_72 = tpu.memref_slice %arg9[%dma_start3A_67, %dma_start3A_71] : memref<80x128xi32, #tpu.memory_space<vmem>> -> memref<1x128xi32, #tpu.memory_space<vmem>>
    %dma_start3A_73 = tpu.memref_squeeze %dma_start3A_72 : memref<1x128xi32, #tpu.memory_space<vmem>> -> memref<128xi32, #tpu.memory_space<vmem>>
    %dma_start3A_74 = arith.constant 0 : i32
    %dma_start3A_75 = arith.constant 0 : i32
    %dma_start3A_76 = tpu.memref_slice %arg4[%dma_start3A_74, %dma_start3A_75] : memref<10240x16xf32, #tpu.memory_space<hbm>> -> memref<10240x16xf32, #tpu.memory_space<hbm>>
    tpu.enqueue_indirect_dma source(%dma_start3A_76 : memref<10240x16xf32, #tpu.memory_space<hbm>>) target(%dma_start3A_70 : memref<128x16xf32, #tpu.memory_space<vmem>>) offsets(%dma_start3A_73 : memref<128xi32, #tpu.memory_space<vmem>>) semaphore(%arg31 : memref<!tpu.dma_semaphore, #tpu.memory_space<semaphore_mem>>)
    %dma_start3A_77 = arith.constant 2 : i32
    %dma_start3A_78 = arith.constant 0 : i32
    %dma_start3A_79 = arith.constant 0 : i32
    %dma_start3A_80 = tpu.memref_slice %arg14[%dma_start3A_78, %dma_start3A_79] : memref<256x16xf32, #tpu.memory_space<vmem>> -> memref<128x16xf32, #tpu.memory_space<vmem>>
    %dma_start3A_81 = arith.constant 0 : i32
    %dma_start3A_82 = tpu.memref_slice %arg10[%dma_start3A_77, %dma_start3A_81] : memref<80x128xi32, #tpu.memory_space<vmem>> -> memref<1x128xi32, #tpu.memory_space<vmem>>
    %dma_start3A_83 = tpu.memref_squeeze %dma_start3A_82 : memref<1x128xi32, #tpu.memory_space<vmem>> -> memref<128xi32, #tpu.memory_space<vmem>>
    %dma_start3A_84 = arith.constant 0 : i32
    %dma_start3A_85 = arith.constant 0 : i32
    %dma_start3A_86 = tpu.memref_slice %arg5[%dma_start3A_84, %dma_start3A_85] : memref<10240x16xf32, #tpu.memory_space<hbm>> -> memref<10240x16xf32, #tpu.memory_space<hbm>>
    tpu.enqueue_indirect_dma source(%dma_start3A_86 : memref<10240x16xf32, #tpu.memory_space<hbm>>) target(%dma_start3A_80 : memref<128x16xf32, #tpu.memory_space<vmem>>) offsets(%dma_start3A_83 : memref<128xi32, #tpu.memory_space<vmem>>) semaphore(%arg31 : memref<!tpu.dma_semaphore, #tpu.memory_space<semaphore_mem>>)
    %dma_start3A_87 = arith.constant 3 : i32
    %dma_start3A_88 = arith.constant 128 : i32
    %dma_start3A_89 = arith.constant 0 : i32
    %dma_start3A_90 = tpu.memref_slice %arg13[%dma_start3A_88, %dma_start3A_89] : memref<256x16xf32, #tpu.memory_space<vmem>> -> memref<128x16xf32, #tpu.memory_space<vmem>>
    %dma_start3A_91 = arith.constant 0 : i32
    %dma_start3A_92 = tpu.memref_slice %arg9[%dma_start3A_87, %dma_start3A_91] : memref<80x128xi32, #tpu.memory_space<vmem>> -> memref<1x128xi32, #tpu.memory_space<vmem>>
    %dma_start3A_93 = tpu.memref_squeeze %dma_start3A_92 : memref<1x128xi32, #tpu.memory_space<vmem>> -> memref<128xi32, #tpu.memory_space<vmem>>
    %dma_start3A_94 = arith.constant 0 : i32
    %dma_start3A_95 = arith.constant 0 : i32
    %dma_start3A_96 = tpu.memref_slice %arg4[%dma_start3A_94, %dma_start3A_95] : memref<10240x16xf32, #tpu.memory_space<hbm>> -> memref<10240x16xf32, #tpu.memory_space<hbm>>
    tpu.enqueue_indirect_dma source(%dma_start3A_96 : memref<10240x16xf32, #tpu.memory_space<hbm>>) target(%dma_start3A_90 : memref<128x16xf32, #tpu.memory_space<vmem>>) offsets(%dma_start3A_93 : memref<128xi32, #tpu.memory_space<vmem>>) semaphore(%arg31 : memref<!tpu.dma_semaphore, #tpu.memory_space<semaphore_mem>>)
    %dma_start3A_97 = arith.constant 3 : i32
    %dma_start3A_98 = arith.constant 128 : i32
    %dma_start3A_99 = arith.constant 0 : i32
    %dma_start3A_100 = tpu.memref_slice %arg14[%dma_start3A_98, %dma_start3A_99] : memref<256x16xf32, #tpu.memory_space<vmem>> -> memref<128x16xf32, #tpu.memory_space<vmem>>
    %dma_start3A_101 = arith.constant 0 : i32
    %dma_start3A_102 = tpu.memref_slice %arg10[%dma_start3A_97, %dma_start3A_101] : memref<80x128xi32, #tpu.memory_space<vmem>> -> memref<1x128xi32, #tpu.memory_space<vmem>>
    %dma_start3A_103 = tpu.memref_squeeze %dma_start3A_102 : memref<1x128xi32, #tpu.memory_space<vmem>> -> memref<128xi32, #tpu.memory_space<vmem>>
    %dma_start3A_104 = arith.constant 0 : i32
    %dma_start3A_105 = arith.constant 0 : i32
    %dma_start3A_106 = tpu.memref_slice %arg5[%dma_start3A_104, %dma_start3A_105] : memref<10240x16xf32, #tpu.memory_space<hbm>> -> memref<10240x16xf32, #tpu.memory_space<hbm>>
    tpu.enqueue_indirect_dma source(%dma_start3A_106 : memref<10240x16xf32, #tpu.memory_space<hbm>>) target(%dma_start3A_100 : memref<128x16xf32, #tpu.memory_space<vmem>>) offsets(%dma_start3A_103 : memref<128xi32, #tpu.memory_space<vmem>>) semaphore(%arg31 : memref<!tpu.dma_semaphore, #tpu.memory_space<semaphore_mem>>)
    %dma_start3A_107 = arith.constant 4 : i32
    %dma_start3A_108 = arith.constant 0 : i32
    %dma_start3A_109 = arith.constant 0 : i32
    %dma_start3A_110 = tpu.memref_slice %arg15[%dma_start3A_108, %dma_start3A_109] : memref<256x16xf32, #tpu.memory_space<vmem>> -> memref<128x16xf32, #tpu.memory_space<vmem>>
    %dma_start3A_111 = arith.constant 0 : i32
    %dma_start3A_112 = tpu.memref_slice %arg9[%dma_start3A_107, %dma_start3A_111] : memref<80x128xi32, #tpu.memory_space<vmem>> -> memref<1x128xi32, #tpu.memory_space<vmem>>
    %dma_start3A_113 = tpu.memref_squeeze %dma_start3A_112 : memref<1x128xi32, #tpu.memory_space<vmem>> -> memref<128xi32, #tpu.memory_space<vmem>>
    %dma_start3A_114 = arith.constant 0 : i32
    %dma_start3A_115 = arith.constant 0 : i32
    %dma_start3A_116 = tpu.memref_slice %arg4[%dma_start3A_114, %dma_start3A_115] : memref<10240x16xf32, #tpu.memory_space<hbm>> -> memref<10240x16xf32, #tpu.memory_space<hbm>>
    tpu.enqueue_indirect_dma source(%dma_start3A_116 : memref<10240x16xf32, #tpu.memory_space<hbm>>) target(%dma_start3A_110 : memref<128x16xf32, #tpu.memory_space<vmem>>) offsets(%dma_start3A_113 : memref<128xi32, #tpu.memory_space<vmem>>) semaphore(%arg32 : memref<!tpu.dma_semaphore, #tpu.memory_space<semaphore_mem>>)
    %dma_start3A_117 = arith.constant 4 : i32
    %dma_start3A_118 = arith.constant 0 : i32
    %dma_start3A_119 = arith.constant 0 : i32
    %dma_start3A_120 = tpu.memref_slice %arg16[%dma_start3A_118, %dma_start3A_119] : memref<256x16xf32, #tpu.memory_space<vmem>> -> memref<128x16xf32, #tpu.memory_space<vmem>>
    %dma_start3A_121 = arith.constant 0 : i32
    %dma_start3A_122 = tpu.memref_slice %arg10[%dma_start3A_117, %dma_start3A_121] : memref<80x128xi32, #tpu.memory_space<vmem>> -> memref<1x128xi32, #tpu.memory_space<vmem>>
    %dma_start3A_123 = tpu.memref_squeeze %dma_start3A_122 : memref<1x128xi32, #tpu.memory_space<vmem>> -> memref<128xi32, #tpu.memory_space<vmem>>
    %dma_start3A_124 = arith.constant 0 : i32
    %dma_start3A_125 = arith.constant 0 : i32
    %dma_start3A_126 = tpu.memref_slice %arg5[%dma_start3A_124, %dma_start3A_125] : memref<10240x16xf32, #tpu.memory_space<hbm>> -> memref<10240x16xf32, #tpu.memory_space<hbm>>
    tpu.enqueue_indirect_dma source(%dma_start3A_126 : memref<10240x16xf32, #tpu.memory_space<hbm>>) target(%dma_start3A_120 : memref<128x16xf32, #tpu.memory_space<vmem>>) offsets(%dma_start3A_123 : memref<128xi32, #tpu.memory_space<vmem>>) semaphore(%arg32 : memref<!tpu.dma_semaphore, #tpu.memory_space<semaphore_mem>>)
    %dma_start3A_127 = arith.constant 5 : i32
    %dma_start3A_128 = arith.constant 128 : i32
    %dma_start3A_129 = arith.constant 0 : i32
    %dma_start3A_130 = tpu.memref_slice %arg15[%dma_start3A_128, %dma_start3A_129] : memref<256x16xf32, #tpu.memory_space<vmem>> -> memref<128x16xf32, #tpu.memory_space<vmem>>
    %dma_start3A_131 = arith.constant 0 : i32
    %dma_start3A_132 = tpu.memref_slice %arg9[%dma_start3A_127, %dma_start3A_131] : memref<80x128xi32, #tpu.memory_space<vmem>> -> memref<1x128xi32, #tpu.memory_space<vmem>>
    %dma_start3A_133 = tpu.memref_squeeze %dma_start3A_132 : memref<1x128xi32, #tpu.memory_space<vmem>> -> memref<128xi32, #tpu.memory_space<vmem>>
    %dma_start3A_134 = arith.constant 0 : i32
    %dma_start3A_135 = arith.constant 0 : i32
    %dma_start3A_136 = tpu.memref_slice %arg4[%dma_start3A_134, %dma_start3A_135] : memref<10240x16xf32, #tpu.memory_space<hbm>> -> memref<10240x16xf32, #tpu.memory_space<hbm>>
    tpu.enqueue_indirect_dma source(%dma_start3A_136 : memref<10240x16xf32, #tpu.memory_space<hbm>>) target(%dma_start3A_130 : memref<128x16xf32, #tpu.memory_space<vmem>>) offsets(%dma_start3A_133 : memref<128xi32, #tpu.memory_space<vmem>>) semaphore(%arg32 : memref<!tpu.dma_semaphore, #tpu.memory_space<semaphore_mem>>)
    %dma_start3A_137 = arith.constant 5 : i32
    %dma_start3A_138 = arith.constant 128 : i32
    %dma_start3A_139 = arith.constant 0 : i32
    %dma_start3A_140 = tpu.memref_slice %arg16[%dma_start3A_138, %dma_start3A_139] : memref<256x16xf32, #tpu.memory_space<vmem>> -> memref<128x16xf32, #tpu.memory_space<vmem>>
    %dma_start3A_141 = arith.constant 0 : i32
    %dma_start3A_142 = tpu.memref_slice %arg10[%dma_start3A_137, %dma_start3A_141] : memref<80x128xi32, #tpu.memory_space<vmem>> -> memref<1x128xi32, #tpu.memory_space<vmem>>
    %dma_start3A_143 = tpu.memref_squeeze %dma_start3A_142 : memref<1x128xi32, #tpu.memory_space<vmem>> -> memref<128xi32, #tpu.memory_space<vmem>>
    %dma_start3A_144 = arith.constant 0 : i32
    %dma_start3A_145 = arith.constant 0 : i32
    %dma_start3A_146 = tpu.memref_slice %arg5[%dma_start3A_144, %dma_start3A_145] : memref<10240x16xf32, #tpu.memory_space<hbm>> -> memref<10240x16xf32, #tpu.memory_space<hbm>>
    tpu.enqueue_indirect_dma source(%dma_start3A_146 : memref<10240x16xf32, #tpu.memory_space<hbm>>) target(%dma_start3A_140 : memref<128x16xf32, #tpu.memory_space<vmem>>) offsets(%dma_start3A_143 : memref<128xi32, #tpu.memory_space<vmem>>) semaphore(%arg32 : memref<!tpu.dma_semaphore, #tpu.memory_space<semaphore_mem>>)
    %scan3A_147 = arith.constant 0 : i32
    %scan3A_148 = arith.constant 0 : i32
    %scan3A_149 = arith.constant 10 : i32
    %scan3A_150 = arith.addi %scan3A_148, %scan3A_149 : i32
    %scan3A_151 = arith.constant 1 : i32
    scf.for %scan3A_314 = %scan3A_148 to %scan3A_150 step %scan3A_151  : i32 {
      %mul3A_315 = arith.constant 4 : i32
      %mul3A_316 = arith.muli %scan3A_314, %mul3A_315 : i32
      %add3A_317 = arith.constant 0 : i32
      %add3A_318 = arith.addi %mul3A_316, %add3A_317 : i32
      %dma_wait3A_319 = arith.constant 0 : i32
      %dma_wait3A_320 = arith.constant 0 : i32
      %dma_wait3A_321 = arith.constant 0 : i32
      %dma_wait3A_322 = tpu.memref_slice %arg11[%dma_wait3A_320, %dma_wait3A_321] : memref<256x16xf32, #tpu.memory_space<vmem>> -> memref<128x16xf32, #tpu.memory_space<vmem>>
      %dma_wait3A_323 = arith.constant 0 : i32
      %dma_wait3A_324 = tpu.memref_slice %arg9[%dma_wait3A_319, %dma_wait3A_323] : memref<80x128xi32, #tpu.memory_space<vmem>> -> memref<1x128xi32, #tpu.memory_space<vmem>>
      %dma_wait3A_325 = tpu.memref_squeeze %dma_wait3A_324 : memref<1x128xi32, #tpu.memory_space<vmem>> -> memref<128xi32, #tpu.memory_space<vmem>>
      %dma_wait3A_326 = arith.constant 0 : i32
      %dma_wait3A_327 = arith.constant 0 : i32
      %dma_wait3A_328 = tpu.memref_slice %arg4[%dma_wait3A_326, %dma_wait3A_327] : memref<10240x16xf32, #tpu.memory_space<hbm>> -> memref<10240x16xf32, #tpu.memory_space<hbm>>
      tpu.wait_indirect_dma semaphore(%arg30 : memref<!tpu.dma_semaphore, #tpu.memory_space<semaphore_mem>>) src(%dma_wait3A_328 : memref<10240x16xf32, #tpu.memory_space<hbm>>) dst(%dma_wait3A_322 : memref<128x16xf32, #tpu.memory_space<vmem>>)
      %dma_wait3A_329 = arith.constant 0 : i32
      %dma_wait3A_330 = arith.constant 0 : i32
      %dma_wait3A_331 = arith.constant 0 : i32
      %dma_wait3A_332 = tpu.memref_slice %arg12[%dma_wait3A_330, %dma_wait3A_331] : memref<256x16xf32, #tpu.memory_space<vmem>> -> memref<128x16xf32, #tpu.memory_space<vmem>>
      %dma_wait3A_333 = arith.constant 0 : i32
      %dma_wait3A_334 = tpu.memref_slice %arg10[%dma_wait3A_329, %dma_wait3A_333] : memref<80x128xi32, #tpu.memory_space<vmem>> -> memref<1x128xi32, #tpu.memory_space<vmem>>
      %dma_wait3A_335 = tpu.memref_squeeze %dma_wait3A_334 : memref<1x128xi32, #tpu.memory_space<vmem>> -> memref<128xi32, #tpu.memory_space<vmem>>
      %dma_wait3A_336 = arith.constant 0 : i32
      %dma_wait3A_337 = arith.constant 0 : i32
      %dma_wait3A_338 = tpu.memref_slice %arg5[%dma_wait3A_336, %dma_wait3A_337] : memref<10240x16xf32, #tpu.memory_space<hbm>> -> memref<10240x16xf32, #tpu.memory_space<hbm>>
      tpu.wait_indirect_dma semaphore(%arg30 : memref<!tpu.dma_semaphore, #tpu.memory_space<semaphore_mem>>) src(%dma_wait3A_338 : memref<10240x16xf32, #tpu.memory_space<hbm>>) dst(%dma_wait3A_332 : memref<128x16xf32, #tpu.memory_space<vmem>>)
      %dma_wait3A_339 = arith.constant 0 : i32
      %dma_wait3A_340 = arith.constant 128 : i32
      %dma_wait3A_341 = arith.constant 0 : i32
      %dma_wait3A_342 = tpu.memref_slice %arg11[%dma_wait3A_340, %dma_wait3A_341] : memref<256x16xf32, #tpu.memory_space<vmem>> -> memref<128x16xf32, #tpu.memory_space<vmem>>
      %dma_wait3A_343 = arith.constant 0 : i32
      %dma_wait3A_344 = tpu.memref_slice %arg9[%dma_wait3A_339, %dma_wait3A_343] : memref<80x128xi32, #tpu.memory_space<vmem>> -> memref<1x128xi32, #tpu.memory_space<vmem>>
      %dma_wait3A_345 = tpu.memref_squeeze %dma_wait3A_344 : memref<1x128xi32, #tpu.memory_space<vmem>> -> memref<128xi32, #tpu.memory_space<vmem>>
      %dma_wait3A_346 = arith.constant 0 : i32
      %dma_wait3A_347 = arith.constant 0 : i32
      %dma_wait3A_348 = tpu.memref_slice %arg4[%dma_wait3A_346, %dma_wait3A_347] : memref<10240x16xf32, #tpu.memory_space<hbm>> -> memref<10240x16xf32, #tpu.memory_space<hbm>>
      tpu.wait_indirect_dma semaphore(%arg30 : memref<!tpu.dma_semaphore, #tpu.memory_space<semaphore_mem>>) src(%dma_wait3A_348 : memref<10240x16xf32, #tpu.memory_space<hbm>>) dst(%dma_wait3A_342 : memref<128x16xf32, #tpu.memory_space<vmem>>)
      %dma_wait3A_349 = arith.constant 0 : i32
      %dma_wait3A_350 = arith.constant 128 : i32
      %dma_wait3A_351 = arith.constant 0 : i32
      %dma_wait3A_352 = tpu.memref_slice %arg12[%dma_wait3A_350, %dma_wait3A_351] : memref<256x16xf32, #tpu.memory_space<vmem>> -> memref<128x16xf32, #tpu.memory_space<vmem>>
      %dma_wait3A_353 = arith.constant 0 : i32
      %dma_wait3A_354 = tpu.memref_slice %arg10[%dma_wait3A_349, %dma_wait3A_353] : memref<80x128xi32, #tpu.memory_space<vmem>> -> memref<1x128xi32, #tpu.memory_space<vmem>>
      %dma_wait3A_355 = tpu.memref_squeeze %dma_wait3A_354 : memref<1x128xi32, #tpu.memory_space<vmem>> -> memref<128xi32, #tpu.memory_space<vmem>>
      %dma_wait3A_356 = arith.constant 0 : i32
      %dma_wait3A_357 = arith.constant 0 : i32
      %dma_wait3A_358 = tpu.memref_slice %arg5[%dma_wait3A_356, %dma_wait3A_357] : memref<10240x16xf32, #tpu.memory_space<hbm>> -> memref<10240x16xf32, #tpu.memory_space<hbm>>
      tpu.wait_indirect_dma semaphore(%arg30 : memref<!tpu.dma_semaphore, #tpu.memory_space<semaphore_mem>>) src(%dma_wait3A_358 : memref<10240x16xf32, #tpu.memory_space<hbm>>) dst(%dma_wait3A_352 : memref<128x16xf32, #tpu.memory_space<vmem>>)
      %gt3A = arith.constant 0 : i32
      %gt3A_359 = arith.cmpi sgt, %scan3A_314, %gt3A : i32
      %convert_element_type3A = arith.extui %gt3A_359 : i1 to i32
      %cond3A = arith.constant 0 : i32
      %cond3A_360 = arith.cmpi ne, %convert_element_type3A, %cond3A : i32
      scf.if %cond3A_360 {
        %dma_wait3A_761 = arith.constant 0 : i32
        %dma_wait3A_762 = arith.constant 0 : i32
        %dma_wait3A_763 = arith.constant 0 : i32
        %dma_wait3A_764 = tpu.memref_slice %arg19[%dma_wait3A_762, %dma_wait3A_763] : memref<256x16xf32, #tpu.memory_space<vmem>> -> memref<128x16xf32, #tpu.memory_space<vmem>>
        %dma_wait3A_765 = arith.constant 0 : i32
        %dma_wait3A_766 = tpu.memref_slice %arg10[%dma_wait3A_761, %dma_wait3A_765] : memref<80x128xi32, #tpu.memory_space<vmem>> -> memref<1x128xi32, #tpu.memory_space<vmem>>
        %dma_wait3A_767 = tpu.memref_squeeze %dma_wait3A_766 : memref<1x128xi32, #tpu.memory_space<vmem>> -> memref<128xi32, #tpu.memory_space<vmem>>
        %dma_wait3A_768 = arith.constant 0 : i32
        %dma_wait3A_769 = arith.constant 0 : i32
        %dma_wait3A_770 = tpu.memref_slice %arg28[%dma_wait3A_768, %dma_wait3A_769] : memref<10240x16xf32, #tpu.memory_space<vmem_shared>> -> memref<10240x16xf32, #tpu.memory_space<vmem_shared>>
        tpu.wait_indirect_dma semaphore(%arg34 : memref<!tpu.dma_semaphore, #tpu.memory_space<semaphore_mem>>) src(%dma_wait3A_764 : memref<128x16xf32, #tpu.memory_space<vmem>>) dst(%dma_wait3A_770 : memref<10240x16xf32, #tpu.memory_space<vmem_shared>>)
        %dma_wait3A_771 = arith.constant 0 : i32
        %dma_wait3A_772 = arith.constant 0 : i32
        %dma_wait3A_773 = arith.constant 0 : i32
        %dma_wait3A_774 = tpu.memref_slice %arg20[%dma_wait3A_772, %dma_wait3A_773] : memref<256x16xf32, #tpu.memory_space<vmem>> -> memref<128x16xf32, #tpu.memory_space<vmem>>
        %dma_wait3A_775 = arith.constant 0 : i32
        %dma_wait3A_776 = tpu.memref_slice %arg10[%dma_wait3A_771, %dma_wait3A_775] : memref<80x128xi32, #tpu.memory_space<vmem>> -> memref<1x128xi32, #tpu.memory_space<vmem>>
        %dma_wait3A_777 = tpu.memref_squeeze %dma_wait3A_776 : memref<1x128xi32, #tpu.memory_space<vmem>> -> memref<128xi32, #tpu.memory_space<vmem>>
        %dma_wait3A_778 = arith.constant 0 : i32
        %dma_wait3A_779 = arith.constant 0 : i32
        %dma_wait3A_780 = tpu.memref_slice %arg29[%dma_wait3A_778, %dma_wait3A_779] : memref<10240x16xf32, #tpu.memory_space<vmem_shared>> -> memref<10240x16xf32, #tpu.memory_space<vmem_shared>>
        tpu.wait_indirect_dma semaphore(%arg34 : memref<!tpu.dma_semaphore, #tpu.memory_space<semaphore_mem>>) src(%dma_wait3A_774 : memref<128x16xf32, #tpu.memory_space<vmem>>) dst(%dma_wait3A_780 : memref<10240x16xf32, #tpu.memory_space<vmem_shared>>)
        %dma_wait3A_781 = arith.constant 0 : i32
        %dma_wait3A_782 = arith.constant 128 : i32
        %dma_wait3A_783 = arith.constant 0 : i32
        %dma_wait3A_784 = tpu.memref_slice %arg19[%dma_wait3A_782, %dma_wait3A_783] : memref<256x16xf32, #tpu.memory_space<vmem>> -> memref<128x16xf32, #tpu.memory_space<vmem>>
        %dma_wait3A_785 = arith.constant 0 : i32
        %dma_wait3A_786 = tpu.memref_slice %arg10[%dma_wait3A_781, %dma_wait3A_785] : memref<80x128xi32, #tpu.memory_space<vmem>> -> memref<1x128xi32, #tpu.memory_space<vmem>>
        %dma_wait3A_787 = tpu.memref_squeeze %dma_wait3A_786 : memref<1x128xi32, #tpu.memory_space<vmem>> -> memref<128xi32, #tpu.memory_space<vmem>>
        %dma_wait3A_788 = arith.constant 0 : i32
        %dma_wait3A_789 = arith.constant 0 : i32
        %dma_wait3A_790 = tpu.memref_slice %arg28[%dma_wait3A_788, %dma_wait3A_789] : memref<10240x16xf32, #tpu.memory_space<vmem_shared>> -> memref<10240x16xf32, #tpu.memory_space<vmem_shared>>
        tpu.wait_indirect_dma semaphore(%arg34 : memref<!tpu.dma_semaphore, #tpu.memory_space<semaphore_mem>>) src(%dma_wait3A_784 : memref<128x16xf32, #tpu.memory_space<vmem>>) dst(%dma_wait3A_790 : memref<10240x16xf32, #tpu.memory_space<vmem_shared>>)
        %dma_wait3A_791 = arith.constant 0 : i32
        %dma_wait3A_792 = arith.constant 128 : i32
        %dma_wait3A_793 = arith.constant 0 : i32
        %dma_wait3A_794 = tpu.memref_slice %arg20[%dma_wait3A_792, %dma_wait3A_793] : memref<256x16xf32, #tpu.memory_space<vmem>> -> memref<128x16xf32, #tpu.memory_space<vmem>>
        %dma_wait3A_795 = arith.constant 0 : i32
        %dma_wait3A_796 = tpu.memref_slice %arg10[%dma_wait3A_791, %dma_wait3A_795] : memref<80x128xi32, #tpu.memory_space<vmem>> -> memref<1x128xi32, #tpu.memory_space<vmem>>
        %dma_wait3A_797 = tpu.memref_squeeze %dma_wait3A_796 : memref<1x128xi32, #tpu.memory_space<vmem>> -> memref<128xi32, #tpu.memory_space<vmem>>
        %dma_wait3A_798 = arith.constant 0 : i32
        %dma_wait3A_799 = arith.constant 0 : i32
        %dma_wait3A_800 = tpu.memref_slice %arg29[%dma_wait3A_798, %dma_wait3A_799] : memref<10240x16xf32, #tpu.memory_space<vmem_shared>> -> memref<10240x16xf32, #tpu.memory_space<vmem_shared>>
        tpu.wait_indirect_dma semaphore(%arg34 : memref<!tpu.dma_semaphore, #tpu.memory_space<semaphore_mem>>) src(%dma_wait3A_794 : memref<128x16xf32, #tpu.memory_space<vmem>>) dst(%dma_wait3A_800 : memref<10240x16xf32, #tpu.memory_space<vmem_shared>>)
      } else {
      }
      %add3A_361 = arith.constant 4 : i32
      %add3A_362 = arith.addi %add3A_318, %add3A_361 : i32
      %sub3A = arith.constant 1 : i32
      %sub3A_363 = arith.subi %add3A_362, %sub3A : i32
      %lt3A = arith.constant 40 : i32
      %lt3A_364 = arith.cmpi slt, %sub3A_363, %lt3A : i32
      %convert_element_type3A_365 = arith.extui %lt3A_364 : i1 to i32
      %cond3A_366 = arith.constant 0 : i32
      %cond3A_367 = arith.cmpi ne, %convert_element_type3A_365, %cond3A_366 : i32
      scf.if %cond3A_367 {
        %add3A_761 = arith.constant 4 : i32
        %add3A_762 = arith.addi %add3A_318, %add3A_761 : i32
        %sub3A_763 = arith.constant 1 : i32
        %sub3A_764 = arith.subi %add3A_762, %sub3A_763 : i32
        %mul3A_765 = arith.constant 2 : i32
        %mul3A_766 = arith.muli %sub3A_764, %mul3A_765 : i32
        %add3A_767 = arith.constant 0 : i32
        %add3A_768 = arith.addi %mul3A_766, %add3A_767 : i32
        %dma_start3A_769 = arith.constant 0 : i32
        %dma_start3A_770 = arith.constant 0 : i32
        %dma_start3A_771 = tpu.memref_slice %arg17[%dma_start3A_769, %dma_start3A_770] : memref<256x16xf32, #tpu.memory_space<vmem>> -> memref<128x16xf32, #tpu.memory_space<vmem>>
        %dma_start3A_772 = arith.constant 0 : i32
        %dma_start3A_773 = tpu.memref_slice %arg9[%add3A_768, %dma_start3A_772] : memref<80x128xi32, #tpu.memory_space<vmem>> -> memref<1x128xi32, #tpu.memory_space<vmem>>
        %dma_start3A_774 = tpu.memref_squeeze %dma_start3A_773 : memref<1x128xi32, #tpu.memory_space<vmem>> -> memref<128xi32, #tpu.memory_space<vmem>>
        %dma_start3A_775 = arith.constant 0 : i32
        %dma_start3A_776 = arith.constant 0 : i32
        %dma_start3A_777 = tpu.memref_slice %arg4[%dma_start3A_775, %dma_start3A_776] : memref<10240x16xf32, #tpu.memory_space<hbm>> -> memref<10240x16xf32, #tpu.memory_space<hbm>>
        tpu.enqueue_indirect_dma source(%dma_start3A_777 : memref<10240x16xf32, #tpu.memory_space<hbm>>) target(%dma_start3A_771 : memref<128x16xf32, #tpu.memory_space<vmem>>) offsets(%dma_start3A_774 : memref<128xi32, #tpu.memory_space<vmem>>) semaphore(%arg33 : memref<!tpu.dma_semaphore, #tpu.memory_space<semaphore_mem>>)
        %mul3A_778 = arith.constant 2 : i32
        %mul3A_779 = arith.muli %sub3A_764, %mul3A_778 : i32
        %add3A_780 = arith.constant 0 : i32
        %add3A_781 = arith.addi %mul3A_779, %add3A_780 : i32
        %dma_start3A_782 = arith.constant 0 : i32
        %dma_start3A_783 = arith.constant 0 : i32
        %dma_start3A_784 = tpu.memref_slice %arg18[%dma_start3A_782, %dma_start3A_783] : memref<256x16xf32, #tpu.memory_space<vmem>> -> memref<128x16xf32, #tpu.memory_space<vmem>>
        %dma_start3A_785 = arith.constant 0 : i32
        %dma_start3A_786 = tpu.memref_slice %arg10[%add3A_781, %dma_start3A_785] : memref<80x128xi32, #tpu.memory_space<vmem>> -> memref<1x128xi32, #tpu.memory_space<vmem>>
        %dma_start3A_787 = tpu.memref_squeeze %dma_start3A_786 : memref<1x128xi32, #tpu.memory_space<vmem>> -> memref<128xi32, #tpu.memory_space<vmem>>
        %dma_start3A_788 = arith.constant 0 : i32
        %dma_start3A_789 = arith.constant 0 : i32
        %dma_start3A_790 = tpu.memref_slice %arg5[%dma_start3A_788, %dma_start3A_789] : memref<10240x16xf32, #tpu.memory_space<hbm>> -> memref<10240x16xf32, #tpu.memory_space<hbm>>
        tpu.enqueue_indirect_dma source(%dma_start3A_790 : memref<10240x16xf32, #tpu.memory_space<hbm>>) target(%dma_start3A_784 : memref<128x16xf32, #tpu.memory_space<vmem>>) offsets(%dma_start3A_787 : memref<128xi32, #tpu.memory_space<vmem>>) semaphore(%arg33 : memref<!tpu.dma_semaphore, #tpu.memory_space<semaphore_mem>>)
        %mul3A_791 = arith.constant 2 : i32
        %mul3A_792 = arith.muli %sub3A_764, %mul3A_791 : i32
        %add3A_793 = arith.constant 1 : i32
        %add3A_794 = arith.addi %mul3A_792, %add3A_793 : i32
        %dma_start3A_795 = arith.constant 128 : i32
        %dma_start3A_796 = arith.constant 0 : i32
        %dma_start3A_797 = tpu.memref_slice %arg17[%dma_start3A_795, %dma_start3A_796] : memref<256x16xf32, #tpu.memory_space<vmem>> -> memref<128x16xf32, #tpu.memory_space<vmem>>
        %dma_start3A_798 = arith.constant 0 : i32
        %dma_start3A_799 = tpu.memref_slice %arg9[%add3A_794, %dma_start3A_798] : memref<80x128xi32, #tpu.memory_space<vmem>> -> memref<1x128xi32, #tpu.memory_space<vmem>>
        %dma_start3A_800 = tpu.memref_squeeze %dma_start3A_799 : memref<1x128xi32, #tpu.memory_space<vmem>> -> memref<128xi32, #tpu.memory_space<vmem>>
        %dma_start3A_801 = arith.constant 0 : i32
        %dma_start3A_802 = arith.constant 0 : i32
        %dma_start3A_803 = tpu.memref_slice %arg4[%dma_start3A_801, %dma_start3A_802] : memref<10240x16xf32, #tpu.memory_space<hbm>> -> memref<10240x16xf32, #tpu.memory_space<hbm>>
        tpu.enqueue_indirect_dma source(%dma_start3A_803 : memref<10240x16xf32, #tpu.memory_space<hbm>>) target(%dma_start3A_797 : memref<128x16xf32, #tpu.memory_space<vmem>>) offsets(%dma_start3A_800 : memref<128xi32, #tpu.memory_space<vmem>>) semaphore(%arg33 : memref<!tpu.dma_semaphore, #tpu.memory_space<semaphore_mem>>)
        %mul3A_804 = arith.constant 2 : i32
        %mul3A_805 = arith.muli %sub3A_764, %mul3A_804 : i32
        %add3A_806 = arith.constant 1 : i32
        %add3A_807 = arith.addi %mul3A_805, %add3A_806 : i32
        %dma_start3A_808 = arith.constant 128 : i32
        %dma_start3A_809 = arith.constant 0 : i32
        %dma_start3A_810 = tpu.memref_slice %arg18[%dma_start3A_808, %dma_start3A_809] : memref<256x16xf32, #tpu.memory_space<vmem>> -> memref<128x16xf32, #tpu.memory_space<vmem>>
        %dma_start3A_811 = arith.constant 0 : i32
        %dma_start3A_812 = tpu.memref_slice %arg10[%add3A_807, %dma_start3A_811] : memref<80x128xi32, #tpu.memory_space<vmem>> -> memref<1x128xi32, #tpu.memory_space<vmem>>
        %dma_start3A_813 = tpu.memref_squeeze %dma_start3A_812 : memref<1x128xi32, #tpu.memory_space<vmem>> -> memref<128xi32, #tpu.memory_space<vmem>>
        %dma_start3A_814 = arith.constant 0 : i32
        %dma_start3A_815 = arith.constant 0 : i32
        %dma_start3A_816 = tpu.memref_slice %arg5[%dma_start3A_814, %dma_start3A_815] : memref<10240x16xf32, #tpu.memory_space<hbm>> -> memref<10240x16xf32, #tpu.memory_space<hbm>>
        tpu.enqueue_indirect_dma source(%dma_start3A_816 : memref<10240x16xf32, #tpu.memory_space<hbm>>) target(%dma_start3A_810 : memref<128x16xf32, #tpu.memory_space<vmem>>) offsets(%dma_start3A_813 : memref<128xi32, #tpu.memory_space<vmem>>) semaphore(%arg33 : memref<!tpu.dma_semaphore, #tpu.memory_space<semaphore_mem>>)
      } else {
      }
      %parallel_loop3A = arith.constant 0 : i32
      %parallel_loop3A_368 = arith.constant 256 : i32
      %parallel_loop3A_369 = arith.constant 1 : i32
      scf.for %parallel_loop3A_761 = %parallel_loop3A to %parallel_loop3A_368 step %parallel_loop3A_369  : i32 {
        %parallel_loop3A_762 = arith.index_cast %parallel_loop3A_761 : i32 to index
        %parallel_loop3A_763 = arith.constant 0 : index
        %parallel_loop3A_764 = tpu.vector_load %arg11[%parallel_loop3A_762, %parallel_loop3A_763] {strides = array<i32>} : memref<256x16xf32, #tpu.memory_space<vmem>>, vector<1x16xf32>,
        %parallel_loop3A_765 = vector.shape_cast %parallel_loop3A_764 : vector<1x16xf32> to vector<16xf32>
        %parallel_loop3A_766 = arith.index_cast %parallel_loop3A_761 : i32 to index
        %parallel_loop3A_767 = arith.constant 0 : index
        %parallel_loop3A_768 = tpu.vector_load %arg12[%parallel_loop3A_766, %parallel_loop3A_767] {strides = array<i32>} : memref<256x16xf32, #tpu.memory_space<vmem>>, vector<1x16xf32>,
        %parallel_loop3A_769 = vector.shape_cast %parallel_loop3A_768 : vector<1x16xf32> to vector<16xf32>
        %parallel_loop3A_770 = arith.addf %parallel_loop3A_765, %parallel_loop3A_769 : vector<16xf32>
        %parallel_loop3A_771 = arith.constant 0.000000e+00 : f32
        %parallel_loop3A_772 = vector.broadcast %parallel_loop3A_771 : f32 to vector<16xf32>
        %parallel_loop3A_773 = arith.cmpf ogt, %parallel_loop3A_770, %parallel_loop3A_772 : vector<16xf32>
        %parallel_loop3A_774 = arith.mulf %parallel_loop3A_770, %get3A_18 : vector<16xf32>
        %parallel_loop3A_775 = arith.mulf %parallel_loop3A_770, %mul3A_21 : vector<16xf32>
        %parallel_loop3A_776 = arith.select %parallel_loop3A_773, %parallel_loop3A_774, %parallel_loop3A_775 : vector<16xi1>, vector<16xf32>
        %parallel_loop3A_777 = vector.shape_cast %xor3A_23 : vector<16xi32> to vector<16x1xi32>
        %parallel_loop3A_778 = vector.shape_cast %parallel_loop3A_777 : vector<16x1xi32> to vector<16xi32>
        %parallel_loop3A_779 = tpu.dynamic_gather %parallel_loop3A_776[%parallel_loop3A_778] in [0] : vector<16xf32>, vector<16xi32> -> vector<16xf32>
        %parallel_loop3A_780 = arith.addf %parallel_loop3A_776, %parallel_loop3A_779 : vector<16xf32>
        %parallel_loop3A_781 = vector.shape_cast %xor3A_27 : vector<16xi32> to vector<16x1xi32>
        %parallel_loop3A_782 = vector.shape_cast %parallel_loop3A_781 : vector<16x1xi32> to vector<16xi32>
        %parallel_loop3A_783 = tpu.dynamic_gather %parallel_loop3A_780[%parallel_loop3A_782] in [0] : vector<16xf32>, vector<16xi32> -> vector<16xf32>
        %parallel_loop3A_784 = arith.addf %parallel_loop3A_780, %parallel_loop3A_783 : vector<16xf32>
        %parallel_loop3A_785 = math.exp %parallel_loop3A_784 : vector<16xf32>
        %parallel_loop3A_786 = arith.index_cast %parallel_loop3A_761 : i32 to index
        %parallel_loop3A_787 = arith.constant 0 : index
        %parallel_loop3A_788 = tpu.vector_load %arg19[%parallel_loop3A_786, %parallel_loop3A_787] {strides = array<i32>} : memref<256x16xf32, #tpu.memory_space<vmem>>, vector<1x16xf32>,
        %parallel_loop3A_789 = vector.shape_cast %parallel_loop3A_788 : vector<1x16xf32> to vector<16xf32>
        %parallel_loop3A_790 = vector.shape_cast %parallel_loop3A_785 : vector<16xf32> to vector<1x16xf32>
        tpu.vector_store %arg19[%parallel_loop3A_786, %parallel_loop3A_787], %parallel_loop3A_790 {strides = array<i32>} : memref<256x16xf32, #tpu.memory_space<vmem>>, vector<1x16xf32>,
        %parallel_loop3A_791 = arith.mulf %parallel_loop3A_785, %parallel_loop3A_765 : vector<16xf32>
        %parallel_loop3A_792 = arith.index_cast %parallel_loop3A_761 : i32 to index
        %parallel_loop3A_793 = arith.constant 0 : index
        %parallel_loop3A_794 = tpu.vector_load %arg20[%parallel_loop3A_792, %parallel_loop3A_793] {strides = array<i32>} : memref<256x16xf32, #tpu.memory_space<vmem>>, vector<1x16xf32>,
        %parallel_loop3A_795 = vector.shape_cast %parallel_loop3A_794 : vector<1x16xf32> to vector<16xf32>
        %parallel_loop3A_796 = vector.shape_cast %parallel_loop3A_791 : vector<16xf32> to vector<1x16xf32>
        tpu.vector_store %arg20[%parallel_loop3A_792, %parallel_loop3A_793], %parallel_loop3A_796 {strides = array<i32>} : memref<256x16xf32, #tpu.memory_space<vmem>>, vector<1x16xf32>,
      } {sc.loop_unroll_factor = 4 : i64, sc.parallel_access}
      %mul3A_370 = arith.constant 2 : i32
      %mul3A_371 = arith.muli %add3A_318, %mul3A_370 : i32
      %add3A_372 = arith.constant 0 : i32
      %add3A_373 = arith.addi %mul3A_371, %add3A_372 : i32
      %dma_start3A_374 = arith.constant 0 : i32
      %dma_start3A_375 = arith.constant 0 : i32
      %dma_start3A_376 = tpu.memref_slice %arg19[%dma_start3A_374, %dma_start3A_375] : memref<256x16xf32, #tpu.memory_space<vmem>> -> memref<128x16xf32, #tpu.memory_space<vmem>>
      %dma_start3A_377 = arith.constant 0 : i32
      %dma_start3A_378 = tpu.memref_slice %arg10[%add3A_373, %dma_start3A_377] : memref<80x128xi32, #tpu.memory_space<vmem>> -> memref<1x128xi32, #tpu.memory_space<vmem>>
      %dma_start3A_379 = tpu.memref_squeeze %dma_start3A_378 : memref<1x128xi32, #tpu.memory_space<vmem>> -> memref<128xi32, #tpu.memory_space<vmem>>
      %dma_start3A_380 = arith.constant 0 : i32
      %dma_start3A_381 = arith.constant 0 : i32
      %dma_start3A_382 = tpu.memref_slice %arg28[%dma_start3A_380, %dma_start3A_381] : memref<10240x16xf32, #tpu.memory_space<vmem_shared>> -> memref<10240x16xf32, #tpu.memory_space<vmem_shared>>
      tpu.enqueue_indirect_dma source(%dma_start3A_376 : memref<128x16xf32, #tpu.memory_space<vmem>>) target(%dma_start3A_382 : memref<10240x16xf32, #tpu.memory_space<vmem_shared>>) offsets(%dma_start3A_379 : memref<128xi32, #tpu.memory_space<vmem>>) semaphore(%arg34 : memref<!tpu.dma_semaphore, #tpu.memory_space<semaphore_mem>>) {add = true}
      %mul3A_383 = arith.constant 2 : i32
      %mul3A_384 = arith.muli %add3A_318, %mul3A_383 : i32
      %add3A_385 = arith.constant 0 : i32
      %add3A_386 = arith.addi %mul3A_384, %add3A_385 : i32
      %dma_start3A_387 = arith.constant 0 : i32
      %dma_start3A_388 = arith.constant 0 : i32
      %dma_start3A_389 = tpu.memref_slice %arg20[%dma_start3A_387, %dma_start3A_388] : memref<256x16xf32, #tpu.memory_space<vmem>> -> memref<128x16xf32, #tpu.memory_space<vmem>>
      %dma_start3A_390 = arith.constant 0 : i32
      %dma_start3A_391 = tpu.memref_slice %arg10[%add3A_386, %dma_start3A_390] : memref<80x128xi32, #tpu.memory_space<vmem>> -> memref<1x128xi32, #tpu.memory_space<vmem>>
      %dma_start3A_392 = tpu.memref_squeeze %dma_start3A_391 : memref<1x128xi32, #tpu.memory_space<vmem>> -> memref<128xi32, #tpu.memory_space<vmem>>
      %dma_start3A_393 = arith.constant 0 : i32
      %dma_start3A_394 = arith.constant 0 : i32
      %dma_start3A_395 = tpu.memref_slice %arg29[%dma_start3A_393, %dma_start3A_394] : memref<10240x16xf32, #tpu.memory_space<vmem_shared>> -> memref<10240x16xf32, #tpu.memory_space<vmem_shared>>
      tpu.enqueue_indirect_dma source(%dma_start3A_389 : memref<128x16xf32, #tpu.memory_space<vmem>>) target(%dma_start3A_395 : memref<10240x16xf32, #tpu.memory_space<vmem_shared>>) offsets(%dma_start3A_392 : memref<128xi32, #tpu.memory_space<vmem>>) semaphore(%arg34 : memref<!tpu.dma_semaphore, #tpu.memory_space<semaphore_mem>>) {add = true}
      %mul3A_396 = arith.constant 2 : i32
      %mul3A_397 = arith.muli %add3A_318, %mul3A_396 : i32
      %add3A_398 = arith.constant 1 : i32
      %add3A_399 = arith.addi %mul3A_397, %add3A_398 : i32
      %dma_start3A_400 = arith.constant 128 : i32
      %dma_start3A_401 = arith.constant 0 : i32
      %dma_start3A_402 = tpu.memref_slice %arg19[%dma_start3A_400, %dma_start3A_401] : memref<256x16xf32, #tpu.memory_space<vmem>> -> memref<128x16xf32, #tpu.memory_space<vmem>>
      %dma_start3A_403 = arith.constant 0 : i32
      %dma_start3A_404 = tpu.memref_slice %arg10[%add3A_399, %dma_start3A_403] : memref<80x128xi32, #tpu.memory_space<vmem>> -> memref<1x128xi32, #tpu.memory_space<vmem>>
      %dma_start3A_405 = tpu.memref_squeeze %dma_start3A_404 : memref<1x128xi32, #tpu.memory_space<vmem>> -> memref<128xi32, #tpu.memory_space<vmem>>
      %dma_start3A_406 = arith.constant 0 : i32
      %dma_start3A_407 = arith.constant 0 : i32
      %dma_start3A_408 = tpu.memref_slice %arg28[%dma_start3A_406, %dma_start3A_407] : memref<10240x16xf32, #tpu.memory_space<vmem_shared>> -> memref<10240x16xf32, #tpu.memory_space<vmem_shared>>
      tpu.enqueue_indirect_dma source(%dma_start3A_402 : memref<128x16xf32, #tpu.memory_space<vmem>>) target(%dma_start3A_408 : memref<10240x16xf32, #tpu.memory_space<vmem_shared>>) offsets(%dma_start3A_405 : memref<128xi32, #tpu.memory_space<vmem>>) semaphore(%arg34 : memref<!tpu.dma_semaphore, #tpu.memory_space<semaphore_mem>>) {add = true}
      %mul3A_409 = arith.constant 2 : i32
      %mul3A_410 = arith.muli %add3A_318, %mul3A_409 : i32
      %add3A_411 = arith.constant 1 : i32
      %add3A_412 = arith.addi %mul3A_410, %add3A_411 : i32
      %dma_start3A_413 = arith.constant 128 : i32
      %dma_start3A_414 = arith.constant 0 : i32
      %dma_start3A_415 = tpu.memref_slice %arg20[%dma_start3A_413, %dma_start3A_414] : memref<256x16xf32, #tpu.memory_space<vmem>> -> memref<128x16xf32, #tpu.memory_space<vmem>>
      %dma_start3A_416 = arith.constant 0 : i32
      %dma_start3A_417 = tpu.memref_slice %arg10[%add3A_412, %dma_start3A_416] : memref<80x128xi32, #tpu.memory_space<vmem>> -> memref<1x128xi32, #tpu.memory_space<vmem>>
      %dma_start3A_418 = tpu.memref_squeeze %dma_start3A_417 : memref<1x128xi32, #tpu.memory_space<vmem>> -> memref<128xi32, #tpu.memory_space<vmem>>
      %dma_start3A_419 = arith.constant 0 : i32
      %dma_start3A_420 = arith.constant 0 : i32
      %dma_start3A_421 = tpu.memref_slice %arg29[%dma_start3A_419, %dma_start3A_420] : memref<10240x16xf32, #tpu.memory_space<vmem_shared>> -> memref<10240x16xf32, #tpu.memory_space<vmem_shared>>
      tpu.enqueue_indirect_dma source(%dma_start3A_415 : memref<128x16xf32, #tpu.memory_space<vmem>>) target(%dma_start3A_421 : memref<10240x16xf32, #tpu.memory_space<vmem_shared>>) offsets(%dma_start3A_418 : memref<128xi32, #tpu.memory_space<vmem>>) semaphore(%arg34 : memref<!tpu.dma_semaphore, #tpu.memory_space<semaphore_mem>>) {add = true}
      %mul3A_422 = arith.constant 4 : i32
      %mul3A_423 = arith.muli %scan3A_314, %mul3A_422 : i32
      %add3A_424 = arith.constant 1 : i32
      %add3A_425 = arith.addi %mul3A_423, %add3A_424 : i32
      %dma_wait3A_426 = arith.constant 0 : i32
      %dma_wait3A_427 = arith.constant 0 : i32
      %dma_wait3A_428 = arith.constant 0 : i32
      %dma_wait3A_429 = tpu.memref_slice %arg13[%dma_wait3A_427, %dma_wait3A_428] : memref<256x16xf32, #tpu.memory_space<vmem>> -> memref<128x16xf32, #tpu.memory_space<vmem>>
      %dma_wait3A_430 = arith.constant 0 : i32
      %dma_wait3A_431 = tpu.memref_slice %arg9[%dma_wait3A_426, %dma_wait3A_430] : memref<80x128xi32, #tpu.memory_space<vmem>> -> memref<1x128xi32, #tpu.memory_space<vmem>>
      %dma_wait3A_432 = tpu.memref_squeeze %dma_wait3A_431 : memref<1x128xi32, #tpu.memory_space<vmem>> -> memref<128xi32, #tpu.memory_space<vmem>>
      %dma_wait3A_433 = arith.constant 0 : i32
      %dma_wait3A_434 = arith.constant 0 : i32
      %dma_wait3A_435 = tpu.memref_slice %arg4[%dma_wait3A_433, %dma_wait3A_434] : memref<10240x16xf32, #tpu.memory_space<hbm>> -> memref<10240x16xf32, #tpu.memory_space<hbm>>
      tpu.wait_indirect_dma semaphore(%arg31 : memref<!tpu.dma_semaphore, #tpu.memory_space<semaphore_mem>>) src(%dma_wait3A_435 : memref<10240x16xf32, #tpu.memory_space<hbm>>) dst(%dma_wait3A_429 : memref<128x16xf32, #tpu.memory_space<vmem>>)
      %dma_wait3A_436 = arith.constant 0 : i32
      %dma_wait3A_437 = arith.constant 0 : i32
      %dma_wait3A_438 = arith.constant 0 : i32
      %dma_wait3A_439 = tpu.memref_slice %arg14[%dma_wait3A_437, %dma_wait3A_438] : memref<256x16xf32, #tpu.memory_space<vmem>> -> memref<128x16xf32, #tpu.memory_space<vmem>>
      %dma_wait3A_440 = arith.constant 0 : i32
      %dma_wait3A_441 = tpu.memref_slice %arg10[%dma_wait3A_436, %dma_wait3A_440] : memref<80x128xi32, #tpu.memory_space<vmem>> -> memref<1x128xi32, #tpu.memory_space<vmem>>
      %dma_wait3A_442 = tpu.memref_squeeze %dma_wait3A_441 : memref<1x128xi32, #tpu.memory_space<vmem>> -> memref<128xi32, #tpu.memory_space<vmem>>
      %dma_wait3A_443 = arith.constant 0 : i32
      %dma_wait3A_444 = arith.constant 0 : i32
      %dma_wait3A_445 = tpu.memref_slice %arg5[%dma_wait3A_443, %dma_wait3A_444] : memref<10240x16xf32, #tpu.memory_space<hbm>> -> memref<10240x16xf32, #tpu.memory_space<hbm>>
      tpu.wait_indirect_dma semaphore(%arg31 : memref<!tpu.dma_semaphore, #tpu.memory_space<semaphore_mem>>) src(%dma_wait3A_445 : memref<10240x16xf32, #tpu.memory_space<hbm>>) dst(%dma_wait3A_439 : memref<128x16xf32, #tpu.memory_space<vmem>>)
      %dma_wait3A_446 = arith.constant 0 : i32
      %dma_wait3A_447 = arith.constant 128 : i32
      %dma_wait3A_448 = arith.constant 0 : i32
      %dma_wait3A_449 = tpu.memref_slice %arg13[%dma_wait3A_447, %dma_wait3A_448] : memref<256x16xf32, #tpu.memory_space<vmem>> -> memref<128x16xf32, #tpu.memory_space<vmem>>
      %dma_wait3A_450 = arith.constant 0 : i32
      %dma_wait3A_451 = tpu.memref_slice %arg9[%dma_wait3A_446, %dma_wait3A_450] : memref<80x128xi32, #tpu.memory_space<vmem>> -> memref<1x128xi32, #tpu.memory_space<vmem>>
      %dma_wait3A_452 = tpu.memref_squeeze %dma_wait3A_451 : memref<1x128xi32, #tpu.memory_space<vmem>> -> memref<128xi32, #tpu.memory_space<vmem>>
      %dma_wait3A_453 = arith.constant 0 : i32
      %dma_wait3A_454 = arith.constant 0 : i32
      %dma_wait3A_455 = tpu.memref_slice %arg4[%dma_wait3A_453, %dma_wait3A_454] : memref<10240x16xf32, #tpu.memory_space<hbm>> -> memref<10240x16xf32, #tpu.memory_space<hbm>>
      tpu.wait_indirect_dma semaphore(%arg31 : memref<!tpu.dma_semaphore, #tpu.memory_space<semaphore_mem>>) src(%dma_wait3A_455 : memref<10240x16xf32, #tpu.memory_space<hbm>>) dst(%dma_wait3A_449 : memref<128x16xf32, #tpu.memory_space<vmem>>)
      %dma_wait3A_456 = arith.constant 0 : i32
      %dma_wait3A_457 = arith.constant 128 : i32
      %dma_wait3A_458 = arith.constant 0 : i32
      %dma_wait3A_459 = tpu.memref_slice %arg14[%dma_wait3A_457, %dma_wait3A_458] : memref<256x16xf32, #tpu.memory_space<vmem>> -> memref<128x16xf32, #tpu.memory_space<vmem>>
      %dma_wait3A_460 = arith.constant 0 : i32
      %dma_wait3A_461 = tpu.memref_slice %arg10[%dma_wait3A_456, %dma_wait3A_460] : memref<80x128xi32, #tpu.memory_space<vmem>> -> memref<1x128xi32, #tpu.memory_space<vmem>>
      %dma_wait3A_462 = tpu.memref_squeeze %dma_wait3A_461 : memref<1x128xi32, #tpu.memory_space<vmem>> -> memref<128xi32, #tpu.memory_space<vmem>>
      %dma_wait3A_463 = arith.constant 0 : i32
      %dma_wait3A_464 = arith.constant 0 : i32
      %dma_wait3A_465 = tpu.memref_slice %arg5[%dma_wait3A_463, %dma_wait3A_464] : memref<10240x16xf32, #tpu.memory_space<hbm>> -> memref<10240x16xf32, #tpu.memory_space<hbm>>
      tpu.wait_indirect_dma semaphore(%arg31 : memref<!tpu.dma_semaphore, #tpu.memory_space<semaphore_mem>>) src(%dma_wait3A_465 : memref<10240x16xf32, #tpu.memory_space<hbm>>) dst(%dma_wait3A_459 : memref<128x16xf32, #tpu.memory_space<vmem>>)
      %gt3A_466 = arith.constant 0 : i32
      %gt3A_467 = arith.cmpi sgt, %scan3A_314, %gt3A_466 : i32
      %convert_element_type3A_468 = arith.extui %gt3A_467 : i1 to i32
      %cond3A_469 = arith.constant 0 : i32
      %cond3A_470 = arith.cmpi ne, %convert_element_type3A_468, %cond3A_469 : i32
      scf.if %cond3A_470 {
        %dma_wait3A_761 = arith.constant 0 : i32
        %dma_wait3A_762 = arith.constant 0 : i32
        %dma_wait3A_763 = arith.constant 0 : i32
        %dma_wait3A_764 = tpu.memref_slice %arg21[%dma_wait3A_762, %dma_wait3A_763] : memref<256x16xf32, #tpu.memory_space<vmem>> -> memref<128x16xf32, #tpu.memory_space<vmem>>
        %dma_wait3A_765 = arith.constant 0 : i32
        %dma_wait3A_766 = tpu.memref_slice %arg10[%dma_wait3A_761, %dma_wait3A_765] : memref<80x128xi32, #tpu.memory_space<vmem>> -> memref<1x128xi32, #tpu.memory_space<vmem>>
        %dma_wait3A_767 = tpu.memref_squeeze %dma_wait3A_766 : memref<1x128xi32, #tpu.memory_space<vmem>> -> memref<128xi32, #tpu.memory_space<vmem>>
        %dma_wait3A_768 = arith.constant 0 : i32
        %dma_wait3A_769 = arith.constant 0 : i32
        %dma_wait3A_770 = tpu.memref_slice %arg28[%dma_wait3A_768, %dma_wait3A_769] : memref<10240x16xf32, #tpu.memory_space<vmem_shared>> -> memref<10240x16xf32, #tpu.memory_space<vmem_shared>>
        tpu.wait_indirect_dma semaphore(%arg35 : memref<!tpu.dma_semaphore, #tpu.memory_space<semaphore_mem>>) src(%dma_wait3A_764 : memref<128x16xf32, #tpu.memory_space<vmem>>) dst(%dma_wait3A_770 : memref<10240x16xf32, #tpu.memory_space<vmem_shared>>)
        %dma_wait3A_771 = arith.constant 0 : i32
        %dma_wait3A_772 = arith.constant 0 : i32
        %dma_wait3A_773 = arith.constant 0 : i32
        %dma_wait3A_774 = tpu.memref_slice %arg22[%dma_wait3A_772, %dma_wait3A_773] : memref<256x16xf32, #tpu.memory_space<vmem>> -> memref<128x16xf32, #tpu.memory_space<vmem>>
        %dma_wait3A_775 = arith.constant 0 : i32
        %dma_wait3A_776 = tpu.memref_slice %arg10[%dma_wait3A_771, %dma_wait3A_775] : memref<80x128xi32, #tpu.memory_space<vmem>> -> memref<1x128xi32, #tpu.memory_space<vmem>>
        %dma_wait3A_777 = tpu.memref_squeeze %dma_wait3A_776 : memref<1x128xi32, #tpu.memory_space<vmem>> -> memref<128xi32, #tpu.memory_space<vmem>>
        %dma_wait3A_778 = arith.constant 0 : i32
        %dma_wait3A_779 = arith.constant 0 : i32
        %dma_wait3A_780 = tpu.memref_slice %arg29[%dma_wait3A_778, %dma_wait3A_779] : memref<10240x16xf32, #tpu.memory_space<vmem_shared>> -> memref<10240x16xf32, #tpu.memory_space<vmem_shared>>
        tpu.wait_indirect_dma semaphore(%arg35 : memref<!tpu.dma_semaphore, #tpu.memory_space<semaphore_mem>>) src(%dma_wait3A_774 : memref<128x16xf32, #tpu.memory_space<vmem>>) dst(%dma_wait3A_780 : memref<10240x16xf32, #tpu.memory_space<vmem_shared>>)
        %dma_wait3A_781 = arith.constant 0 : i32
        %dma_wait3A_782 = arith.constant 128 : i32
        %dma_wait3A_783 = arith.constant 0 : i32
        %dma_wait3A_784 = tpu.memref_slice %arg21[%dma_wait3A_782, %dma_wait3A_783] : memref<256x16xf32, #tpu.memory_space<vmem>> -> memref<128x16xf32, #tpu.memory_space<vmem>>
        %dma_wait3A_785 = arith.constant 0 : i32
        %dma_wait3A_786 = tpu.memref_slice %arg10[%dma_wait3A_781, %dma_wait3A_785] : memref<80x128xi32, #tpu.memory_space<vmem>> -> memref<1x128xi32, #tpu.memory_space<vmem>>
        %dma_wait3A_787 = tpu.memref_squeeze %dma_wait3A_786 : memref<1x128xi32, #tpu.memory_space<vmem>> -> memref<128xi32, #tpu.memory_space<vmem>>
        %dma_wait3A_788 = arith.constant 0 : i32
        %dma_wait3A_789 = arith.constant 0 : i32
        %dma_wait3A_790 = tpu.memref_slice %arg28[%dma_wait3A_788, %dma_wait3A_789] : memref<10240x16xf32, #tpu.memory_space<vmem_shared>> -> memref<10240x16xf32, #tpu.memory_space<vmem_shared>>
        tpu.wait_indirect_dma semaphore(%arg35 : memref<!tpu.dma_semaphore, #tpu.memory_space<semaphore_mem>>) src(%dma_wait3A_784 : memref<128x16xf32, #tpu.memory_space<vmem>>) dst(%dma_wait3A_790 : memref<10240x16xf32, #tpu.memory_space<vmem_shared>>)
        %dma_wait3A_791 = arith.constant 0 : i32
        %dma_wait3A_792 = arith.constant 128 : i32
        %dma_wait3A_793 = arith.constant 0 : i32
        %dma_wait3A_794 = tpu.memref_slice %arg22[%dma_wait3A_792, %dma_wait3A_793] : memref<256x16xf32, #tpu.memory_space<vmem>> -> memref<128x16xf32, #tpu.memory_space<vmem>>
        %dma_wait3A_795 = arith.constant 0 : i32
        %dma_wait3A_796 = tpu.memref_slice %arg10[%dma_wait3A_791, %dma_wait3A_795] : memref<80x128xi32, #tpu.memory_space<vmem>> -> memref<1x128xi32, #tpu.memory_space<vmem>>
        %dma_wait3A_797 = tpu.memref_squeeze %dma_wait3A_796 : memref<1x128xi32, #tpu.memory_space<vmem>> -> memref<128xi32, #tpu.memory_space<vmem>>
        %dma_wait3A_798 = arith.constant 0 : i32
        %dma_wait3A_799 = arith.constant 0 : i32
        %dma_wait3A_800 = tpu.memref_slice %arg29[%dma_wait3A_798, %dma_wait3A_799] : memref<10240x16xf32, #tpu.memory_space<vmem_shared>> -> memref<10240x16xf32, #tpu.memory_space<vmem_shared>>
        tpu.wait_indirect_dma semaphore(%arg35 : memref<!tpu.dma_semaphore, #tpu.memory_space<semaphore_mem>>) src(%dma_wait3A_794 : memref<128x16xf32, #tpu.memory_space<vmem>>) dst(%dma_wait3A_800 : memref<10240x16xf32, #tpu.memory_space<vmem_shared>>)
      } else {
      }
      %add3A_471 = arith.constant 4 : i32
      %add3A_472 = arith.addi %add3A_425, %add3A_471 : i32
      %sub3A_473 = arith.constant 1 : i32
      %sub3A_474 = arith.subi %add3A_472, %sub3A_473 : i32
      %lt3A_475 = arith.constant 40 : i32
      %lt3A_476 = arith.cmpi slt, %sub3A_474, %lt3A_475 : i32
      %convert_element_type3A_477 = arith.extui %lt3A_476 : i1 to i32
      %cond3A_478 = arith.constant 0 : i32
      %cond3A_479 = arith.cmpi ne, %convert_element_type3A_477, %cond3A_478 : i32
      scf.if %cond3A_479 {
        %add3A_761 = arith.constant 4 : i32
        %add3A_762 = arith.addi %add3A_425, %add3A_761 : i32
        %sub3A_763 = arith.constant 1 : i32
        %sub3A_764 = arith.subi %add3A_762, %sub3A_763 : i32
        %mul3A_765 = arith.constant 2 : i32
        %mul3A_766 = arith.muli %sub3A_764, %mul3A_765 : i32
        %add3A_767 = arith.constant 0 : i32
        %add3A_768 = arith.addi %mul3A_766, %add3A_767 : i32
        %dma_start3A_769 = arith.constant 0 : i32
        %dma_start3A_770 = arith.constant 0 : i32
        %dma_start3A_771 = tpu.memref_slice %arg11[%dma_start3A_769, %dma_start3A_770] : memref<256x16xf32, #tpu.memory_space<vmem>> -> memref<128x16xf32, #tpu.memory_space<vmem>>
        %dma_start3A_772 = arith.constant 0 : i32
        %dma_start3A_773 = tpu.memref_slice %arg9[%add3A_768, %dma_start3A_772] : memref<80x128xi32, #tpu.memory_space<vmem>> -> memref<1x128xi32, #tpu.memory_space<vmem>>
        %dma_start3A_774 = tpu.memref_squeeze %dma_start3A_773 : memref<1x128xi32, #tpu.memory_space<vmem>> -> memref<128xi32, #tpu.memory_space<vmem>>
        %dma_start3A_775 = arith.constant 0 : i32
        %dma_start3A_776 = arith.constant 0 : i32
        %dma_start3A_777 = tpu.memref_slice %arg4[%dma_start3A_775, %dma_start3A_776] : memref<10240x16xf32, #tpu.memory_space<hbm>> -> memref<10240x16xf32, #tpu.memory_space<hbm>>
        tpu.enqueue_indirect_dma source(%dma_start3A_777 : memref<10240x16xf32, #tpu.memory_space<hbm>>) target(%dma_start3A_771 : memref<128x16xf32, #tpu.memory_space<vmem>>) offsets(%dma_start3A_774 : memref<128xi32, #tpu.memory_space<vmem>>) semaphore(%arg30 : memref<!tpu.dma_semaphore, #tpu.memory_space<semaphore_mem>>)
        %mul3A_778 = arith.constant 2 : i32
        %mul3A_779 = arith.muli %sub3A_764, %mul3A_778 : i32
        %add3A_780 = arith.constant 0 : i32
        %add3A_781 = arith.addi %mul3A_779, %add3A_780 : i32
        %dma_start3A_782 = arith.constant 0 : i32
        %dma_start3A_783 = arith.constant 0 : i32
        %dma_start3A_784 = tpu.memref_slice %arg12[%dma_start3A_782, %dma_start3A_783] : memref<256x16xf32, #tpu.memory_space<vmem>> -> memref<128x16xf32, #tpu.memory_space<vmem>>
        %dma_start3A_785 = arith.constant 0 : i32
        %dma_start3A_786 = tpu.memref_slice %arg10[%add3A_781, %dma_start3A_785] : memref<80x128xi32, #tpu.memory_space<vmem>> -> memref<1x128xi32, #tpu.memory_space<vmem>>
        %dma_start3A_787 = tpu.memref_squeeze %dma_start3A_786 : memref<1x128xi32, #tpu.memory_space<vmem>> -> memref<128xi32, #tpu.memory_space<vmem>>
        %dma_start3A_788 = arith.constant 0 : i32
        %dma_start3A_789 = arith.constant 0 : i32
        %dma_start3A_790 = tpu.memref_slice %arg5[%dma_start3A_788, %dma_start3A_789] : memref<10240x16xf32, #tpu.memory_space<hbm>> -> memref<10240x16xf32, #tpu.memory_space<hbm>>
        tpu.enqueue_indirect_dma source(%dma_start3A_790 : memref<10240x16xf32, #tpu.memory_space<hbm>>) target(%dma_start3A_784 : memref<128x16xf32, #tpu.memory_space<vmem>>) offsets(%dma_start3A_787 : memref<128xi32, #tpu.memory_space<vmem>>) semaphore(%arg30 : memref<!tpu.dma_semaphore, #tpu.memory_space<semaphore_mem>>)
        %mul3A_791 = arith.constant 2 : i32
        %mul3A_792 = arith.muli %sub3A_764, %mul3A_791 : i32
        %add3A_793 = arith.constant 1 : i32
        %add3A_794 = arith.addi %mul3A_792, %add3A_793 : i32
        %dma_start3A_795 = arith.constant 128 : i32
        %dma_start3A_796 = arith.constant 0 : i32
        %dma_start3A_797 = tpu.memref_slice %arg11[%dma_start3A_795, %dma_start3A_796] : memref<256x16xf32, #tpu.memory_space<vmem>> -> memref<128x16xf32, #tpu.memory_space<vmem>>
        %dma_start3A_798 = arith.constant 0 : i32
        %dma_start3A_799 = tpu.memref_slice %arg9[%add3A_794, %dma_start3A_798] : memref<80x128xi32, #tpu.memory_space<vmem>> -> memref<1x128xi32, #tpu.memory_space<vmem>>
        %dma_start3A_800 = tpu.memref_squeeze %dma_start3A_799 : memref<1x128xi32, #tpu.memory_space<vmem>> -> memref<128xi32, #tpu.memory_space<vmem>>
        %dma_start3A_801 = arith.constant 0 : i32
        %dma_start3A_802 = arith.constant 0 : i32
        %dma_start3A_803 = tpu.memref_slice %arg4[%dma_start3A_801, %dma_start3A_802] : memref<10240x16xf32, #tpu.memory_space<hbm>> -> memref<10240x16xf32, #tpu.memory_space<hbm>>
        tpu.enqueue_indirect_dma source(%dma_start3A_803 : memref<10240x16xf32, #tpu.memory_space<hbm>>) target(%dma_start3A_797 : memref<128x16xf32, #tpu.memory_space<vmem>>) offsets(%dma_start3A_800 : memref<128xi32, #tpu.memory_space<vmem>>) semaphore(%arg30 : memref<!tpu.dma_semaphore, #tpu.memory_space<semaphore_mem>>)
        %mul3A_804 = arith.constant 2 : i32
        %mul3A_805 = arith.muli %sub3A_764, %mul3A_804 : i32
        %add3A_806 = arith.constant 1 : i32
        %add3A_807 = arith.addi %mul3A_805, %add3A_806 : i32
        %dma_start3A_808 = arith.constant 128 : i32
        %dma_start3A_809 = arith.constant 0 : i32
        %dma_start3A_810 = tpu.memref_slice %arg12[%dma_start3A_808, %dma_start3A_809] : memref<256x16xf32, #tpu.memory_space<vmem>> -> memref<128x16xf32, #tpu.memory_space<vmem>>
        %dma_start3A_811 = arith.constant 0 : i32
        %dma_start3A_812 = tpu.memref_slice %arg10[%add3A_807, %dma_start3A_811] : memref<80x128xi32, #tpu.memory_space<vmem>> -> memref<1x128xi32, #tpu.memory_space<vmem>>
        %dma_start3A_813 = tpu.memref_squeeze %dma_start3A_812 : memref<1x128xi32, #tpu.memory_space<vmem>> -> memref<128xi32, #tpu.memory_space<vmem>>
        %dma_start3A_814 = arith.constant 0 : i32
        %dma_start3A_815 = arith.constant 0 : i32
        %dma_start3A_816 = tpu.memref_slice %arg5[%dma_start3A_814, %dma_start3A_815] : memref<10240x16xf32, #tpu.memory_space<hbm>> -> memref<10240x16xf32, #tpu.memory_space<hbm>>
        tpu.enqueue_indirect_dma source(%dma_start3A_816 : memref<10240x16xf32, #tpu.memory_space<hbm>>) target(%dma_start3A_810 : memref<128x16xf32, #tpu.memory_space<vmem>>) offsets(%dma_start3A_813 : memref<128xi32, #tpu.memory_space<vmem>>) semaphore(%arg30 : memref<!tpu.dma_semaphore, #tpu.memory_space<semaphore_mem>>)
      } else {
      }
      %parallel_loop3A_480 = arith.constant 0 : i32
      %parallel_loop3A_481 = arith.constant 256 : i32
      %parallel_loop3A_482 = arith.constant 1 : i32
      scf.for %parallel_loop3A_761 = %parallel_loop3A_480 to %parallel_loop3A_481 step %parallel_loop3A_482  : i32 {
        %parallel_loop3A_762 = arith.index_cast %parallel_loop3A_761 : i32 to index
        %parallel_loop3A_763 = arith.constant 0 : index
        %parallel_loop3A_764 = tpu.vector_load %arg13[%parallel_loop3A_762, %parallel_loop3A_763] {strides = array<i32>} : memref<256x16xf32, #tpu.memory_space<vmem>>, vector<1x16xf32>,
        %parallel_loop3A_765 = vector.shape_cast %parallel_loop3A_764 : vector<1x16xf32> to vector<16xf32>
        %parallel_loop3A_766 = arith.index_cast %parallel_loop3A_761 : i32 to index
        %parallel_loop3A_767 = arith.constant 0 : index
        %parallel_loop3A_768 = tpu.vector_load %arg14[%parallel_loop3A_766, %parallel_loop3A_767] {strides = array<i32>} : memref<256x16xf32, #tpu.memory_space<vmem>>, vector<1x16xf32>,
        %parallel_loop3A_769 = vector.shape_cast %parallel_loop3A_768 : vector<1x16xf32> to vector<16xf32>
        %parallel_loop3A_770 = arith.addf %parallel_loop3A_765, %parallel_loop3A_769 : vector<16xf32>
        %parallel_loop3A_771 = arith.constant 0.000000e+00 : f32
        %parallel_loop3A_772 = vector.broadcast %parallel_loop3A_771 : f32 to vector<16xf32>
        %parallel_loop3A_773 = arith.cmpf ogt, %parallel_loop3A_770, %parallel_loop3A_772 : vector<16xf32>
        %parallel_loop3A_774 = arith.mulf %parallel_loop3A_770, %get3A_18 : vector<16xf32>
        %parallel_loop3A_775 = arith.mulf %parallel_loop3A_770, %mul3A_21 : vector<16xf32>
        %parallel_loop3A_776 = arith.select %parallel_loop3A_773, %parallel_loop3A_774, %parallel_loop3A_775 : vector<16xi1>, vector<16xf32>
        %parallel_loop3A_777 = vector.shape_cast %xor3A_23 : vector<16xi32> to vector<16x1xi32>
        %parallel_loop3A_778 = vector.shape_cast %parallel_loop3A_777 : vector<16x1xi32> to vector<16xi32>
        %parallel_loop3A_779 = tpu.dynamic_gather %parallel_loop3A_776[%parallel_loop3A_778] in [0] : vector<16xf32>, vector<16xi32> -> vector<16xf32>
        %parallel_loop3A_780 = arith.addf %parallel_loop3A_776, %parallel_loop3A_779 : vector<16xf32>
        %parallel_loop3A_781 = vector.shape_cast %xor3A_27 : vector<16xi32> to vector<16x1xi32>
        %parallel_loop3A_782 = vector.shape_cast %parallel_loop3A_781 : vector<16x1xi32> to vector<16xi32>
        %parallel_loop3A_783 = tpu.dynamic_gather %parallel_loop3A_780[%parallel_loop3A_782] in [0] : vector<16xf32>, vector<16xi32> -> vector<16xf32>
        %parallel_loop3A_784 = arith.addf %parallel_loop3A_780, %parallel_loop3A_783 : vector<16xf32>
        %parallel_loop3A_785 = math.exp %parallel_loop3A_784 : vector<16xf32>
        %parallel_loop3A_786 = arith.index_cast %parallel_loop3A_761 : i32 to index
        %parallel_loop3A_787 = arith.constant 0 : index
        %parallel_loop3A_788 = tpu.vector_load %arg21[%parallel_loop3A_786, %parallel_loop3A_787] {strides = array<i32>} : memref<256x16xf32, #tpu.memory_space<vmem>>, vector<1x16xf32>,
        %parallel_loop3A_789 = vector.shape_cast %parallel_loop3A_788 : vector<1x16xf32> to vector<16xf32>
        %parallel_loop3A_790 = vector.shape_cast %parallel_loop3A_785 : vector<16xf32> to vector<1x16xf32>
        tpu.vector_store %arg21[%parallel_loop3A_786, %parallel_loop3A_787], %parallel_loop3A_790 {strides = array<i32>} : memref<256x16xf32, #tpu.memory_space<vmem>>, vector<1x16xf32>,
        %parallel_loop3A_791 = arith.mulf %parallel_loop3A_785, %parallel_loop3A_765 : vector<16xf32>
        %parallel_loop3A_792 = arith.index_cast %parallel_loop3A_761 : i32 to index
        %parallel_loop3A_793 = arith.constant 0 : index
        %parallel_loop3A_794 = tpu.vector_load %arg22[%parallel_loop3A_792, %parallel_loop3A_793] {strides = array<i32>} : memref<256x16xf32, #tpu.memory_space<vmem>>, vector<1x16xf32>,
        %parallel_loop3A_795 = vector.shape_cast %parallel_loop3A_794 : vector<1x16xf32> to vector<16xf32>
        %parallel_loop3A_796 = vector.shape_cast %parallel_loop3A_791 : vector<16xf32> to vector<1x16xf32>
        tpu.vector_store %arg22[%parallel_loop3A_792, %parallel_loop3A_793], %parallel_loop3A_796 {strides = array<i32>} : memref<256x16xf32, #tpu.memory_space<vmem>>, vector<1x16xf32>,
      } {sc.loop_unroll_factor = 4 : i64, sc.parallel_access}
      %mul3A_483 = arith.constant 2 : i32
      %mul3A_484 = arith.muli %add3A_425, %mul3A_483 : i32
      %add3A_485 = arith.constant 0 : i32
      %add3A_486 = arith.addi %mul3A_484, %add3A_485 : i32
      %dma_start3A_487 = arith.constant 0 : i32
      %dma_start3A_488 = arith.constant 0 : i32
      %dma_start3A_489 = tpu.memref_slice %arg21[%dma_start3A_487, %dma_start3A_488] : memref<256x16xf32, #tpu.memory_space<vmem>> -> memref<128x16xf32, #tpu.memory_space<vmem>>
      %dma_start3A_490 = arith.constant 0 : i32
      %dma_start3A_491 = tpu.memref_slice %arg10[%add3A_486, %dma_start3A_490] : memref<80x128xi32, #tpu.memory_space<vmem>> -> memref<1x128xi32, #tpu.memory_space<vmem>>
      %dma_start3A_492 = tpu.memref_squeeze %dma_start3A_491 : memref<1x128xi32, #tpu.memory_space<vmem>> -> memref<128xi32, #tpu.memory_space<vmem>>
      %dma_start3A_493 = arith.constant 0 : i32
      %dma_start3A_494 = arith.constant 0 : i32
      %dma_start3A_495 = tpu.memref_slice %arg28[%dma_start3A_493, %dma_start3A_494] : memref<10240x16xf32, #tpu.memory_space<vmem_shared>> -> memref<10240x16xf32, #tpu.memory_space<vmem_shared>>
      tpu.enqueue_indirect_dma source(%dma_start3A_489 : memref<128x16xf32, #tpu.memory_space<vmem>>) target(%dma_start3A_495 : memref<10240x16xf32, #tpu.memory_space<vmem_shared>>) offsets(%dma_start3A_492 : memref<128xi32, #tpu.memory_space<vmem>>) semaphore(%arg35 : memref<!tpu.dma_semaphore, #tpu.memory_space<semaphore_mem>>) {add = true}
      %mul3A_496 = arith.constant 2 : i32
      %mul3A_497 = arith.muli %add3A_425, %mul3A_496 : i32
      %add3A_498 = arith.constant 0 : i32
      %add3A_499 = arith.addi %mul3A_497, %add3A_498 : i32
      %dma_start3A_500 = arith.constant 0 : i32
      %dma_start3A_501 = arith.constant 0 : i32
      %dma_start3A_502 = tpu.memref_slice %arg22[%dma_start3A_500, %dma_start3A_501] : memref<256x16xf32, #tpu.memory_space<vmem>> -> memref<128x16xf32, #tpu.memory_space<vmem>>
      %dma_start3A_503 = arith.constant 0 : i32
      %dma_start3A_504 = tpu.memref_slice %arg10[%add3A_499, %dma_start3A_503] : memref<80x128xi32, #tpu.memory_space<vmem>> -> memref<1x128xi32, #tpu.memory_space<vmem>>
      %dma_start3A_505 = tpu.memref_squeeze %dma_start3A_504 : memref<1x128xi32, #tpu.memory_space<vmem>> -> memref<128xi32, #tpu.memory_space<vmem>>
      %dma_start3A_506 = arith.constant 0 : i32
      %dma_start3A_507 = arith.constant 0 : i32
      %dma_start3A_508 = tpu.memref_slice %arg29[%dma_start3A_506, %dma_start3A_507] : memref<10240x16xf32, #tpu.memory_space<vmem_shared>> -> memref<10240x16xf32, #tpu.memory_space<vmem_shared>>
      tpu.enqueue_indirect_dma source(%dma_start3A_502 : memref<128x16xf32, #tpu.memory_space<vmem>>) target(%dma_start3A_508 : memref<10240x16xf32, #tpu.memory_space<vmem_shared>>) offsets(%dma_start3A_505 : memref<128xi32, #tpu.memory_space<vmem>>) semaphore(%arg35 : memref<!tpu.dma_semaphore, #tpu.memory_space<semaphore_mem>>) {add = true}
      %mul3A_509 = arith.constant 2 : i32
      %mul3A_510 = arith.muli %add3A_425, %mul3A_509 : i32
      %add3A_511 = arith.constant 1 : i32
      %add3A_512 = arith.addi %mul3A_510, %add3A_511 : i32
      %dma_start3A_513 = arith.constant 128 : i32
      %dma_start3A_514 = arith.constant 0 : i32
      %dma_start3A_515 = tpu.memref_slice %arg21[%dma_start3A_513, %dma_start3A_514] : memref<256x16xf32, #tpu.memory_space<vmem>> -> memref<128x16xf32, #tpu.memory_space<vmem>>
      %dma_start3A_516 = arith.constant 0 : i32
      %dma_start3A_517 = tpu.memref_slice %arg10[%add3A_512, %dma_start3A_516] : memref<80x128xi32, #tpu.memory_space<vmem>> -> memref<1x128xi32, #tpu.memory_space<vmem>>
      %dma_start3A_518 = tpu.memref_squeeze %dma_start3A_517 : memref<1x128xi32, #tpu.memory_space<vmem>> -> memref<128xi32, #tpu.memory_space<vmem>>
      %dma_start3A_519 = arith.constant 0 : i32
      %dma_start3A_520 = arith.constant 0 : i32
      %dma_start3A_521 = tpu.memref_slice %arg28[%dma_start3A_519, %dma_start3A_520] : memref<10240x16xf32, #tpu.memory_space<vmem_shared>> -> memref<10240x16xf32, #tpu.memory_space<vmem_shared>>
      tpu.enqueue_indirect_dma source(%dma_start3A_515 : memref<128x16xf32, #tpu.memory_space<vmem>>) target(%dma_start3A_521 : memref<10240x16xf32, #tpu.memory_space<vmem_shared>>) offsets(%dma_start3A_518 : memref<128xi32, #tpu.memory_space<vmem>>) semaphore(%arg35 : memref<!tpu.dma_semaphore, #tpu.memory_space<semaphore_mem>>) {add = true}
      %mul3A_522 = arith.constant 2 : i32
      %mul3A_523 = arith.muli %add3A_425, %mul3A_522 : i32
      %add3A_524 = arith.constant 1 : i32
      %add3A_525 = arith.addi %mul3A_523, %add3A_524 : i32
      %dma_start3A_526 = arith.constant 128 : i32
      %dma_start3A_527 = arith.constant 0 : i32
      %dma_start3A_528 = tpu.memref_slice %arg22[%dma_start3A_526, %dma_start3A_527] : memref<256x16xf32, #tpu.memory_space<vmem>> -> memref<128x16xf32, #tpu.memory_space<vmem>>
      %dma_start3A_529 = arith.constant 0 : i32
      %dma_start3A_530 = tpu.memref_slice %arg10[%add3A_525, %dma_start3A_529] : memref<80x128xi32, #tpu.memory_space<vmem>> -> memref<1x128xi32, #tpu.memory_space<vmem>>
      %dma_start3A_531 = tpu.memref_squeeze %dma_start3A_530 : memref<1x128xi32, #tpu.memory_space<vmem>> -> memref<128xi32, #tpu.memory_space<vmem>>
      %dma_start3A_532 = arith.constant 0 : i32
      %dma_start3A_533 = arith.constant 0 : i32
      %dma_start3A_534 = tpu.memref_slice %arg29[%dma_start3A_532, %dma_start3A_533] : memref<10240x16xf32, #tpu.memory_space<vmem_shared>> -> memref<10240x16xf32, #tpu.memory_space<vmem_shared>>
      tpu.enqueue_indirect_dma source(%dma_start3A_528 : memref<128x16xf32, #tpu.memory_space<vmem>>) target(%dma_start3A_534 : memref<10240x16xf32, #tpu.memory_space<vmem_shared>>) offsets(%dma_start3A_531 : memref<128xi32, #tpu.memory_space<vmem>>) semaphore(%arg35 : memref<!tpu.dma_semaphore, #tpu.memory_space<semaphore_mem>>) {add = true}
      %mul3A_535 = arith.constant 4 : i32
      %mul3A_536 = arith.muli %scan3A_314, %mul3A_535 : i32
      %add3A_537 = arith.constant 2 : i32
      %add3A_538 = arith.addi %mul3A_536, %add3A_537 : i32
      %dma_wait3A_539 = arith.constant 0 : i32
      %dma_wait3A_540 = arith.constant 0 : i32
      %dma_wait3A_541 = arith.constant 0 : i32
      %dma_wait3A_542 = tpu.memref_slice %arg15[%dma_wait3A_540, %dma_wait3A_541] : memref<256x16xf32, #tpu.memory_space<vmem>> -> memref<128x16xf32, #tpu.memory_space<vmem>>
      %dma_wait3A_543 = arith.constant 0 : i32
      %dma_wait3A_544 = tpu.memref_slice %arg9[%dma_wait3A_539, %dma_wait3A_543] : memref<80x128xi32, #tpu.memory_space<vmem>> -> memref<1x128xi32, #tpu.memory_space<vmem>>
      %dma_wait3A_545 = tpu.memref_squeeze %dma_wait3A_544 : memref<1x128xi32, #tpu.memory_space<vmem>> -> memref<128xi32, #tpu.memory_space<vmem>>
      %dma_wait3A_546 = arith.constant 0 : i32
      %dma_wait3A_547 = arith.constant 0 : i32
      %dma_wait3A_548 = tpu.memref_slice %arg4[%dma_wait3A_546, %dma_wait3A_547] : memref<10240x16xf32, #tpu.memory_space<hbm>> -> memref<10240x16xf32, #tpu.memory_space<hbm>>
      tpu.wait_indirect_dma semaphore(%arg32 : memref<!tpu.dma_semaphore, #tpu.memory_space<semaphore_mem>>) src(%dma_wait3A_548 : memref<10240x16xf32, #tpu.memory_space<hbm>>) dst(%dma_wait3A_542 : memref<128x16xf32, #tpu.memory_space<vmem>>)
      %dma_wait3A_549 = arith.constant 0 : i32
      %dma_wait3A_550 = arith.constant 0 : i32
      %dma_wait3A_551 = arith.constant 0 : i32
      %dma_wait3A_552 = tpu.memref_slice %arg16[%dma_wait3A_550, %dma_wait3A_551] : memref<256x16xf32, #tpu.memory_space<vmem>> -> memref<128x16xf32, #tpu.memory_space<vmem>>
      %dma_wait3A_553 = arith.constant 0 : i32
      %dma_wait3A_554 = tpu.memref_slice %arg10[%dma_wait3A_549, %dma_wait3A_553] : memref<80x128xi32, #tpu.memory_space<vmem>> -> memref<1x128xi32, #tpu.memory_space<vmem>>
      %dma_wait3A_555 = tpu.memref_squeeze %dma_wait3A_554 : memref<1x128xi32, #tpu.memory_space<vmem>> -> memref<128xi32, #tpu.memory_space<vmem>>
      %dma_wait3A_556 = arith.constant 0 : i32
      %dma_wait3A_557 = arith.constant 0 : i32
      %dma_wait3A_558 = tpu.memref_slice %arg5[%dma_wait3A_556, %dma_wait3A_557] : memref<10240x16xf32, #tpu.memory_space<hbm>> -> memref<10240x16xf32, #tpu.memory_space<hbm>>
      tpu.wait_indirect_dma semaphore(%arg32 : memref<!tpu.dma_semaphore, #tpu.memory_space<semaphore_mem>>) src(%dma_wait3A_558 : memref<10240x16xf32, #tpu.memory_space<hbm>>) dst(%dma_wait3A_552 : memref<128x16xf32, #tpu.memory_space<vmem>>)
      %dma_wait3A_559 = arith.constant 0 : i32
      %dma_wait3A_560 = arith.constant 128 : i32
      %dma_wait3A_561 = arith.constant 0 : i32
      %dma_wait3A_562 = tpu.memref_slice %arg15[%dma_wait3A_560, %dma_wait3A_561] : memref<256x16xf32, #tpu.memory_space<vmem>> -> memref<128x16xf32, #tpu.memory_space<vmem>>
      %dma_wait3A_563 = arith.constant 0 : i32
      %dma_wait3A_564 = tpu.memref_slice %arg9[%dma_wait3A_559, %dma_wait3A_563] : memref<80x128xi32, #tpu.memory_space<vmem>> -> memref<1x128xi32, #tpu.memory_space<vmem>>
      %dma_wait3A_565 = tpu.memref_squeeze %dma_wait3A_564 : memref<1x128xi32, #tpu.memory_space<vmem>> -> memref<128xi32, #tpu.memory_space<vmem>>
      %dma_wait3A_566 = arith.constant 0 : i32
      %dma_wait3A_567 = arith.constant 0 : i32
      %dma_wait3A_568 = tpu.memref_slice %arg4[%dma_wait3A_566, %dma_wait3A_567] : memref<10240x16xf32, #tpu.memory_space<hbm>> -> memref<10240x16xf32, #tpu.memory_space<hbm>>
      tpu.wait_indirect_dma semaphore(%arg32 : memref<!tpu.dma_semaphore, #tpu.memory_space<semaphore_mem>>) src(%dma_wait3A_568 : memref<10240x16xf32, #tpu.memory_space<hbm>>) dst(%dma_wait3A_562 : memref<128x16xf32, #tpu.memory_space<vmem>>)
      %dma_wait3A_569 = arith.constant 0 : i32
      %dma_wait3A_570 = arith.constant 128 : i32
      %dma_wait3A_571 = arith.constant 0 : i32
      %dma_wait3A_572 = tpu.memref_slice %arg16[%dma_wait3A_570, %dma_wait3A_571] : memref<256x16xf32, #tpu.memory_space<vmem>> -> memref<128x16xf32, #tpu.memory_space<vmem>>
      %dma_wait3A_573 = arith.constant 0 : i32
      %dma_wait3A_574 = tpu.memref_slice %arg10[%dma_wait3A_569, %dma_wait3A_573] : memref<80x128xi32, #tpu.memory_space<vmem>> -> memref<1x128xi32, #tpu.memory_space<vmem>>
      %dma_wait3A_575 = tpu.memref_squeeze %dma_wait3A_574 : memref<1x128xi32, #tpu.memory_space<vmem>> -> memref<128xi32, #tpu.memory_space<vmem>>
      %dma_wait3A_576 = arith.constant 0 : i32
      %dma_wait3A_577 = arith.constant 0 : i32
      %dma_wait3A_578 = tpu.memref_slice %arg5[%dma_wait3A_576, %dma_wait3A_577] : memref<10240x16xf32, #tpu.memory_space<hbm>> -> memref<10240x16xf32, #tpu.memory_space<hbm>>
      tpu.wait_indirect_dma semaphore(%arg32 : memref<!tpu.dma_semaphore, #tpu.memory_space<semaphore_mem>>) src(%dma_wait3A_578 : memref<10240x16xf32, #tpu.memory_space<hbm>>) dst(%dma_wait3A_572 : memref<128x16xf32, #tpu.memory_space<vmem>>)
      %gt3A_579 = arith.constant 0 : i32
      %gt3A_580 = arith.cmpi sgt, %scan3A_314, %gt3A_579 : i32
      %convert_element_type3A_581 = arith.extui %gt3A_580 : i1 to i32
      %cond3A_582 = arith.constant 0 : i32
      %cond3A_583 = arith.cmpi ne, %convert_element_type3A_581, %cond3A_582 : i32
      scf.if %cond3A_583 {
        %dma_wait3A_761 = arith.constant 0 : i32
        %dma_wait3A_762 = arith.constant 0 : i32
        %dma_wait3A_763 = arith.constant 0 : i32
        %dma_wait3A_764 = tpu.memref_slice %arg23[%dma_wait3A_762, %dma_wait3A_763] : memref<256x16xf32, #tpu.memory_space<vmem>> -> memref<128x16xf32, #tpu.memory_space<vmem>>
        %dma_wait3A_765 = arith.constant 0 : i32
        %dma_wait3A_766 = tpu.memref_slice %arg10[%dma_wait3A_761, %dma_wait3A_765] : memref<80x128xi32, #tpu.memory_space<vmem>> -> memref<1x128xi32, #tpu.memory_space<vmem>>
        %dma_wait3A_767 = tpu.memref_squeeze %dma_wait3A_766 : memref<1x128xi32, #tpu.memory_space<vmem>> -> memref<128xi32, #tpu.memory_space<vmem>>
        %dma_wait3A_768 = arith.constant 0 : i32
        %dma_wait3A_769 = arith.constant 0 : i32
        %dma_wait3A_770 = tpu.memref_slice %arg28[%dma_wait3A_768, %dma_wait3A_769] : memref<10240x16xf32, #tpu.memory_space<vmem_shared>> -> memref<10240x16xf32, #tpu.memory_space<vmem_shared>>
        tpu.wait_indirect_dma semaphore(%arg36 : memref<!tpu.dma_semaphore, #tpu.memory_space<semaphore_mem>>) src(%dma_wait3A_764 : memref<128x16xf32, #tpu.memory_space<vmem>>) dst(%dma_wait3A_770 : memref<10240x16xf32, #tpu.memory_space<vmem_shared>>)
        %dma_wait3A_771 = arith.constant 0 : i32
        %dma_wait3A_772 = arith.constant 0 : i32
        %dma_wait3A_773 = arith.constant 0 : i32
        %dma_wait3A_774 = tpu.memref_slice %arg24[%dma_wait3A_772, %dma_wait3A_773] : memref<256x16xf32, #tpu.memory_space<vmem>> -> memref<128x16xf32, #tpu.memory_space<vmem>>
        %dma_wait3A_775 = arith.constant 0 : i32
        %dma_wait3A_776 = tpu.memref_slice %arg10[%dma_wait3A_771, %dma_wait3A_775] : memref<80x128xi32, #tpu.memory_space<vmem>> -> memref<1x128xi32, #tpu.memory_space<vmem>>
        %dma_wait3A_777 = tpu.memref_squeeze %dma_wait3A_776 : memref<1x128xi32, #tpu.memory_space<vmem>> -> memref<128xi32, #tpu.memory_space<vmem>>
        %dma_wait3A_778 = arith.constant 0 : i32
        %dma_wait3A_779 = arith.constant 0 : i32
        %dma_wait3A_780 = tpu.memref_slice %arg29[%dma_wait3A_778, %dma_wait3A_779] : memref<10240x16xf32, #tpu.memory_space<vmem_shared>> -> memref<10240x16xf32, #tpu.memory_space<vmem_shared>>
        tpu.wait_indirect_dma semaphore(%arg36 : memref<!tpu.dma_semaphore, #tpu.memory_space<semaphore_mem>>) src(%dma_wait3A_774 : memref<128x16xf32, #tpu.memory_space<vmem>>) dst(%dma_wait3A_780 : memref<10240x16xf32, #tpu.memory_space<vmem_shared>>)
        %dma_wait3A_781 = arith.constant 0 : i32
        %dma_wait3A_782 = arith.constant 128 : i32
        %dma_wait3A_783 = arith.constant 0 : i32
        %dma_wait3A_784 = tpu.memref_slice %arg23[%dma_wait3A_782, %dma_wait3A_783] : memref<256x16xf32, #tpu.memory_space<vmem>> -> memref<128x16xf32, #tpu.memory_space<vmem>>
        %dma_wait3A_785 = arith.constant 0 : i32
        %dma_wait3A_786 = tpu.memref_slice %arg10[%dma_wait3A_781, %dma_wait3A_785] : memref<80x128xi32, #tpu.memory_space<vmem>> -> memref<1x128xi32, #tpu.memory_space<vmem>>
        %dma_wait3A_787 = tpu.memref_squeeze %dma_wait3A_786 : memref<1x128xi32, #tpu.memory_space<vmem>> -> memref<128xi32, #tpu.memory_space<vmem>>
        %dma_wait3A_788 = arith.constant 0 : i32
        %dma_wait3A_789 = arith.constant 0 : i32
        %dma_wait3A_790 = tpu.memref_slice %arg28[%dma_wait3A_788, %dma_wait3A_789] : memref<10240x16xf32, #tpu.memory_space<vmem_shared>> -> memref<10240x16xf32, #tpu.memory_space<vmem_shared>>
        tpu.wait_indirect_dma semaphore(%arg36 : memref<!tpu.dma_semaphore, #tpu.memory_space<semaphore_mem>>) src(%dma_wait3A_784 : memref<128x16xf32, #tpu.memory_space<vmem>>) dst(%dma_wait3A_790 : memref<10240x16xf32, #tpu.memory_space<vmem_shared>>)
        %dma_wait3A_791 = arith.constant 0 : i32
        %dma_wait3A_792 = arith.constant 128 : i32
        %dma_wait3A_793 = arith.constant 0 : i32
        %dma_wait3A_794 = tpu.memref_slice %arg24[%dma_wait3A_792, %dma_wait3A_793] : memref<256x16xf32, #tpu.memory_space<vmem>> -> memref<128x16xf32, #tpu.memory_space<vmem>>
        %dma_wait3A_795 = arith.constant 0 : i32
        %dma_wait3A_796 = tpu.memref_slice %arg10[%dma_wait3A_791, %dma_wait3A_795] : memref<80x128xi32, #tpu.memory_space<vmem>> -> memref<1x128xi32, #tpu.memory_space<vmem>>
        %dma_wait3A_797 = tpu.memref_squeeze %dma_wait3A_796 : memref<1x128xi32, #tpu.memory_space<vmem>> -> memref<128xi32, #tpu.memory_space<vmem>>
        %dma_wait3A_798 = arith.constant 0 : i32
        %dma_wait3A_799 = arith.constant 0 : i32
        %dma_wait3A_800 = tpu.memref_slice %arg29[%dma_wait3A_798, %dma_wait3A_799] : memref<10240x16xf32, #tpu.memory_space<vmem_shared>> -> memref<10240x16xf32, #tpu.memory_space<vmem_shared>>
        tpu.wait_indirect_dma semaphore(%arg36 : memref<!tpu.dma_semaphore, #tpu.memory_space<semaphore_mem>>) src(%dma_wait3A_794 : memref<128x16xf32, #tpu.memory_space<vmem>>) dst(%dma_wait3A_800 : memref<10240x16xf32, #tpu.memory_space<vmem_shared>>)
      } else {
      }
      %add3A_584 = arith.constant 4 : i32
      %add3A_585 = arith.addi %add3A_538, %add3A_584 : i32
      %sub3A_586 = arith.constant 1 : i32
      %sub3A_587 = arith.subi %add3A_585, %sub3A_586 : i32
      %lt3A_588 = arith.constant 40 : i32
      %lt3A_589 = arith.cmpi slt, %sub3A_587, %lt3A_588 : i32
      %convert_element_type3A_590 = arith.extui %lt3A_589 : i1 to i32
      %cond3A_591 = arith.constant 0 : i32
      %cond3A_592 = arith.cmpi ne, %convert_element_type3A_590, %cond3A_591 : i32
      scf.if %cond3A_592 {
        %add3A_761 = arith.constant 4 : i32
        %add3A_762 = arith.addi %add3A_538, %add3A_761 : i32
        %sub3A_763 = arith.constant 1 : i32
        %sub3A_764 = arith.subi %add3A_762, %sub3A_763 : i32
        %mul3A_765 = arith.constant 2 : i32
        %mul3A_766 = arith.muli %sub3A_764, %mul3A_765 : i32
        %add3A_767 = arith.constant 0 : i32
        %add3A_768 = arith.addi %mul3A_766, %add3A_767 : i32
        %dma_start3A_769 = arith.constant 0 : i32
        %dma_start3A_770 = arith.constant 0 : i32
        %dma_start3A_771 = tpu.memref_slice %arg13[%dma_start3A_769, %dma_start3A_770] : memref<256x16xf32, #tpu.memory_space<vmem>> -> memref<128x16xf32, #tpu.memory_space<vmem>>
        %dma_start3A_772 = arith.constant 0 : i32
        %dma_start3A_773 = tpu.memref_slice %arg9[%add3A_768, %dma_start3A_772] : memref<80x128xi32, #tpu.memory_space<vmem>> -> memref<1x128xi32, #tpu.memory_space<vmem>>
        %dma_start3A_774 = tpu.memref_squeeze %dma_start3A_773 : memref<1x128xi32, #tpu.memory_space<vmem>> -> memref<128xi32, #tpu.memory_space<vmem>>
        %dma_start3A_775 = arith.constant 0 : i32
        %dma_start3A_776 = arith.constant 0 : i32
        %dma_start3A_777 = tpu.memref_slice %arg4[%dma_start3A_775, %dma_start3A_776] : memref<10240x16xf32, #tpu.memory_space<hbm>> -> memref<10240x16xf32, #tpu.memory_space<hbm>>
        tpu.enqueue_indirect_dma source(%dma_start3A_777 : memref<10240x16xf32, #tpu.memory_space<hbm>>) target(%dma_start3A_771 : memref<128x16xf32, #tpu.memory_space<vmem>>) offsets(%dma_start3A_774 : memref<128xi32, #tpu.memory_space<vmem>>) semaphore(%arg31 : memref<!tpu.dma_semaphore, #tpu.memory_space<semaphore_mem>>)
        %mul3A_778 = arith.constant 2 : i32
        %mul3A_779 = arith.muli %sub3A_764, %mul3A_778 : i32
        %add3A_780 = arith.constant 0 : i32
        %add3A_781 = arith.addi %mul3A_779, %add3A_780 : i32
        %dma_start3A_782 = arith.constant 0 : i32
        %dma_start3A_783 = arith.constant 0 : i32
        %dma_start3A_784 = tpu.memref_slice %arg14[%dma_start3A_782, %dma_start3A_783] : memref<256x16xf32, #tpu.memory_space<vmem>> -> memref<128x16xf32, #tpu.memory_space<vmem>>
        %dma_start3A_785 = arith.constant 0 : i32
        %dma_start3A_786 = tpu.memref_slice %arg10[%add3A_781, %dma_start3A_785] : memref<80x128xi32, #tpu.memory_space<vmem>> -> memref<1x128xi32, #tpu.memory_space<vmem>>
        %dma_start3A_787 = tpu.memref_squeeze %dma_start3A_786 : memref<1x128xi32, #tpu.memory_space<vmem>> -> memref<128xi32, #tpu.memory_space<vmem>>
        %dma_start3A_788 = arith.constant 0 : i32
        %dma_start3A_789 = arith.constant 0 : i32
        %dma_start3A_790 = tpu.memref_slice %arg5[%dma_start3A_788, %dma_start3A_789] : memref<10240x16xf32, #tpu.memory_space<hbm>> -> memref<10240x16xf32, #tpu.memory_space<hbm>>
        tpu.enqueue_indirect_dma source(%dma_start3A_790 : memref<10240x16xf32, #tpu.memory_space<hbm>>) target(%dma_start3A_784 : memref<128x16xf32, #tpu.memory_space<vmem>>) offsets(%dma_start3A_787 : memref<128xi32, #tpu.memory_space<vmem>>) semaphore(%arg31 : memref<!tpu.dma_semaphore, #tpu.memory_space<semaphore_mem>>)
        %mul3A_791 = arith.constant 2 : i32
        %mul3A_792 = arith.muli %sub3A_764, %mul3A_791 : i32
        %add3A_793 = arith.constant 1 : i32
        %add3A_794 = arith.addi %mul3A_792, %add3A_793 : i32
        %dma_start3A_795 = arith.constant 128 : i32
        %dma_start3A_796 = arith.constant 0 : i32
        %dma_start3A_797 = tpu.memref_slice %arg13[%dma_start3A_795, %dma_start3A_796] : memref<256x16xf32, #tpu.memory_space<vmem>> -> memref<128x16xf32, #tpu.memory_space<vmem>>
        %dma_start3A_798 = arith.constant 0 : i32
        %dma_start3A_799 = tpu.memref_slice %arg9[%add3A_794, %dma_start3A_798] : memref<80x128xi32, #tpu.memory_space<vmem>> -> memref<1x128xi32, #tpu.memory_space<vmem>>
        %dma_start3A_800 = tpu.memref_squeeze %dma_start3A_799 : memref<1x128xi32, #tpu.memory_space<vmem>> -> memref<128xi32, #tpu.memory_space<vmem>>
        %dma_start3A_801 = arith.constant 0 : i32
        %dma_start3A_802 = arith.constant 0 : i32
        %dma_start3A_803 = tpu.memref_slice %arg4[%dma_start3A_801, %dma_start3A_802] : memref<10240x16xf32, #tpu.memory_space<hbm>> -> memref<10240x16xf32, #tpu.memory_space<hbm>>
        tpu.enqueue_indirect_dma source(%dma_start3A_803 : memref<10240x16xf32, #tpu.memory_space<hbm>>) target(%dma_start3A_797 : memref<128x16xf32, #tpu.memory_space<vmem>>) offsets(%dma_start3A_800 : memref<128xi32, #tpu.memory_space<vmem>>) semaphore(%arg31 : memref<!tpu.dma_semaphore, #tpu.memory_space<semaphore_mem>>)
        %mul3A_804 = arith.constant 2 : i32
        %mul3A_805 = arith.muli %sub3A_764, %mul3A_804 : i32
        %add3A_806 = arith.constant 1 : i32
        %add3A_807 = arith.addi %mul3A_805, %add3A_806 : i32
        %dma_start3A_808 = arith.constant 128 : i32
        %dma_start3A_809 = arith.constant 0 : i32
        %dma_start3A_810 = tpu.memref_slice %arg14[%dma_start3A_808, %dma_start3A_809] : memref<256x16xf32, #tpu.memory_space<vmem>> -> memref<128x16xf32, #tpu.memory_space<vmem>>
        %dma_start3A_811 = arith.constant 0 : i32
        %dma_start3A_812 = tpu.memref_slice %arg10[%add3A_807, %dma_start3A_811] : memref<80x128xi32, #tpu.memory_space<vmem>> -> memref<1x128xi32, #tpu.memory_space<vmem>>
        %dma_start3A_813 = tpu.memref_squeeze %dma_start3A_812 : memref<1x128xi32, #tpu.memory_space<vmem>> -> memref<128xi32, #tpu.memory_space<vmem>>
        %dma_start3A_814 = arith.constant 0 : i32
        %dma_start3A_815 = arith.constant 0 : i32
        %dma_start3A_816 = tpu.memref_slice %arg5[%dma_start3A_814, %dma_start3A_815] : memref<10240x16xf32, #tpu.memory_space<hbm>> -> memref<10240x16xf32, #tpu.memory_space<hbm>>
        tpu.enqueue_indirect_dma source(%dma_start3A_816 : memref<10240x16xf32, #tpu.memory_space<hbm>>) target(%dma_start3A_810 : memref<128x16xf32, #tpu.memory_space<vmem>>) offsets(%dma_start3A_813 : memref<128xi32, #tpu.memory_space<vmem>>) semaphore(%arg31 : memref<!tpu.dma_semaphore, #tpu.memory_space<semaphore_mem>>)
      } else {
      }
      %parallel_loop3A_593 = arith.constant 0 : i32
      %parallel_loop3A_594 = arith.constant 256 : i32
      %parallel_loop3A_595 = arith.constant 1 : i32
      scf.for %parallel_loop3A_761 = %parallel_loop3A_593 to %parallel_loop3A_594 step %parallel_loop3A_595  : i32 {
        %parallel_loop3A_762 = arith.index_cast %parallel_loop3A_761 : i32 to index
        %parallel_loop3A_763 = arith.constant 0 : index
        %parallel_loop3A_764 = tpu.vector_load %arg15[%parallel_loop3A_762, %parallel_loop3A_763] {strides = array<i32>} : memref<256x16xf32, #tpu.memory_space<vmem>>, vector<1x16xf32>,
        %parallel_loop3A_765 = vector.shape_cast %parallel_loop3A_764 : vector<1x16xf32> to vector<16xf32>
        %parallel_loop3A_766 = arith.index_cast %parallel_loop3A_761 : i32 to index
        %parallel_loop3A_767 = arith.constant 0 : index
        %parallel_loop3A_768 = tpu.vector_load %arg16[%parallel_loop3A_766, %parallel_loop3A_767] {strides = array<i32>} : memref<256x16xf32, #tpu.memory_space<vmem>>, vector<1x16xf32>,
        %parallel_loop3A_769 = vector.shape_cast %parallel_loop3A_768 : vector<1x16xf32> to vector<16xf32>
        %parallel_loop3A_770 = arith.addf %parallel_loop3A_765, %parallel_loop3A_769 : vector<16xf32>
        %parallel_loop3A_771 = arith.constant 0.000000e+00 : f32
        %parallel_loop3A_772 = vector.broadcast %parallel_loop3A_771 : f32 to vector<16xf32>
        %parallel_loop3A_773 = arith.cmpf ogt, %parallel_loop3A_770, %parallel_loop3A_772 : vector<16xf32>
        %parallel_loop3A_774 = arith.mulf %parallel_loop3A_770, %get3A_18 : vector<16xf32>
        %parallel_loop3A_775 = arith.mulf %parallel_loop3A_770, %mul3A_21 : vector<16xf32>
        %parallel_loop3A_776 = arith.select %parallel_loop3A_773, %parallel_loop3A_774, %parallel_loop3A_775 : vector<16xi1>, vector<16xf32>
        %parallel_loop3A_777 = vector.shape_cast %xor3A_23 : vector<16xi32> to vector<16x1xi32>
        %parallel_loop3A_778 = vector.shape_cast %parallel_loop3A_777 : vector<16x1xi32> to vector<16xi32>
        %parallel_loop3A_779 = tpu.dynamic_gather %parallel_loop3A_776[%parallel_loop3A_778] in [0] : vector<16xf32>, vector<16xi32> -> vector<16xf32>
        %parallel_loop3A_780 = arith.addf %parallel_loop3A_776, %parallel_loop3A_779 : vector<16xf32>
        %parallel_loop3A_781 = vector.shape_cast %xor3A_27 : vector<16xi32> to vector<16x1xi32>
        %parallel_loop3A_782 = vector.shape_cast %parallel_loop3A_781 : vector<16x1xi32> to vector<16xi32>
        %parallel_loop3A_783 = tpu.dynamic_gather %parallel_loop3A_780[%parallel_loop3A_782] in [0] : vector<16xf32>, vector<16xi32> -> vector<16xf32>
        %parallel_loop3A_784 = arith.addf %parallel_loop3A_780, %parallel_loop3A_783 : vector<16xf32>
        %parallel_loop3A_785 = math.exp %parallel_loop3A_784 : vector<16xf32>
        %parallel_loop3A_786 = arith.index_cast %parallel_loop3A_761 : i32 to index
        %parallel_loop3A_787 = arith.constant 0 : index
        %parallel_loop3A_788 = tpu.vector_load %arg23[%parallel_loop3A_786, %parallel_loop3A_787] {strides = array<i32>} : memref<256x16xf32, #tpu.memory_space<vmem>>, vector<1x16xf32>,
        %parallel_loop3A_789 = vector.shape_cast %parallel_loop3A_788 : vector<1x16xf32> to vector<16xf32>
        %parallel_loop3A_790 = vector.shape_cast %parallel_loop3A_785 : vector<16xf32> to vector<1x16xf32>
        tpu.vector_store %arg23[%parallel_loop3A_786, %parallel_loop3A_787], %parallel_loop3A_790 {strides = array<i32>} : memref<256x16xf32, #tpu.memory_space<vmem>>, vector<1x16xf32>,
        %parallel_loop3A_791 = arith.mulf %parallel_loop3A_785, %parallel_loop3A_765 : vector<16xf32>
        %parallel_loop3A_792 = arith.index_cast %parallel_loop3A_761 : i32 to index
        %parallel_loop3A_793 = arith.constant 0 : index
        %parallel_loop3A_794 = tpu.vector_load %arg24[%parallel_loop3A_792, %parallel_loop3A_793] {strides = array<i32>} : memref<256x16xf32, #tpu.memory_space<vmem>>, vector<1x16xf32>,
        %parallel_loop3A_795 = vector.shape_cast %parallel_loop3A_794 : vector<1x16xf32> to vector<16xf32>
        %parallel_loop3A_796 = vector.shape_cast %parallel_loop3A_791 : vector<16xf32> to vector<1x16xf32>
        tpu.vector_store %arg24[%parallel_loop3A_792, %parallel_loop3A_793], %parallel_loop3A_796 {strides = array<i32>} : memref<256x16xf32, #tpu.memory_space<vmem>>, vector<1x16xf32>,
      } {sc.loop_unroll_factor = 4 : i64, sc.parallel_access}
      %mul3A_596 = arith.constant 2 : i32
      %mul3A_597 = arith.muli %add3A_538, %mul3A_596 : i32
      %add3A_598 = arith.constant 0 : i32
      %add3A_599 = arith.addi %mul3A_597, %add3A_598 : i32
      %dma_start3A_600 = arith.constant 0 : i32
      %dma_start3A_601 = arith.constant 0 : i32
      %dma_start3A_602 = tpu.memref_slice %arg23[%dma_start3A_600, %dma_start3A_601] : memref<256x16xf32, #tpu.memory_space<vmem>> -> memref<128x16xf32, #tpu.memory_space<vmem>>
      %dma_start3A_603 = arith.constant 0 : i32
      %dma_start3A_604 = tpu.memref_slice %arg10[%add3A_599, %dma_start3A_603] : memref<80x128xi32, #tpu.memory_space<vmem>> -> memref<1x128xi32, #tpu.memory_space<vmem>>
      %dma_start3A_605 = tpu.memref_squeeze %dma_start3A_604 : memref<1x128xi32, #tpu.memory_space<vmem>> -> memref<128xi32, #tpu.memory_space<vmem>>
      %dma_start3A_606 = arith.constant 0 : i32
      %dma_start3A_607 = arith.constant 0 : i32
      %dma_start3A_608 = tpu.memref_slice %arg28[%dma_start3A_606, %dma_start3A_607] : memref<10240x16xf32, #tpu.memory_space<vmem_shared>> -> memref<10240x16xf32, #tpu.memory_space<vmem_shared>>
      tpu.enqueue_indirect_dma source(%dma_start3A_602 : memref<128x16xf32, #tpu.memory_space<vmem>>) target(%dma_start3A_608 : memref<10240x16xf32, #tpu.memory_space<vmem_shared>>) offsets(%dma_start3A_605 : memref<128xi32, #tpu.memory_space<vmem>>) semaphore(%arg36 : memref<!tpu.dma_semaphore, #tpu.memory_space<semaphore_mem>>) {add = true}
      %mul3A_609 = arith.constant 2 : i32
      %mul3A_610 = arith.muli %add3A_538, %mul3A_609 : i32
      %add3A_611 = arith.constant 0 : i32
      %add3A_612 = arith.addi %mul3A_610, %add3A_611 : i32
      %dma_start3A_613 = arith.constant 0 : i32
      %dma_start3A_614 = arith.constant 0 : i32
      %dma_start3A_615 = tpu.memref_slice %arg24[%dma_start3A_613, %dma_start3A_614] : memref<256x16xf32, #tpu.memory_space<vmem>> -> memref<128x16xf32, #tpu.memory_space<vmem>>
      %dma_start3A_616 = arith.constant 0 : i32
      %dma_start3A_617 = tpu.memref_slice %arg10[%add3A_612, %dma_start3A_616] : memref<80x128xi32, #tpu.memory_space<vmem>> -> memref<1x128xi32, #tpu.memory_space<vmem>>
      %dma_start3A_618 = tpu.memref_squeeze %dma_start3A_617 : memref<1x128xi32, #tpu.memory_space<vmem>> -> memref<128xi32, #tpu.memory_space<vmem>>
      %dma_start3A_619 = arith.constant 0 : i32
      %dma_start3A_620 = arith.constant 0 : i32
      %dma_start3A_621 = tpu.memref_slice %arg29[%dma_start3A_619, %dma_start3A_620] : memref<10240x16xf32, #tpu.memory_space<vmem_shared>> -> memref<10240x16xf32, #tpu.memory_space<vmem_shared>>
      tpu.enqueue_indirect_dma source(%dma_start3A_615 : memref<128x16xf32, #tpu.memory_space<vmem>>) target(%dma_start3A_621 : memref<10240x16xf32, #tpu.memory_space<vmem_shared>>) offsets(%dma_start3A_618 : memref<128xi32, #tpu.memory_space<vmem>>) semaphore(%arg36 : memref<!tpu.dma_semaphore, #tpu.memory_space<semaphore_mem>>) {add = true}
      %mul3A_622 = arith.constant 2 : i32
      %mul3A_623 = arith.muli %add3A_538, %mul3A_622 : i32
      %add3A_624 = arith.constant 1 : i32
      %add3A_625 = arith.addi %mul3A_623, %add3A_624 : i32
      %dma_start3A_626 = arith.constant 128 : i32
      %dma_start3A_627 = arith.constant 0 : i32
      %dma_start3A_628 = tpu.memref_slice %arg23[%dma_start3A_626, %dma_start3A_627] : memref<256x16xf32, #tpu.memory_space<vmem>> -> memref<128x16xf32, #tpu.memory_space<vmem>>
      %dma_start3A_629 = arith.constant 0 : i32
      %dma_start3A_630 = tpu.memref_slice %arg10[%add3A_625, %dma_start3A_629] : memref<80x128xi32, #tpu.memory_space<vmem>> -> memref<1x128xi32, #tpu.memory_space<vmem>>
      %dma_start3A_631 = tpu.memref_squeeze %dma_start3A_630 : memref<1x128xi32, #tpu.memory_space<vmem>> -> memref<128xi32, #tpu.memory_space<vmem>>
      %dma_start3A_632 = arith.constant 0 : i32
      %dma_start3A_633 = arith.constant 0 : i32
      %dma_start3A_634 = tpu.memref_slice %arg28[%dma_start3A_632, %dma_start3A_633] : memref<10240x16xf32, #tpu.memory_space<vmem_shared>> -> memref<10240x16xf32, #tpu.memory_space<vmem_shared>>
      tpu.enqueue_indirect_dma source(%dma_start3A_628 : memref<128x16xf32, #tpu.memory_space<vmem>>) target(%dma_start3A_634 : memref<10240x16xf32, #tpu.memory_space<vmem_shared>>) offsets(%dma_start3A_631 : memref<128xi32, #tpu.memory_space<vmem>>) semaphore(%arg36 : memref<!tpu.dma_semaphore, #tpu.memory_space<semaphore_mem>>) {add = true}
      %mul3A_635 = arith.constant 2 : i32
      %mul3A_636 = arith.muli %add3A_538, %mul3A_635 : i32
      %add3A_637 = arith.constant 1 : i32
      %add3A_638 = arith.addi %mul3A_636, %add3A_637 : i32
      %dma_start3A_639 = arith.constant 128 : i32
      %dma_start3A_640 = arith.constant 0 : i32
      %dma_start3A_641 = tpu.memref_slice %arg24[%dma_start3A_639, %dma_start3A_640] : memref<256x16xf32, #tpu.memory_space<vmem>> -> memref<128x16xf32, #tpu.memory_space<vmem>>
      %dma_start3A_642 = arith.constant 0 : i32
      %dma_start3A_643 = tpu.memref_slice %arg10[%add3A_638, %dma_start3A_642] : memref<80x128xi32, #tpu.memory_space<vmem>> -> memref<1x128xi32, #tpu.memory_space<vmem>>
      %dma_start3A_644 = tpu.memref_squeeze %dma_start3A_643 : memref<1x128xi32, #tpu.memory_space<vmem>> -> memref<128xi32, #tpu.memory_space<vmem>>
      %dma_start3A_645 = arith.constant 0 : i32
      %dma_start3A_646 = arith.constant 0 : i32
      %dma_start3A_647 = tpu.memref_slice %arg29[%dma_start3A_645, %dma_start3A_646] : memref<10240x16xf32, #tpu.memory_space<vmem_shared>> -> memref<10240x16xf32, #tpu.memory_space<vmem_shared>>
      tpu.enqueue_indirect_dma source(%dma_start3A_641 : memref<128x16xf32, #tpu.memory_space<vmem>>) target(%dma_start3A_647 : memref<10240x16xf32, #tpu.memory_space<vmem_shared>>) offsets(%dma_start3A_644 : memref<128xi32, #tpu.memory_space<vmem>>) semaphore(%arg36 : memref<!tpu.dma_semaphore, #tpu.memory_space<semaphore_mem>>) {add = true}
      %mul3A_648 = arith.constant 4 : i32
      %mul3A_649 = arith.muli %scan3A_314, %mul3A_648 : i32
      %add3A_650 = arith.constant 3 : i32
      %add3A_651 = arith.addi %mul3A_649, %add3A_650 : i32
      %dma_wait3A_652 = arith.constant 0 : i32
      %dma_wait3A_653 = arith.constant 0 : i32
      %dma_wait3A_654 = arith.constant 0 : i32
      %dma_wait3A_655 = tpu.memref_slice %arg17[%dma_wait3A_653, %dma_wait3A_654] : memref<256x16xf32, #tpu.memory_space<vmem>> -> memref<128x16xf32, #tpu.memory_space<vmem>>
      %dma_wait3A_656 = arith.constant 0 : i32
      %dma_wait3A_657 = tpu.memref_slice %arg9[%dma_wait3A_652, %dma_wait3A_656] : memref<80x128xi32, #tpu.memory_space<vmem>> -> memref<1x128xi32, #tpu.memory_space<vmem>>
      %dma_wait3A_658 = tpu.memref_squeeze %dma_wait3A_657 : memref<1x128xi32, #tpu.memory_space<vmem>> -> memref<128xi32, #tpu.memory_space<vmem>>
      %dma_wait3A_659 = arith.constant 0 : i32
      %dma_wait3A_660 = arith.constant 0 : i32
      %dma_wait3A_661 = tpu.memref_slice %arg4[%dma_wait3A_659, %dma_wait3A_660] : memref<10240x16xf32, #tpu.memory_space<hbm>> -> memref<10240x16xf32, #tpu.memory_space<hbm>>
      tpu.wait_indirect_dma semaphore(%arg33 : memref<!tpu.dma_semaphore, #tpu.memory_space<semaphore_mem>>) src(%dma_wait3A_661 : memref<10240x16xf32, #tpu.memory_space<hbm>>) dst(%dma_wait3A_655 : memref<128x16xf32, #tpu.memory_space<vmem>>)
      %dma_wait3A_662 = arith.constant 0 : i32
      %dma_wait3A_663 = arith.constant 0 : i32
      %dma_wait3A_664 = arith.constant 0 : i32
      %dma_wait3A_665 = tpu.memref_slice %arg18[%dma_wait3A_663, %dma_wait3A_664] : memref<256x16xf32, #tpu.memory_space<vmem>> -> memref<128x16xf32, #tpu.memory_space<vmem>>
      %dma_wait3A_666 = arith.constant 0 : i32
      %dma_wait3A_667 = tpu.memref_slice %arg10[%dma_wait3A_662, %dma_wait3A_666] : memref<80x128xi32, #tpu.memory_space<vmem>> -> memref<1x128xi32, #tpu.memory_space<vmem>>
      %dma_wait3A_668 = tpu.memref_squeeze %dma_wait3A_667 : memref<1x128xi32, #tpu.memory_space<vmem>> -> memref<128xi32, #tpu.memory_space<vmem>>
      %dma_wait3A_669 = arith.constant 0 : i32
      %dma_wait3A_670 = arith.constant 0 : i32
      %dma_wait3A_671 = tpu.memref_slice %arg5[%dma_wait3A_669, %dma_wait3A_670] : memref<10240x16xf32, #tpu.memory_space<hbm>> -> memref<10240x16xf32, #tpu.memory_space<hbm>>
      tpu.wait_indirect_dma semaphore(%arg33 : memref<!tpu.dma_semaphore, #tpu.memory_space<semaphore_mem>>) src(%dma_wait3A_671 : memref<10240x16xf32, #tpu.memory_space<hbm>>) dst(%dma_wait3A_665 : memref<128x16xf32, #tpu.memory_space<vmem>>)
      %dma_wait3A_672 = arith.constant 0 : i32
      %dma_wait3A_673 = arith.constant 128 : i32
      %dma_wait3A_674 = arith.constant 0 : i32
      %dma_wait3A_675 = tpu.memref_slice %arg17[%dma_wait3A_673, %dma_wait3A_674] : memref<256x16xf32, #tpu.memory_space<vmem>> -> memref<128x16xf32, #tpu.memory_space<vmem>>
      %dma_wait3A_676 = arith.constant 0 : i32
      %dma_wait3A_677 = tpu.memref_slice %arg9[%dma_wait3A_672, %dma_wait3A_676] : memref<80x128xi32, #tpu.memory_space<vmem>> -> memref<1x128xi32, #tpu.memory_space<vmem>>
      %dma_wait3A_678 = tpu.memref_squeeze %dma_wait3A_677 : memref<1x128xi32, #tpu.memory_space<vmem>> -> memref<128xi32, #tpu.memory_space<vmem>>
      %dma_wait3A_679 = arith.constant 0 : i32
      %dma_wait3A_680 = arith.constant 0 : i32
      %dma_wait3A_681 = tpu.memref_slice %arg4[%dma_wait3A_679, %dma_wait3A_680] : memref<10240x16xf32, #tpu.memory_space<hbm>> -> memref<10240x16xf32, #tpu.memory_space<hbm>>
      tpu.wait_indirect_dma semaphore(%arg33 : memref<!tpu.dma_semaphore, #tpu.memory_space<semaphore_mem>>) src(%dma_wait3A_681 : memref<10240x16xf32, #tpu.memory_space<hbm>>) dst(%dma_wait3A_675 : memref<128x16xf32, #tpu.memory_space<vmem>>)
      %dma_wait3A_682 = arith.constant 0 : i32
      %dma_wait3A_683 = arith.constant 128 : i32
      %dma_wait3A_684 = arith.constant 0 : i32
      %dma_wait3A_685 = tpu.memref_slice %arg18[%dma_wait3A_683, %dma_wait3A_684] : memref<256x16xf32, #tpu.memory_space<vmem>> -> memref<128x16xf32, #tpu.memory_space<vmem>>
      %dma_wait3A_686 = arith.constant 0 : i32
      %dma_wait3A_687 = tpu.memref_slice %arg10[%dma_wait3A_682, %dma_wait3A_686] : memref<80x128xi32, #tpu.memory_space<vmem>> -> memref<1x128xi32, #tpu.memory_space<vmem>>
      %dma_wait3A_688 = tpu.memref_squeeze %dma_wait3A_687 : memref<1x128xi32, #tpu.memory_space<vmem>> -> memref<128xi32, #tpu.memory_space<vmem>>
      %dma_wait3A_689 = arith.constant 0 : i32
      %dma_wait3A_690 = arith.constant 0 : i32
      %dma_wait3A_691 = tpu.memref_slice %arg5[%dma_wait3A_689, %dma_wait3A_690] : memref<10240x16xf32, #tpu.memory_space<hbm>> -> memref<10240x16xf32, #tpu.memory_space<hbm>>
      tpu.wait_indirect_dma semaphore(%arg33 : memref<!tpu.dma_semaphore, #tpu.memory_space<semaphore_mem>>) src(%dma_wait3A_691 : memref<10240x16xf32, #tpu.memory_space<hbm>>) dst(%dma_wait3A_685 : memref<128x16xf32, #tpu.memory_space<vmem>>)
      %gt3A_692 = arith.constant 0 : i32
      %gt3A_693 = arith.cmpi sgt, %scan3A_314, %gt3A_692 : i32
      %convert_element_type3A_694 = arith.extui %gt3A_693 : i1 to i32
      %cond3A_695 = arith.constant 0 : i32
      %cond3A_696 = arith.cmpi ne, %convert_element_type3A_694, %cond3A_695 : i32
      scf.if %cond3A_696 {
        %dma_wait3A_761 = arith.constant 0 : i32
        %dma_wait3A_762 = arith.constant 0 : i32
        %dma_wait3A_763 = arith.constant 0 : i32
        %dma_wait3A_764 = tpu.memref_slice %arg25[%dma_wait3A_762, %dma_wait3A_763] : memref<256x16xf32, #tpu.memory_space<vmem>> -> memref<128x16xf32, #tpu.memory_space<vmem>>
        %dma_wait3A_765 = arith.constant 0 : i32
        %dma_wait3A_766 = tpu.memref_slice %arg10[%dma_wait3A_761, %dma_wait3A_765] : memref<80x128xi32, #tpu.memory_space<vmem>> -> memref<1x128xi32, #tpu.memory_space<vmem>>
        %dma_wait3A_767 = tpu.memref_squeeze %dma_wait3A_766 : memref<1x128xi32, #tpu.memory_space<vmem>> -> memref<128xi32, #tpu.memory_space<vmem>>
        %dma_wait3A_768 = arith.constant 0 : i32
        %dma_wait3A_769 = arith.constant 0 : i32
        %dma_wait3A_770 = tpu.memref_slice %arg28[%dma_wait3A_768, %dma_wait3A_769] : memref<10240x16xf32, #tpu.memory_space<vmem_shared>> -> memref<10240x16xf32, #tpu.memory_space<vmem_shared>>
        tpu.wait_indirect_dma semaphore(%arg37 : memref<!tpu.dma_semaphore, #tpu.memory_space<semaphore_mem>>) src(%dma_wait3A_764 : memref<128x16xf32, #tpu.memory_space<vmem>>) dst(%dma_wait3A_770 : memref<10240x16xf32, #tpu.memory_space<vmem_shared>>)
        %dma_wait3A_771 = arith.constant 0 : i32
        %dma_wait3A_772 = arith.constant 0 : i32
        %dma_wait3A_773 = arith.constant 0 : i32
        %dma_wait3A_774 = tpu.memref_slice %arg26[%dma_wait3A_772, %dma_wait3A_773] : memref<256x16xf32, #tpu.memory_space<vmem>> -> memref<128x16xf32, #tpu.memory_space<vmem>>
        %dma_wait3A_775 = arith.constant 0 : i32
        %dma_wait3A_776 = tpu.memref_slice %arg10[%dma_wait3A_771, %dma_wait3A_775] : memref<80x128xi32, #tpu.memory_space<vmem>> -> memref<1x128xi32, #tpu.memory_space<vmem>>
        %dma_wait3A_777 = tpu.memref_squeeze %dma_wait3A_776 : memref<1x128xi32, #tpu.memory_space<vmem>> -> memref<128xi32, #tpu.memory_space<vmem>>
        %dma_wait3A_778 = arith.constant 0 : i32
        %dma_wait3A_779 = arith.constant 0 : i32
        %dma_wait3A_780 = tpu.memref_slice %arg29[%dma_wait3A_778, %dma_wait3A_779] : memref<10240x16xf32, #tpu.memory_space<vmem_shared>> -> memref<10240x16xf32, #tpu.memory_space<vmem_shared>>
        tpu.wait_indirect_dma semaphore(%arg37 : memref<!tpu.dma_semaphore, #tpu.memory_space<semaphore_mem>>) src(%dma_wait3A_774 : memref<128x16xf32, #tpu.memory_space<vmem>>) dst(%dma_wait3A_780 : memref<10240x16xf32, #tpu.memory_space<vmem_shared>>)
        %dma_wait3A_781 = arith.constant 0 : i32
        %dma_wait3A_782 = arith.constant 128 : i32
        %dma_wait3A_783 = arith.constant 0 : i32
        %dma_wait3A_784 = tpu.memref_slice %arg25[%dma_wait3A_782, %dma_wait3A_783] : memref<256x16xf32, #tpu.memory_space<vmem>> -> memref<128x16xf32, #tpu.memory_space<vmem>>
        %dma_wait3A_785 = arith.constant 0 : i32
        %dma_wait3A_786 = tpu.memref_slice %arg10[%dma_wait3A_781, %dma_wait3A_785] : memref<80x128xi32, #tpu.memory_space<vmem>> -> memref<1x128xi32, #tpu.memory_space<vmem>>
        %dma_wait3A_787 = tpu.memref_squeeze %dma_wait3A_786 : memref<1x128xi32, #tpu.memory_space<vmem>> -> memref<128xi32, #tpu.memory_space<vmem>>
        %dma_wait3A_788 = arith.constant 0 : i32
        %dma_wait3A_789 = arith.constant 0 : i32
        %dma_wait3A_790 = tpu.memref_slice %arg28[%dma_wait3A_788, %dma_wait3A_789] : memref<10240x16xf32, #tpu.memory_space<vmem_shared>> -> memref<10240x16xf32, #tpu.memory_space<vmem_shared>>
        tpu.wait_indirect_dma semaphore(%arg37 : memref<!tpu.dma_semaphore, #tpu.memory_space<semaphore_mem>>) src(%dma_wait3A_784 : memref<128x16xf32, #tpu.memory_space<vmem>>) dst(%dma_wait3A_790 : memref<10240x16xf32, #tpu.memory_space<vmem_shared>>)
        %dma_wait3A_791 = arith.constant 0 : i32
        %dma_wait3A_792 = arith.constant 128 : i32
        %dma_wait3A_793 = arith.constant 0 : i32
        %dma_wait3A_794 = tpu.memref_slice %arg26[%dma_wait3A_792, %dma_wait3A_793] : memref<256x16xf32, #tpu.memory_space<vmem>> -> memref<128x16xf32, #tpu.memory_space<vmem>>
        %dma_wait3A_795 = arith.constant 0 : i32
        %dma_wait3A_796 = tpu.memref_slice %arg10[%dma_wait3A_791, %dma_wait3A_795] : memref<80x128xi32, #tpu.memory_space<vmem>> -> memref<1x128xi32, #tpu.memory_space<vmem>>
        %dma_wait3A_797 = tpu.memref_squeeze %dma_wait3A_796 : memref<1x128xi32, #tpu.memory_space<vmem>> -> memref<128xi32, #tpu.memory_space<vmem>>
        %dma_wait3A_798 = arith.constant 0 : i32
        %dma_wait3A_799 = arith.constant 0 : i32
        %dma_wait3A_800 = tpu.memref_slice %arg29[%dma_wait3A_798, %dma_wait3A_799] : memref<10240x16xf32, #tpu.memory_space<vmem_shared>> -> memref<10240x16xf32, #tpu.memory_space<vmem_shared>>
        tpu.wait_indirect_dma semaphore(%arg37 : memref<!tpu.dma_semaphore, #tpu.memory_space<semaphore_mem>>) src(%dma_wait3A_794 : memref<128x16xf32, #tpu.memory_space<vmem>>) dst(%dma_wait3A_800 : memref<10240x16xf32, #tpu.memory_space<vmem_shared>>)
      } else {
      }
      %add3A_697 = arith.constant 4 : i32
      %add3A_698 = arith.addi %add3A_651, %add3A_697 : i32
      %sub3A_699 = arith.constant 1 : i32
      %sub3A_700 = arith.subi %add3A_698, %sub3A_699 : i32
      %lt3A_701 = arith.constant 40 : i32
      %lt3A_702 = arith.cmpi slt, %sub3A_700, %lt3A_701 : i32
      %convert_element_type3A_703 = arith.extui %lt3A_702 : i1 to i32
      %cond3A_704 = arith.constant 0 : i32
      %cond3A_705 = arith.cmpi ne, %convert_element_type3A_703, %cond3A_704 : i32
      scf.if %cond3A_705 {
        %add3A_761 = arith.constant 4 : i32
        %add3A_762 = arith.addi %add3A_651, %add3A_761 : i32
        %sub3A_763 = arith.constant 1 : i32
        %sub3A_764 = arith.subi %add3A_762, %sub3A_763 : i32
        %mul3A_765 = arith.constant 2 : i32
        %mul3A_766 = arith.muli %sub3A_764, %mul3A_765 : i32
        %add3A_767 = arith.constant 0 : i32
        %add3A_768 = arith.addi %mul3A_766, %add3A_767 : i32
        %dma_start3A_769 = arith.constant 0 : i32
        %dma_start3A_770 = arith.constant 0 : i32
        %dma_start3A_771 = tpu.memref_slice %arg15[%dma_start3A_769, %dma_start3A_770] : memref<256x16xf32, #tpu.memory_space<vmem>> -> memref<128x16xf32, #tpu.memory_space<vmem>>
        %dma_start3A_772 = arith.constant 0 : i32
        %dma_start3A_773 = tpu.memref_slice %arg9[%add3A_768, %dma_start3A_772] : memref<80x128xi32, #tpu.memory_space<vmem>> -> memref<1x128xi32, #tpu.memory_space<vmem>>
        %dma_start3A_774 = tpu.memref_squeeze %dma_start3A_773 : memref<1x128xi32, #tpu.memory_space<vmem>> -> memref<128xi32, #tpu.memory_space<vmem>>
        %dma_start3A_775 = arith.constant 0 : i32
        %dma_start3A_776 = arith.constant 0 : i32
        %dma_start3A_777 = tpu.memref_slice %arg4[%dma_start3A_775, %dma_start3A_776] : memref<10240x16xf32, #tpu.memory_space<hbm>> -> memref<10240x16xf32, #tpu.memory_space<hbm>>
        tpu.enqueue_indirect_dma source(%dma_start3A_777 : memref<10240x16xf32, #tpu.memory_space<hbm>>) target(%dma_start3A_771 : memref<128x16xf32, #tpu.memory_space<vmem>>) offsets(%dma_start3A_774 : memref<128xi32, #tpu.memory_space<vmem>>) semaphore(%arg32 : memref<!tpu.dma_semaphore, #tpu.memory_space<semaphore_mem>>)
        %mul3A_778 = arith.constant 2 : i32
        %mul3A_779 = arith.muli %sub3A_764, %mul3A_778 : i32
        %add3A_780 = arith.constant 0 : i32
        %add3A_781 = arith.addi %mul3A_779, %add3A_780 : i32
        %dma_start3A_782 = arith.constant 0 : i32
        %dma_start3A_783 = arith.constant 0 : i32
        %dma_start3A_784 = tpu.memref_slice %arg16[%dma_start3A_782, %dma_start3A_783] : memref<256x16xf32, #tpu.memory_space<vmem>> -> memref<128x16xf32, #tpu.memory_space<vmem>>
        %dma_start3A_785 = arith.constant 0 : i32
        %dma_start3A_786 = tpu.memref_slice %arg10[%add3A_781, %dma_start3A_785] : memref<80x128xi32, #tpu.memory_space<vmem>> -> memref<1x128xi32, #tpu.memory_space<vmem>>
        %dma_start3A_787 = tpu.memref_squeeze %dma_start3A_786 : memref<1x128xi32, #tpu.memory_space<vmem>> -> memref<128xi32, #tpu.memory_space<vmem>>
        %dma_start3A_788 = arith.constant 0 : i32
        %dma_start3A_789 = arith.constant 0 : i32
        %dma_start3A_790 = tpu.memref_slice %arg5[%dma_start3A_788, %dma_start3A_789] : memref<10240x16xf32, #tpu.memory_space<hbm>> -> memref<10240x16xf32, #tpu.memory_space<hbm>>
        tpu.enqueue_indirect_dma source(%dma_start3A_790 : memref<10240x16xf32, #tpu.memory_space<hbm>>) target(%dma_start3A_784 : memref<128x16xf32, #tpu.memory_space<vmem>>) offsets(%dma_start3A_787 : memref<128xi32, #tpu.memory_space<vmem>>) semaphore(%arg32 : memref<!tpu.dma_semaphore, #tpu.memory_space<semaphore_mem>>)
        %mul3A_791 = arith.constant 2 : i32
        %mul3A_792 = arith.muli %sub3A_764, %mul3A_791 : i32
        %add3A_793 = arith.constant 1 : i32
        %add3A_794 = arith.addi %mul3A_792, %add3A_793 : i32
        %dma_start3A_795 = arith.constant 128 : i32
        %dma_start3A_796 = arith.constant 0 : i32
        %dma_start3A_797 = tpu.memref_slice %arg15[%dma_start3A_795, %dma_start3A_796] : memref<256x16xf32, #tpu.memory_space<vmem>> -> memref<128x16xf32, #tpu.memory_space<vmem>>
        %dma_start3A_798 = arith.constant 0 : i32
        %dma_start3A_799 = tpu.memref_slice %arg9[%add3A_794, %dma_start3A_798] : memref<80x128xi32, #tpu.memory_space<vmem>> -> memref<1x128xi32, #tpu.memory_space<vmem>>
        %dma_start3A_800 = tpu.memref_squeeze %dma_start3A_799 : memref<1x128xi32, #tpu.memory_space<vmem>> -> memref<128xi32, #tpu.memory_space<vmem>>
        %dma_start3A_801 = arith.constant 0 : i32
        %dma_start3A_802 = arith.constant 0 : i32
        %dma_start3A_803 = tpu.memref_slice %arg4[%dma_start3A_801, %dma_start3A_802] : memref<10240x16xf32, #tpu.memory_space<hbm>> -> memref<10240x16xf32, #tpu.memory_space<hbm>>
        tpu.enqueue_indirect_dma source(%dma_start3A_803 : memref<10240x16xf32, #tpu.memory_space<hbm>>) target(%dma_start3A_797 : memref<128x16xf32, #tpu.memory_space<vmem>>) offsets(%dma_start3A_800 : memref<128xi32, #tpu.memory_space<vmem>>) semaphore(%arg32 : memref<!tpu.dma_semaphore, #tpu.memory_space<semaphore_mem>>)
        %mul3A_804 = arith.constant 2 : i32
        %mul3A_805 = arith.muli %sub3A_764, %mul3A_804 : i32
        %add3A_806 = arith.constant 1 : i32
        %add3A_807 = arith.addi %mul3A_805, %add3A_806 : i32
        %dma_start3A_808 = arith.constant 128 : i32
        %dma_start3A_809 = arith.constant 0 : i32
        %dma_start3A_810 = tpu.memref_slice %arg16[%dma_start3A_808, %dma_start3A_809] : memref<256x16xf32, #tpu.memory_space<vmem>> -> memref<128x16xf32, #tpu.memory_space<vmem>>
        %dma_start3A_811 = arith.constant 0 : i32
        %dma_start3A_812 = tpu.memref_slice %arg10[%add3A_807, %dma_start3A_811] : memref<80x128xi32, #tpu.memory_space<vmem>> -> memref<1x128xi32, #tpu.memory_space<vmem>>
        %dma_start3A_813 = tpu.memref_squeeze %dma_start3A_812 : memref<1x128xi32, #tpu.memory_space<vmem>> -> memref<128xi32, #tpu.memory_space<vmem>>
        %dma_start3A_814 = arith.constant 0 : i32
        %dma_start3A_815 = arith.constant 0 : i32
        %dma_start3A_816 = tpu.memref_slice %arg5[%dma_start3A_814, %dma_start3A_815] : memref<10240x16xf32, #tpu.memory_space<hbm>> -> memref<10240x16xf32, #tpu.memory_space<hbm>>
        tpu.enqueue_indirect_dma source(%dma_start3A_816 : memref<10240x16xf32, #tpu.memory_space<hbm>>) target(%dma_start3A_810 : memref<128x16xf32, #tpu.memory_space<vmem>>) offsets(%dma_start3A_813 : memref<128xi32, #tpu.memory_space<vmem>>) semaphore(%arg32 : memref<!tpu.dma_semaphore, #tpu.memory_space<semaphore_mem>>)
      } else {
      }
      %parallel_loop3A_706 = arith.constant 0 : i32
      %parallel_loop3A_707 = arith.constant 256 : i32
      %parallel_loop3A_708 = arith.constant 1 : i32
      scf.for %parallel_loop3A_761 = %parallel_loop3A_706 to %parallel_loop3A_707 step %parallel_loop3A_708  : i32 {
        %parallel_loop3A_762 = arith.index_cast %parallel_loop3A_761 : i32 to index
        %parallel_loop3A_763 = arith.constant 0 : index
        %parallel_loop3A_764 = tpu.vector_load %arg17[%parallel_loop3A_762, %parallel_loop3A_763] {strides = array<i32>} : memref<256x16xf32, #tpu.memory_space<vmem>>, vector<1x16xf32>,
        %parallel_loop3A_765 = vector.shape_cast %parallel_loop3A_764 : vector<1x16xf32> to vector<16xf32>
        %parallel_loop3A_766 = arith.index_cast %parallel_loop3A_761 : i32 to index
        %parallel_loop3A_767 = arith.constant 0 : index
        %parallel_loop3A_768 = tpu.vector_load %arg18[%parallel_loop3A_766, %parallel_loop3A_767] {strides = array<i32>} : memref<256x16xf32, #tpu.memory_space<vmem>>, vector<1x16xf32>,
        %parallel_loop3A_769 = vector.shape_cast %parallel_loop3A_768 : vector<1x16xf32> to vector<16xf32>
        %parallel_loop3A_770 = arith.addf %parallel_loop3A_765, %parallel_loop3A_769 : vector<16xf32>
        %parallel_loop3A_771 = arith.constant 0.000000e+00 : f32
        %parallel_loop3A_772 = vector.broadcast %parallel_loop3A_771 : f32 to vector<16xf32>
        %parallel_loop3A_773 = arith.cmpf ogt, %parallel_loop3A_770, %parallel_loop3A_772 : vector<16xf32>
        %parallel_loop3A_774 = arith.mulf %parallel_loop3A_770, %get3A_18 : vector<16xf32>
        %parallel_loop3A_775 = arith.mulf %parallel_loop3A_770, %mul3A_21 : vector<16xf32>
        %parallel_loop3A_776 = arith.select %parallel_loop3A_773, %parallel_loop3A_774, %parallel_loop3A_775 : vector<16xi1>, vector<16xf32>
        %parallel_loop3A_777 = vector.shape_cast %xor3A_23 : vector<16xi32> to vector<16x1xi32>
        %parallel_loop3A_778 = vector.shape_cast %parallel_loop3A_777 : vector<16x1xi32> to vector<16xi32>
        %parallel_loop3A_779 = tpu.dynamic_gather %parallel_loop3A_776[%parallel_loop3A_778] in [0] : vector<16xf32>, vector<16xi32> -> vector<16xf32>
        %parallel_loop3A_780 = arith.addf %parallel_loop3A_776, %parallel_loop3A_779 : vector<16xf32>
        %parallel_loop3A_781 = vector.shape_cast %xor3A_27 : vector<16xi32> to vector<16x1xi32>
        %parallel_loop3A_782 = vector.shape_cast %parallel_loop3A_781 : vector<16x1xi32> to vector<16xi32>
        %parallel_loop3A_783 = tpu.dynamic_gather %parallel_loop3A_780[%parallel_loop3A_782] in [0] : vector<16xf32>, vector<16xi32> -> vector<16xf32>
        %parallel_loop3A_784 = arith.addf %parallel_loop3A_780, %parallel_loop3A_783 : vector<16xf32>
        %parallel_loop3A_785 = math.exp %parallel_loop3A_784 : vector<16xf32>
        %parallel_loop3A_786 = arith.index_cast %parallel_loop3A_761 : i32 to index
        %parallel_loop3A_787 = arith.constant 0 : index
        %parallel_loop3A_788 = tpu.vector_load %arg25[%parallel_loop3A_786, %parallel_loop3A_787] {strides = array<i32>} : memref<256x16xf32, #tpu.memory_space<vmem>>, vector<1x16xf32>,
        %parallel_loop3A_789 = vector.shape_cast %parallel_loop3A_788 : vector<1x16xf32> to vector<16xf32>
        %parallel_loop3A_790 = vector.shape_cast %parallel_loop3A_785 : vector<16xf32> to vector<1x16xf32>
        tpu.vector_store %arg25[%parallel_loop3A_786, %parallel_loop3A_787], %parallel_loop3A_790 {strides = array<i32>} : memref<256x16xf32, #tpu.memory_space<vmem>>, vector<1x16xf32>,
        %parallel_loop3A_791 = arith.mulf %parallel_loop3A_785, %parallel_loop3A_765 : vector<16xf32>
        %parallel_loop3A_792 = arith.index_cast %parallel_loop3A_761 : i32 to index
        %parallel_loop3A_793 = arith.constant 0 : index
        %parallel_loop3A_794 = tpu.vector_load %arg26[%parallel_loop3A_792, %parallel_loop3A_793] {strides = array<i32>} : memref<256x16xf32, #tpu.memory_space<vmem>>, vector<1x16xf32>,
        %parallel_loop3A_795 = vector.shape_cast %parallel_loop3A_794 : vector<1x16xf32> to vector<16xf32>
        %parallel_loop3A_796 = vector.shape_cast %parallel_loop3A_791 : vector<16xf32> to vector<1x16xf32>
        tpu.vector_store %arg26[%parallel_loop3A_792, %parallel_loop3A_793], %parallel_loop3A_796 {strides = array<i32>} : memref<256x16xf32, #tpu.memory_space<vmem>>, vector<1x16xf32>,
      } {sc.loop_unroll_factor = 4 : i64, sc.parallel_access}
      %mul3A_709 = arith.constant 2 : i32
      %mul3A_710 = arith.muli %add3A_651, %mul3A_709 : i32
      %add3A_711 = arith.constant 0 : i32
      %add3A_712 = arith.addi %mul3A_710, %add3A_711 : i32
      %dma_start3A_713 = arith.constant 0 : i32
      %dma_start3A_714 = arith.constant 0 : i32
      %dma_start3A_715 = tpu.memref_slice %arg25[%dma_start3A_713, %dma_start3A_714] : memref<256x16xf32, #tpu.memory_space<vmem>> -> memref<128x16xf32, #tpu.memory_space<vmem>>
      %dma_start3A_716 = arith.constant 0 : i32
      %dma_start3A_717 = tpu.memref_slice %arg10[%add3A_712, %dma_start3A_716] : memref<80x128xi32, #tpu.memory_space<vmem>> -> memref<1x128xi32, #tpu.memory_space<vmem>>
      %dma_start3A_718 = tpu.memref_squeeze %dma_start3A_717 : memref<1x128xi32, #tpu.memory_space<vmem>> -> memref<128xi32, #tpu.memory_space<vmem>>
      %dma_start3A_719 = arith.constant 0 : i32
      %dma_start3A_720 = arith.constant 0 : i32
      %dma_start3A_721 = tpu.memref_slice %arg28[%dma_start3A_719, %dma_start3A_720] : memref<10240x16xf32, #tpu.memory_space<vmem_shared>> -> memref<10240x16xf32, #tpu.memory_space<vmem_shared>>
      tpu.enqueue_indirect_dma source(%dma_start3A_715 : memref<128x16xf32, #tpu.memory_space<vmem>>) target(%dma_start3A_721 : memref<10240x16xf32, #tpu.memory_space<vmem_shared>>) offsets(%dma_start3A_718 : memref<128xi32, #tpu.memory_space<vmem>>) semaphore(%arg37 : memref<!tpu.dma_semaphore, #tpu.memory_space<semaphore_mem>>) {add = true}
      %mul3A_722 = arith.constant 2 : i32
      %mul3A_723 = arith.muli %add3A_651, %mul3A_722 : i32
      %add3A_724 = arith.constant 0 : i32
      %add3A_725 = arith.addi %mul3A_723, %add3A_724 : i32
      %dma_start3A_726 = arith.constant 0 : i32
      %dma_start3A_727 = arith.constant 0 : i32
      %dma_start3A_728 = tpu.memref_slice %arg26[%dma_start3A_726, %dma_start3A_727] : memref<256x16xf32, #tpu.memory_space<vmem>> -> memref<128x16xf32, #tpu.memory_space<vmem>>
      %dma_start3A_729 = arith.constant 0 : i32
      %dma_start3A_730 = tpu.memref_slice %arg10[%add3A_725, %dma_start3A_729] : memref<80x128xi32, #tpu.memory_space<vmem>> -> memref<1x128xi32, #tpu.memory_space<vmem>>
      %dma_start3A_731 = tpu.memref_squeeze %dma_start3A_730 : memref<1x128xi32, #tpu.memory_space<vmem>> -> memref<128xi32, #tpu.memory_space<vmem>>
      %dma_start3A_732 = arith.constant 0 : i32
      %dma_start3A_733 = arith.constant 0 : i32
      %dma_start3A_734 = tpu.memref_slice %arg29[%dma_start3A_732, %dma_start3A_733] : memref<10240x16xf32, #tpu.memory_space<vmem_shared>> -> memref<10240x16xf32, #tpu.memory_space<vmem_shared>>
      tpu.enqueue_indirect_dma source(%dma_start3A_728 : memref<128x16xf32, #tpu.memory_space<vmem>>) target(%dma_start3A_734 : memref<10240x16xf32, #tpu.memory_space<vmem_shared>>) offsets(%dma_start3A_731 : memref<128xi32, #tpu.memory_space<vmem>>) semaphore(%arg37 : memref<!tpu.dma_semaphore, #tpu.memory_space<semaphore_mem>>) {add = true}
      %mul3A_735 = arith.constant 2 : i32
      %mul3A_736 = arith.muli %add3A_651, %mul3A_735 : i32
      %add3A_737 = arith.constant 1 : i32
      %add3A_738 = arith.addi %mul3A_736, %add3A_737 : i32
      %dma_start3A_739 = arith.constant 128 : i32
      %dma_start3A_740 = arith.constant 0 : i32
      %dma_start3A_741 = tpu.memref_slice %arg25[%dma_start3A_739, %dma_start3A_740] : memref<256x16xf32, #tpu.memory_space<vmem>> -> memref<128x16xf32, #tpu.memory_space<vmem>>
      %dma_start3A_742 = arith.constant 0 : i32
      %dma_start3A_743 = tpu.memref_slice %arg10[%add3A_738, %dma_start3A_742] : memref<80x128xi32, #tpu.memory_space<vmem>> -> memref<1x128xi32, #tpu.memory_space<vmem>>
      %dma_start3A_744 = tpu.memref_squeeze %dma_start3A_743 : memref<1x128xi32, #tpu.memory_space<vmem>> -> memref<128xi32, #tpu.memory_space<vmem>>
      %dma_start3A_745 = arith.constant 0 : i32
      %dma_start3A_746 = arith.constant 0 : i32
      %dma_start3A_747 = tpu.memref_slice %arg28[%dma_start3A_745, %dma_start3A_746] : memref<10240x16xf32, #tpu.memory_space<vmem_shared>> -> memref<10240x16xf32, #tpu.memory_space<vmem_shared>>
      tpu.enqueue_indirect_dma source(%dma_start3A_741 : memref<128x16xf32, #tpu.memory_space<vmem>>) target(%dma_start3A_747 : memref<10240x16xf32, #tpu.memory_space<vmem_shared>>) offsets(%dma_start3A_744 : memref<128xi32, #tpu.memory_space<vmem>>) semaphore(%arg37 : memref<!tpu.dma_semaphore, #tpu.memory_space<semaphore_mem>>) {add = true}
      %mul3A_748 = arith.constant 2 : i32
      %mul3A_749 = arith.muli %add3A_651, %mul3A_748 : i32
      %add3A_750 = arith.constant 1 : i32
      %add3A_751 = arith.addi %mul3A_749, %add3A_750 : i32
      %dma_start3A_752 = arith.constant 128 : i32
      %dma_start3A_753 = arith.constant 0 : i32
      %dma_start3A_754 = tpu.memref_slice %arg26[%dma_start3A_752, %dma_start3A_753] : memref<256x16xf32, #tpu.memory_space<vmem>> -> memref<128x16xf32, #tpu.memory_space<vmem>>
      %dma_start3A_755 = arith.constant 0 : i32
      %dma_start3A_756 = tpu.memref_slice %arg10[%add3A_751, %dma_start3A_755] : memref<80x128xi32, #tpu.memory_space<vmem>> -> memref<1x128xi32, #tpu.memory_space<vmem>>
      %dma_start3A_757 = tpu.memref_squeeze %dma_start3A_756 : memref<1x128xi32, #tpu.memory_space<vmem>> -> memref<128xi32, #tpu.memory_space<vmem>>
      %dma_start3A_758 = arith.constant 0 : i32
      %dma_start3A_759 = arith.constant 0 : i32
      %dma_start3A_760 = tpu.memref_slice %arg29[%dma_start3A_758, %dma_start3A_759] : memref<10240x16xf32, #tpu.memory_space<vmem_shared>> -> memref<10240x16xf32, #tpu.memory_space<vmem_shared>>
      tpu.enqueue_indirect_dma source(%dma_start3A_754 : memref<128x16xf32, #tpu.memory_space<vmem>>) target(%dma_start3A_760 : memref<10240x16xf32, #tpu.memory_space<vmem_shared>>) offsets(%dma_start3A_757 : memref<128xi32, #tpu.memory_space<vmem>>) semaphore(%arg37 : memref<!tpu.dma_semaphore, #tpu.memory_space<semaphore_mem>>) {add = true}
    }
    %scan3A_152 = arith.constant 10 : i32
    %dma_wait3A = arith.constant 0 : i32
    %dma_wait3A_153 = arith.constant 0 : i32
    %dma_wait3A_154 = arith.constant 0 : i32
    %dma_wait3A_155 = tpu.memref_slice %arg19[%dma_wait3A_153, %dma_wait3A_154] : memref<256x16xf32, #tpu.memory_space<vmem>> -> memref<128x16xf32, #tpu.memory_space<vmem>>
    %dma_wait3A_156 = arith.constant 0 : i32
    %dma_wait3A_157 = tpu.memref_slice %arg10[%dma_wait3A, %dma_wait3A_156] : memref<80x128xi32, #tpu.memory_space<vmem>> -> memref<1x128xi32, #tpu.memory_space<vmem>>
    %dma_wait3A_158 = tpu.memref_squeeze %dma_wait3A_157 : memref<1x128xi32, #tpu.memory_space<vmem>> -> memref<128xi32, #tpu.memory_space<vmem>>
    %dma_wait3A_159 = arith.constant 0 : i32
    %dma_wait3A_160 = arith.constant 0 : i32
    %dma_wait3A_161 = tpu.memref_slice %arg28[%dma_wait3A_159, %dma_wait3A_160] : memref<10240x16xf32, #tpu.memory_space<vmem_shared>> -> memref<10240x16xf32, #tpu.memory_space<vmem_shared>>
    tpu.wait_indirect_dma semaphore(%arg34 : memref<!tpu.dma_semaphore, #tpu.memory_space<semaphore_mem>>) src(%dma_wait3A_155 : memref<128x16xf32, #tpu.memory_space<vmem>>) dst(%dma_wait3A_161 : memref<10240x16xf32, #tpu.memory_space<vmem_shared>>)
    %dma_wait3A_162 = arith.constant 0 : i32
    %dma_wait3A_163 = arith.constant 0 : i32
    %dma_wait3A_164 = arith.constant 0 : i32
    %dma_wait3A_165 = tpu.memref_slice %arg20[%dma_wait3A_163, %dma_wait3A_164] : memref<256x16xf32, #tpu.memory_space<vmem>> -> memref<128x16xf32, #tpu.memory_space<vmem>>
    %dma_wait3A_166 = arith.constant 0 : i32
    %dma_wait3A_167 = tpu.memref_slice %arg10[%dma_wait3A_162, %dma_wait3A_166] : memref<80x128xi32, #tpu.memory_space<vmem>> -> memref<1x128xi32, #tpu.memory_space<vmem>>
    %dma_wait3A_168 = tpu.memref_squeeze %dma_wait3A_167 : memref<1x128xi32, #tpu.memory_space<vmem>> -> memref<128xi32, #tpu.memory_space<vmem>>
    %dma_wait3A_169 = arith.constant 0 : i32
    %dma_wait3A_170 = arith.constant 0 : i32
    %dma_wait3A_171 = tpu.memref_slice %arg29[%dma_wait3A_169, %dma_wait3A_170] : memref<10240x16xf32, #tpu.memory_space<vmem_shared>> -> memref<10240x16xf32, #tpu.memory_space<vmem_shared>>
    tpu.wait_indirect_dma semaphore(%arg34 : memref<!tpu.dma_semaphore, #tpu.memory_space<semaphore_mem>>) src(%dma_wait3A_165 : memref<128x16xf32, #tpu.memory_space<vmem>>) dst(%dma_wait3A_171 : memref<10240x16xf32, #tpu.memory_space<vmem_shared>>)
    %dma_wait3A_172 = arith.constant 0 : i32
    %dma_wait3A_173 = arith.constant 128 : i32
    %dma_wait3A_174 = arith.constant 0 : i32
    %dma_wait3A_175 = tpu.memref_slice %arg19[%dma_wait3A_173, %dma_wait3A_174] : memref<256x16xf32, #tpu.memory_space<vmem>> -> memref<128x16xf32, #tpu.memory_space<vmem>>
    %dma_wait3A_176 = arith.constant 0 : i32
    %dma_wait3A_177 = tpu.memref_slice %arg10[%dma_wait3A_172, %dma_wait3A_176] : memref<80x128xi32, #tpu.memory_space<vmem>> -> memref<1x128xi32, #tpu.memory_space<vmem>>
    %dma_wait3A_178 = tpu.memref_squeeze %dma_wait3A_177 : memref<1x128xi32, #tpu.memory_space<vmem>> -> memref<128xi32, #tpu.memory_space<vmem>>
    %dma_wait3A_179 = arith.constant 0 : i32
    %dma_wait3A_180 = arith.constant 0 : i32
    %dma_wait3A_181 = tpu.memref_slice %arg28[%dma_wait3A_179, %dma_wait3A_180] : memref<10240x16xf32, #tpu.memory_space<vmem_shared>> -> memref<10240x16xf32, #tpu.memory_space<vmem_shared>>
    tpu.wait_indirect_dma semaphore(%arg34 : memref<!tpu.dma_semaphore, #tpu.memory_space<semaphore_mem>>) src(%dma_wait3A_175 : memref<128x16xf32, #tpu.memory_space<vmem>>) dst(%dma_wait3A_181 : memref<10240x16xf32, #tpu.memory_space<vmem_shared>>)
    %dma_wait3A_182 = arith.constant 0 : i32
    %dma_wait3A_183 = arith.constant 128 : i32
    %dma_wait3A_184 = arith.constant 0 : i32
    %dma_wait3A_185 = tpu.memref_slice %arg20[%dma_wait3A_183, %dma_wait3A_184] : memref<256x16xf32, #tpu.memory_space<vmem>> -> memref<128x16xf32, #tpu.memory_space<vmem>>
    %dma_wait3A_186 = arith.constant 0 : i32
    %dma_wait3A_187 = tpu.memref_slice %arg10[%dma_wait3A_182, %dma_wait3A_186] : memref<80x128xi32, #tpu.memory_space<vmem>> -> memref<1x128xi32, #tpu.memory_space<vmem>>
    %dma_wait3A_188 = tpu.memref_squeeze %dma_wait3A_187 : memref<1x128xi32, #tpu.memory_space<vmem>> -> memref<128xi32, #tpu.memory_space<vmem>>
    %dma_wait3A_189 = arith.constant 0 : i32
    %dma_wait3A_190 = arith.constant 0 : i32
    %dma_wait3A_191 = tpu.memref_slice %arg29[%dma_wait3A_189, %dma_wait3A_190] : memref<10240x16xf32, #tpu.memory_space<vmem_shared>> -> memref<10240x16xf32, #tpu.memory_space<vmem_shared>>
    tpu.wait_indirect_dma semaphore(%arg34 : memref<!tpu.dma_semaphore, #tpu.memory_space<semaphore_mem>>) src(%dma_wait3A_185 : memref<128x16xf32, #tpu.memory_space<vmem>>) dst(%dma_wait3A_191 : memref<10240x16xf32, #tpu.memory_space<vmem_shared>>)
    %dma_wait3A_192 = arith.constant 0 : i32
    %dma_wait3A_193 = arith.constant 0 : i32
    %dma_wait3A_194 = arith.constant 0 : i32
    %dma_wait3A_195 = tpu.memref_slice %arg21[%dma_wait3A_193, %dma_wait3A_194] : memref<256x16xf32, #tpu.memory_space<vmem>> -> memref<128x16xf32, #tpu.memory_space<vmem>>
    %dma_wait3A_196 = arith.constant 0 : i32
    %dma_wait3A_197 = tpu.memref_slice %arg10[%dma_wait3A_192, %dma_wait3A_196] : memref<80x128xi32, #tpu.memory_space<vmem>> -> memref<1x128xi32, #tpu.memory_space<vmem>>
    %dma_wait3A_198 = tpu.memref_squeeze %dma_wait3A_197 : memref<1x128xi32, #tpu.memory_space<vmem>> -> memref<128xi32, #tpu.memory_space<vmem>>
    %dma_wait3A_199 = arith.constant 0 : i32
    %dma_wait3A_200 = arith.constant 0 : i32
    %dma_wait3A_201 = tpu.memref_slice %arg28[%dma_wait3A_199, %dma_wait3A_200] : memref<10240x16xf32, #tpu.memory_space<vmem_shared>> -> memref<10240x16xf32, #tpu.memory_space<vmem_shared>>
    tpu.wait_indirect_dma semaphore(%arg35 : memref<!tpu.dma_semaphore, #tpu.memory_space<semaphore_mem>>) src(%dma_wait3A_195 : memref<128x16xf32, #tpu.memory_space<vmem>>) dst(%dma_wait3A_201 : memref<10240x16xf32, #tpu.memory_space<vmem_shared>>)
    %dma_wait3A_202 = arith.constant 0 : i32
    %dma_wait3A_203 = arith.constant 0 : i32
    %dma_wait3A_204 = arith.constant 0 : i32
    %dma_wait3A_205 = tpu.memref_slice %arg22[%dma_wait3A_203, %dma_wait3A_204] : memref<256x16xf32, #tpu.memory_space<vmem>> -> memref<128x16xf32, #tpu.memory_space<vmem>>
    %dma_wait3A_206 = arith.constant 0 : i32
    %dma_wait3A_207 = tpu.memref_slice %arg10[%dma_wait3A_202, %dma_wait3A_206] : memref<80x128xi32, #tpu.memory_space<vmem>> -> memref<1x128xi32, #tpu.memory_space<vmem>>
    %dma_wait3A_208 = tpu.memref_squeeze %dma_wait3A_207 : memref<1x128xi32, #tpu.memory_space<vmem>> -> memref<128xi32, #tpu.memory_space<vmem>>
    %dma_wait3A_209 = arith.constant 0 : i32
    %dma_wait3A_210 = arith.constant 0 : i32
    %dma_wait3A_211 = tpu.memref_slice %arg29[%dma_wait3A_209, %dma_wait3A_210] : memref<10240x16xf32, #tpu.memory_space<vmem_shared>> -> memref<10240x16xf32, #tpu.memory_space<vmem_shared>>
    tpu.wait_indirect_dma semaphore(%arg35 : memref<!tpu.dma_semaphore, #tpu.memory_space<semaphore_mem>>) src(%dma_wait3A_205 : memref<128x16xf32, #tpu.memory_space<vmem>>) dst(%dma_wait3A_211 : memref<10240x16xf32, #tpu.memory_space<vmem_shared>>)
    %dma_wait3A_212 = arith.constant 0 : i32
    %dma_wait3A_213 = arith.constant 128 : i32
    %dma_wait3A_214 = arith.constant 0 : i32
    %dma_wait3A_215 = tpu.memref_slice %arg21[%dma_wait3A_213, %dma_wait3A_214] : memref<256x16xf32, #tpu.memory_space<vmem>> -> memref<128x16xf32, #tpu.memory_space<vmem>>
    %dma_wait3A_216 = arith.constant 0 : i32
    %dma_wait3A_217 = tpu.memref_slice %arg10[%dma_wait3A_212, %dma_wait3A_216] : memref<80x128xi32, #tpu.memory_space<vmem>> -> memref<1x128xi32, #tpu.memory_space<vmem>>
    %dma_wait3A_218 = tpu.memref_squeeze %dma_wait3A_217 : memref<1x128xi32, #tpu.memory_space<vmem>> -> memref<128xi32, #tpu.memory_space<vmem>>
    %dma_wait3A_219 = arith.constant 0 : i32
    %dma_wait3A_220 = arith.constant 0 : i32
    %dma_wait3A_221 = tpu.memref_slice %arg28[%dma_wait3A_219, %dma_wait3A_220] : memref<10240x16xf32, #tpu.memory_space<vmem_shared>> -> memref<10240x16xf32, #tpu.memory_space<vmem_shared>>
    tpu.wait_indirect_dma semaphore(%arg35 : memref<!tpu.dma_semaphore, #tpu.memory_space<semaphore_mem>>) src(%dma_wait3A_215 : memref<128x16xf32, #tpu.memory_space<vmem>>) dst(%dma_wait3A_221 : memref<10240x16xf32, #tpu.memory_space<vmem_shared>>)
    %dma_wait3A_222 = arith.constant 0 : i32
    %dma_wait3A_223 = arith.constant 128 : i32
    %dma_wait3A_224 = arith.constant 0 : i32
    %dma_wait3A_225 = tpu.memref_slice %arg22[%dma_wait3A_223, %dma_wait3A_224] : memref<256x16xf32, #tpu.memory_space<vmem>> -> memref<128x16xf32, #tpu.memory_space<vmem>>
    %dma_wait3A_226 = arith.constant 0 : i32
    %dma_wait3A_227 = tpu.memref_slice %arg10[%dma_wait3A_222, %dma_wait3A_226] : memref<80x128xi32, #tpu.memory_space<vmem>> -> memref<1x128xi32, #tpu.memory_space<vmem>>
    %dma_wait3A_228 = tpu.memref_squeeze %dma_wait3A_227 : memref<1x128xi32, #tpu.memory_space<vmem>> -> memref<128xi32, #tpu.memory_space<vmem>>
    %dma_wait3A_229 = arith.constant 0 : i32
    %dma_wait3A_230 = arith.constant 0 : i32
    %dma_wait3A_231 = tpu.memref_slice %arg29[%dma_wait3A_229, %dma_wait3A_230] : memref<10240x16xf32, #tpu.memory_space<vmem_shared>> -> memref<10240x16xf32, #tpu.memory_space<vmem_shared>>
    tpu.wait_indirect_dma semaphore(%arg35 : memref<!tpu.dma_semaphore, #tpu.memory_space<semaphore_mem>>) src(%dma_wait3A_225 : memref<128x16xf32, #tpu.memory_space<vmem>>) dst(%dma_wait3A_231 : memref<10240x16xf32, #tpu.memory_space<vmem_shared>>)
    %dma_wait3A_232 = arith.constant 0 : i32
    %dma_wait3A_233 = arith.constant 0 : i32
    %dma_wait3A_234 = arith.constant 0 : i32
    %dma_wait3A_235 = tpu.memref_slice %arg23[%dma_wait3A_233, %dma_wait3A_234] : memref<256x16xf32, #tpu.memory_space<vmem>> -> memref<128x16xf32, #tpu.memory_space<vmem>>
    %dma_wait3A_236 = arith.constant 0 : i32
    %dma_wait3A_237 = tpu.memref_slice %arg10[%dma_wait3A_232, %dma_wait3A_236] : memref<80x128xi32, #tpu.memory_space<vmem>> -> memref<1x128xi32, #tpu.memory_space<vmem>>
    %dma_wait3A_238 = tpu.memref_squeeze %dma_wait3A_237 : memref<1x128xi32, #tpu.memory_space<vmem>> -> memref<128xi32, #tpu.memory_space<vmem>>
    %dma_wait3A_239 = arith.constant 0 : i32
    %dma_wait3A_240 = arith.constant 0 : i32
    %dma_wait3A_241 = tpu.memref_slice %arg28[%dma_wait3A_239, %dma_wait3A_240] : memref<10240x16xf32, #tpu.memory_space<vmem_shared>> -> memref<10240x16xf32, #tpu.memory_space<vmem_shared>>
    tpu.wait_indirect_dma semaphore(%arg36 : memref<!tpu.dma_semaphore, #tpu.memory_space<semaphore_mem>>) src(%dma_wait3A_235 : memref<128x16xf32, #tpu.memory_space<vmem>>) dst(%dma_wait3A_241 : memref<10240x16xf32, #tpu.memory_space<vmem_shared>>)
    %dma_wait3A_242 = arith.constant 0 : i32
    %dma_wait3A_243 = arith.constant 0 : i32
    %dma_wait3A_244 = arith.constant 0 : i32
    %dma_wait3A_245 = tpu.memref_slice %arg24[%dma_wait3A_243, %dma_wait3A_244] : memref<256x16xf32, #tpu.memory_space<vmem>> -> memref<128x16xf32, #tpu.memory_space<vmem>>
    %dma_wait3A_246 = arith.constant 0 : i32
    %dma_wait3A_247 = tpu.memref_slice %arg10[%dma_wait3A_242, %dma_wait3A_246] : memref<80x128xi32, #tpu.memory_space<vmem>> -> memref<1x128xi32, #tpu.memory_space<vmem>>
    %dma_wait3A_248 = tpu.memref_squeeze %dma_wait3A_247 : memref<1x128xi32, #tpu.memory_space<vmem>> -> memref<128xi32, #tpu.memory_space<vmem>>
    %dma_wait3A_249 = arith.constant 0 : i32
    %dma_wait3A_250 = arith.constant 0 : i32
    %dma_wait3A_251 = tpu.memref_slice %arg29[%dma_wait3A_249, %dma_wait3A_250] : memref<10240x16xf32, #tpu.memory_space<vmem_shared>> -> memref<10240x16xf32, #tpu.memory_space<vmem_shared>>
    tpu.wait_indirect_dma semaphore(%arg36 : memref<!tpu.dma_semaphore, #tpu.memory_space<semaphore_mem>>) src(%dma_wait3A_245 : memref<128x16xf32, #tpu.memory_space<vmem>>) dst(%dma_wait3A_251 : memref<10240x16xf32, #tpu.memory_space<vmem_shared>>)
    %dma_wait3A_252 = arith.constant 0 : i32
    %dma_wait3A_253 = arith.constant 128 : i32
    %dma_wait3A_254 = arith.constant 0 : i32
    %dma_wait3A_255 = tpu.memref_slice %arg23[%dma_wait3A_253, %dma_wait3A_254] : memref<256x16xf32, #tpu.memory_space<vmem>> -> memref<128x16xf32, #tpu.memory_space<vmem>>
    %dma_wait3A_256 = arith.constant 0 : i32
    %dma_wait3A_257 = tpu.memref_slice %arg10[%dma_wait3A_252, %dma_wait3A_256] : memref<80x128xi32, #tpu.memory_space<vmem>> -> memref<1x128xi32, #tpu.memory_space<vmem>>
    %dma_wait3A_258 = tpu.memref_squeeze %dma_wait3A_257 : memref<1x128xi32, #tpu.memory_space<vmem>> -> memref<128xi32, #tpu.memory_space<vmem>>
    %dma_wait3A_259 = arith.constant 0 : i32
    %dma_wait3A_260 = arith.constant 0 : i32
    %dma_wait3A_261 = tpu.memref_slice %arg28[%dma_wait3A_259, %dma_wait3A_260] : memref<10240x16xf32, #tpu.memory_space<vmem_shared>> -> memref<10240x16xf32, #tpu.memory_space<vmem_shared>>
    tpu.wait_indirect_dma semaphore(%arg36 : memref<!tpu.dma_semaphore, #tpu.memory_space<semaphore_mem>>) src(%dma_wait3A_255 : memref<128x16xf32, #tpu.memory_space<vmem>>) dst(%dma_wait3A_261 : memref<10240x16xf32, #tpu.memory_space<vmem_shared>>)
    %dma_wait3A_262 = arith.constant 0 : i32
    %dma_wait3A_263 = arith.constant 128 : i32
    %dma_wait3A_264 = arith.constant 0 : i32
    %dma_wait3A_265 = tpu.memref_slice %arg24[%dma_wait3A_263, %dma_wait3A_264] : memref<256x16xf32, #tpu.memory_space<vmem>> -> memref<128x16xf32, #tpu.memory_space<vmem>>
    %dma_wait3A_266 = arith.constant 0 : i32
    %dma_wait3A_267 = tpu.memref_slice %arg10[%dma_wait3A_262, %dma_wait3A_266] : memref<80x128xi32, #tpu.memory_space<vmem>> -> memref<1x128xi32, #tpu.memory_space<vmem>>
    %dma_wait3A_268 = tpu.memref_squeeze %dma_wait3A_267 : memref<1x128xi32, #tpu.memory_space<vmem>> -> memref<128xi32, #tpu.memory_space<vmem>>
    %dma_wait3A_269 = arith.constant 0 : i32
    %dma_wait3A_270 = arith.constant 0 : i32
    %dma_wait3A_271 = tpu.memref_slice %arg29[%dma_wait3A_269, %dma_wait3A_270] : memref<10240x16xf32, #tpu.memory_space<vmem_shared>> -> memref<10240x16xf32, #tpu.memory_space<vmem_shared>>
    tpu.wait_indirect_dma semaphore(%arg36 : memref<!tpu.dma_semaphore, #tpu.memory_space<semaphore_mem>>) src(%dma_wait3A_265 : memref<128x16xf32, #tpu.memory_space<vmem>>) dst(%dma_wait3A_271 : memref<10240x16xf32, #tpu.memory_space<vmem_shared>>)
    %dma_wait3A_272 = arith.constant 0 : i32
    %dma_wait3A_273 = arith.constant 0 : i32
    %dma_wait3A_274 = arith.constant 0 : i32
    %dma_wait3A_275 = tpu.memref_slice %arg25[%dma_wait3A_273, %dma_wait3A_274] : memref<256x16xf32, #tpu.memory_space<vmem>> -> memref<128x16xf32, #tpu.memory_space<vmem>>
    %dma_wait3A_276 = arith.constant 0 : i32
    %dma_wait3A_277 = tpu.memref_slice %arg10[%dma_wait3A_272, %dma_wait3A_276] : memref<80x128xi32, #tpu.memory_space<vmem>> -> memref<1x128xi32, #tpu.memory_space<vmem>>
    %dma_wait3A_278 = tpu.memref_squeeze %dma_wait3A_277 : memref<1x128xi32, #tpu.memory_space<vmem>> -> memref<128xi32, #tpu.memory_space<vmem>>
    %dma_wait3A_279 = arith.constant 0 : i32
    %dma_wait3A_280 = arith.constant 0 : i32
    %dma_wait3A_281 = tpu.memref_slice %arg28[%dma_wait3A_279, %dma_wait3A_280] : memref<10240x16xf32, #tpu.memory_space<vmem_shared>> -> memref<10240x16xf32, #tpu.memory_space<vmem_shared>>
    tpu.wait_indirect_dma semaphore(%arg37 : memref<!tpu.dma_semaphore, #tpu.memory_space<semaphore_mem>>) src(%dma_wait3A_275 : memref<128x16xf32, #tpu.memory_space<vmem>>) dst(%dma_wait3A_281 : memref<10240x16xf32, #tpu.memory_space<vmem_shared>>)
    %dma_wait3A_282 = arith.constant 0 : i32
    %dma_wait3A_283 = arith.constant 0 : i32
    %dma_wait3A_284 = arith.constant 0 : i32
    %dma_wait3A_285 = tpu.memref_slice %arg26[%dma_wait3A_283, %dma_wait3A_284] : memref<256x16xf32, #tpu.memory_space<vmem>> -> memref<128x16xf32, #tpu.memory_space<vmem>>
    %dma_wait3A_286 = arith.constant 0 : i32
    %dma_wait3A_287 = tpu.memref_slice %arg10[%dma_wait3A_282, %dma_wait3A_286] : memref<80x128xi32, #tpu.memory_space<vmem>> -> memref<1x128xi32, #tpu.memory_space<vmem>>
    %dma_wait3A_288 = tpu.memref_squeeze %dma_wait3A_287 : memref<1x128xi32, #tpu.memory_space<vmem>> -> memref<128xi32, #tpu.memory_space<vmem>>
    %dma_wait3A_289 = arith.constant 0 : i32
    %dma_wait3A_290 = arith.constant 0 : i32
    %dma_wait3A_291 = tpu.memref_slice %arg29[%dma_wait3A_289, %dma_wait3A_290] : memref<10240x16xf32, #tpu.memory_space<vmem_shared>> -> memref<10240x16xf32, #tpu.memory_space<vmem_shared>>
    tpu.wait_indirect_dma semaphore(%arg37 : memref<!tpu.dma_semaphore, #tpu.memory_space<semaphore_mem>>) src(%dma_wait3A_285 : memref<128x16xf32, #tpu.memory_space<vmem>>) dst(%dma_wait3A_291 : memref<10240x16xf32, #tpu.memory_space<vmem_shared>>)
    %dma_wait3A_292 = arith.constant 0 : i32
    %dma_wait3A_293 = arith.constant 128 : i32
    %dma_wait3A_294 = arith.constant 0 : i32
    %dma_wait3A_295 = tpu.memref_slice %arg25[%dma_wait3A_293, %dma_wait3A_294] : memref<256x16xf32, #tpu.memory_space<vmem>> -> memref<128x16xf32, #tpu.memory_space<vmem>>
    %dma_wait3A_296 = arith.constant 0 : i32
    %dma_wait3A_297 = tpu.memref_slice %arg10[%dma_wait3A_292, %dma_wait3A_296] : memref<80x128xi32, #tpu.memory_space<vmem>> -> memref<1x128xi32, #tpu.memory_space<vmem>>
    %dma_wait3A_298 = tpu.memref_squeeze %dma_wait3A_297 : memref<1x128xi32, #tpu.memory_space<vmem>> -> memref<128xi32, #tpu.memory_space<vmem>>
    %dma_wait3A_299 = arith.constant 0 : i32
    %dma_wait3A_300 = arith.constant 0 : i32
    %dma_wait3A_301 = tpu.memref_slice %arg28[%dma_wait3A_299, %dma_wait3A_300] : memref<10240x16xf32, #tpu.memory_space<vmem_shared>> -> memref<10240x16xf32, #tpu.memory_space<vmem_shared>>
    tpu.wait_indirect_dma semaphore(%arg37 : memref<!tpu.dma_semaphore, #tpu.memory_space<semaphore_mem>>) src(%dma_wait3A_295 : memref<128x16xf32, #tpu.memory_space<vmem>>) dst(%dma_wait3A_301 : memref<10240x16xf32, #tpu.memory_space<vmem_shared>>)
    %dma_wait3A_302 = arith.constant 0 : i32
    %dma_wait3A_303 = arith.constant 128 : i32
    %dma_wait3A_304 = arith.constant 0 : i32
    %dma_wait3A_305 = tpu.memref_slice %arg26[%dma_wait3A_303, %dma_wait3A_304] : memref<256x16xf32, #tpu.memory_space<vmem>> -> memref<128x16xf32, #tpu.memory_space<vmem>>
    %dma_wait3A_306 = arith.constant 0 : i32
    %dma_wait3A_307 = tpu.memref_slice %arg10[%dma_wait3A_302, %dma_wait3A_306] : memref<80x128xi32, #tpu.memory_space<vmem>> -> memref<1x128xi32, #tpu.memory_space<vmem>>
    %dma_wait3A_308 = tpu.memref_squeeze %dma_wait3A_307 : memref<1x128xi32, #tpu.memory_space<vmem>> -> memref<128xi32, #tpu.memory_space<vmem>>
    %dma_wait3A_309 = arith.constant 0 : i32
    %dma_wait3A_310 = arith.constant 0 : i32
    %dma_wait3A_311 = tpu.memref_slice %arg29[%dma_wait3A_309, %dma_wait3A_310] : memref<10240x16xf32, #tpu.memory_space<vmem_shared>> -> memref<10240x16xf32, #tpu.memory_space<vmem_shared>>
    tpu.wait_indirect_dma semaphore(%arg37 : memref<!tpu.dma_semaphore, #tpu.memory_space<semaphore_mem>>) src(%dma_wait3A_305 : memref<128x16xf32, #tpu.memory_space<vmem>>) dst(%dma_wait3A_311 : memref<10240x16xf32, #tpu.memory_space<vmem_shared>>)
    %barrier3A_312 = arith.constant 0 : index
    tpu.barrier barrier_id(%barrier3A_312)
    %run_scoped3A = arith.constant 0 : i32
    "tpu.region"() ({
      %run_scoped3A_314 = tpu.sem_alloc : memref<!tpu.dma_semaphore, #tpu.memory_space<semaphore_mem>>
      %dma_start3A_315 = arith.constant 0 : i32
      %dma_start3A_316 = tpu.memref_slice %arg7[%arg0, %run_scoped3A, %mul3A_8, %dma_start3A_315] : memref<2x2x10240x16xf32, #tpu.memory_space<hbm>> -> memref<1x1x640x16xf32, #tpu.memory_space<hbm>>
      %dma_start3A_317 = tpu.memref_squeeze %dma_start3A_316 : memref<1x1x640x16xf32, #tpu.memory_space<hbm>> -> memref<640x16xf32, #tpu.memory_space<hbm>>
      %dma_start3A_318 = arith.constant 0 : i32
      %dma_start3A_319 = tpu.memref_slice %arg28[%mul3A_8, %dma_start3A_318] : memref<10240x16xf32, #tpu.memory_space<vmem_shared>> -> memref<640x16xf32, #tpu.memory_space<vmem_shared>>
      tpu.enqueue_dma source(%dma_start3A_319 : memref<640x16xf32, #tpu.memory_space<vmem_shared>>) target(%dma_start3A_317 : memref<640x16xf32, #tpu.memory_space<hbm>>) target_semaphore(%run_scoped3A_314 : memref<!tpu.dma_semaphore, #tpu.memory_space<semaphore_mem>>)
      %dma_wait3A_320 = arith.constant 0 : i32
      %dma_wait3A_321 = tpu.memref_slice %arg7[%arg0, %run_scoped3A, %mul3A_8, %dma_wait3A_320] : memref<2x2x10240x16xf32, #tpu.memory_space<hbm>> -> memref<1x1x640x16xf32, #tpu.memory_space<hbm>>
      %dma_wait3A_322 = tpu.memref_squeeze %dma_wait3A_321 : memref<1x1x640x16xf32, #tpu.memory_space<hbm>> -> memref<640x16xf32, #tpu.memory_space<hbm>>
      %dma_wait3A_323 = arith.constant 0 : i32
      %dma_wait3A_324 = tpu.memref_slice %arg28[%mul3A_8, %dma_wait3A_323] : memref<10240x16xf32, #tpu.memory_space<vmem_shared>> -> memref<640x16xf32, #tpu.memory_space<vmem_shared>>
      tpu.wait_dma2 semaphore(%run_scoped3A_314 : memref<!tpu.dma_semaphore, #tpu.memory_space<semaphore_mem>>) src(%dma_wait3A_324 : memref<640x16xf32, #tpu.memory_space<vmem_shared>>) dst(%dma_wait3A_322 : memref<640x16xf32, #tpu.memory_space<hbm>>)
      tpu.yield
    }) : () -> ()
    %run_scoped3A_313 = arith.constant 1 : i32
    "tpu.region"() ({
      %run_scoped3A_314 = tpu.sem_alloc : memref<!tpu.dma_semaphore, #tpu.memory_space<semaphore_mem>>
      %dma_start3A_315 = arith.constant 0 : i32
      %dma_start3A_316 = tpu.memref_slice %arg7[%arg0, %run_scoped3A_313, %mul3A_8, %dma_start3A_315] : memref<2x2x10240x16xf32, #tpu.memory_space<hbm>> -> memref<1x1x640x16xf32, #tpu.memory_space<hbm>>
      %dma_start3A_317 = tpu.memref_squeeze %dma_start3A_316 : memref<1x1x640x16xf32, #tpu.memory_space<hbm>> -> memref<640x16xf32, #tpu.memory_space<hbm>>
      %dma_start3A_318 = arith.constant 0 : i32
      %dma_start3A_319 = tpu.memref_slice %arg29[%mul3A_8, %dma_start3A_318] : memref<10240x16xf32, #tpu.memory_space<vmem_shared>> -> memref<640x16xf32, #tpu.memory_space<vmem_shared>>
      tpu.enqueue_dma source(%dma_start3A_319 : memref<640x16xf32, #tpu.memory_space<vmem_shared>>) target(%dma_start3A_317 : memref<640x16xf32, #tpu.memory_space<hbm>>) target_semaphore(%run_scoped3A_314 : memref<!tpu.dma_semaphore, #tpu.memory_space<semaphore_mem>>)
      %dma_wait3A_320 = arith.constant 0 : i32
      %dma_wait3A_321 = tpu.memref_slice %arg7[%arg0, %run_scoped3A_313, %mul3A_8, %dma_wait3A_320] : memref<2x2x10240x16xf32, #tpu.memory_space<hbm>> -> memref<1x1x640x16xf32, #tpu.memory_space<hbm>>
      %dma_wait3A_322 = tpu.memref_squeeze %dma_wait3A_321 : memref<1x1x640x16xf32, #tpu.memory_space<hbm>> -> memref<640x16xf32, #tpu.memory_space<hbm>>
      %dma_wait3A_323 = arith.constant 0 : i32
      %dma_wait3A_324 = tpu.memref_slice %arg29[%mul3A_8, %dma_wait3A_323] : memref<10240x16xf32, #tpu.memory_space<vmem_shared>> -> memref<640x16xf32, #tpu.memory_space<vmem_shared>>
      tpu.wait_dma2 semaphore(%run_scoped3A_314 : memref<!tpu.dma_semaphore, #tpu.memory_space<semaphore_mem>>) src(%dma_wait3A_324 : memref<640x16xf32, #tpu.memory_space<vmem_shared>>) dst(%dma_wait3A_322 : memref<640x16xf32, #tpu.memory_space<hbm>>)
      tpu.yield
    }) : () -> ()
    return
  }
}

#map = affine_map<(d0, d1) -> (0, 0)>
#map1 = affine_map<(d0, d1) -> (0)>
#map2 = affine_map<(d0, d1) -> (0, 0, 0, 0)>
module attributes {stable_mosaic.version = 14 : i64} {
  func.func @gat_edge_pass(%arg0: i32, %arg1: i32, %arg2: memref<2560x128xi32, #tpu.memory_space<hbm>>, %arg3: memref<2560x128xi32, #tpu.memory_space<hbm>>, %arg4: memref<10240x16xf32, #tpu.memory_space<hbm>>, %arg5: memref<10240x16xf32, #tpu.memory_space<hbm>>, %arg6: memref<16xf32, #tpu.memory_space<hbm>>, %arg7: memref<2x2x10240x16xf32, #tpu.memory_space<hbm>>, %arg8: memref<16xf32, #tpu.memory_space<vmem>>, %arg9: memref<80x128xi32, #tpu.memory_space<vmem>>, %arg10: memref<80x128xi32, #tpu.memory_space<vmem>>, %arg11: memref<256x16xf32, #tpu.memory_space<vmem>>, %arg12: memref<256x16xf32, #tpu.memory_space<vmem>>, %arg13: memref<256x16xf32, #tpu.memory_space<vmem>>, %arg14: memref<256x16xf32, #tpu.memory_space<vmem>>, %arg15: memref<256x16xf32, #tpu.memory_space<vmem>>, %arg16: memref<256x16xf32, #tpu.memory_space<vmem>>, %arg17: memref<256x16xf32, #tpu.memory_space<vmem>>, %arg18: memref<256x16xf32, #tpu.memory_space<vmem>>, %arg19: memref<256x16xf32, #tpu.memory_space<vmem>>, %arg20: memref<256x16xf32, #tpu.memory_space<vmem>>, %arg21: memref<256x16xf32, #tpu.memory_space<vmem>>, %arg22: memref<256x16xf32, #tpu.memory_space<vmem>>, %arg23: memref<256x16xf32, #tpu.memory_space<vmem>>, %arg24: memref<256x16xf32, #tpu.memory_space<vmem>>, %arg25: memref<256x16xf32, #tpu.memory_space<vmem>>, %arg26: memref<256x16xf32, #tpu.memory_space<vmem>>, %arg27: memref<320x16xf32, #tpu.memory_space<vmem>>, %arg28: memref<10240x16xf32, #tpu.memory_space<vmem_shared>>, %arg29: memref<10240x16xf32, #tpu.memory_space<vmem_shared>>, %arg30: memref<!tpu.dma_semaphore, #tpu.memory_space<semaphore_mem>>, %arg31: memref<!tpu.dma_semaphore, #tpu.memory_space<semaphore_mem>>, %arg32: memref<!tpu.dma_semaphore, #tpu.memory_space<semaphore_mem>>, %arg33: memref<!tpu.dma_semaphore, #tpu.memory_space<semaphore_mem>>, %arg34: memref<!tpu.dma_semaphore, #tpu.memory_space<semaphore_mem>>, %arg35: memref<!tpu.dma_semaphore, #tpu.memory_space<semaphore_mem>>, %arg36: memref<!tpu.dma_semaphore, #tpu.memory_space<semaphore_mem>>, %arg37: memref<!tpu.dma_semaphore, #tpu.memory_space<semaphore_mem>>) attributes {dimension_semantics = [#tpu.dimension_semantics<core_parallel>, #tpu.dimension_semantics<subcore_parallel>], iteration_bounds = array<i64: 2, 16>, scalar_prefetch = 0 : i64, scratch_operands = 30 : i64, tpu.core_type = #tpu.core_type<sc_vector_subcore>, window_params = [{transform_indices = #map}, {transform_indices = #map}, {transform_indices = #map}, {transform_indices = #map}, {transform_indices = #map1}, {transform_indices = #map2}]} {
    %mul3A = arith.constant 2 : i32
    %mul3A_0 = arith.muli %arg1, %mul3A : i32
    %add3A = arith.addi %mul3A_0, %arg0 : i32
    %broadcast_in_dim3A = arith.constant 0.000000e+00 : f32
    %broadcast_in_dim3A_1 = vector.broadcast %broadcast_in_dim3A : f32 to vector<16xf32>
    %scan3A = arith.constant 0 : i32
    %scan3A_2 = arith.constant 0 : i32
    %scan3A_3 = arith.constant 320 : i32
    %scan3A_4 = arith.addi %scan3A_2, %scan3A_3 : i32
    %scan3A_5 = arith.constant 1 : i32
    scf.for %scan3A_322 = %scan3A_2 to %scan3A_4 step %scan3A_5  : i32 {
      %swap3A = arith.index_cast %scan3A_322 : i32 to index
      %swap3A_323 = arith.constant 0 : index
      %swap3A_324 = tpu.vector_load %arg27[%swap3A, %swap3A_323] {strides = array<i32>} : memref<320x16xf32, #tpu.memory_space<vmem>>, vector<1x16xf32>,
      %swap3A_325 = vector.shape_cast %swap3A_324 : vector<1x16xf32> to vector<16xf32>
      %swap3A_326 = vector.shape_cast %broadcast_in_dim3A_1 : vector<16xf32> to vector<1x16xf32>
      tpu.vector_store %arg27[%swap3A, %swap3A_323], %swap3A_326 {strides = array<i32>} : memref<320x16xf32, #tpu.memory_space<vmem>>, vector<1x16xf32>,
    }
    %scan3A_6 = arith.constant 320 : i32
    %mul3A_7 = arith.constant 640 : i32
    %mul3A_8 = arith.muli %arg1, %mul3A_7 : i32
    "tpu.region"() ({
      %run_scoped3A_322 = tpu.sem_alloc : memref<!tpu.dma_semaphore, #tpu.memory_space<semaphore_mem>>
      %dma_start3A_323 = arith.constant 0 : i32
      %dma_start3A_324 = tpu.memref_slice %arg28[%mul3A_8, %dma_start3A_323] : memref<10240x16xf32, #tpu.memory_space<vmem_shared>> -> memref<320x16xf32, #tpu.memory_space<vmem_shared>>
      %dma_start3A_325 = arith.constant 0 : i32
      %dma_start3A_326 = tpu.memref_slice %arg28[%mul3A_8, %dma_start3A_325] : memref<10240x16xf32, #tpu.memory_space<vmem_shared>> -> memref<320x16xf32, #tpu.memory_space<vmem_shared>>
      tpu.enqueue_dma source(%arg27 : memref<320x16xf32, #tpu.memory_space<vmem>>) target(%dma_start3A_326 : memref<320x16xf32, #tpu.memory_space<vmem_shared>>) target_semaphore(%run_scoped3A_322 : memref<!tpu.dma_semaphore, #tpu.memory_space<semaphore_mem>>)
      %dma_wait3A_327 = arith.constant 0 : i32
      %dma_wait3A_328 = tpu.memref_slice %arg28[%mul3A_8, %dma_wait3A_327] : memref<10240x16xf32, #tpu.memory_space<vmem_shared>> -> memref<320x16xf32, #tpu.memory_space<vmem_shared>>
      %dma_wait3A_329 = arith.constant 0 : i32
      %dma_wait3A_330 = tpu.memref_slice %arg28[%mul3A_8, %dma_wait3A_329] : memref<10240x16xf32, #tpu.memory_space<vmem_shared>> -> memref<320x16xf32, #tpu.memory_space<vmem_shared>>
      tpu.wait_dma2 semaphore(%run_scoped3A_322 : memref<!tpu.dma_semaphore, #tpu.memory_space<semaphore_mem>>) src(%arg27 : memref<320x16xf32, #tpu.memory_space<vmem>>) dst(%dma_wait3A_330 : memref<320x16xf32, #tpu.memory_space<vmem_shared>>)
      tpu.yield
    }) : () -> ()
    %add3A_9 = arith.constant 320 : i32
    %add3A_10 = arith.addi %mul3A_8, %add3A_9 : i32
    "tpu.region"() ({
      %run_scoped3A_322 = tpu.sem_alloc : memref<!tpu.dma_semaphore, #tpu.memory_space<semaphore_mem>>
      %dma_start3A_323 = arith.constant 0 : i32
      %dma_start3A_324 = tpu.memref_slice %arg28[%add3A_10, %dma_start3A_323] : memref<10240x16xf32, #tpu.memory_space<vmem_shared>> -> memref<320x16xf32, #tpu.memory_space<vmem_shared>>
      %dma_start3A_325 = arith.constant 0 : i32
      %dma_start3A_326 = tpu.memref_slice %arg28[%add3A_10, %dma_start3A_325] : memref<10240x16xf32, #tpu.memory_space<vmem_shared>> -> memref<320x16xf32, #tpu.memory_space<vmem_shared>>
      tpu.enqueue_dma source(%arg27 : memref<320x16xf32, #tpu.memory_space<vmem>>) target(%dma_start3A_326 : memref<320x16xf32, #tpu.memory_space<vmem_shared>>) target_semaphore(%run_scoped3A_322 : memref<!tpu.dma_semaphore, #tpu.memory_space<semaphore_mem>>)
      %dma_wait3A_327 = arith.constant 0 : i32
      %dma_wait3A_328 = tpu.memref_slice %arg28[%add3A_10, %dma_wait3A_327] : memref<10240x16xf32, #tpu.memory_space<vmem_shared>> -> memref<320x16xf32, #tpu.memory_space<vmem_shared>>
      %dma_wait3A_329 = arith.constant 0 : i32
      %dma_wait3A_330 = tpu.memref_slice %arg28[%add3A_10, %dma_wait3A_329] : memref<10240x16xf32, #tpu.memory_space<vmem_shared>> -> memref<320x16xf32, #tpu.memory_space<vmem_shared>>
      tpu.wait_dma2 semaphore(%run_scoped3A_322 : memref<!tpu.dma_semaphore, #tpu.memory_space<semaphore_mem>>) src(%arg27 : memref<320x16xf32, #tpu.memory_space<vmem>>) dst(%dma_wait3A_330 : memref<320x16xf32, #tpu.memory_space<vmem_shared>>)
      tpu.yield
    }) : () -> ()
    "tpu.region"() ({
      %run_scoped3A_322 = tpu.sem_alloc : memref<!tpu.dma_semaphore, #tpu.memory_space<semaphore_mem>>
      %dma_start3A_323 = arith.constant 0 : i32
      %dma_start3A_324 = tpu.memref_slice %arg29[%mul3A_8, %dma_start3A_323] : memref<10240x16xf32, #tpu.memory_space<vmem_shared>> -> memref<320x16xf32, #tpu.memory_space<vmem_shared>>
      %dma_start3A_325 = arith.constant 0 : i32
      %dma_start3A_326 = tpu.memref_slice %arg29[%mul3A_8, %dma_start3A_325] : memref<10240x16xf32, #tpu.memory_space<vmem_shared>> -> memref<320x16xf32, #tpu.memory_space<vmem_shared>>
      tpu.enqueue_dma source(%arg27 : memref<320x16xf32, #tpu.memory_space<vmem>>) target(%dma_start3A_326 : memref<320x16xf32, #tpu.memory_space<vmem_shared>>) target_semaphore(%run_scoped3A_322 : memref<!tpu.dma_semaphore, #tpu.memory_space<semaphore_mem>>)
      %dma_wait3A_327 = arith.constant 0 : i32
      %dma_wait3A_328 = tpu.memref_slice %arg29[%mul3A_8, %dma_wait3A_327] : memref<10240x16xf32, #tpu.memory_space<vmem_shared>> -> memref<320x16xf32, #tpu.memory_space<vmem_shared>>
      %dma_wait3A_329 = arith.constant 0 : i32
      %dma_wait3A_330 = tpu.memref_slice %arg29[%mul3A_8, %dma_wait3A_329] : memref<10240x16xf32, #tpu.memory_space<vmem_shared>> -> memref<320x16xf32, #tpu.memory_space<vmem_shared>>
      tpu.wait_dma2 semaphore(%run_scoped3A_322 : memref<!tpu.dma_semaphore, #tpu.memory_space<semaphore_mem>>) src(%arg27 : memref<320x16xf32, #tpu.memory_space<vmem>>) dst(%dma_wait3A_330 : memref<320x16xf32, #tpu.memory_space<vmem_shared>>)
      tpu.yield
    }) : () -> ()
    %add3A_11 = arith.constant 320 : i32
    %add3A_12 = arith.addi %mul3A_8, %add3A_11 : i32
    "tpu.region"() ({
      %run_scoped3A_322 = tpu.sem_alloc : memref<!tpu.dma_semaphore, #tpu.memory_space<semaphore_mem>>
      %dma_start3A_323 = arith.constant 0 : i32
      %dma_start3A_324 = tpu.memref_slice %arg29[%add3A_12, %dma_start3A_323] : memref<10240x16xf32, #tpu.memory_space<vmem_shared>> -> memref<320x16xf32, #tpu.memory_space<vmem_shared>>
      %dma_start3A_325 = arith.constant 0 : i32
      %dma_start3A_326 = tpu.memref_slice %arg29[%add3A_12, %dma_start3A_325] : memref<10240x16xf32, #tpu.memory_space<vmem_shared>> -> memref<320x16xf32, #tpu.memory_space<vmem_shared>>
      tpu.enqueue_dma source(%arg27 : memref<320x16xf32, #tpu.memory_space<vmem>>) target(%dma_start3A_326 : memref<320x16xf32, #tpu.memory_space<vmem_shared>>) target_semaphore(%run_scoped3A_322 : memref<!tpu.dma_semaphore, #tpu.memory_space<semaphore_mem>>)
      %dma_wait3A_327 = arith.constant 0 : i32
      %dma_wait3A_328 = tpu.memref_slice %arg29[%add3A_12, %dma_wait3A_327] : memref<10240x16xf32, #tpu.memory_space<vmem_shared>> -> memref<320x16xf32, #tpu.memory_space<vmem_shared>>
      %dma_wait3A_329 = arith.constant 0 : i32
      %dma_wait3A_330 = tpu.memref_slice %arg29[%add3A_12, %dma_wait3A_329] : memref<10240x16xf32, #tpu.memory_space<vmem_shared>> -> memref<320x16xf32, #tpu.memory_space<vmem_shared>>
      tpu.wait_dma2 semaphore(%run_scoped3A_322 : memref<!tpu.dma_semaphore, #tpu.memory_space<semaphore_mem>>) src(%arg27 : memref<320x16xf32, #tpu.memory_space<vmem>>) dst(%dma_wait3A_330 : memref<320x16xf32, #tpu.memory_space<vmem_shared>>)
      tpu.yield
    }) : () -> ()
    "tpu.region"() ({
      %run_scoped3A_322 = tpu.sem_alloc : memref<!tpu.dma_semaphore, #tpu.memory_space<semaphore_mem>>
      tpu.enqueue_dma source(%arg6 : memref<16xf32, #tpu.memory_space<hbm>>) target(%arg8 : memref<16xf32, #tpu.memory_space<vmem>>) target_semaphore(%run_scoped3A_322 : memref<!tpu.dma_semaphore, #tpu.memory_space<semaphore_mem>>)
      tpu.wait_dma2 semaphore(%run_scoped3A_322 : memref<!tpu.dma_semaphore, #tpu.memory_space<semaphore_mem>>) src(%arg6 : memref<16xf32, #tpu.memory_space<hbm>>) dst(%arg8 : memref<16xf32, #tpu.memory_space<vmem>>)
      tpu.yield
    }) : () -> ()
    %mul3A_13 = arith.constant 80 : i32
    %mul3A_14 = arith.muli %add3A, %mul3A_13 : i32
    "tpu.region"() ({
      %run_scoped3A_322 = tpu.sem_alloc : memref<!tpu.dma_semaphore, #tpu.memory_space<semaphore_mem>>
      %dma_start3A_323 = arith.constant 0 : i32
      %dma_start3A_324 = tpu.memref_slice %arg2[%mul3A_14, %dma_start3A_323] : memref<2560x128xi32, #tpu.memory_space<hbm>> -> memref<80x128xi32, #tpu.memory_space<hbm>>
      %dma_start3A_325 = arith.constant 0 : i32
      %dma_start3A_326 = tpu.memref_slice %arg2[%mul3A_14, %dma_start3A_325] : memref<2560x128xi32, #tpu.memory_space<hbm>> -> memref<80x128xi32, #tpu.memory_space<hbm>>
      tpu.enqueue_dma source(%dma_start3A_326 : memref<80x128xi32, #tpu.memory_space<hbm>>) target(%arg9 : memref<80x128xi32, #tpu.memory_space<vmem>>) target_semaphore(%run_scoped3A_322 : memref<!tpu.dma_semaphore, #tpu.memory_space<semaphore_mem>>)
      %dma_wait3A_327 = arith.constant 0 : i32
      %dma_wait3A_328 = tpu.memref_slice %arg2[%mul3A_14, %dma_wait3A_327] : memref<2560x128xi32, #tpu.memory_space<hbm>> -> memref<80x128xi32, #tpu.memory_space<hbm>>
      %dma_wait3A_329 = arith.constant 0 : i32
      %dma_wait3A_330 = tpu.memref_slice %arg2[%mul3A_14, %dma_wait3A_329] : memref<2560x128xi32, #tpu.memory_space<hbm>> -> memref<80x128xi32, #tpu.memory_space<hbm>>
      tpu.wait_dma2 semaphore(%run_scoped3A_322 : memref<!tpu.dma_semaphore, #tpu.memory_space<semaphore_mem>>) src(%dma_wait3A_330 : memref<80x128xi32, #tpu.memory_space<hbm>>) dst(%arg9 : memref<80x128xi32, #tpu.memory_space<vmem>>)
      tpu.yield
    }) : () -> ()
    %mul3A_15 = arith.constant 80 : i32
    %mul3A_16 = arith.muli %add3A, %mul3A_15 : i32
    "tpu.region"() ({
      %run_scoped3A_322 = tpu.sem_alloc : memref<!tpu.dma_semaphore, #tpu.memory_space<semaphore_mem>>
      %dma_start3A_323 = arith.constant 0 : i32
      %dma_start3A_324 = tpu.memref_slice %arg3[%mul3A_16, %dma_start3A_323] : memref<2560x128xi32, #tpu.memory_space<hbm>> -> memref<80x128xi32, #tpu.memory_space<hbm>>
      %dma_start3A_325 = arith.constant 0 : i32
      %dma_start3A_326 = tpu.memref_slice %arg3[%mul3A_16, %dma_start3A_325] : memref<2560x128xi32, #tpu.memory_space<hbm>> -> memref<80x128xi32, #tpu.memory_space<hbm>>
      tpu.enqueue_dma source(%dma_start3A_326 : memref<80x128xi32, #tpu.memory_space<hbm>>) target(%arg10 : memref<80x128xi32, #tpu.memory_space<vmem>>) target_semaphore(%run_scoped3A_322 : memref<!tpu.dma_semaphore, #tpu.memory_space<semaphore_mem>>)
      %dma_wait3A_327 = arith.constant 0 : i32
      %dma_wait3A_328 = tpu.memref_slice %arg3[%mul3A_16, %dma_wait3A_327] : memref<2560x128xi32, #tpu.memory_space<hbm>> -> memref<80x128xi32, #tpu.memory_space<hbm>>
      %dma_wait3A_329 = arith.constant 0 : i32
      %dma_wait3A_330 = tpu.memref_slice %arg3[%mul3A_16, %dma_wait3A_329] : memref<2560x128xi32, #tpu.memory_space<hbm>> -> memref<80x128xi32, #tpu.memory_space<hbm>>
      tpu.wait_dma2 semaphore(%run_scoped3A_322 : memref<!tpu.dma_semaphore, #tpu.memory_space<semaphore_mem>>) src(%dma_wait3A_330 : memref<80x128xi32, #tpu.memory_space<hbm>>) dst(%arg10 : memref<80x128xi32, #tpu.memory_space<vmem>>)
      tpu.yield
    }) : () -> ()
    %barrier3A = arith.constant 0 : index
    tpu.barrier barrier_id(%barrier3A)
    %get3A = arith.constant 0 : index
    %get3A_17 = tpu.vector_load %arg8[%get3A] {strides = array<i32>} : memref<16xf32, #tpu.memory_space<vmem>>, vector<16xf32>,
    %get3A_18 = vector.shape_cast %get3A_17 : vector<16xf32> to vector<16xf32>
    %mul3A_19 = arith.constant 2.000000e-01 : f32
    %mul3A_20 = vector.broadcast %mul3A_19 : f32 to vector<16xf32>
    %mul3A_21 = arith.mulf %get3A_18, %mul3A_20 : vector<16xf32>
    %iota3A = tpu.iota {dimensions = array<i32: 0>} : vector<16xi32>
    %xor3A = arith.constant 1 : i32
    %xor3A_22 = vector.broadcast %xor3A : i32 to vector<16xi32>
    %xor3A_23 = arith.xori %iota3A, %xor3A_22 : vector<16xi32>
    %iota3A_24 = tpu.iota {dimensions = array<i32: 0>} : vector<16xi32>
    %xor3A_25 = arith.constant 2 : i32
    %xor3A_26 = vector.broadcast %xor3A_25 : i32 to vector<16xi32>
    %xor3A_27 = arith.xori %iota3A_24, %xor3A_26 : vector<16xi32>
    %iota3A_28 = tpu.iota {dimensions = array<i32: 0>} : vector<16xi32>
    %xor3A_29 = arith.constant 4 : i32
    %xor3A_30 = vector.broadcast %xor3A_29 : i32 to vector<16xi32>
    %xor3A_31 = arith.xori %iota3A_28, %xor3A_30 : vector<16xi32>
    %iota3A_32 = tpu.iota {dimensions = array<i32: 0>} : vector<16xi32>
    %xor3A_33 = arith.constant 8 : i32
    %xor3A_34 = vector.broadcast %xor3A_33 : i32 to vector<16xi32>
    %xor3A_35 = arith.xori %iota3A_32, %xor3A_34 : vector<16xi32>
    %dma_start3A = arith.constant 0 : i32
    %dma_start3A_36 = arith.constant 0 : i32
    %dma_start3A_37 = arith.constant 0 : i32
    %dma_start3A_38 = tpu.memref_slice %arg11[%dma_start3A_36, %dma_start3A_37] : memref<256x16xf32, #tpu.memory_space<vmem>> -> memref<128x16xf32, #tpu.memory_space<vmem>>
    %dma_start3A_39 = arith.constant 0 : i32
    %dma_start3A_40 = tpu.memref_slice %arg9[%dma_start3A, %dma_start3A_39] : memref<80x128xi32, #tpu.memory_space<vmem>> -> memref<1x128xi32, #tpu.memory_space<vmem>>
    %dma_start3A_41 = tpu.memref_squeeze %dma_start3A_40 : memref<1x128xi32, #tpu.memory_space<vmem>> -> memref<128xi32, #tpu.memory_space<vmem>>
    %dma_start3A_42 = arith.constant 0 : i32
    %dma_start3A_43 = arith.constant 0 : i32
    %dma_start3A_44 = tpu.memref_slice %arg4[%dma_start3A_42, %dma_start3A_43] : memref<10240x16xf32, #tpu.memory_space<hbm>> -> memref<10240x16xf32, #tpu.memory_space<hbm>>
    tpu.enqueue_indirect_dma source(%dma_start3A_44 : memref<10240x16xf32, #tpu.memory_space<hbm>>) target(%dma_start3A_38 : memref<128x16xf32, #tpu.memory_space<vmem>>) offsets(%dma_start3A_41 : memref<128xi32, #tpu.memory_space<vmem>>) semaphore(%arg30 : memref<!tpu.dma_semaphore, #tpu.memory_space<semaphore_mem>>)
    %dma_start3A_45 = arith.constant 0 : i32
    %dma_start3A_46 = arith.constant 0 : i32
    %dma_start3A_47 = arith.constant 0 : i32
    %dma_start3A_48 = tpu.memref_slice %arg12[%dma_start3A_46, %dma_start3A_47] : memref<256x16xf32, #tpu.memory_space<vmem>> -> memref<128x16xf32, #tpu.memory_space<vmem>>
    %dma_start3A_49 = arith.constant 0 : i32
    %dma_start3A_50 = tpu.memref_slice %arg10[%dma_start3A_45, %dma_start3A_49] : memref<80x128xi32, #tpu.memory_space<vmem>> -> memref<1x128xi32, #tpu.memory_space<vmem>>
    %dma_start3A_51 = tpu.memref_squeeze %dma_start3A_50 : memref<1x128xi32, #tpu.memory_space<vmem>> -> memref<128xi32, #tpu.memory_space<vmem>>
    %dma_start3A_52 = arith.constant 0 : i32
    %dma_start3A_53 = arith.constant 0 : i32
    %dma_start3A_54 = tpu.memref_slice %arg5[%dma_start3A_52, %dma_start3A_53] : memref<10240x16xf32, #tpu.memory_space<hbm>> -> memref<10240x16xf32, #tpu.memory_space<hbm>>
    tpu.enqueue_indirect_dma source(%dma_start3A_54 : memref<10240x16xf32, #tpu.memory_space<hbm>>) target(%dma_start3A_48 : memref<128x16xf32, #tpu.memory_space<vmem>>) offsets(%dma_start3A_51 : memref<128xi32, #tpu.memory_space<vmem>>) semaphore(%arg30 : memref<!tpu.dma_semaphore, #tpu.memory_space<semaphore_mem>>)
    %dma_start3A_55 = arith.constant 1 : i32
    %dma_start3A_56 = arith.constant 128 : i32
    %dma_start3A_57 = arith.constant 0 : i32
    %dma_start3A_58 = tpu.memref_slice %arg11[%dma_start3A_56, %dma_start3A_57] : memref<256x16xf32, #tpu.memory_space<vmem>> -> memref<128x16xf32, #tpu.memory_space<vmem>>
    %dma_start3A_59 = arith.constant 0 : i32
    %dma_start3A_60 = tpu.memref_slice %arg9[%dma_start3A_55, %dma_start3A_59] : memref<80x128xi32, #tpu.memory_space<vmem>> -> memref<1x128xi32, #tpu.memory_space<vmem>>
    %dma_start3A_61 = tpu.memref_squeeze %dma_start3A_60 : memref<1x128xi32, #tpu.memory_space<vmem>> -> memref<128xi32, #tpu.memory_space<vmem>>
    %dma_start3A_62 = arith.constant 0 : i32
    %dma_start3A_63 = arith.constant 0 : i32
    %dma_start3A_64 = tpu.memref_slice %arg4[%dma_start3A_62, %dma_start3A_63] : memref<10240x16xf32, #tpu.memory_space<hbm>> -> memref<10240x16xf32, #tpu.memory_space<hbm>>
    tpu.enqueue_indirect_dma source(%dma_start3A_64 : memref<10240x16xf32, #tpu.memory_space<hbm>>) target(%dma_start3A_58 : memref<128x16xf32, #tpu.memory_space<vmem>>) offsets(%dma_start3A_61 : memref<128xi32, #tpu.memory_space<vmem>>) semaphore(%arg30 : memref<!tpu.dma_semaphore, #tpu.memory_space<semaphore_mem>>)
    %dma_start3A_65 = arith.constant 1 : i32
    %dma_start3A_66 = arith.constant 128 : i32
    %dma_start3A_67 = arith.constant 0 : i32
    %dma_start3A_68 = tpu.memref_slice %arg12[%dma_start3A_66, %dma_start3A_67] : memref<256x16xf32, #tpu.memory_space<vmem>> -> memref<128x16xf32, #tpu.memory_space<vmem>>
    %dma_start3A_69 = arith.constant 0 : i32
    %dma_start3A_70 = tpu.memref_slice %arg10[%dma_start3A_65, %dma_start3A_69] : memref<80x128xi32, #tpu.memory_space<vmem>> -> memref<1x128xi32, #tpu.memory_space<vmem>>
    %dma_start3A_71 = tpu.memref_squeeze %dma_start3A_70 : memref<1x128xi32, #tpu.memory_space<vmem>> -> memref<128xi32, #tpu.memory_space<vmem>>
    %dma_start3A_72 = arith.constant 0 : i32
    %dma_start3A_73 = arith.constant 0 : i32
    %dma_start3A_74 = tpu.memref_slice %arg5[%dma_start3A_72, %dma_start3A_73] : memref<10240x16xf32, #tpu.memory_space<hbm>> -> memref<10240x16xf32, #tpu.memory_space<hbm>>
    tpu.enqueue_indirect_dma source(%dma_start3A_74 : memref<10240x16xf32, #tpu.memory_space<hbm>>) target(%dma_start3A_68 : memref<128x16xf32, #tpu.memory_space<vmem>>) offsets(%dma_start3A_71 : memref<128xi32, #tpu.memory_space<vmem>>) semaphore(%arg30 : memref<!tpu.dma_semaphore, #tpu.memory_space<semaphore_mem>>)
    %dma_start3A_75 = arith.constant 2 : i32
    %dma_start3A_76 = arith.constant 0 : i32
    %dma_start3A_77 = arith.constant 0 : i32
    %dma_start3A_78 = tpu.memref_slice %arg13[%dma_start3A_76, %dma_start3A_77] : memref<256x16xf32, #tpu.memory_space<vmem>> -> memref<128x16xf32, #tpu.memory_space<vmem>>
    %dma_start3A_79 = arith.constant 0 : i32
    %dma_start3A_80 = tpu.memref_slice %arg9[%dma_start3A_75, %dma_start3A_79] : memref<80x128xi32, #tpu.memory_space<vmem>> -> memref<1x128xi32, #tpu.memory_space<vmem>>
    %dma_start3A_81 = tpu.memref_squeeze %dma_start3A_80 : memref<1x128xi32, #tpu.memory_space<vmem>> -> memref<128xi32, #tpu.memory_space<vmem>>
    %dma_start3A_82 = arith.constant 0 : i32
    %dma_start3A_83 = arith.constant 0 : i32
    %dma_start3A_84 = tpu.memref_slice %arg4[%dma_start3A_82, %dma_start3A_83] : memref<10240x16xf32, #tpu.memory_space<hbm>> -> memref<10240x16xf32, #tpu.memory_space<hbm>>
    tpu.enqueue_indirect_dma source(%dma_start3A_84 : memref<10240x16xf32, #tpu.memory_space<hbm>>) target(%dma_start3A_78 : memref<128x16xf32, #tpu.memory_space<vmem>>) offsets(%dma_start3A_81 : memref<128xi32, #tpu.memory_space<vmem>>) semaphore(%arg31 : memref<!tpu.dma_semaphore, #tpu.memory_space<semaphore_mem>>)
    %dma_start3A_85 = arith.constant 2 : i32
    %dma_start3A_86 = arith.constant 0 : i32
    %dma_start3A_87 = arith.constant 0 : i32
    %dma_start3A_88 = tpu.memref_slice %arg14[%dma_start3A_86, %dma_start3A_87] : memref<256x16xf32, #tpu.memory_space<vmem>> -> memref<128x16xf32, #tpu.memory_space<vmem>>
    %dma_start3A_89 = arith.constant 0 : i32
    %dma_start3A_90 = tpu.memref_slice %arg10[%dma_start3A_85, %dma_start3A_89] : memref<80x128xi32, #tpu.memory_space<vmem>> -> memref<1x128xi32, #tpu.memory_space<vmem>>
    %dma_start3A_91 = tpu.memref_squeeze %dma_start3A_90 : memref<1x128xi32, #tpu.memory_space<vmem>> -> memref<128xi32, #tpu.memory_space<vmem>>
    %dma_start3A_92 = arith.constant 0 : i32
    %dma_start3A_93 = arith.constant 0 : i32
    %dma_start3A_94 = tpu.memref_slice %arg5[%dma_start3A_92, %dma_start3A_93] : memref<10240x16xf32, #tpu.memory_space<hbm>> -> memref<10240x16xf32, #tpu.memory_space<hbm>>
    tpu.enqueue_indirect_dma source(%dma_start3A_94 : memref<10240x16xf32, #tpu.memory_space<hbm>>) target(%dma_start3A_88 : memref<128x16xf32, #tpu.memory_space<vmem>>) offsets(%dma_start3A_91 : memref<128xi32, #tpu.memory_space<vmem>>) semaphore(%arg31 : memref<!tpu.dma_semaphore, #tpu.memory_space<semaphore_mem>>)
    %dma_start3A_95 = arith.constant 3 : i32
    %dma_start3A_96 = arith.constant 128 : i32
    %dma_start3A_97 = arith.constant 0 : i32
    %dma_start3A_98 = tpu.memref_slice %arg13[%dma_start3A_96, %dma_start3A_97] : memref<256x16xf32, #tpu.memory_space<vmem>> -> memref<128x16xf32, #tpu.memory_space<vmem>>
    %dma_start3A_99 = arith.constant 0 : i32
    %dma_start3A_100 = tpu.memref_slice %arg9[%dma_start3A_95, %dma_start3A_99] : memref<80x128xi32, #tpu.memory_space<vmem>> -> memref<1x128xi32, #tpu.memory_space<vmem>>
    %dma_start3A_101 = tpu.memref_squeeze %dma_start3A_100 : memref<1x128xi32, #tpu.memory_space<vmem>> -> memref<128xi32, #tpu.memory_space<vmem>>
    %dma_start3A_102 = arith.constant 0 : i32
    %dma_start3A_103 = arith.constant 0 : i32
    %dma_start3A_104 = tpu.memref_slice %arg4[%dma_start3A_102, %dma_start3A_103] : memref<10240x16xf32, #tpu.memory_space<hbm>> -> memref<10240x16xf32, #tpu.memory_space<hbm>>
    tpu.enqueue_indirect_dma source(%dma_start3A_104 : memref<10240x16xf32, #tpu.memory_space<hbm>>) target(%dma_start3A_98 : memref<128x16xf32, #tpu.memory_space<vmem>>) offsets(%dma_start3A_101 : memref<128xi32, #tpu.memory_space<vmem>>) semaphore(%arg31 : memref<!tpu.dma_semaphore, #tpu.memory_space<semaphore_mem>>)
    %dma_start3A_105 = arith.constant 3 : i32
    %dma_start3A_106 = arith.constant 128 : i32
    %dma_start3A_107 = arith.constant 0 : i32
    %dma_start3A_108 = tpu.memref_slice %arg14[%dma_start3A_106, %dma_start3A_107] : memref<256x16xf32, #tpu.memory_space<vmem>> -> memref<128x16xf32, #tpu.memory_space<vmem>>
    %dma_start3A_109 = arith.constant 0 : i32
    %dma_start3A_110 = tpu.memref_slice %arg10[%dma_start3A_105, %dma_start3A_109] : memref<80x128xi32, #tpu.memory_space<vmem>> -> memref<1x128xi32, #tpu.memory_space<vmem>>
    %dma_start3A_111 = tpu.memref_squeeze %dma_start3A_110 : memref<1x128xi32, #tpu.memory_space<vmem>> -> memref<128xi32, #tpu.memory_space<vmem>>
    %dma_start3A_112 = arith.constant 0 : i32
    %dma_start3A_113 = arith.constant 0 : i32
    %dma_start3A_114 = tpu.memref_slice %arg5[%dma_start3A_112, %dma_start3A_113] : memref<10240x16xf32, #tpu.memory_space<hbm>> -> memref<10240x16xf32, #tpu.memory_space<hbm>>
    tpu.enqueue_indirect_dma source(%dma_start3A_114 : memref<10240x16xf32, #tpu.memory_space<hbm>>) target(%dma_start3A_108 : memref<128x16xf32, #tpu.memory_space<vmem>>) offsets(%dma_start3A_111 : memref<128xi32, #tpu.memory_space<vmem>>) semaphore(%arg31 : memref<!tpu.dma_semaphore, #tpu.memory_space<semaphore_mem>>)
    %dma_start3A_115 = arith.constant 4 : i32
    %dma_start3A_116 = arith.constant 0 : i32
    %dma_start3A_117 = arith.constant 0 : i32
    %dma_start3A_118 = tpu.memref_slice %arg15[%dma_start3A_116, %dma_start3A_117] : memref<256x16xf32, #tpu.memory_space<vmem>> -> memref<128x16xf32, #tpu.memory_space<vmem>>
    %dma_start3A_119 = arith.constant 0 : i32
    %dma_start3A_120 = tpu.memref_slice %arg9[%dma_start3A_115, %dma_start3A_119] : memref<80x128xi32, #tpu.memory_space<vmem>> -> memref<1x128xi32, #tpu.memory_space<vmem>>
    %dma_start3A_121 = tpu.memref_squeeze %dma_start3A_120 : memref<1x128xi32, #tpu.memory_space<vmem>> -> memref<128xi32, #tpu.memory_space<vmem>>
    %dma_start3A_122 = arith.constant 0 : i32
    %dma_start3A_123 = arith.constant 0 : i32
    %dma_start3A_124 = tpu.memref_slice %arg4[%dma_start3A_122, %dma_start3A_123] : memref<10240x16xf32, #tpu.memory_space<hbm>> -> memref<10240x16xf32, #tpu.memory_space<hbm>>
    tpu.enqueue_indirect_dma source(%dma_start3A_124 : memref<10240x16xf32, #tpu.memory_space<hbm>>) target(%dma_start3A_118 : memref<128x16xf32, #tpu.memory_space<vmem>>) offsets(%dma_start3A_121 : memref<128xi32, #tpu.memory_space<vmem>>) semaphore(%arg32 : memref<!tpu.dma_semaphore, #tpu.memory_space<semaphore_mem>>)
    %dma_start3A_125 = arith.constant 4 : i32
    %dma_start3A_126 = arith.constant 0 : i32
    %dma_start3A_127 = arith.constant 0 : i32
    %dma_start3A_128 = tpu.memref_slice %arg16[%dma_start3A_126, %dma_start3A_127] : memref<256x16xf32, #tpu.memory_space<vmem>> -> memref<128x16xf32, #tpu.memory_space<vmem>>
    %dma_start3A_129 = arith.constant 0 : i32
    %dma_start3A_130 = tpu.memref_slice %arg10[%dma_start3A_125, %dma_start3A_129] : memref<80x128xi32, #tpu.memory_space<vmem>> -> memref<1x128xi32, #tpu.memory_space<vmem>>
    %dma_start3A_131 = tpu.memref_squeeze %dma_start3A_130 : memref<1x128xi32, #tpu.memory_space<vmem>> -> memref<128xi32, #tpu.memory_space<vmem>>
    %dma_start3A_132 = arith.constant 0 : i32
    %dma_start3A_133 = arith.constant 0 : i32
    %dma_start3A_134 = tpu.memref_slice %arg5[%dma_start3A_132, %dma_start3A_133] : memref<10240x16xf32, #tpu.memory_space<hbm>> -> memref<10240x16xf32, #tpu.memory_space<hbm>>
    tpu.enqueue_indirect_dma source(%dma_start3A_134 : memref<10240x16xf32, #tpu.memory_space<hbm>>) target(%dma_start3A_128 : memref<128x16xf32, #tpu.memory_space<vmem>>) offsets(%dma_start3A_131 : memref<128xi32, #tpu.memory_space<vmem>>) semaphore(%arg32 : memref<!tpu.dma_semaphore, #tpu.memory_space<semaphore_mem>>)
    %dma_start3A_135 = arith.constant 5 : i32
    %dma_start3A_136 = arith.constant 128 : i32
    %dma_start3A_137 = arith.constant 0 : i32
    %dma_start3A_138 = tpu.memref_slice %arg15[%dma_start3A_136, %dma_start3A_137] : memref<256x16xf32, #tpu.memory_space<vmem>> -> memref<128x16xf32, #tpu.memory_space<vmem>>
    %dma_start3A_139 = arith.constant 0 : i32
    %dma_start3A_140 = tpu.memref_slice %arg9[%dma_start3A_135, %dma_start3A_139] : memref<80x128xi32, #tpu.memory_space<vmem>> -> memref<1x128xi32, #tpu.memory_space<vmem>>
    %dma_start3A_141 = tpu.memref_squeeze %dma_start3A_140 : memref<1x128xi32, #tpu.memory_space<vmem>> -> memref<128xi32, #tpu.memory_space<vmem>>
    %dma_start3A_142 = arith.constant 0 : i32
    %dma_start3A_143 = arith.constant 0 : i32
    %dma_start3A_144 = tpu.memref_slice %arg4[%dma_start3A_142, %dma_start3A_143] : memref<10240x16xf32, #tpu.memory_space<hbm>> -> memref<10240x16xf32, #tpu.memory_space<hbm>>
    tpu.enqueue_indirect_dma source(%dma_start3A_144 : memref<10240x16xf32, #tpu.memory_space<hbm>>) target(%dma_start3A_138 : memref<128x16xf32, #tpu.memory_space<vmem>>) offsets(%dma_start3A_141 : memref<128xi32, #tpu.memory_space<vmem>>) semaphore(%arg32 : memref<!tpu.dma_semaphore, #tpu.memory_space<semaphore_mem>>)
    %dma_start3A_145 = arith.constant 5 : i32
    %dma_start3A_146 = arith.constant 128 : i32
    %dma_start3A_147 = arith.constant 0 : i32
    %dma_start3A_148 = tpu.memref_slice %arg16[%dma_start3A_146, %dma_start3A_147] : memref<256x16xf32, #tpu.memory_space<vmem>> -> memref<128x16xf32, #tpu.memory_space<vmem>>
    %dma_start3A_149 = arith.constant 0 : i32
    %dma_start3A_150 = tpu.memref_slice %arg10[%dma_start3A_145, %dma_start3A_149] : memref<80x128xi32, #tpu.memory_space<vmem>> -> memref<1x128xi32, #tpu.memory_space<vmem>>
    %dma_start3A_151 = tpu.memref_squeeze %dma_start3A_150 : memref<1x128xi32, #tpu.memory_space<vmem>> -> memref<128xi32, #tpu.memory_space<vmem>>
    %dma_start3A_152 = arith.constant 0 : i32
    %dma_start3A_153 = arith.constant 0 : i32
    %dma_start3A_154 = tpu.memref_slice %arg5[%dma_start3A_152, %dma_start3A_153] : memref<10240x16xf32, #tpu.memory_space<hbm>> -> memref<10240x16xf32, #tpu.memory_space<hbm>>
    tpu.enqueue_indirect_dma source(%dma_start3A_154 : memref<10240x16xf32, #tpu.memory_space<hbm>>) target(%dma_start3A_148 : memref<128x16xf32, #tpu.memory_space<vmem>>) offsets(%dma_start3A_151 : memref<128xi32, #tpu.memory_space<vmem>>) semaphore(%arg32 : memref<!tpu.dma_semaphore, #tpu.memory_space<semaphore_mem>>)
    %scan3A_155 = arith.constant 0 : i32
    %scan3A_156 = arith.constant 0 : i32
    %scan3A_157 = arith.constant 10 : i32
    %scan3A_158 = arith.addi %scan3A_156, %scan3A_157 : i32
    %scan3A_159 = arith.constant 1 : i32
    scf.for %scan3A_322 = %scan3A_156 to %scan3A_158 step %scan3A_159  : i32 {
      %mul3A_323 = arith.constant 4 : i32
      %mul3A_324 = arith.muli %scan3A_322, %mul3A_323 : i32
      %add3A_325 = arith.constant 0 : i32
      %add3A_326 = arith.addi %mul3A_324, %add3A_325 : i32
      %dma_wait3A_327 = arith.constant 0 : i32
      %dma_wait3A_328 = arith.constant 0 : i32
      %dma_wait3A_329 = arith.constant 0 : i32
      %dma_wait3A_330 = tpu.memref_slice %arg11[%dma_wait3A_328, %dma_wait3A_329] : memref<256x16xf32, #tpu.memory_space<vmem>> -> memref<128x16xf32, #tpu.memory_space<vmem>>
      %dma_wait3A_331 = arith.constant 0 : i32
      %dma_wait3A_332 = tpu.memref_slice %arg9[%dma_wait3A_327, %dma_wait3A_331] : memref<80x128xi32, #tpu.memory_space<vmem>> -> memref<1x128xi32, #tpu.memory_space<vmem>>
      %dma_wait3A_333 = tpu.memref_squeeze %dma_wait3A_332 : memref<1x128xi32, #tpu.memory_space<vmem>> -> memref<128xi32, #tpu.memory_space<vmem>>
      %dma_wait3A_334 = arith.constant 0 : i32
      %dma_wait3A_335 = arith.constant 0 : i32
      %dma_wait3A_336 = tpu.memref_slice %arg4[%dma_wait3A_334, %dma_wait3A_335] : memref<10240x16xf32, #tpu.memory_space<hbm>> -> memref<10240x16xf32, #tpu.memory_space<hbm>>
      tpu.wait_indirect_dma semaphore(%arg30 : memref<!tpu.dma_semaphore, #tpu.memory_space<semaphore_mem>>) src(%dma_wait3A_336 : memref<10240x16xf32, #tpu.memory_space<hbm>>) dst(%dma_wait3A_330 : memref<128x16xf32, #tpu.memory_space<vmem>>)
      %dma_wait3A_337 = arith.constant 0 : i32
      %dma_wait3A_338 = arith.constant 0 : i32
      %dma_wait3A_339 = arith.constant 0 : i32
      %dma_wait3A_340 = tpu.memref_slice %arg12[%dma_wait3A_338, %dma_wait3A_339] : memref<256x16xf32, #tpu.memory_space<vmem>> -> memref<128x16xf32, #tpu.memory_space<vmem>>
      %dma_wait3A_341 = arith.constant 0 : i32
      %dma_wait3A_342 = tpu.memref_slice %arg10[%dma_wait3A_337, %dma_wait3A_341] : memref<80x128xi32, #tpu.memory_space<vmem>> -> memref<1x128xi32, #tpu.memory_space<vmem>>
      %dma_wait3A_343 = tpu.memref_squeeze %dma_wait3A_342 : memref<1x128xi32, #tpu.memory_space<vmem>> -> memref<128xi32, #tpu.memory_space<vmem>>
      %dma_wait3A_344 = arith.constant 0 : i32
      %dma_wait3A_345 = arith.constant 0 : i32
      %dma_wait3A_346 = tpu.memref_slice %arg5[%dma_wait3A_344, %dma_wait3A_345] : memref<10240x16xf32, #tpu.memory_space<hbm>> -> memref<10240x16xf32, #tpu.memory_space<hbm>>
      tpu.wait_indirect_dma semaphore(%arg30 : memref<!tpu.dma_semaphore, #tpu.memory_space<semaphore_mem>>) src(%dma_wait3A_346 : memref<10240x16xf32, #tpu.memory_space<hbm>>) dst(%dma_wait3A_340 : memref<128x16xf32, #tpu.memory_space<vmem>>)
      %dma_wait3A_347 = arith.constant 0 : i32
      %dma_wait3A_348 = arith.constant 128 : i32
      %dma_wait3A_349 = arith.constant 0 : i32
      %dma_wait3A_350 = tpu.memref_slice %arg11[%dma_wait3A_348, %dma_wait3A_349] : memref<256x16xf32, #tpu.memory_space<vmem>> -> memref<128x16xf32, #tpu.memory_space<vmem>>
      %dma_wait3A_351 = arith.constant 0 : i32
      %dma_wait3A_352 = tpu.memref_slice %arg9[%dma_wait3A_347, %dma_wait3A_351] : memref<80x128xi32, #tpu.memory_space<vmem>> -> memref<1x128xi32, #tpu.memory_space<vmem>>
      %dma_wait3A_353 = tpu.memref_squeeze %dma_wait3A_352 : memref<1x128xi32, #tpu.memory_space<vmem>> -> memref<128xi32, #tpu.memory_space<vmem>>
      %dma_wait3A_354 = arith.constant 0 : i32
      %dma_wait3A_355 = arith.constant 0 : i32
      %dma_wait3A_356 = tpu.memref_slice %arg4[%dma_wait3A_354, %dma_wait3A_355] : memref<10240x16xf32, #tpu.memory_space<hbm>> -> memref<10240x16xf32, #tpu.memory_space<hbm>>
      tpu.wait_indirect_dma semaphore(%arg30 : memref<!tpu.dma_semaphore, #tpu.memory_space<semaphore_mem>>) src(%dma_wait3A_356 : memref<10240x16xf32, #tpu.memory_space<hbm>>) dst(%dma_wait3A_350 : memref<128x16xf32, #tpu.memory_space<vmem>>)
      %dma_wait3A_357 = arith.constant 0 : i32
      %dma_wait3A_358 = arith.constant 128 : i32
      %dma_wait3A_359 = arith.constant 0 : i32
      %dma_wait3A_360 = tpu.memref_slice %arg12[%dma_wait3A_358, %dma_wait3A_359] : memref<256x16xf32, #tpu.memory_space<vmem>> -> memref<128x16xf32, #tpu.memory_space<vmem>>
      %dma_wait3A_361 = arith.constant 0 : i32
      %dma_wait3A_362 = tpu.memref_slice %arg10[%dma_wait3A_357, %dma_wait3A_361] : memref<80x128xi32, #tpu.memory_space<vmem>> -> memref<1x128xi32, #tpu.memory_space<vmem>>
      %dma_wait3A_363 = tpu.memref_squeeze %dma_wait3A_362 : memref<1x128xi32, #tpu.memory_space<vmem>> -> memref<128xi32, #tpu.memory_space<vmem>>
      %dma_wait3A_364 = arith.constant 0 : i32
      %dma_wait3A_365 = arith.constant 0 : i32
      %dma_wait3A_366 = tpu.memref_slice %arg5[%dma_wait3A_364, %dma_wait3A_365] : memref<10240x16xf32, #tpu.memory_space<hbm>> -> memref<10240x16xf32, #tpu.memory_space<hbm>>
      tpu.wait_indirect_dma semaphore(%arg30 : memref<!tpu.dma_semaphore, #tpu.memory_space<semaphore_mem>>) src(%dma_wait3A_366 : memref<10240x16xf32, #tpu.memory_space<hbm>>) dst(%dma_wait3A_360 : memref<128x16xf32, #tpu.memory_space<vmem>>)
      %gt3A = arith.constant 0 : i32
      %gt3A_367 = arith.cmpi sgt, %scan3A_322, %gt3A : i32
      %convert_element_type3A = arith.extui %gt3A_367 : i1 to i32
      %cond3A = arith.constant 0 : i32
      %cond3A_368 = arith.cmpi ne, %convert_element_type3A, %cond3A : i32
      scf.if %cond3A_368 {
        %dma_wait3A_769 = arith.constant 0 : i32
        %dma_wait3A_770 = arith.constant 0 : i32
        %dma_wait3A_771 = arith.constant 0 : i32
        %dma_wait3A_772 = tpu.memref_slice %arg19[%dma_wait3A_770, %dma_wait3A_771] : memref<256x16xf32, #tpu.memory_space<vmem>> -> memref<128x16xf32, #tpu.memory_space<vmem>>
        %dma_wait3A_773 = arith.constant 0 : i32
        %dma_wait3A_774 = tpu.memref_slice %arg10[%dma_wait3A_769, %dma_wait3A_773] : memref<80x128xi32, #tpu.memory_space<vmem>> -> memref<1x128xi32, #tpu.memory_space<vmem>>
        %dma_wait3A_775 = tpu.memref_squeeze %dma_wait3A_774 : memref<1x128xi32, #tpu.memory_space<vmem>> -> memref<128xi32, #tpu.memory_space<vmem>>
        %dma_wait3A_776 = arith.constant 0 : i32
        %dma_wait3A_777 = arith.constant 0 : i32
        %dma_wait3A_778 = tpu.memref_slice %arg28[%dma_wait3A_776, %dma_wait3A_777] : memref<10240x16xf32, #tpu.memory_space<vmem_shared>> -> memref<10240x16xf32, #tpu.memory_space<vmem_shared>>
        tpu.wait_indirect_dma semaphore(%arg34 : memref<!tpu.dma_semaphore, #tpu.memory_space<semaphore_mem>>) src(%dma_wait3A_772 : memref<128x16xf32, #tpu.memory_space<vmem>>) dst(%dma_wait3A_778 : memref<10240x16xf32, #tpu.memory_space<vmem_shared>>)
        %dma_wait3A_779 = arith.constant 0 : i32
        %dma_wait3A_780 = arith.constant 0 : i32
        %dma_wait3A_781 = arith.constant 0 : i32
        %dma_wait3A_782 = tpu.memref_slice %arg20[%dma_wait3A_780, %dma_wait3A_781] : memref<256x16xf32, #tpu.memory_space<vmem>> -> memref<128x16xf32, #tpu.memory_space<vmem>>
        %dma_wait3A_783 = arith.constant 0 : i32
        %dma_wait3A_784 = tpu.memref_slice %arg10[%dma_wait3A_779, %dma_wait3A_783] : memref<80x128xi32, #tpu.memory_space<vmem>> -> memref<1x128xi32, #tpu.memory_space<vmem>>
        %dma_wait3A_785 = tpu.memref_squeeze %dma_wait3A_784 : memref<1x128xi32, #tpu.memory_space<vmem>> -> memref<128xi32, #tpu.memory_space<vmem>>
        %dma_wait3A_786 = arith.constant 0 : i32
        %dma_wait3A_787 = arith.constant 0 : i32
        %dma_wait3A_788 = tpu.memref_slice %arg29[%dma_wait3A_786, %dma_wait3A_787] : memref<10240x16xf32, #tpu.memory_space<vmem_shared>> -> memref<10240x16xf32, #tpu.memory_space<vmem_shared>>
        tpu.wait_indirect_dma semaphore(%arg34 : memref<!tpu.dma_semaphore, #tpu.memory_space<semaphore_mem>>) src(%dma_wait3A_782 : memref<128x16xf32, #tpu.memory_space<vmem>>) dst(%dma_wait3A_788 : memref<10240x16xf32, #tpu.memory_space<vmem_shared>>)
        %dma_wait3A_789 = arith.constant 0 : i32
        %dma_wait3A_790 = arith.constant 128 : i32
        %dma_wait3A_791 = arith.constant 0 : i32
        %dma_wait3A_792 = tpu.memref_slice %arg19[%dma_wait3A_790, %dma_wait3A_791] : memref<256x16xf32, #tpu.memory_space<vmem>> -> memref<128x16xf32, #tpu.memory_space<vmem>>
        %dma_wait3A_793 = arith.constant 0 : i32
        %dma_wait3A_794 = tpu.memref_slice %arg10[%dma_wait3A_789, %dma_wait3A_793] : memref<80x128xi32, #tpu.memory_space<vmem>> -> memref<1x128xi32, #tpu.memory_space<vmem>>
        %dma_wait3A_795 = tpu.memref_squeeze %dma_wait3A_794 : memref<1x128xi32, #tpu.memory_space<vmem>> -> memref<128xi32, #tpu.memory_space<vmem>>
        %dma_wait3A_796 = arith.constant 0 : i32
        %dma_wait3A_797 = arith.constant 0 : i32
        %dma_wait3A_798 = tpu.memref_slice %arg28[%dma_wait3A_796, %dma_wait3A_797] : memref<10240x16xf32, #tpu.memory_space<vmem_shared>> -> memref<10240x16xf32, #tpu.memory_space<vmem_shared>>
        tpu.wait_indirect_dma semaphore(%arg34 : memref<!tpu.dma_semaphore, #tpu.memory_space<semaphore_mem>>) src(%dma_wait3A_792 : memref<128x16xf32, #tpu.memory_space<vmem>>) dst(%dma_wait3A_798 : memref<10240x16xf32, #tpu.memory_space<vmem_shared>>)
        %dma_wait3A_799 = arith.constant 0 : i32
        %dma_wait3A_800 = arith.constant 128 : i32
        %dma_wait3A_801 = arith.constant 0 : i32
        %dma_wait3A_802 = tpu.memref_slice %arg20[%dma_wait3A_800, %dma_wait3A_801] : memref<256x16xf32, #tpu.memory_space<vmem>> -> memref<128x16xf32, #tpu.memory_space<vmem>>
        %dma_wait3A_803 = arith.constant 0 : i32
        %dma_wait3A_804 = tpu.memref_slice %arg10[%dma_wait3A_799, %dma_wait3A_803] : memref<80x128xi32, #tpu.memory_space<vmem>> -> memref<1x128xi32, #tpu.memory_space<vmem>>
        %dma_wait3A_805 = tpu.memref_squeeze %dma_wait3A_804 : memref<1x128xi32, #tpu.memory_space<vmem>> -> memref<128xi32, #tpu.memory_space<vmem>>
        %dma_wait3A_806 = arith.constant 0 : i32
        %dma_wait3A_807 = arith.constant 0 : i32
        %dma_wait3A_808 = tpu.memref_slice %arg29[%dma_wait3A_806, %dma_wait3A_807] : memref<10240x16xf32, #tpu.memory_space<vmem_shared>> -> memref<10240x16xf32, #tpu.memory_space<vmem_shared>>
        tpu.wait_indirect_dma semaphore(%arg34 : memref<!tpu.dma_semaphore, #tpu.memory_space<semaphore_mem>>) src(%dma_wait3A_802 : memref<128x16xf32, #tpu.memory_space<vmem>>) dst(%dma_wait3A_808 : memref<10240x16xf32, #tpu.memory_space<vmem_shared>>)
      } else {
      }
      %add3A_369 = arith.constant 4 : i32
      %add3A_370 = arith.addi %add3A_326, %add3A_369 : i32
      %sub3A = arith.constant 1 : i32
      %sub3A_371 = arith.subi %add3A_370, %sub3A : i32
      %lt3A = arith.constant 40 : i32
      %lt3A_372 = arith.cmpi slt, %sub3A_371, %lt3A : i32
      %convert_element_type3A_373 = arith.extui %lt3A_372 : i1 to i32
      %cond3A_374 = arith.constant 0 : i32
      %cond3A_375 = arith.cmpi ne, %convert_element_type3A_373, %cond3A_374 : i32
      scf.if %cond3A_375 {
        %add3A_769 = arith.constant 4 : i32
        %add3A_770 = arith.addi %add3A_326, %add3A_769 : i32
        %sub3A_771 = arith.constant 1 : i32
        %sub3A_772 = arith.subi %add3A_770, %sub3A_771 : i32
        %mul3A_773 = arith.constant 2 : i32
        %mul3A_774 = arith.muli %sub3A_772, %mul3A_773 : i32
        %add3A_775 = arith.constant 0 : i32
        %add3A_776 = arith.addi %mul3A_774, %add3A_775 : i32
        %dma_start3A_777 = arith.constant 0 : i32
        %dma_start3A_778 = arith.constant 0 : i32
        %dma_start3A_779 = tpu.memref_slice %arg17[%dma_start3A_777, %dma_start3A_778] : memref<256x16xf32, #tpu.memory_space<vmem>> -> memref<128x16xf32, #tpu.memory_space<vmem>>
        %dma_start3A_780 = arith.constant 0 : i32
        %dma_start3A_781 = tpu.memref_slice %arg9[%add3A_776, %dma_start3A_780] : memref<80x128xi32, #tpu.memory_space<vmem>> -> memref<1x128xi32, #tpu.memory_space<vmem>>
        %dma_start3A_782 = tpu.memref_squeeze %dma_start3A_781 : memref<1x128xi32, #tpu.memory_space<vmem>> -> memref<128xi32, #tpu.memory_space<vmem>>
        %dma_start3A_783 = arith.constant 0 : i32
        %dma_start3A_784 = arith.constant 0 : i32
        %dma_start3A_785 = tpu.memref_slice %arg4[%dma_start3A_783, %dma_start3A_784] : memref<10240x16xf32, #tpu.memory_space<hbm>> -> memref<10240x16xf32, #tpu.memory_space<hbm>>
        tpu.enqueue_indirect_dma source(%dma_start3A_785 : memref<10240x16xf32, #tpu.memory_space<hbm>>) target(%dma_start3A_779 : memref<128x16xf32, #tpu.memory_space<vmem>>) offsets(%dma_start3A_782 : memref<128xi32, #tpu.memory_space<vmem>>) semaphore(%arg33 : memref<!tpu.dma_semaphore, #tpu.memory_space<semaphore_mem>>)
        %mul3A_786 = arith.constant 2 : i32
        %mul3A_787 = arith.muli %sub3A_772, %mul3A_786 : i32
        %add3A_788 = arith.constant 0 : i32
        %add3A_789 = arith.addi %mul3A_787, %add3A_788 : i32
        %dma_start3A_790 = arith.constant 0 : i32
        %dma_start3A_791 = arith.constant 0 : i32
        %dma_start3A_792 = tpu.memref_slice %arg18[%dma_start3A_790, %dma_start3A_791] : memref<256x16xf32, #tpu.memory_space<vmem>> -> memref<128x16xf32, #tpu.memory_space<vmem>>
        %dma_start3A_793 = arith.constant 0 : i32
        %dma_start3A_794 = tpu.memref_slice %arg10[%add3A_789, %dma_start3A_793] : memref<80x128xi32, #tpu.memory_space<vmem>> -> memref<1x128xi32, #tpu.memory_space<vmem>>
        %dma_start3A_795 = tpu.memref_squeeze %dma_start3A_794 : memref<1x128xi32, #tpu.memory_space<vmem>> -> memref<128xi32, #tpu.memory_space<vmem>>
        %dma_start3A_796 = arith.constant 0 : i32
        %dma_start3A_797 = arith.constant 0 : i32
        %dma_start3A_798 = tpu.memref_slice %arg5[%dma_start3A_796, %dma_start3A_797] : memref<10240x16xf32, #tpu.memory_space<hbm>> -> memref<10240x16xf32, #tpu.memory_space<hbm>>
        tpu.enqueue_indirect_dma source(%dma_start3A_798 : memref<10240x16xf32, #tpu.memory_space<hbm>>) target(%dma_start3A_792 : memref<128x16xf32, #tpu.memory_space<vmem>>) offsets(%dma_start3A_795 : memref<128xi32, #tpu.memory_space<vmem>>) semaphore(%arg33 : memref<!tpu.dma_semaphore, #tpu.memory_space<semaphore_mem>>)
        %mul3A_799 = arith.constant 2 : i32
        %mul3A_800 = arith.muli %sub3A_772, %mul3A_799 : i32
        %add3A_801 = arith.constant 1 : i32
        %add3A_802 = arith.addi %mul3A_800, %add3A_801 : i32
        %dma_start3A_803 = arith.constant 128 : i32
        %dma_start3A_804 = arith.constant 0 : i32
        %dma_start3A_805 = tpu.memref_slice %arg17[%dma_start3A_803, %dma_start3A_804] : memref<256x16xf32, #tpu.memory_space<vmem>> -> memref<128x16xf32, #tpu.memory_space<vmem>>
        %dma_start3A_806 = arith.constant 0 : i32
        %dma_start3A_807 = tpu.memref_slice %arg9[%add3A_802, %dma_start3A_806] : memref<80x128xi32, #tpu.memory_space<vmem>> -> memref<1x128xi32, #tpu.memory_space<vmem>>
        %dma_start3A_808 = tpu.memref_squeeze %dma_start3A_807 : memref<1x128xi32, #tpu.memory_space<vmem>> -> memref<128xi32, #tpu.memory_space<vmem>>
        %dma_start3A_809 = arith.constant 0 : i32
        %dma_start3A_810 = arith.constant 0 : i32
        %dma_start3A_811 = tpu.memref_slice %arg4[%dma_start3A_809, %dma_start3A_810] : memref<10240x16xf32, #tpu.memory_space<hbm>> -> memref<10240x16xf32, #tpu.memory_space<hbm>>
        tpu.enqueue_indirect_dma source(%dma_start3A_811 : memref<10240x16xf32, #tpu.memory_space<hbm>>) target(%dma_start3A_805 : memref<128x16xf32, #tpu.memory_space<vmem>>) offsets(%dma_start3A_808 : memref<128xi32, #tpu.memory_space<vmem>>) semaphore(%arg33 : memref<!tpu.dma_semaphore, #tpu.memory_space<semaphore_mem>>)
        %mul3A_812 = arith.constant 2 : i32
        %mul3A_813 = arith.muli %sub3A_772, %mul3A_812 : i32
        %add3A_814 = arith.constant 1 : i32
        %add3A_815 = arith.addi %mul3A_813, %add3A_814 : i32
        %dma_start3A_816 = arith.constant 128 : i32
        %dma_start3A_817 = arith.constant 0 : i32
        %dma_start3A_818 = tpu.memref_slice %arg18[%dma_start3A_816, %dma_start3A_817] : memref<256x16xf32, #tpu.memory_space<vmem>> -> memref<128x16xf32, #tpu.memory_space<vmem>>
        %dma_start3A_819 = arith.constant 0 : i32
        %dma_start3A_820 = tpu.memref_slice %arg10[%add3A_815, %dma_start3A_819] : memref<80x128xi32, #tpu.memory_space<vmem>> -> memref<1x128xi32, #tpu.memory_space<vmem>>
        %dma_start3A_821 = tpu.memref_squeeze %dma_start3A_820 : memref<1x128xi32, #tpu.memory_space<vmem>> -> memref<128xi32, #tpu.memory_space<vmem>>
        %dma_start3A_822 = arith.constant 0 : i32
        %dma_start3A_823 = arith.constant 0 : i32
        %dma_start3A_824 = tpu.memref_slice %arg5[%dma_start3A_822, %dma_start3A_823] : memref<10240x16xf32, #tpu.memory_space<hbm>> -> memref<10240x16xf32, #tpu.memory_space<hbm>>
        tpu.enqueue_indirect_dma source(%dma_start3A_824 : memref<10240x16xf32, #tpu.memory_space<hbm>>) target(%dma_start3A_818 : memref<128x16xf32, #tpu.memory_space<vmem>>) offsets(%dma_start3A_821 : memref<128xi32, #tpu.memory_space<vmem>>) semaphore(%arg33 : memref<!tpu.dma_semaphore, #tpu.memory_space<semaphore_mem>>)
      } else {
      }
      %parallel_loop3A = arith.constant 0 : i32
      %parallel_loop3A_376 = arith.constant 256 : i32
      %parallel_loop3A_377 = arith.constant 1 : i32
      scf.for %parallel_loop3A_769 = %parallel_loop3A to %parallel_loop3A_376 step %parallel_loop3A_377  : i32 {
        %parallel_loop3A_770 = arith.index_cast %parallel_loop3A_769 : i32 to index
        %parallel_loop3A_771 = arith.constant 0 : index
        %parallel_loop3A_772 = tpu.vector_load %arg11[%parallel_loop3A_770, %parallel_loop3A_771] {strides = array<i32>} : memref<256x16xf32, #tpu.memory_space<vmem>>, vector<1x16xf32>,
        %parallel_loop3A_773 = vector.shape_cast %parallel_loop3A_772 : vector<1x16xf32> to vector<16xf32>
        %parallel_loop3A_774 = arith.index_cast %parallel_loop3A_769 : i32 to index
        %parallel_loop3A_775 = arith.constant 0 : index
        %parallel_loop3A_776 = tpu.vector_load %arg12[%parallel_loop3A_774, %parallel_loop3A_775] {strides = array<i32>} : memref<256x16xf32, #tpu.memory_space<vmem>>, vector<1x16xf32>,
        %parallel_loop3A_777 = vector.shape_cast %parallel_loop3A_776 : vector<1x16xf32> to vector<16xf32>
        %parallel_loop3A_778 = arith.addf %parallel_loop3A_773, %parallel_loop3A_777 : vector<16xf32>
        %parallel_loop3A_779 = arith.constant 0.000000e+00 : f32
        %parallel_loop3A_780 = vector.broadcast %parallel_loop3A_779 : f32 to vector<16xf32>
        %parallel_loop3A_781 = arith.cmpf ogt, %parallel_loop3A_778, %parallel_loop3A_780 : vector<16xf32>
        %parallel_loop3A_782 = arith.mulf %parallel_loop3A_778, %get3A_18 : vector<16xf32>
        %parallel_loop3A_783 = arith.mulf %parallel_loop3A_778, %mul3A_21 : vector<16xf32>
        %parallel_loop3A_784 = arith.select %parallel_loop3A_781, %parallel_loop3A_782, %parallel_loop3A_783 : vector<16xi1>, vector<16xf32>
        %parallel_loop3A_785 = vector.shape_cast %xor3A_23 : vector<16xi32> to vector<16x1xi32>
        %parallel_loop3A_786 = vector.shape_cast %parallel_loop3A_785 : vector<16x1xi32> to vector<16xi32>
        %parallel_loop3A_787 = tpu.dynamic_gather %parallel_loop3A_784[%parallel_loop3A_786] in [0] : vector<16xf32>, vector<16xi32> -> vector<16xf32>
        %parallel_loop3A_788 = arith.addf %parallel_loop3A_784, %parallel_loop3A_787 : vector<16xf32>
        %parallel_loop3A_789 = vector.shape_cast %xor3A_27 : vector<16xi32> to vector<16x1xi32>
        %parallel_loop3A_790 = vector.shape_cast %parallel_loop3A_789 : vector<16x1xi32> to vector<16xi32>
        %parallel_loop3A_791 = tpu.dynamic_gather %parallel_loop3A_788[%parallel_loop3A_790] in [0] : vector<16xf32>, vector<16xi32> -> vector<16xf32>
        %parallel_loop3A_792 = arith.addf %parallel_loop3A_788, %parallel_loop3A_791 : vector<16xf32>
        %parallel_loop3A_793 = vector.shape_cast %xor3A_31 : vector<16xi32> to vector<16x1xi32>
        %parallel_loop3A_794 = vector.shape_cast %parallel_loop3A_793 : vector<16x1xi32> to vector<16xi32>
        %parallel_loop3A_795 = tpu.dynamic_gather %parallel_loop3A_792[%parallel_loop3A_794] in [0] : vector<16xf32>, vector<16xi32> -> vector<16xf32>
        %parallel_loop3A_796 = arith.addf %parallel_loop3A_792, %parallel_loop3A_795 : vector<16xf32>
        %parallel_loop3A_797 = vector.shape_cast %xor3A_35 : vector<16xi32> to vector<16x1xi32>
        %parallel_loop3A_798 = vector.shape_cast %parallel_loop3A_797 : vector<16x1xi32> to vector<16xi32>
        %parallel_loop3A_799 = tpu.dynamic_gather %parallel_loop3A_796[%parallel_loop3A_798] in [0] : vector<16xf32>, vector<16xi32> -> vector<16xf32>
        %parallel_loop3A_800 = arith.addf %parallel_loop3A_796, %parallel_loop3A_799 : vector<16xf32>
        %parallel_loop3A_801 = math.exp %parallel_loop3A_800 : vector<16xf32>
        %parallel_loop3A_802 = arith.index_cast %parallel_loop3A_769 : i32 to index
        %parallel_loop3A_803 = arith.constant 0 : index
        %parallel_loop3A_804 = tpu.vector_load %arg19[%parallel_loop3A_802, %parallel_loop3A_803] {strides = array<i32>} : memref<256x16xf32, #tpu.memory_space<vmem>>, vector<1x16xf32>,
        %parallel_loop3A_805 = vector.shape_cast %parallel_loop3A_804 : vector<1x16xf32> to vector<16xf32>
        %parallel_loop3A_806 = vector.shape_cast %parallel_loop3A_801 : vector<16xf32> to vector<1x16xf32>
        tpu.vector_store %arg19[%parallel_loop3A_802, %parallel_loop3A_803], %parallel_loop3A_806 {strides = array<i32>} : memref<256x16xf32, #tpu.memory_space<vmem>>, vector<1x16xf32>,
        %parallel_loop3A_807 = arith.mulf %parallel_loop3A_801, %parallel_loop3A_773 : vector<16xf32>
        %parallel_loop3A_808 = arith.index_cast %parallel_loop3A_769 : i32 to index
        %parallel_loop3A_809 = arith.constant 0 : index
        %parallel_loop3A_810 = tpu.vector_load %arg20[%parallel_loop3A_808, %parallel_loop3A_809] {strides = array<i32>} : memref<256x16xf32, #tpu.memory_space<vmem>>, vector<1x16xf32>,
        %parallel_loop3A_811 = vector.shape_cast %parallel_loop3A_810 : vector<1x16xf32> to vector<16xf32>
        %parallel_loop3A_812 = vector.shape_cast %parallel_loop3A_807 : vector<16xf32> to vector<1x16xf32>
        tpu.vector_store %arg20[%parallel_loop3A_808, %parallel_loop3A_809], %parallel_loop3A_812 {strides = array<i32>} : memref<256x16xf32, #tpu.memory_space<vmem>>, vector<1x16xf32>,
      } {sc.loop_unroll_factor = 4 : i64, sc.parallel_access}
      %mul3A_378 = arith.constant 2 : i32
      %mul3A_379 = arith.muli %add3A_326, %mul3A_378 : i32
      %add3A_380 = arith.constant 0 : i32
      %add3A_381 = arith.addi %mul3A_379, %add3A_380 : i32
      %dma_start3A_382 = arith.constant 0 : i32
      %dma_start3A_383 = arith.constant 0 : i32
      %dma_start3A_384 = tpu.memref_slice %arg19[%dma_start3A_382, %dma_start3A_383] : memref<256x16xf32, #tpu.memory_space<vmem>> -> memref<128x16xf32, #tpu.memory_space<vmem>>
      %dma_start3A_385 = arith.constant 0 : i32
      %dma_start3A_386 = tpu.memref_slice %arg10[%add3A_381, %dma_start3A_385] : memref<80x128xi32, #tpu.memory_space<vmem>> -> memref<1x128xi32, #tpu.memory_space<vmem>>
      %dma_start3A_387 = tpu.memref_squeeze %dma_start3A_386 : memref<1x128xi32, #tpu.memory_space<vmem>> -> memref<128xi32, #tpu.memory_space<vmem>>
      %dma_start3A_388 = arith.constant 0 : i32
      %dma_start3A_389 = arith.constant 0 : i32
      %dma_start3A_390 = tpu.memref_slice %arg28[%dma_start3A_388, %dma_start3A_389] : memref<10240x16xf32, #tpu.memory_space<vmem_shared>> -> memref<10240x16xf32, #tpu.memory_space<vmem_shared>>
      tpu.enqueue_indirect_dma source(%dma_start3A_384 : memref<128x16xf32, #tpu.memory_space<vmem>>) target(%dma_start3A_390 : memref<10240x16xf32, #tpu.memory_space<vmem_shared>>) offsets(%dma_start3A_387 : memref<128xi32, #tpu.memory_space<vmem>>) semaphore(%arg34 : memref<!tpu.dma_semaphore, #tpu.memory_space<semaphore_mem>>) {add = true}
      %mul3A_391 = arith.constant 2 : i32
      %mul3A_392 = arith.muli %add3A_326, %mul3A_391 : i32
      %add3A_393 = arith.constant 0 : i32
      %add3A_394 = arith.addi %mul3A_392, %add3A_393 : i32
      %dma_start3A_395 = arith.constant 0 : i32
      %dma_start3A_396 = arith.constant 0 : i32
      %dma_start3A_397 = tpu.memref_slice %arg20[%dma_start3A_395, %dma_start3A_396] : memref<256x16xf32, #tpu.memory_space<vmem>> -> memref<128x16xf32, #tpu.memory_space<vmem>>
      %dma_start3A_398 = arith.constant 0 : i32
      %dma_start3A_399 = tpu.memref_slice %arg10[%add3A_394, %dma_start3A_398] : memref<80x128xi32, #tpu.memory_space<vmem>> -> memref<1x128xi32, #tpu.memory_space<vmem>>
      %dma_start3A_400 = tpu.memref_squeeze %dma_start3A_399 : memref<1x128xi32, #tpu.memory_space<vmem>> -> memref<128xi32, #tpu.memory_space<vmem>>
      %dma_start3A_401 = arith.constant 0 : i32
      %dma_start3A_402 = arith.constant 0 : i32
      %dma_start3A_403 = tpu.memref_slice %arg29[%dma_start3A_401, %dma_start3A_402] : memref<10240x16xf32, #tpu.memory_space<vmem_shared>> -> memref<10240x16xf32, #tpu.memory_space<vmem_shared>>
      tpu.enqueue_indirect_dma source(%dma_start3A_397 : memref<128x16xf32, #tpu.memory_space<vmem>>) target(%dma_start3A_403 : memref<10240x16xf32, #tpu.memory_space<vmem_shared>>) offsets(%dma_start3A_400 : memref<128xi32, #tpu.memory_space<vmem>>) semaphore(%arg34 : memref<!tpu.dma_semaphore, #tpu.memory_space<semaphore_mem>>) {add = true}
      %mul3A_404 = arith.constant 2 : i32
      %mul3A_405 = arith.muli %add3A_326, %mul3A_404 : i32
      %add3A_406 = arith.constant 1 : i32
      %add3A_407 = arith.addi %mul3A_405, %add3A_406 : i32
      %dma_start3A_408 = arith.constant 128 : i32
      %dma_start3A_409 = arith.constant 0 : i32
      %dma_start3A_410 = tpu.memref_slice %arg19[%dma_start3A_408, %dma_start3A_409] : memref<256x16xf32, #tpu.memory_space<vmem>> -> memref<128x16xf32, #tpu.memory_space<vmem>>
      %dma_start3A_411 = arith.constant 0 : i32
      %dma_start3A_412 = tpu.memref_slice %arg10[%add3A_407, %dma_start3A_411] : memref<80x128xi32, #tpu.memory_space<vmem>> -> memref<1x128xi32, #tpu.memory_space<vmem>>
      %dma_start3A_413 = tpu.memref_squeeze %dma_start3A_412 : memref<1x128xi32, #tpu.memory_space<vmem>> -> memref<128xi32, #tpu.memory_space<vmem>>
      %dma_start3A_414 = arith.constant 0 : i32
      %dma_start3A_415 = arith.constant 0 : i32
      %dma_start3A_416 = tpu.memref_slice %arg28[%dma_start3A_414, %dma_start3A_415] : memref<10240x16xf32, #tpu.memory_space<vmem_shared>> -> memref<10240x16xf32, #tpu.memory_space<vmem_shared>>
      tpu.enqueue_indirect_dma source(%dma_start3A_410 : memref<128x16xf32, #tpu.memory_space<vmem>>) target(%dma_start3A_416 : memref<10240x16xf32, #tpu.memory_space<vmem_shared>>) offsets(%dma_start3A_413 : memref<128xi32, #tpu.memory_space<vmem>>) semaphore(%arg34 : memref<!tpu.dma_semaphore, #tpu.memory_space<semaphore_mem>>) {add = true}
      %mul3A_417 = arith.constant 2 : i32
      %mul3A_418 = arith.muli %add3A_326, %mul3A_417 : i32
      %add3A_419 = arith.constant 1 : i32
      %add3A_420 = arith.addi %mul3A_418, %add3A_419 : i32
      %dma_start3A_421 = arith.constant 128 : i32
      %dma_start3A_422 = arith.constant 0 : i32
      %dma_start3A_423 = tpu.memref_slice %arg20[%dma_start3A_421, %dma_start3A_422] : memref<256x16xf32, #tpu.memory_space<vmem>> -> memref<128x16xf32, #tpu.memory_space<vmem>>
      %dma_start3A_424 = arith.constant 0 : i32
      %dma_start3A_425 = tpu.memref_slice %arg10[%add3A_420, %dma_start3A_424] : memref<80x128xi32, #tpu.memory_space<vmem>> -> memref<1x128xi32, #tpu.memory_space<vmem>>
      %dma_start3A_426 = tpu.memref_squeeze %dma_start3A_425 : memref<1x128xi32, #tpu.memory_space<vmem>> -> memref<128xi32, #tpu.memory_space<vmem>>
      %dma_start3A_427 = arith.constant 0 : i32
      %dma_start3A_428 = arith.constant 0 : i32
      %dma_start3A_429 = tpu.memref_slice %arg29[%dma_start3A_427, %dma_start3A_428] : memref<10240x16xf32, #tpu.memory_space<vmem_shared>> -> memref<10240x16xf32, #tpu.memory_space<vmem_shared>>
      tpu.enqueue_indirect_dma source(%dma_start3A_423 : memref<128x16xf32, #tpu.memory_space<vmem>>) target(%dma_start3A_429 : memref<10240x16xf32, #tpu.memory_space<vmem_shared>>) offsets(%dma_start3A_426 : memref<128xi32, #tpu.memory_space<vmem>>) semaphore(%arg34 : memref<!tpu.dma_semaphore, #tpu.memory_space<semaphore_mem>>) {add = true}
      %mul3A_430 = arith.constant 4 : i32
      %mul3A_431 = arith.muli %scan3A_322, %mul3A_430 : i32
      %add3A_432 = arith.constant 1 : i32
      %add3A_433 = arith.addi %mul3A_431, %add3A_432 : i32
      %dma_wait3A_434 = arith.constant 0 : i32
      %dma_wait3A_435 = arith.constant 0 : i32
      %dma_wait3A_436 = arith.constant 0 : i32
      %dma_wait3A_437 = tpu.memref_slice %arg13[%dma_wait3A_435, %dma_wait3A_436] : memref<256x16xf32, #tpu.memory_space<vmem>> -> memref<128x16xf32, #tpu.memory_space<vmem>>
      %dma_wait3A_438 = arith.constant 0 : i32
      %dma_wait3A_439 = tpu.memref_slice %arg9[%dma_wait3A_434, %dma_wait3A_438] : memref<80x128xi32, #tpu.memory_space<vmem>> -> memref<1x128xi32, #tpu.memory_space<vmem>>
      %dma_wait3A_440 = tpu.memref_squeeze %dma_wait3A_439 : memref<1x128xi32, #tpu.memory_space<vmem>> -> memref<128xi32, #tpu.memory_space<vmem>>
      %dma_wait3A_441 = arith.constant 0 : i32
      %dma_wait3A_442 = arith.constant 0 : i32
      %dma_wait3A_443 = tpu.memref_slice %arg4[%dma_wait3A_441, %dma_wait3A_442] : memref<10240x16xf32, #tpu.memory_space<hbm>> -> memref<10240x16xf32, #tpu.memory_space<hbm>>
      tpu.wait_indirect_dma semaphore(%arg31 : memref<!tpu.dma_semaphore, #tpu.memory_space<semaphore_mem>>) src(%dma_wait3A_443 : memref<10240x16xf32, #tpu.memory_space<hbm>>) dst(%dma_wait3A_437 : memref<128x16xf32, #tpu.memory_space<vmem>>)
      %dma_wait3A_444 = arith.constant 0 : i32
      %dma_wait3A_445 = arith.constant 0 : i32
      %dma_wait3A_446 = arith.constant 0 : i32
      %dma_wait3A_447 = tpu.memref_slice %arg14[%dma_wait3A_445, %dma_wait3A_446] : memref<256x16xf32, #tpu.memory_space<vmem>> -> memref<128x16xf32, #tpu.memory_space<vmem>>
      %dma_wait3A_448 = arith.constant 0 : i32
      %dma_wait3A_449 = tpu.memref_slice %arg10[%dma_wait3A_444, %dma_wait3A_448] : memref<80x128xi32, #tpu.memory_space<vmem>> -> memref<1x128xi32, #tpu.memory_space<vmem>>
      %dma_wait3A_450 = tpu.memref_squeeze %dma_wait3A_449 : memref<1x128xi32, #tpu.memory_space<vmem>> -> memref<128xi32, #tpu.memory_space<vmem>>
      %dma_wait3A_451 = arith.constant 0 : i32
      %dma_wait3A_452 = arith.constant 0 : i32
      %dma_wait3A_453 = tpu.memref_slice %arg5[%dma_wait3A_451, %dma_wait3A_452] : memref<10240x16xf32, #tpu.memory_space<hbm>> -> memref<10240x16xf32, #tpu.memory_space<hbm>>
      tpu.wait_indirect_dma semaphore(%arg31 : memref<!tpu.dma_semaphore, #tpu.memory_space<semaphore_mem>>) src(%dma_wait3A_453 : memref<10240x16xf32, #tpu.memory_space<hbm>>) dst(%dma_wait3A_447 : memref<128x16xf32, #tpu.memory_space<vmem>>)
      %dma_wait3A_454 = arith.constant 0 : i32
      %dma_wait3A_455 = arith.constant 128 : i32
      %dma_wait3A_456 = arith.constant 0 : i32
      %dma_wait3A_457 = tpu.memref_slice %arg13[%dma_wait3A_455, %dma_wait3A_456] : memref<256x16xf32, #tpu.memory_space<vmem>> -> memref<128x16xf32, #tpu.memory_space<vmem>>
      %dma_wait3A_458 = arith.constant 0 : i32
      %dma_wait3A_459 = tpu.memref_slice %arg9[%dma_wait3A_454, %dma_wait3A_458] : memref<80x128xi32, #tpu.memory_space<vmem>> -> memref<1x128xi32, #tpu.memory_space<vmem>>
      %dma_wait3A_460 = tpu.memref_squeeze %dma_wait3A_459 : memref<1x128xi32, #tpu.memory_space<vmem>> -> memref<128xi32, #tpu.memory_space<vmem>>
      %dma_wait3A_461 = arith.constant 0 : i32
      %dma_wait3A_462 = arith.constant 0 : i32
      %dma_wait3A_463 = tpu.memref_slice %arg4[%dma_wait3A_461, %dma_wait3A_462] : memref<10240x16xf32, #tpu.memory_space<hbm>> -> memref<10240x16xf32, #tpu.memory_space<hbm>>
      tpu.wait_indirect_dma semaphore(%arg31 : memref<!tpu.dma_semaphore, #tpu.memory_space<semaphore_mem>>) src(%dma_wait3A_463 : memref<10240x16xf32, #tpu.memory_space<hbm>>) dst(%dma_wait3A_457 : memref<128x16xf32, #tpu.memory_space<vmem>>)
      %dma_wait3A_464 = arith.constant 0 : i32
      %dma_wait3A_465 = arith.constant 128 : i32
      %dma_wait3A_466 = arith.constant 0 : i32
      %dma_wait3A_467 = tpu.memref_slice %arg14[%dma_wait3A_465, %dma_wait3A_466] : memref<256x16xf32, #tpu.memory_space<vmem>> -> memref<128x16xf32, #tpu.memory_space<vmem>>
      %dma_wait3A_468 = arith.constant 0 : i32
      %dma_wait3A_469 = tpu.memref_slice %arg10[%dma_wait3A_464, %dma_wait3A_468] : memref<80x128xi32, #tpu.memory_space<vmem>> -> memref<1x128xi32, #tpu.memory_space<vmem>>
      %dma_wait3A_470 = tpu.memref_squeeze %dma_wait3A_469 : memref<1x128xi32, #tpu.memory_space<vmem>> -> memref<128xi32, #tpu.memory_space<vmem>>
      %dma_wait3A_471 = arith.constant 0 : i32
      %dma_wait3A_472 = arith.constant 0 : i32
      %dma_wait3A_473 = tpu.memref_slice %arg5[%dma_wait3A_471, %dma_wait3A_472] : memref<10240x16xf32, #tpu.memory_space<hbm>> -> memref<10240x16xf32, #tpu.memory_space<hbm>>
      tpu.wait_indirect_dma semaphore(%arg31 : memref<!tpu.dma_semaphore, #tpu.memory_space<semaphore_mem>>) src(%dma_wait3A_473 : memref<10240x16xf32, #tpu.memory_space<hbm>>) dst(%dma_wait3A_467 : memref<128x16xf32, #tpu.memory_space<vmem>>)
      %gt3A_474 = arith.constant 0 : i32
      %gt3A_475 = arith.cmpi sgt, %scan3A_322, %gt3A_474 : i32
      %convert_element_type3A_476 = arith.extui %gt3A_475 : i1 to i32
      %cond3A_477 = arith.constant 0 : i32
      %cond3A_478 = arith.cmpi ne, %convert_element_type3A_476, %cond3A_477 : i32
      scf.if %cond3A_478 {
        %dma_wait3A_769 = arith.constant 0 : i32
        %dma_wait3A_770 = arith.constant 0 : i32
        %dma_wait3A_771 = arith.constant 0 : i32
        %dma_wait3A_772 = tpu.memref_slice %arg21[%dma_wait3A_770, %dma_wait3A_771] : memref<256x16xf32, #tpu.memory_space<vmem>> -> memref<128x16xf32, #tpu.memory_space<vmem>>
        %dma_wait3A_773 = arith.constant 0 : i32
        %dma_wait3A_774 = tpu.memref_slice %arg10[%dma_wait3A_769, %dma_wait3A_773] : memref<80x128xi32, #tpu.memory_space<vmem>> -> memref<1x128xi32, #tpu.memory_space<vmem>>
        %dma_wait3A_775 = tpu.memref_squeeze %dma_wait3A_774 : memref<1x128xi32, #tpu.memory_space<vmem>> -> memref<128xi32, #tpu.memory_space<vmem>>
        %dma_wait3A_776 = arith.constant 0 : i32
        %dma_wait3A_777 = arith.constant 0 : i32
        %dma_wait3A_778 = tpu.memref_slice %arg28[%dma_wait3A_776, %dma_wait3A_777] : memref<10240x16xf32, #tpu.memory_space<vmem_shared>> -> memref<10240x16xf32, #tpu.memory_space<vmem_shared>>
        tpu.wait_indirect_dma semaphore(%arg35 : memref<!tpu.dma_semaphore, #tpu.memory_space<semaphore_mem>>) src(%dma_wait3A_772 : memref<128x16xf32, #tpu.memory_space<vmem>>) dst(%dma_wait3A_778 : memref<10240x16xf32, #tpu.memory_space<vmem_shared>>)
        %dma_wait3A_779 = arith.constant 0 : i32
        %dma_wait3A_780 = arith.constant 0 : i32
        %dma_wait3A_781 = arith.constant 0 : i32
        %dma_wait3A_782 = tpu.memref_slice %arg22[%dma_wait3A_780, %dma_wait3A_781] : memref<256x16xf32, #tpu.memory_space<vmem>> -> memref<128x16xf32, #tpu.memory_space<vmem>>
        %dma_wait3A_783 = arith.constant 0 : i32
        %dma_wait3A_784 = tpu.memref_slice %arg10[%dma_wait3A_779, %dma_wait3A_783] : memref<80x128xi32, #tpu.memory_space<vmem>> -> memref<1x128xi32, #tpu.memory_space<vmem>>
        %dma_wait3A_785 = tpu.memref_squeeze %dma_wait3A_784 : memref<1x128xi32, #tpu.memory_space<vmem>> -> memref<128xi32, #tpu.memory_space<vmem>>
        %dma_wait3A_786 = arith.constant 0 : i32
        %dma_wait3A_787 = arith.constant 0 : i32
        %dma_wait3A_788 = tpu.memref_slice %arg29[%dma_wait3A_786, %dma_wait3A_787] : memref<10240x16xf32, #tpu.memory_space<vmem_shared>> -> memref<10240x16xf32, #tpu.memory_space<vmem_shared>>
        tpu.wait_indirect_dma semaphore(%arg35 : memref<!tpu.dma_semaphore, #tpu.memory_space<semaphore_mem>>) src(%dma_wait3A_782 : memref<128x16xf32, #tpu.memory_space<vmem>>) dst(%dma_wait3A_788 : memref<10240x16xf32, #tpu.memory_space<vmem_shared>>)
        %dma_wait3A_789 = arith.constant 0 : i32
        %dma_wait3A_790 = arith.constant 128 : i32
        %dma_wait3A_791 = arith.constant 0 : i32
        %dma_wait3A_792 = tpu.memref_slice %arg21[%dma_wait3A_790, %dma_wait3A_791] : memref<256x16xf32, #tpu.memory_space<vmem>> -> memref<128x16xf32, #tpu.memory_space<vmem>>
        %dma_wait3A_793 = arith.constant 0 : i32
        %dma_wait3A_794 = tpu.memref_slice %arg10[%dma_wait3A_789, %dma_wait3A_793] : memref<80x128xi32, #tpu.memory_space<vmem>> -> memref<1x128xi32, #tpu.memory_space<vmem>>
        %dma_wait3A_795 = tpu.memref_squeeze %dma_wait3A_794 : memref<1x128xi32, #tpu.memory_space<vmem>> -> memref<128xi32, #tpu.memory_space<vmem>>
        %dma_wait3A_796 = arith.constant 0 : i32
        %dma_wait3A_797 = arith.constant 0 : i32
        %dma_wait3A_798 = tpu.memref_slice %arg28[%dma_wait3A_796, %dma_wait3A_797] : memref<10240x16xf32, #tpu.memory_space<vmem_shared>> -> memref<10240x16xf32, #tpu.memory_space<vmem_shared>>
        tpu.wait_indirect_dma semaphore(%arg35 : memref<!tpu.dma_semaphore, #tpu.memory_space<semaphore_mem>>) src(%dma_wait3A_792 : memref<128x16xf32, #tpu.memory_space<vmem>>) dst(%dma_wait3A_798 : memref<10240x16xf32, #tpu.memory_space<vmem_shared>>)
        %dma_wait3A_799 = arith.constant 0 : i32
        %dma_wait3A_800 = arith.constant 128 : i32
        %dma_wait3A_801 = arith.constant 0 : i32
        %dma_wait3A_802 = tpu.memref_slice %arg22[%dma_wait3A_800, %dma_wait3A_801] : memref<256x16xf32, #tpu.memory_space<vmem>> -> memref<128x16xf32, #tpu.memory_space<vmem>>
        %dma_wait3A_803 = arith.constant 0 : i32
        %dma_wait3A_804 = tpu.memref_slice %arg10[%dma_wait3A_799, %dma_wait3A_803] : memref<80x128xi32, #tpu.memory_space<vmem>> -> memref<1x128xi32, #tpu.memory_space<vmem>>
        %dma_wait3A_805 = tpu.memref_squeeze %dma_wait3A_804 : memref<1x128xi32, #tpu.memory_space<vmem>> -> memref<128xi32, #tpu.memory_space<vmem>>
        %dma_wait3A_806 = arith.constant 0 : i32
        %dma_wait3A_807 = arith.constant 0 : i32
        %dma_wait3A_808 = tpu.memref_slice %arg29[%dma_wait3A_806, %dma_wait3A_807] : memref<10240x16xf32, #tpu.memory_space<vmem_shared>> -> memref<10240x16xf32, #tpu.memory_space<vmem_shared>>
        tpu.wait_indirect_dma semaphore(%arg35 : memref<!tpu.dma_semaphore, #tpu.memory_space<semaphore_mem>>) src(%dma_wait3A_802 : memref<128x16xf32, #tpu.memory_space<vmem>>) dst(%dma_wait3A_808 : memref<10240x16xf32, #tpu.memory_space<vmem_shared>>)
      } else {
      }
      %add3A_479 = arith.constant 4 : i32
      %add3A_480 = arith.addi %add3A_433, %add3A_479 : i32
      %sub3A_481 = arith.constant 1 : i32
      %sub3A_482 = arith.subi %add3A_480, %sub3A_481 : i32
      %lt3A_483 = arith.constant 40 : i32
      %lt3A_484 = arith.cmpi slt, %sub3A_482, %lt3A_483 : i32
      %convert_element_type3A_485 = arith.extui %lt3A_484 : i1 to i32
      %cond3A_486 = arith.constant 0 : i32
      %cond3A_487 = arith.cmpi ne, %convert_element_type3A_485, %cond3A_486 : i32
      scf.if %cond3A_487 {
        %add3A_769 = arith.constant 4 : i32
        %add3A_770 = arith.addi %add3A_433, %add3A_769 : i32
        %sub3A_771 = arith.constant 1 : i32
        %sub3A_772 = arith.subi %add3A_770, %sub3A_771 : i32
        %mul3A_773 = arith.constant 2 : i32
        %mul3A_774 = arith.muli %sub3A_772, %mul3A_773 : i32
        %add3A_775 = arith.constant 0 : i32
        %add3A_776 = arith.addi %mul3A_774, %add3A_775 : i32
        %dma_start3A_777 = arith.constant 0 : i32
        %dma_start3A_778 = arith.constant 0 : i32
        %dma_start3A_779 = tpu.memref_slice %arg11[%dma_start3A_777, %dma_start3A_778] : memref<256x16xf32, #tpu.memory_space<vmem>> -> memref<128x16xf32, #tpu.memory_space<vmem>>
        %dma_start3A_780 = arith.constant 0 : i32
        %dma_start3A_781 = tpu.memref_slice %arg9[%add3A_776, %dma_start3A_780] : memref<80x128xi32, #tpu.memory_space<vmem>> -> memref<1x128xi32, #tpu.memory_space<vmem>>
        %dma_start3A_782 = tpu.memref_squeeze %dma_start3A_781 : memref<1x128xi32, #tpu.memory_space<vmem>> -> memref<128xi32, #tpu.memory_space<vmem>>
        %dma_start3A_783 = arith.constant 0 : i32
        %dma_start3A_784 = arith.constant 0 : i32
        %dma_start3A_785 = tpu.memref_slice %arg4[%dma_start3A_783, %dma_start3A_784] : memref<10240x16xf32, #tpu.memory_space<hbm>> -> memref<10240x16xf32, #tpu.memory_space<hbm>>
        tpu.enqueue_indirect_dma source(%dma_start3A_785 : memref<10240x16xf32, #tpu.memory_space<hbm>>) target(%dma_start3A_779 : memref<128x16xf32, #tpu.memory_space<vmem>>) offsets(%dma_start3A_782 : memref<128xi32, #tpu.memory_space<vmem>>) semaphore(%arg30 : memref<!tpu.dma_semaphore, #tpu.memory_space<semaphore_mem>>)
        %mul3A_786 = arith.constant 2 : i32
        %mul3A_787 = arith.muli %sub3A_772, %mul3A_786 : i32
        %add3A_788 = arith.constant 0 : i32
        %add3A_789 = arith.addi %mul3A_787, %add3A_788 : i32
        %dma_start3A_790 = arith.constant 0 : i32
        %dma_start3A_791 = arith.constant 0 : i32
        %dma_start3A_792 = tpu.memref_slice %arg12[%dma_start3A_790, %dma_start3A_791] : memref<256x16xf32, #tpu.memory_space<vmem>> -> memref<128x16xf32, #tpu.memory_space<vmem>>
        %dma_start3A_793 = arith.constant 0 : i32
        %dma_start3A_794 = tpu.memref_slice %arg10[%add3A_789, %dma_start3A_793] : memref<80x128xi32, #tpu.memory_space<vmem>> -> memref<1x128xi32, #tpu.memory_space<vmem>>
        %dma_start3A_795 = tpu.memref_squeeze %dma_start3A_794 : memref<1x128xi32, #tpu.memory_space<vmem>> -> memref<128xi32, #tpu.memory_space<vmem>>
        %dma_start3A_796 = arith.constant 0 : i32
        %dma_start3A_797 = arith.constant 0 : i32
        %dma_start3A_798 = tpu.memref_slice %arg5[%dma_start3A_796, %dma_start3A_797] : memref<10240x16xf32, #tpu.memory_space<hbm>> -> memref<10240x16xf32, #tpu.memory_space<hbm>>
        tpu.enqueue_indirect_dma source(%dma_start3A_798 : memref<10240x16xf32, #tpu.memory_space<hbm>>) target(%dma_start3A_792 : memref<128x16xf32, #tpu.memory_space<vmem>>) offsets(%dma_start3A_795 : memref<128xi32, #tpu.memory_space<vmem>>) semaphore(%arg30 : memref<!tpu.dma_semaphore, #tpu.memory_space<semaphore_mem>>)
        %mul3A_799 = arith.constant 2 : i32
        %mul3A_800 = arith.muli %sub3A_772, %mul3A_799 : i32
        %add3A_801 = arith.constant 1 : i32
        %add3A_802 = arith.addi %mul3A_800, %add3A_801 : i32
        %dma_start3A_803 = arith.constant 128 : i32
        %dma_start3A_804 = arith.constant 0 : i32
        %dma_start3A_805 = tpu.memref_slice %arg11[%dma_start3A_803, %dma_start3A_804] : memref<256x16xf32, #tpu.memory_space<vmem>> -> memref<128x16xf32, #tpu.memory_space<vmem>>
        %dma_start3A_806 = arith.constant 0 : i32
        %dma_start3A_807 = tpu.memref_slice %arg9[%add3A_802, %dma_start3A_806] : memref<80x128xi32, #tpu.memory_space<vmem>> -> memref<1x128xi32, #tpu.memory_space<vmem>>
        %dma_start3A_808 = tpu.memref_squeeze %dma_start3A_807 : memref<1x128xi32, #tpu.memory_space<vmem>> -> memref<128xi32, #tpu.memory_space<vmem>>
        %dma_start3A_809 = arith.constant 0 : i32
        %dma_start3A_810 = arith.constant 0 : i32
        %dma_start3A_811 = tpu.memref_slice %arg4[%dma_start3A_809, %dma_start3A_810] : memref<10240x16xf32, #tpu.memory_space<hbm>> -> memref<10240x16xf32, #tpu.memory_space<hbm>>
        tpu.enqueue_indirect_dma source(%dma_start3A_811 : memref<10240x16xf32, #tpu.memory_space<hbm>>) target(%dma_start3A_805 : memref<128x16xf32, #tpu.memory_space<vmem>>) offsets(%dma_start3A_808 : memref<128xi32, #tpu.memory_space<vmem>>) semaphore(%arg30 : memref<!tpu.dma_semaphore, #tpu.memory_space<semaphore_mem>>)
        %mul3A_812 = arith.constant 2 : i32
        %mul3A_813 = arith.muli %sub3A_772, %mul3A_812 : i32
        %add3A_814 = arith.constant 1 : i32
        %add3A_815 = arith.addi %mul3A_813, %add3A_814 : i32
        %dma_start3A_816 = arith.constant 128 : i32
        %dma_start3A_817 = arith.constant 0 : i32
        %dma_start3A_818 = tpu.memref_slice %arg12[%dma_start3A_816, %dma_start3A_817] : memref<256x16xf32, #tpu.memory_space<vmem>> -> memref<128x16xf32, #tpu.memory_space<vmem>>
        %dma_start3A_819 = arith.constant 0 : i32
        %dma_start3A_820 = tpu.memref_slice %arg10[%add3A_815, %dma_start3A_819] : memref<80x128xi32, #tpu.memory_space<vmem>> -> memref<1x128xi32, #tpu.memory_space<vmem>>
        %dma_start3A_821 = tpu.memref_squeeze %dma_start3A_820 : memref<1x128xi32, #tpu.memory_space<vmem>> -> memref<128xi32, #tpu.memory_space<vmem>>
        %dma_start3A_822 = arith.constant 0 : i32
        %dma_start3A_823 = arith.constant 0 : i32
        %dma_start3A_824 = tpu.memref_slice %arg5[%dma_start3A_822, %dma_start3A_823] : memref<10240x16xf32, #tpu.memory_space<hbm>> -> memref<10240x16xf32, #tpu.memory_space<hbm>>
        tpu.enqueue_indirect_dma source(%dma_start3A_824 : memref<10240x16xf32, #tpu.memory_space<hbm>>) target(%dma_start3A_818 : memref<128x16xf32, #tpu.memory_space<vmem>>) offsets(%dma_start3A_821 : memref<128xi32, #tpu.memory_space<vmem>>) semaphore(%arg30 : memref<!tpu.dma_semaphore, #tpu.memory_space<semaphore_mem>>)
      } else {
      }
      %parallel_loop3A_488 = arith.constant 0 : i32
      %parallel_loop3A_489 = arith.constant 256 : i32
      %parallel_loop3A_490 = arith.constant 1 : i32
      scf.for %parallel_loop3A_769 = %parallel_loop3A_488 to %parallel_loop3A_489 step %parallel_loop3A_490  : i32 {
        %parallel_loop3A_770 = arith.index_cast %parallel_loop3A_769 : i32 to index
        %parallel_loop3A_771 = arith.constant 0 : index
        %parallel_loop3A_772 = tpu.vector_load %arg13[%parallel_loop3A_770, %parallel_loop3A_771] {strides = array<i32>} : memref<256x16xf32, #tpu.memory_space<vmem>>, vector<1x16xf32>,
        %parallel_loop3A_773 = vector.shape_cast %parallel_loop3A_772 : vector<1x16xf32> to vector<16xf32>
        %parallel_loop3A_774 = arith.index_cast %parallel_loop3A_769 : i32 to index
        %parallel_loop3A_775 = arith.constant 0 : index
        %parallel_loop3A_776 = tpu.vector_load %arg14[%parallel_loop3A_774, %parallel_loop3A_775] {strides = array<i32>} : memref<256x16xf32, #tpu.memory_space<vmem>>, vector<1x16xf32>,
        %parallel_loop3A_777 = vector.shape_cast %parallel_loop3A_776 : vector<1x16xf32> to vector<16xf32>
        %parallel_loop3A_778 = arith.addf %parallel_loop3A_773, %parallel_loop3A_777 : vector<16xf32>
        %parallel_loop3A_779 = arith.constant 0.000000e+00 : f32
        %parallel_loop3A_780 = vector.broadcast %parallel_loop3A_779 : f32 to vector<16xf32>
        %parallel_loop3A_781 = arith.cmpf ogt, %parallel_loop3A_778, %parallel_loop3A_780 : vector<16xf32>
        %parallel_loop3A_782 = arith.mulf %parallel_loop3A_778, %get3A_18 : vector<16xf32>
        %parallel_loop3A_783 = arith.mulf %parallel_loop3A_778, %mul3A_21 : vector<16xf32>
        %parallel_loop3A_784 = arith.select %parallel_loop3A_781, %parallel_loop3A_782, %parallel_loop3A_783 : vector<16xi1>, vector<16xf32>
        %parallel_loop3A_785 = vector.shape_cast %xor3A_23 : vector<16xi32> to vector<16x1xi32>
        %parallel_loop3A_786 = vector.shape_cast %parallel_loop3A_785 : vector<16x1xi32> to vector<16xi32>
        %parallel_loop3A_787 = tpu.dynamic_gather %parallel_loop3A_784[%parallel_loop3A_786] in [0] : vector<16xf32>, vector<16xi32> -> vector<16xf32>
        %parallel_loop3A_788 = arith.addf %parallel_loop3A_784, %parallel_loop3A_787 : vector<16xf32>
        %parallel_loop3A_789 = vector.shape_cast %xor3A_27 : vector<16xi32> to vector<16x1xi32>
        %parallel_loop3A_790 = vector.shape_cast %parallel_loop3A_789 : vector<16x1xi32> to vector<16xi32>
        %parallel_loop3A_791 = tpu.dynamic_gather %parallel_loop3A_788[%parallel_loop3A_790] in [0] : vector<16xf32>, vector<16xi32> -> vector<16xf32>
        %parallel_loop3A_792 = arith.addf %parallel_loop3A_788, %parallel_loop3A_791 : vector<16xf32>
        %parallel_loop3A_793 = vector.shape_cast %xor3A_31 : vector<16xi32> to vector<16x1xi32>
        %parallel_loop3A_794 = vector.shape_cast %parallel_loop3A_793 : vector<16x1xi32> to vector<16xi32>
        %parallel_loop3A_795 = tpu.dynamic_gather %parallel_loop3A_792[%parallel_loop3A_794] in [0] : vector<16xf32>, vector<16xi32> -> vector<16xf32>
        %parallel_loop3A_796 = arith.addf %parallel_loop3A_792, %parallel_loop3A_795 : vector<16xf32>
        %parallel_loop3A_797 = vector.shape_cast %xor3A_35 : vector<16xi32> to vector<16x1xi32>
        %parallel_loop3A_798 = vector.shape_cast %parallel_loop3A_797 : vector<16x1xi32> to vector<16xi32>
        %parallel_loop3A_799 = tpu.dynamic_gather %parallel_loop3A_796[%parallel_loop3A_798] in [0] : vector<16xf32>, vector<16xi32> -> vector<16xf32>
        %parallel_loop3A_800 = arith.addf %parallel_loop3A_796, %parallel_loop3A_799 : vector<16xf32>
        %parallel_loop3A_801 = math.exp %parallel_loop3A_800 : vector<16xf32>
        %parallel_loop3A_802 = arith.index_cast %parallel_loop3A_769 : i32 to index
        %parallel_loop3A_803 = arith.constant 0 : index
        %parallel_loop3A_804 = tpu.vector_load %arg21[%parallel_loop3A_802, %parallel_loop3A_803] {strides = array<i32>} : memref<256x16xf32, #tpu.memory_space<vmem>>, vector<1x16xf32>,
        %parallel_loop3A_805 = vector.shape_cast %parallel_loop3A_804 : vector<1x16xf32> to vector<16xf32>
        %parallel_loop3A_806 = vector.shape_cast %parallel_loop3A_801 : vector<16xf32> to vector<1x16xf32>
        tpu.vector_store %arg21[%parallel_loop3A_802, %parallel_loop3A_803], %parallel_loop3A_806 {strides = array<i32>} : memref<256x16xf32, #tpu.memory_space<vmem>>, vector<1x16xf32>,
        %parallel_loop3A_807 = arith.mulf %parallel_loop3A_801, %parallel_loop3A_773 : vector<16xf32>
        %parallel_loop3A_808 = arith.index_cast %parallel_loop3A_769 : i32 to index
        %parallel_loop3A_809 = arith.constant 0 : index
        %parallel_loop3A_810 = tpu.vector_load %arg22[%parallel_loop3A_808, %parallel_loop3A_809] {strides = array<i32>} : memref<256x16xf32, #tpu.memory_space<vmem>>, vector<1x16xf32>,
        %parallel_loop3A_811 = vector.shape_cast %parallel_loop3A_810 : vector<1x16xf32> to vector<16xf32>
        %parallel_loop3A_812 = vector.shape_cast %parallel_loop3A_807 : vector<16xf32> to vector<1x16xf32>
        tpu.vector_store %arg22[%parallel_loop3A_808, %parallel_loop3A_809], %parallel_loop3A_812 {strides = array<i32>} : memref<256x16xf32, #tpu.memory_space<vmem>>, vector<1x16xf32>,
      } {sc.loop_unroll_factor = 4 : i64, sc.parallel_access}
      %mul3A_491 = arith.constant 2 : i32
      %mul3A_492 = arith.muli %add3A_433, %mul3A_491 : i32
      %add3A_493 = arith.constant 0 : i32
      %add3A_494 = arith.addi %mul3A_492, %add3A_493 : i32
      %dma_start3A_495 = arith.constant 0 : i32
      %dma_start3A_496 = arith.constant 0 : i32
      %dma_start3A_497 = tpu.memref_slice %arg21[%dma_start3A_495, %dma_start3A_496] : memref<256x16xf32, #tpu.memory_space<vmem>> -> memref<128x16xf32, #tpu.memory_space<vmem>>
      %dma_start3A_498 = arith.constant 0 : i32
      %dma_start3A_499 = tpu.memref_slice %arg10[%add3A_494, %dma_start3A_498] : memref<80x128xi32, #tpu.memory_space<vmem>> -> memref<1x128xi32, #tpu.memory_space<vmem>>
      %dma_start3A_500 = tpu.memref_squeeze %dma_start3A_499 : memref<1x128xi32, #tpu.memory_space<vmem>> -> memref<128xi32, #tpu.memory_space<vmem>>
      %dma_start3A_501 = arith.constant 0 : i32
      %dma_start3A_502 = arith.constant 0 : i32
      %dma_start3A_503 = tpu.memref_slice %arg28[%dma_start3A_501, %dma_start3A_502] : memref<10240x16xf32, #tpu.memory_space<vmem_shared>> -> memref<10240x16xf32, #tpu.memory_space<vmem_shared>>
      tpu.enqueue_indirect_dma source(%dma_start3A_497 : memref<128x16xf32, #tpu.memory_space<vmem>>) target(%dma_start3A_503 : memref<10240x16xf32, #tpu.memory_space<vmem_shared>>) offsets(%dma_start3A_500 : memref<128xi32, #tpu.memory_space<vmem>>) semaphore(%arg35 : memref<!tpu.dma_semaphore, #tpu.memory_space<semaphore_mem>>) {add = true}
      %mul3A_504 = arith.constant 2 : i32
      %mul3A_505 = arith.muli %add3A_433, %mul3A_504 : i32
      %add3A_506 = arith.constant 0 : i32
      %add3A_507 = arith.addi %mul3A_505, %add3A_506 : i32
      %dma_start3A_508 = arith.constant 0 : i32
      %dma_start3A_509 = arith.constant 0 : i32
      %dma_start3A_510 = tpu.memref_slice %arg22[%dma_start3A_508, %dma_start3A_509] : memref<256x16xf32, #tpu.memory_space<vmem>> -> memref<128x16xf32, #tpu.memory_space<vmem>>
      %dma_start3A_511 = arith.constant 0 : i32
      %dma_start3A_512 = tpu.memref_slice %arg10[%add3A_507, %dma_start3A_511] : memref<80x128xi32, #tpu.memory_space<vmem>> -> memref<1x128xi32, #tpu.memory_space<vmem>>
      %dma_start3A_513 = tpu.memref_squeeze %dma_start3A_512 : memref<1x128xi32, #tpu.memory_space<vmem>> -> memref<128xi32, #tpu.memory_space<vmem>>
      %dma_start3A_514 = arith.constant 0 : i32
      %dma_start3A_515 = arith.constant 0 : i32
      %dma_start3A_516 = tpu.memref_slice %arg29[%dma_start3A_514, %dma_start3A_515] : memref<10240x16xf32, #tpu.memory_space<vmem_shared>> -> memref<10240x16xf32, #tpu.memory_space<vmem_shared>>
      tpu.enqueue_indirect_dma source(%dma_start3A_510 : memref<128x16xf32, #tpu.memory_space<vmem>>) target(%dma_start3A_516 : memref<10240x16xf32, #tpu.memory_space<vmem_shared>>) offsets(%dma_start3A_513 : memref<128xi32, #tpu.memory_space<vmem>>) semaphore(%arg35 : memref<!tpu.dma_semaphore, #tpu.memory_space<semaphore_mem>>) {add = true}
      %mul3A_517 = arith.constant 2 : i32
      %mul3A_518 = arith.muli %add3A_433, %mul3A_517 : i32
      %add3A_519 = arith.constant 1 : i32
      %add3A_520 = arith.addi %mul3A_518, %add3A_519 : i32
      %dma_start3A_521 = arith.constant 128 : i32
      %dma_start3A_522 = arith.constant 0 : i32
      %dma_start3A_523 = tpu.memref_slice %arg21[%dma_start3A_521, %dma_start3A_522] : memref<256x16xf32, #tpu.memory_space<vmem>> -> memref<128x16xf32, #tpu.memory_space<vmem>>
      %dma_start3A_524 = arith.constant 0 : i32
      %dma_start3A_525 = tpu.memref_slice %arg10[%add3A_520, %dma_start3A_524] : memref<80x128xi32, #tpu.memory_space<vmem>> -> memref<1x128xi32, #tpu.memory_space<vmem>>
      %dma_start3A_526 = tpu.memref_squeeze %dma_start3A_525 : memref<1x128xi32, #tpu.memory_space<vmem>> -> memref<128xi32, #tpu.memory_space<vmem>>
      %dma_start3A_527 = arith.constant 0 : i32
      %dma_start3A_528 = arith.constant 0 : i32
      %dma_start3A_529 = tpu.memref_slice %arg28[%dma_start3A_527, %dma_start3A_528] : memref<10240x16xf32, #tpu.memory_space<vmem_shared>> -> memref<10240x16xf32, #tpu.memory_space<vmem_shared>>
      tpu.enqueue_indirect_dma source(%dma_start3A_523 : memref<128x16xf32, #tpu.memory_space<vmem>>) target(%dma_start3A_529 : memref<10240x16xf32, #tpu.memory_space<vmem_shared>>) offsets(%dma_start3A_526 : memref<128xi32, #tpu.memory_space<vmem>>) semaphore(%arg35 : memref<!tpu.dma_semaphore, #tpu.memory_space<semaphore_mem>>) {add = true}
      %mul3A_530 = arith.constant 2 : i32
      %mul3A_531 = arith.muli %add3A_433, %mul3A_530 : i32
      %add3A_532 = arith.constant 1 : i32
      %add3A_533 = arith.addi %mul3A_531, %add3A_532 : i32
      %dma_start3A_534 = arith.constant 128 : i32
      %dma_start3A_535 = arith.constant 0 : i32
      %dma_start3A_536 = tpu.memref_slice %arg22[%dma_start3A_534, %dma_start3A_535] : memref<256x16xf32, #tpu.memory_space<vmem>> -> memref<128x16xf32, #tpu.memory_space<vmem>>
      %dma_start3A_537 = arith.constant 0 : i32
      %dma_start3A_538 = tpu.memref_slice %arg10[%add3A_533, %dma_start3A_537] : memref<80x128xi32, #tpu.memory_space<vmem>> -> memref<1x128xi32, #tpu.memory_space<vmem>>
      %dma_start3A_539 = tpu.memref_squeeze %dma_start3A_538 : memref<1x128xi32, #tpu.memory_space<vmem>> -> memref<128xi32, #tpu.memory_space<vmem>>
      %dma_start3A_540 = arith.constant 0 : i32
      %dma_start3A_541 = arith.constant 0 : i32
      %dma_start3A_542 = tpu.memref_slice %arg29[%dma_start3A_540, %dma_start3A_541] : memref<10240x16xf32, #tpu.memory_space<vmem_shared>> -> memref<10240x16xf32, #tpu.memory_space<vmem_shared>>
      tpu.enqueue_indirect_dma source(%dma_start3A_536 : memref<128x16xf32, #tpu.memory_space<vmem>>) target(%dma_start3A_542 : memref<10240x16xf32, #tpu.memory_space<vmem_shared>>) offsets(%dma_start3A_539 : memref<128xi32, #tpu.memory_space<vmem>>) semaphore(%arg35 : memref<!tpu.dma_semaphore, #tpu.memory_space<semaphore_mem>>) {add = true}
      %mul3A_543 = arith.constant 4 : i32
      %mul3A_544 = arith.muli %scan3A_322, %mul3A_543 : i32
      %add3A_545 = arith.constant 2 : i32
      %add3A_546 = arith.addi %mul3A_544, %add3A_545 : i32
      %dma_wait3A_547 = arith.constant 0 : i32
      %dma_wait3A_548 = arith.constant 0 : i32
      %dma_wait3A_549 = arith.constant 0 : i32
      %dma_wait3A_550 = tpu.memref_slice %arg15[%dma_wait3A_548, %dma_wait3A_549] : memref<256x16xf32, #tpu.memory_space<vmem>> -> memref<128x16xf32, #tpu.memory_space<vmem>>
      %dma_wait3A_551 = arith.constant 0 : i32
      %dma_wait3A_552 = tpu.memref_slice %arg9[%dma_wait3A_547, %dma_wait3A_551] : memref<80x128xi32, #tpu.memory_space<vmem>> -> memref<1x128xi32, #tpu.memory_space<vmem>>
      %dma_wait3A_553 = tpu.memref_squeeze %dma_wait3A_552 : memref<1x128xi32, #tpu.memory_space<vmem>> -> memref<128xi32, #tpu.memory_space<vmem>>
      %dma_wait3A_554 = arith.constant 0 : i32
      %dma_wait3A_555 = arith.constant 0 : i32
      %dma_wait3A_556 = tpu.memref_slice %arg4[%dma_wait3A_554, %dma_wait3A_555] : memref<10240x16xf32, #tpu.memory_space<hbm>> -> memref<10240x16xf32, #tpu.memory_space<hbm>>
      tpu.wait_indirect_dma semaphore(%arg32 : memref<!tpu.dma_semaphore, #tpu.memory_space<semaphore_mem>>) src(%dma_wait3A_556 : memref<10240x16xf32, #tpu.memory_space<hbm>>) dst(%dma_wait3A_550 : memref<128x16xf32, #tpu.memory_space<vmem>>)
      %dma_wait3A_557 = arith.constant 0 : i32
      %dma_wait3A_558 = arith.constant 0 : i32
      %dma_wait3A_559 = arith.constant 0 : i32
      %dma_wait3A_560 = tpu.memref_slice %arg16[%dma_wait3A_558, %dma_wait3A_559] : memref<256x16xf32, #tpu.memory_space<vmem>> -> memref<128x16xf32, #tpu.memory_space<vmem>>
      %dma_wait3A_561 = arith.constant 0 : i32
      %dma_wait3A_562 = tpu.memref_slice %arg10[%dma_wait3A_557, %dma_wait3A_561] : memref<80x128xi32, #tpu.memory_space<vmem>> -> memref<1x128xi32, #tpu.memory_space<vmem>>
      %dma_wait3A_563 = tpu.memref_squeeze %dma_wait3A_562 : memref<1x128xi32, #tpu.memory_space<vmem>> -> memref<128xi32, #tpu.memory_space<vmem>>
      %dma_wait3A_564 = arith.constant 0 : i32
      %dma_wait3A_565 = arith.constant 0 : i32
      %dma_wait3A_566 = tpu.memref_slice %arg5[%dma_wait3A_564, %dma_wait3A_565] : memref<10240x16xf32, #tpu.memory_space<hbm>> -> memref<10240x16xf32, #tpu.memory_space<hbm>>
      tpu.wait_indirect_dma semaphore(%arg32 : memref<!tpu.dma_semaphore, #tpu.memory_space<semaphore_mem>>) src(%dma_wait3A_566 : memref<10240x16xf32, #tpu.memory_space<hbm>>) dst(%dma_wait3A_560 : memref<128x16xf32, #tpu.memory_space<vmem>>)
      %dma_wait3A_567 = arith.constant 0 : i32
      %dma_wait3A_568 = arith.constant 128 : i32
      %dma_wait3A_569 = arith.constant 0 : i32
      %dma_wait3A_570 = tpu.memref_slice %arg15[%dma_wait3A_568, %dma_wait3A_569] : memref<256x16xf32, #tpu.memory_space<vmem>> -> memref<128x16xf32, #tpu.memory_space<vmem>>
      %dma_wait3A_571 = arith.constant 0 : i32
      %dma_wait3A_572 = tpu.memref_slice %arg9[%dma_wait3A_567, %dma_wait3A_571] : memref<80x128xi32, #tpu.memory_space<vmem>> -> memref<1x128xi32, #tpu.memory_space<vmem>>
      %dma_wait3A_573 = tpu.memref_squeeze %dma_wait3A_572 : memref<1x128xi32, #tpu.memory_space<vmem>> -> memref<128xi32, #tpu.memory_space<vmem>>
      %dma_wait3A_574 = arith.constant 0 : i32
      %dma_wait3A_575 = arith.constant 0 : i32
      %dma_wait3A_576 = tpu.memref_slice %arg4[%dma_wait3A_574, %dma_wait3A_575] : memref<10240x16xf32, #tpu.memory_space<hbm>> -> memref<10240x16xf32, #tpu.memory_space<hbm>>
      tpu.wait_indirect_dma semaphore(%arg32 : memref<!tpu.dma_semaphore, #tpu.memory_space<semaphore_mem>>) src(%dma_wait3A_576 : memref<10240x16xf32, #tpu.memory_space<hbm>>) dst(%dma_wait3A_570 : memref<128x16xf32, #tpu.memory_space<vmem>>)
      %dma_wait3A_577 = arith.constant 0 : i32
      %dma_wait3A_578 = arith.constant 128 : i32
      %dma_wait3A_579 = arith.constant 0 : i32
      %dma_wait3A_580 = tpu.memref_slice %arg16[%dma_wait3A_578, %dma_wait3A_579] : memref<256x16xf32, #tpu.memory_space<vmem>> -> memref<128x16xf32, #tpu.memory_space<vmem>>
      %dma_wait3A_581 = arith.constant 0 : i32
      %dma_wait3A_582 = tpu.memref_slice %arg10[%dma_wait3A_577, %dma_wait3A_581] : memref<80x128xi32, #tpu.memory_space<vmem>> -> memref<1x128xi32, #tpu.memory_space<vmem>>
      %dma_wait3A_583 = tpu.memref_squeeze %dma_wait3A_582 : memref<1x128xi32, #tpu.memory_space<vmem>> -> memref<128xi32, #tpu.memory_space<vmem>>
      %dma_wait3A_584 = arith.constant 0 : i32
      %dma_wait3A_585 = arith.constant 0 : i32
      %dma_wait3A_586 = tpu.memref_slice %arg5[%dma_wait3A_584, %dma_wait3A_585] : memref<10240x16xf32, #tpu.memory_space<hbm>> -> memref<10240x16xf32, #tpu.memory_space<hbm>>
      tpu.wait_indirect_dma semaphore(%arg32 : memref<!tpu.dma_semaphore, #tpu.memory_space<semaphore_mem>>) src(%dma_wait3A_586 : memref<10240x16xf32, #tpu.memory_space<hbm>>) dst(%dma_wait3A_580 : memref<128x16xf32, #tpu.memory_space<vmem>>)
      %gt3A_587 = arith.constant 0 : i32
      %gt3A_588 = arith.cmpi sgt, %scan3A_322, %gt3A_587 : i32
      %convert_element_type3A_589 = arith.extui %gt3A_588 : i1 to i32
      %cond3A_590 = arith.constant 0 : i32
      %cond3A_591 = arith.cmpi ne, %convert_element_type3A_589, %cond3A_590 : i32
      scf.if %cond3A_591 {
        %dma_wait3A_769 = arith.constant 0 : i32
        %dma_wait3A_770 = arith.constant 0 : i32
        %dma_wait3A_771 = arith.constant 0 : i32
        %dma_wait3A_772 = tpu.memref_slice %arg23[%dma_wait3A_770, %dma_wait3A_771] : memref<256x16xf32, #tpu.memory_space<vmem>> -> memref<128x16xf32, #tpu.memory_space<vmem>>
        %dma_wait3A_773 = arith.constant 0 : i32
        %dma_wait3A_774 = tpu.memref_slice %arg10[%dma_wait3A_769, %dma_wait3A_773] : memref<80x128xi32, #tpu.memory_space<vmem>> -> memref<1x128xi32, #tpu.memory_space<vmem>>
        %dma_wait3A_775 = tpu.memref_squeeze %dma_wait3A_774 : memref<1x128xi32, #tpu.memory_space<vmem>> -> memref<128xi32, #tpu.memory_space<vmem>>
        %dma_wait3A_776 = arith.constant 0 : i32
        %dma_wait3A_777 = arith.constant 0 : i32
        %dma_wait3A_778 = tpu.memref_slice %arg28[%dma_wait3A_776, %dma_wait3A_777] : memref<10240x16xf32, #tpu.memory_space<vmem_shared>> -> memref<10240x16xf32, #tpu.memory_space<vmem_shared>>
        tpu.wait_indirect_dma semaphore(%arg36 : memref<!tpu.dma_semaphore, #tpu.memory_space<semaphore_mem>>) src(%dma_wait3A_772 : memref<128x16xf32, #tpu.memory_space<vmem>>) dst(%dma_wait3A_778 : memref<10240x16xf32, #tpu.memory_space<vmem_shared>>)
        %dma_wait3A_779 = arith.constant 0 : i32
        %dma_wait3A_780 = arith.constant 0 : i32
        %dma_wait3A_781 = arith.constant 0 : i32
        %dma_wait3A_782 = tpu.memref_slice %arg24[%dma_wait3A_780, %dma_wait3A_781] : memref<256x16xf32, #tpu.memory_space<vmem>> -> memref<128x16xf32, #tpu.memory_space<vmem>>
        %dma_wait3A_783 = arith.constant 0 : i32
        %dma_wait3A_784 = tpu.memref_slice %arg10[%dma_wait3A_779, %dma_wait3A_783] : memref<80x128xi32, #tpu.memory_space<vmem>> -> memref<1x128xi32, #tpu.memory_space<vmem>>
        %dma_wait3A_785 = tpu.memref_squeeze %dma_wait3A_784 : memref<1x128xi32, #tpu.memory_space<vmem>> -> memref<128xi32, #tpu.memory_space<vmem>>
        %dma_wait3A_786 = arith.constant 0 : i32
        %dma_wait3A_787 = arith.constant 0 : i32
        %dma_wait3A_788 = tpu.memref_slice %arg29[%dma_wait3A_786, %dma_wait3A_787] : memref<10240x16xf32, #tpu.memory_space<vmem_shared>> -> memref<10240x16xf32, #tpu.memory_space<vmem_shared>>
        tpu.wait_indirect_dma semaphore(%arg36 : memref<!tpu.dma_semaphore, #tpu.memory_space<semaphore_mem>>) src(%dma_wait3A_782 : memref<128x16xf32, #tpu.memory_space<vmem>>) dst(%dma_wait3A_788 : memref<10240x16xf32, #tpu.memory_space<vmem_shared>>)
        %dma_wait3A_789 = arith.constant 0 : i32
        %dma_wait3A_790 = arith.constant 128 : i32
        %dma_wait3A_791 = arith.constant 0 : i32
        %dma_wait3A_792 = tpu.memref_slice %arg23[%dma_wait3A_790, %dma_wait3A_791] : memref<256x16xf32, #tpu.memory_space<vmem>> -> memref<128x16xf32, #tpu.memory_space<vmem>>
        %dma_wait3A_793 = arith.constant 0 : i32
        %dma_wait3A_794 = tpu.memref_slice %arg10[%dma_wait3A_789, %dma_wait3A_793] : memref<80x128xi32, #tpu.memory_space<vmem>> -> memref<1x128xi32, #tpu.memory_space<vmem>>
        %dma_wait3A_795 = tpu.memref_squeeze %dma_wait3A_794 : memref<1x128xi32, #tpu.memory_space<vmem>> -> memref<128xi32, #tpu.memory_space<vmem>>
        %dma_wait3A_796 = arith.constant 0 : i32
        %dma_wait3A_797 = arith.constant 0 : i32
        %dma_wait3A_798 = tpu.memref_slice %arg28[%dma_wait3A_796, %dma_wait3A_797] : memref<10240x16xf32, #tpu.memory_space<vmem_shared>> -> memref<10240x16xf32, #tpu.memory_space<vmem_shared>>
        tpu.wait_indirect_dma semaphore(%arg36 : memref<!tpu.dma_semaphore, #tpu.memory_space<semaphore_mem>>) src(%dma_wait3A_792 : memref<128x16xf32, #tpu.memory_space<vmem>>) dst(%dma_wait3A_798 : memref<10240x16xf32, #tpu.memory_space<vmem_shared>>)
        %dma_wait3A_799 = arith.constant 0 : i32
        %dma_wait3A_800 = arith.constant 128 : i32
        %dma_wait3A_801 = arith.constant 0 : i32
        %dma_wait3A_802 = tpu.memref_slice %arg24[%dma_wait3A_800, %dma_wait3A_801] : memref<256x16xf32, #tpu.memory_space<vmem>> -> memref<128x16xf32, #tpu.memory_space<vmem>>
        %dma_wait3A_803 = arith.constant 0 : i32
        %dma_wait3A_804 = tpu.memref_slice %arg10[%dma_wait3A_799, %dma_wait3A_803] : memref<80x128xi32, #tpu.memory_space<vmem>> -> memref<1x128xi32, #tpu.memory_space<vmem>>
        %dma_wait3A_805 = tpu.memref_squeeze %dma_wait3A_804 : memref<1x128xi32, #tpu.memory_space<vmem>> -> memref<128xi32, #tpu.memory_space<vmem>>
        %dma_wait3A_806 = arith.constant 0 : i32
        %dma_wait3A_807 = arith.constant 0 : i32
        %dma_wait3A_808 = tpu.memref_slice %arg29[%dma_wait3A_806, %dma_wait3A_807] : memref<10240x16xf32, #tpu.memory_space<vmem_shared>> -> memref<10240x16xf32, #tpu.memory_space<vmem_shared>>
        tpu.wait_indirect_dma semaphore(%arg36 : memref<!tpu.dma_semaphore, #tpu.memory_space<semaphore_mem>>) src(%dma_wait3A_802 : memref<128x16xf32, #tpu.memory_space<vmem>>) dst(%dma_wait3A_808 : memref<10240x16xf32, #tpu.memory_space<vmem_shared>>)
      } else {
      }
      %add3A_592 = arith.constant 4 : i32
      %add3A_593 = arith.addi %add3A_546, %add3A_592 : i32
      %sub3A_594 = arith.constant 1 : i32
      %sub3A_595 = arith.subi %add3A_593, %sub3A_594 : i32
      %lt3A_596 = arith.constant 40 : i32
      %lt3A_597 = arith.cmpi slt, %sub3A_595, %lt3A_596 : i32
      %convert_element_type3A_598 = arith.extui %lt3A_597 : i1 to i32
      %cond3A_599 = arith.constant 0 : i32
      %cond3A_600 = arith.cmpi ne, %convert_element_type3A_598, %cond3A_599 : i32
      scf.if %cond3A_600 {
        %add3A_769 = arith.constant 4 : i32
        %add3A_770 = arith.addi %add3A_546, %add3A_769 : i32
        %sub3A_771 = arith.constant 1 : i32
        %sub3A_772 = arith.subi %add3A_770, %sub3A_771 : i32
        %mul3A_773 = arith.constant 2 : i32
        %mul3A_774 = arith.muli %sub3A_772, %mul3A_773 : i32
        %add3A_775 = arith.constant 0 : i32
        %add3A_776 = arith.addi %mul3A_774, %add3A_775 : i32
        %dma_start3A_777 = arith.constant 0 : i32
        %dma_start3A_778 = arith.constant 0 : i32
        %dma_start3A_779 = tpu.memref_slice %arg13[%dma_start3A_777, %dma_start3A_778] : memref<256x16xf32, #tpu.memory_space<vmem>> -> memref<128x16xf32, #tpu.memory_space<vmem>>
        %dma_start3A_780 = arith.constant 0 : i32
        %dma_start3A_781 = tpu.memref_slice %arg9[%add3A_776, %dma_start3A_780] : memref<80x128xi32, #tpu.memory_space<vmem>> -> memref<1x128xi32, #tpu.memory_space<vmem>>
        %dma_start3A_782 = tpu.memref_squeeze %dma_start3A_781 : memref<1x128xi32, #tpu.memory_space<vmem>> -> memref<128xi32, #tpu.memory_space<vmem>>
        %dma_start3A_783 = arith.constant 0 : i32
        %dma_start3A_784 = arith.constant 0 : i32
        %dma_start3A_785 = tpu.memref_slice %arg4[%dma_start3A_783, %dma_start3A_784] : memref<10240x16xf32, #tpu.memory_space<hbm>> -> memref<10240x16xf32, #tpu.memory_space<hbm>>
        tpu.enqueue_indirect_dma source(%dma_start3A_785 : memref<10240x16xf32, #tpu.memory_space<hbm>>) target(%dma_start3A_779 : memref<128x16xf32, #tpu.memory_space<vmem>>) offsets(%dma_start3A_782 : memref<128xi32, #tpu.memory_space<vmem>>) semaphore(%arg31 : memref<!tpu.dma_semaphore, #tpu.memory_space<semaphore_mem>>)
        %mul3A_786 = arith.constant 2 : i32
        %mul3A_787 = arith.muli %sub3A_772, %mul3A_786 : i32
        %add3A_788 = arith.constant 0 : i32
        %add3A_789 = arith.addi %mul3A_787, %add3A_788 : i32
        %dma_start3A_790 = arith.constant 0 : i32
        %dma_start3A_791 = arith.constant 0 : i32
        %dma_start3A_792 = tpu.memref_slice %arg14[%dma_start3A_790, %dma_start3A_791] : memref<256x16xf32, #tpu.memory_space<vmem>> -> memref<128x16xf32, #tpu.memory_space<vmem>>
        %dma_start3A_793 = arith.constant 0 : i32
        %dma_start3A_794 = tpu.memref_slice %arg10[%add3A_789, %dma_start3A_793] : memref<80x128xi32, #tpu.memory_space<vmem>> -> memref<1x128xi32, #tpu.memory_space<vmem>>
        %dma_start3A_795 = tpu.memref_squeeze %dma_start3A_794 : memref<1x128xi32, #tpu.memory_space<vmem>> -> memref<128xi32, #tpu.memory_space<vmem>>
        %dma_start3A_796 = arith.constant 0 : i32
        %dma_start3A_797 = arith.constant 0 : i32
        %dma_start3A_798 = tpu.memref_slice %arg5[%dma_start3A_796, %dma_start3A_797] : memref<10240x16xf32, #tpu.memory_space<hbm>> -> memref<10240x16xf32, #tpu.memory_space<hbm>>
        tpu.enqueue_indirect_dma source(%dma_start3A_798 : memref<10240x16xf32, #tpu.memory_space<hbm>>) target(%dma_start3A_792 : memref<128x16xf32, #tpu.memory_space<vmem>>) offsets(%dma_start3A_795 : memref<128xi32, #tpu.memory_space<vmem>>) semaphore(%arg31 : memref<!tpu.dma_semaphore, #tpu.memory_space<semaphore_mem>>)
        %mul3A_799 = arith.constant 2 : i32
        %mul3A_800 = arith.muli %sub3A_772, %mul3A_799 : i32
        %add3A_801 = arith.constant 1 : i32
        %add3A_802 = arith.addi %mul3A_800, %add3A_801 : i32
        %dma_start3A_803 = arith.constant 128 : i32
        %dma_start3A_804 = arith.constant 0 : i32
        %dma_start3A_805 = tpu.memref_slice %arg13[%dma_start3A_803, %dma_start3A_804] : memref<256x16xf32, #tpu.memory_space<vmem>> -> memref<128x16xf32, #tpu.memory_space<vmem>>
        %dma_start3A_806 = arith.constant 0 : i32
        %dma_start3A_807 = tpu.memref_slice %arg9[%add3A_802, %dma_start3A_806] : memref<80x128xi32, #tpu.memory_space<vmem>> -> memref<1x128xi32, #tpu.memory_space<vmem>>
        %dma_start3A_808 = tpu.memref_squeeze %dma_start3A_807 : memref<1x128xi32, #tpu.memory_space<vmem>> -> memref<128xi32, #tpu.memory_space<vmem>>
        %dma_start3A_809 = arith.constant 0 : i32
        %dma_start3A_810 = arith.constant 0 : i32
        %dma_start3A_811 = tpu.memref_slice %arg4[%dma_start3A_809, %dma_start3A_810] : memref<10240x16xf32, #tpu.memory_space<hbm>> -> memref<10240x16xf32, #tpu.memory_space<hbm>>
        tpu.enqueue_indirect_dma source(%dma_start3A_811 : memref<10240x16xf32, #tpu.memory_space<hbm>>) target(%dma_start3A_805 : memref<128x16xf32, #tpu.memory_space<vmem>>) offsets(%dma_start3A_808 : memref<128xi32, #tpu.memory_space<vmem>>) semaphore(%arg31 : memref<!tpu.dma_semaphore, #tpu.memory_space<semaphore_mem>>)
        %mul3A_812 = arith.constant 2 : i32
        %mul3A_813 = arith.muli %sub3A_772, %mul3A_812 : i32
        %add3A_814 = arith.constant 1 : i32
        %add3A_815 = arith.addi %mul3A_813, %add3A_814 : i32
        %dma_start3A_816 = arith.constant 128 : i32
        %dma_start3A_817 = arith.constant 0 : i32
        %dma_start3A_818 = tpu.memref_slice %arg14[%dma_start3A_816, %dma_start3A_817] : memref<256x16xf32, #tpu.memory_space<vmem>> -> memref<128x16xf32, #tpu.memory_space<vmem>>
        %dma_start3A_819 = arith.constant 0 : i32
        %dma_start3A_820 = tpu.memref_slice %arg10[%add3A_815, %dma_start3A_819] : memref<80x128xi32, #tpu.memory_space<vmem>> -> memref<1x128xi32, #tpu.memory_space<vmem>>
        %dma_start3A_821 = tpu.memref_squeeze %dma_start3A_820 : memref<1x128xi32, #tpu.memory_space<vmem>> -> memref<128xi32, #tpu.memory_space<vmem>>
        %dma_start3A_822 = arith.constant 0 : i32
        %dma_start3A_823 = arith.constant 0 : i32
        %dma_start3A_824 = tpu.memref_slice %arg5[%dma_start3A_822, %dma_start3A_823] : memref<10240x16xf32, #tpu.memory_space<hbm>> -> memref<10240x16xf32, #tpu.memory_space<hbm>>
        tpu.enqueue_indirect_dma source(%dma_start3A_824 : memref<10240x16xf32, #tpu.memory_space<hbm>>) target(%dma_start3A_818 : memref<128x16xf32, #tpu.memory_space<vmem>>) offsets(%dma_start3A_821 : memref<128xi32, #tpu.memory_space<vmem>>) semaphore(%arg31 : memref<!tpu.dma_semaphore, #tpu.memory_space<semaphore_mem>>)
      } else {
      }
      %parallel_loop3A_601 = arith.constant 0 : i32
      %parallel_loop3A_602 = arith.constant 256 : i32
      %parallel_loop3A_603 = arith.constant 1 : i32
      scf.for %parallel_loop3A_769 = %parallel_loop3A_601 to %parallel_loop3A_602 step %parallel_loop3A_603  : i32 {
        %parallel_loop3A_770 = arith.index_cast %parallel_loop3A_769 : i32 to index
        %parallel_loop3A_771 = arith.constant 0 : index
        %parallel_loop3A_772 = tpu.vector_load %arg15[%parallel_loop3A_770, %parallel_loop3A_771] {strides = array<i32>} : memref<256x16xf32, #tpu.memory_space<vmem>>, vector<1x16xf32>,
        %parallel_loop3A_773 = vector.shape_cast %parallel_loop3A_772 : vector<1x16xf32> to vector<16xf32>
        %parallel_loop3A_774 = arith.index_cast %parallel_loop3A_769 : i32 to index
        %parallel_loop3A_775 = arith.constant 0 : index
        %parallel_loop3A_776 = tpu.vector_load %arg16[%parallel_loop3A_774, %parallel_loop3A_775] {strides = array<i32>} : memref<256x16xf32, #tpu.memory_space<vmem>>, vector<1x16xf32>,
        %parallel_loop3A_777 = vector.shape_cast %parallel_loop3A_776 : vector<1x16xf32> to vector<16xf32>
        %parallel_loop3A_778 = arith.addf %parallel_loop3A_773, %parallel_loop3A_777 : vector<16xf32>
        %parallel_loop3A_779 = arith.constant 0.000000e+00 : f32
        %parallel_loop3A_780 = vector.broadcast %parallel_loop3A_779 : f32 to vector<16xf32>
        %parallel_loop3A_781 = arith.cmpf ogt, %parallel_loop3A_778, %parallel_loop3A_780 : vector<16xf32>
        %parallel_loop3A_782 = arith.mulf %parallel_loop3A_778, %get3A_18 : vector<16xf32>
        %parallel_loop3A_783 = arith.mulf %parallel_loop3A_778, %mul3A_21 : vector<16xf32>
        %parallel_loop3A_784 = arith.select %parallel_loop3A_781, %parallel_loop3A_782, %parallel_loop3A_783 : vector<16xi1>, vector<16xf32>
        %parallel_loop3A_785 = vector.shape_cast %xor3A_23 : vector<16xi32> to vector<16x1xi32>
        %parallel_loop3A_786 = vector.shape_cast %parallel_loop3A_785 : vector<16x1xi32> to vector<16xi32>
        %parallel_loop3A_787 = tpu.dynamic_gather %parallel_loop3A_784[%parallel_loop3A_786] in [0] : vector<16xf32>, vector<16xi32> -> vector<16xf32>
        %parallel_loop3A_788 = arith.addf %parallel_loop3A_784, %parallel_loop3A_787 : vector<16xf32>
        %parallel_loop3A_789 = vector.shape_cast %xor3A_27 : vector<16xi32> to vector<16x1xi32>
        %parallel_loop3A_790 = vector.shape_cast %parallel_loop3A_789 : vector<16x1xi32> to vector<16xi32>
        %parallel_loop3A_791 = tpu.dynamic_gather %parallel_loop3A_788[%parallel_loop3A_790] in [0] : vector<16xf32>, vector<16xi32> -> vector<16xf32>
        %parallel_loop3A_792 = arith.addf %parallel_loop3A_788, %parallel_loop3A_791 : vector<16xf32>
        %parallel_loop3A_793 = vector.shape_cast %xor3A_31 : vector<16xi32> to vector<16x1xi32>
        %parallel_loop3A_794 = vector.shape_cast %parallel_loop3A_793 : vector<16x1xi32> to vector<16xi32>
        %parallel_loop3A_795 = tpu.dynamic_gather %parallel_loop3A_792[%parallel_loop3A_794] in [0] : vector<16xf32>, vector<16xi32> -> vector<16xf32>
        %parallel_loop3A_796 = arith.addf %parallel_loop3A_792, %parallel_loop3A_795 : vector<16xf32>
        %parallel_loop3A_797 = vector.shape_cast %xor3A_35 : vector<16xi32> to vector<16x1xi32>
        %parallel_loop3A_798 = vector.shape_cast %parallel_loop3A_797 : vector<16x1xi32> to vector<16xi32>
        %parallel_loop3A_799 = tpu.dynamic_gather %parallel_loop3A_796[%parallel_loop3A_798] in [0] : vector<16xf32>, vector<16xi32> -> vector<16xf32>
        %parallel_loop3A_800 = arith.addf %parallel_loop3A_796, %parallel_loop3A_799 : vector<16xf32>
        %parallel_loop3A_801 = math.exp %parallel_loop3A_800 : vector<16xf32>
        %parallel_loop3A_802 = arith.index_cast %parallel_loop3A_769 : i32 to index
        %parallel_loop3A_803 = arith.constant 0 : index
        %parallel_loop3A_804 = tpu.vector_load %arg23[%parallel_loop3A_802, %parallel_loop3A_803] {strides = array<i32>} : memref<256x16xf32, #tpu.memory_space<vmem>>, vector<1x16xf32>,
        %parallel_loop3A_805 = vector.shape_cast %parallel_loop3A_804 : vector<1x16xf32> to vector<16xf32>
        %parallel_loop3A_806 = vector.shape_cast %parallel_loop3A_801 : vector<16xf32> to vector<1x16xf32>
        tpu.vector_store %arg23[%parallel_loop3A_802, %parallel_loop3A_803], %parallel_loop3A_806 {strides = array<i32>} : memref<256x16xf32, #tpu.memory_space<vmem>>, vector<1x16xf32>,
        %parallel_loop3A_807 = arith.mulf %parallel_loop3A_801, %parallel_loop3A_773 : vector<16xf32>
        %parallel_loop3A_808 = arith.index_cast %parallel_loop3A_769 : i32 to index
        %parallel_loop3A_809 = arith.constant 0 : index
        %parallel_loop3A_810 = tpu.vector_load %arg24[%parallel_loop3A_808, %parallel_loop3A_809] {strides = array<i32>} : memref<256x16xf32, #tpu.memory_space<vmem>>, vector<1x16xf32>,
        %parallel_loop3A_811 = vector.shape_cast %parallel_loop3A_810 : vector<1x16xf32> to vector<16xf32>
        %parallel_loop3A_812 = vector.shape_cast %parallel_loop3A_807 : vector<16xf32> to vector<1x16xf32>
        tpu.vector_store %arg24[%parallel_loop3A_808, %parallel_loop3A_809], %parallel_loop3A_812 {strides = array<i32>} : memref<256x16xf32, #tpu.memory_space<vmem>>, vector<1x16xf32>,
      } {sc.loop_unroll_factor = 4 : i64, sc.parallel_access}
      %mul3A_604 = arith.constant 2 : i32
      %mul3A_605 = arith.muli %add3A_546, %mul3A_604 : i32
      %add3A_606 = arith.constant 0 : i32
      %add3A_607 = arith.addi %mul3A_605, %add3A_606 : i32
      %dma_start3A_608 = arith.constant 0 : i32
      %dma_start3A_609 = arith.constant 0 : i32
      %dma_start3A_610 = tpu.memref_slice %arg23[%dma_start3A_608, %dma_start3A_609] : memref<256x16xf32, #tpu.memory_space<vmem>> -> memref<128x16xf32, #tpu.memory_space<vmem>>
      %dma_start3A_611 = arith.constant 0 : i32
      %dma_start3A_612 = tpu.memref_slice %arg10[%add3A_607, %dma_start3A_611] : memref<80x128xi32, #tpu.memory_space<vmem>> -> memref<1x128xi32, #tpu.memory_space<vmem>>
      %dma_start3A_613 = tpu.memref_squeeze %dma_start3A_612 : memref<1x128xi32, #tpu.memory_space<vmem>> -> memref<128xi32, #tpu.memory_space<vmem>>
      %dma_start3A_614 = arith.constant 0 : i32
      %dma_start3A_615 = arith.constant 0 : i32
      %dma_start3A_616 = tpu.memref_slice %arg28[%dma_start3A_614, %dma_start3A_615] : memref<10240x16xf32, #tpu.memory_space<vmem_shared>> -> memref<10240x16xf32, #tpu.memory_space<vmem_shared>>
      tpu.enqueue_indirect_dma source(%dma_start3A_610 : memref<128x16xf32, #tpu.memory_space<vmem>>) target(%dma_start3A_616 : memref<10240x16xf32, #tpu.memory_space<vmem_shared>>) offsets(%dma_start3A_613 : memref<128xi32, #tpu.memory_space<vmem>>) semaphore(%arg36 : memref<!tpu.dma_semaphore, #tpu.memory_space<semaphore_mem>>) {add = true}
      %mul3A_617 = arith.constant 2 : i32
      %mul3A_618 = arith.muli %add3A_546, %mul3A_617 : i32
      %add3A_619 = arith.constant 0 : i32
      %add3A_620 = arith.addi %mul3A_618, %add3A_619 : i32
      %dma_start3A_621 = arith.constant 0 : i32
      %dma_start3A_622 = arith.constant 0 : i32
      %dma_start3A_623 = tpu.memref_slice %arg24[%dma_start3A_621, %dma_start3A_622] : memref<256x16xf32, #tpu.memory_space<vmem>> -> memref<128x16xf32, #tpu.memory_space<vmem>>
      %dma_start3A_624 = arith.constant 0 : i32
      %dma_start3A_625 = tpu.memref_slice %arg10[%add3A_620, %dma_start3A_624] : memref<80x128xi32, #tpu.memory_space<vmem>> -> memref<1x128xi32, #tpu.memory_space<vmem>>
      %dma_start3A_626 = tpu.memref_squeeze %dma_start3A_625 : memref<1x128xi32, #tpu.memory_space<vmem>> -> memref<128xi32, #tpu.memory_space<vmem>>
      %dma_start3A_627 = arith.constant 0 : i32
      %dma_start3A_628 = arith.constant 0 : i32
      %dma_start3A_629 = tpu.memref_slice %arg29[%dma_start3A_627, %dma_start3A_628] : memref<10240x16xf32, #tpu.memory_space<vmem_shared>> -> memref<10240x16xf32, #tpu.memory_space<vmem_shared>>
      tpu.enqueue_indirect_dma source(%dma_start3A_623 : memref<128x16xf32, #tpu.memory_space<vmem>>) target(%dma_start3A_629 : memref<10240x16xf32, #tpu.memory_space<vmem_shared>>) offsets(%dma_start3A_626 : memref<128xi32, #tpu.memory_space<vmem>>) semaphore(%arg36 : memref<!tpu.dma_semaphore, #tpu.memory_space<semaphore_mem>>) {add = true}
      %mul3A_630 = arith.constant 2 : i32
      %mul3A_631 = arith.muli %add3A_546, %mul3A_630 : i32
      %add3A_632 = arith.constant 1 : i32
      %add3A_633 = arith.addi %mul3A_631, %add3A_632 : i32
      %dma_start3A_634 = arith.constant 128 : i32
      %dma_start3A_635 = arith.constant 0 : i32
      %dma_start3A_636 = tpu.memref_slice %arg23[%dma_start3A_634, %dma_start3A_635] : memref<256x16xf32, #tpu.memory_space<vmem>> -> memref<128x16xf32, #tpu.memory_space<vmem>>
      %dma_start3A_637 = arith.constant 0 : i32
      %dma_start3A_638 = tpu.memref_slice %arg10[%add3A_633, %dma_start3A_637] : memref<80x128xi32, #tpu.memory_space<vmem>> -> memref<1x128xi32, #tpu.memory_space<vmem>>
      %dma_start3A_639 = tpu.memref_squeeze %dma_start3A_638 : memref<1x128xi32, #tpu.memory_space<vmem>> -> memref<128xi32, #tpu.memory_space<vmem>>
      %dma_start3A_640 = arith.constant 0 : i32
      %dma_start3A_641 = arith.constant 0 : i32
      %dma_start3A_642 = tpu.memref_slice %arg28[%dma_start3A_640, %dma_start3A_641] : memref<10240x16xf32, #tpu.memory_space<vmem_shared>> -> memref<10240x16xf32, #tpu.memory_space<vmem_shared>>
      tpu.enqueue_indirect_dma source(%dma_start3A_636 : memref<128x16xf32, #tpu.memory_space<vmem>>) target(%dma_start3A_642 : memref<10240x16xf32, #tpu.memory_space<vmem_shared>>) offsets(%dma_start3A_639 : memref<128xi32, #tpu.memory_space<vmem>>) semaphore(%arg36 : memref<!tpu.dma_semaphore, #tpu.memory_space<semaphore_mem>>) {add = true}
      %mul3A_643 = arith.constant 2 : i32
      %mul3A_644 = arith.muli %add3A_546, %mul3A_643 : i32
      %add3A_645 = arith.constant 1 : i32
      %add3A_646 = arith.addi %mul3A_644, %add3A_645 : i32
      %dma_start3A_647 = arith.constant 128 : i32
      %dma_start3A_648 = arith.constant 0 : i32
      %dma_start3A_649 = tpu.memref_slice %arg24[%dma_start3A_647, %dma_start3A_648] : memref<256x16xf32, #tpu.memory_space<vmem>> -> memref<128x16xf32, #tpu.memory_space<vmem>>
      %dma_start3A_650 = arith.constant 0 : i32
      %dma_start3A_651 = tpu.memref_slice %arg10[%add3A_646, %dma_start3A_650] : memref<80x128xi32, #tpu.memory_space<vmem>> -> memref<1x128xi32, #tpu.memory_space<vmem>>
      %dma_start3A_652 = tpu.memref_squeeze %dma_start3A_651 : memref<1x128xi32, #tpu.memory_space<vmem>> -> memref<128xi32, #tpu.memory_space<vmem>>
      %dma_start3A_653 = arith.constant 0 : i32
      %dma_start3A_654 = arith.constant 0 : i32
      %dma_start3A_655 = tpu.memref_slice %arg29[%dma_start3A_653, %dma_start3A_654] : memref<10240x16xf32, #tpu.memory_space<vmem_shared>> -> memref<10240x16xf32, #tpu.memory_space<vmem_shared>>
      tpu.enqueue_indirect_dma source(%dma_start3A_649 : memref<128x16xf32, #tpu.memory_space<vmem>>) target(%dma_start3A_655 : memref<10240x16xf32, #tpu.memory_space<vmem_shared>>) offsets(%dma_start3A_652 : memref<128xi32, #tpu.memory_space<vmem>>) semaphore(%arg36 : memref<!tpu.dma_semaphore, #tpu.memory_space<semaphore_mem>>) {add = true}
      %mul3A_656 = arith.constant 4 : i32
      %mul3A_657 = arith.muli %scan3A_322, %mul3A_656 : i32
      %add3A_658 = arith.constant 3 : i32
      %add3A_659 = arith.addi %mul3A_657, %add3A_658 : i32
      %dma_wait3A_660 = arith.constant 0 : i32
      %dma_wait3A_661 = arith.constant 0 : i32
      %dma_wait3A_662 = arith.constant 0 : i32
      %dma_wait3A_663 = tpu.memref_slice %arg17[%dma_wait3A_661, %dma_wait3A_662] : memref<256x16xf32, #tpu.memory_space<vmem>> -> memref<128x16xf32, #tpu.memory_space<vmem>>
      %dma_wait3A_664 = arith.constant 0 : i32
      %dma_wait3A_665 = tpu.memref_slice %arg9[%dma_wait3A_660, %dma_wait3A_664] : memref<80x128xi32, #tpu.memory_space<vmem>> -> memref<1x128xi32, #tpu.memory_space<vmem>>
      %dma_wait3A_666 = tpu.memref_squeeze %dma_wait3A_665 : memref<1x128xi32, #tpu.memory_space<vmem>> -> memref<128xi32, #tpu.memory_space<vmem>>
      %dma_wait3A_667 = arith.constant 0 : i32
      %dma_wait3A_668 = arith.constant 0 : i32
      %dma_wait3A_669 = tpu.memref_slice %arg4[%dma_wait3A_667, %dma_wait3A_668] : memref<10240x16xf32, #tpu.memory_space<hbm>> -> memref<10240x16xf32, #tpu.memory_space<hbm>>
      tpu.wait_indirect_dma semaphore(%arg33 : memref<!tpu.dma_semaphore, #tpu.memory_space<semaphore_mem>>) src(%dma_wait3A_669 : memref<10240x16xf32, #tpu.memory_space<hbm>>) dst(%dma_wait3A_663 : memref<128x16xf32, #tpu.memory_space<vmem>>)
      %dma_wait3A_670 = arith.constant 0 : i32
      %dma_wait3A_671 = arith.constant 0 : i32
      %dma_wait3A_672 = arith.constant 0 : i32
      %dma_wait3A_673 = tpu.memref_slice %arg18[%dma_wait3A_671, %dma_wait3A_672] : memref<256x16xf32, #tpu.memory_space<vmem>> -> memref<128x16xf32, #tpu.memory_space<vmem>>
      %dma_wait3A_674 = arith.constant 0 : i32
      %dma_wait3A_675 = tpu.memref_slice %arg10[%dma_wait3A_670, %dma_wait3A_674] : memref<80x128xi32, #tpu.memory_space<vmem>> -> memref<1x128xi32, #tpu.memory_space<vmem>>
      %dma_wait3A_676 = tpu.memref_squeeze %dma_wait3A_675 : memref<1x128xi32, #tpu.memory_space<vmem>> -> memref<128xi32, #tpu.memory_space<vmem>>
      %dma_wait3A_677 = arith.constant 0 : i32
      %dma_wait3A_678 = arith.constant 0 : i32
      %dma_wait3A_679 = tpu.memref_slice %arg5[%dma_wait3A_677, %dma_wait3A_678] : memref<10240x16xf32, #tpu.memory_space<hbm>> -> memref<10240x16xf32, #tpu.memory_space<hbm>>
      tpu.wait_indirect_dma semaphore(%arg33 : memref<!tpu.dma_semaphore, #tpu.memory_space<semaphore_mem>>) src(%dma_wait3A_679 : memref<10240x16xf32, #tpu.memory_space<hbm>>) dst(%dma_wait3A_673 : memref<128x16xf32, #tpu.memory_space<vmem>>)
      %dma_wait3A_680 = arith.constant 0 : i32
      %dma_wait3A_681 = arith.constant 128 : i32
      %dma_wait3A_682 = arith.constant 0 : i32
      %dma_wait3A_683 = tpu.memref_slice %arg17[%dma_wait3A_681, %dma_wait3A_682] : memref<256x16xf32, #tpu.memory_space<vmem>> -> memref<128x16xf32, #tpu.memory_space<vmem>>
      %dma_wait3A_684 = arith.constant 0 : i32
      %dma_wait3A_685 = tpu.memref_slice %arg9[%dma_wait3A_680, %dma_wait3A_684] : memref<80x128xi32, #tpu.memory_space<vmem>> -> memref<1x128xi32, #tpu.memory_space<vmem>>
      %dma_wait3A_686 = tpu.memref_squeeze %dma_wait3A_685 : memref<1x128xi32, #tpu.memory_space<vmem>> -> memref<128xi32, #tpu.memory_space<vmem>>
      %dma_wait3A_687 = arith.constant 0 : i32
      %dma_wait3A_688 = arith.constant 0 : i32
      %dma_wait3A_689 = tpu.memref_slice %arg4[%dma_wait3A_687, %dma_wait3A_688] : memref<10240x16xf32, #tpu.memory_space<hbm>> -> memref<10240x16xf32, #tpu.memory_space<hbm>>
      tpu.wait_indirect_dma semaphore(%arg33 : memref<!tpu.dma_semaphore, #tpu.memory_space<semaphore_mem>>) src(%dma_wait3A_689 : memref<10240x16xf32, #tpu.memory_space<hbm>>) dst(%dma_wait3A_683 : memref<128x16xf32, #tpu.memory_space<vmem>>)
      %dma_wait3A_690 = arith.constant 0 : i32
      %dma_wait3A_691 = arith.constant 128 : i32
      %dma_wait3A_692 = arith.constant 0 : i32
      %dma_wait3A_693 = tpu.memref_slice %arg18[%dma_wait3A_691, %dma_wait3A_692] : memref<256x16xf32, #tpu.memory_space<vmem>> -> memref<128x16xf32, #tpu.memory_space<vmem>>
      %dma_wait3A_694 = arith.constant 0 : i32
      %dma_wait3A_695 = tpu.memref_slice %arg10[%dma_wait3A_690, %dma_wait3A_694] : memref<80x128xi32, #tpu.memory_space<vmem>> -> memref<1x128xi32, #tpu.memory_space<vmem>>
      %dma_wait3A_696 = tpu.memref_squeeze %dma_wait3A_695 : memref<1x128xi32, #tpu.memory_space<vmem>> -> memref<128xi32, #tpu.memory_space<vmem>>
      %dma_wait3A_697 = arith.constant 0 : i32
      %dma_wait3A_698 = arith.constant 0 : i32
      %dma_wait3A_699 = tpu.memref_slice %arg5[%dma_wait3A_697, %dma_wait3A_698] : memref<10240x16xf32, #tpu.memory_space<hbm>> -> memref<10240x16xf32, #tpu.memory_space<hbm>>
      tpu.wait_indirect_dma semaphore(%arg33 : memref<!tpu.dma_semaphore, #tpu.memory_space<semaphore_mem>>) src(%dma_wait3A_699 : memref<10240x16xf32, #tpu.memory_space<hbm>>) dst(%dma_wait3A_693 : memref<128x16xf32, #tpu.memory_space<vmem>>)
      %gt3A_700 = arith.constant 0 : i32
      %gt3A_701 = arith.cmpi sgt, %scan3A_322, %gt3A_700 : i32
      %convert_element_type3A_702 = arith.extui %gt3A_701 : i1 to i32
      %cond3A_703 = arith.constant 0 : i32
      %cond3A_704 = arith.cmpi ne, %convert_element_type3A_702, %cond3A_703 : i32
      scf.if %cond3A_704 {
        %dma_wait3A_769 = arith.constant 0 : i32
        %dma_wait3A_770 = arith.constant 0 : i32
        %dma_wait3A_771 = arith.constant 0 : i32
        %dma_wait3A_772 = tpu.memref_slice %arg25[%dma_wait3A_770, %dma_wait3A_771] : memref<256x16xf32, #tpu.memory_space<vmem>> -> memref<128x16xf32, #tpu.memory_space<vmem>>
        %dma_wait3A_773 = arith.constant 0 : i32
        %dma_wait3A_774 = tpu.memref_slice %arg10[%dma_wait3A_769, %dma_wait3A_773] : memref<80x128xi32, #tpu.memory_space<vmem>> -> memref<1x128xi32, #tpu.memory_space<vmem>>
        %dma_wait3A_775 = tpu.memref_squeeze %dma_wait3A_774 : memref<1x128xi32, #tpu.memory_space<vmem>> -> memref<128xi32, #tpu.memory_space<vmem>>
        %dma_wait3A_776 = arith.constant 0 : i32
        %dma_wait3A_777 = arith.constant 0 : i32
        %dma_wait3A_778 = tpu.memref_slice %arg28[%dma_wait3A_776, %dma_wait3A_777] : memref<10240x16xf32, #tpu.memory_space<vmem_shared>> -> memref<10240x16xf32, #tpu.memory_space<vmem_shared>>
        tpu.wait_indirect_dma semaphore(%arg37 : memref<!tpu.dma_semaphore, #tpu.memory_space<semaphore_mem>>) src(%dma_wait3A_772 : memref<128x16xf32, #tpu.memory_space<vmem>>) dst(%dma_wait3A_778 : memref<10240x16xf32, #tpu.memory_space<vmem_shared>>)
        %dma_wait3A_779 = arith.constant 0 : i32
        %dma_wait3A_780 = arith.constant 0 : i32
        %dma_wait3A_781 = arith.constant 0 : i32
        %dma_wait3A_782 = tpu.memref_slice %arg26[%dma_wait3A_780, %dma_wait3A_781] : memref<256x16xf32, #tpu.memory_space<vmem>> -> memref<128x16xf32, #tpu.memory_space<vmem>>
        %dma_wait3A_783 = arith.constant 0 : i32
        %dma_wait3A_784 = tpu.memref_slice %arg10[%dma_wait3A_779, %dma_wait3A_783] : memref<80x128xi32, #tpu.memory_space<vmem>> -> memref<1x128xi32, #tpu.memory_space<vmem>>
        %dma_wait3A_785 = tpu.memref_squeeze %dma_wait3A_784 : memref<1x128xi32, #tpu.memory_space<vmem>> -> memref<128xi32, #tpu.memory_space<vmem>>
        %dma_wait3A_786 = arith.constant 0 : i32
        %dma_wait3A_787 = arith.constant 0 : i32
        %dma_wait3A_788 = tpu.memref_slice %arg29[%dma_wait3A_786, %dma_wait3A_787] : memref<10240x16xf32, #tpu.memory_space<vmem_shared>> -> memref<10240x16xf32, #tpu.memory_space<vmem_shared>>
        tpu.wait_indirect_dma semaphore(%arg37 : memref<!tpu.dma_semaphore, #tpu.memory_space<semaphore_mem>>) src(%dma_wait3A_782 : memref<128x16xf32, #tpu.memory_space<vmem>>) dst(%dma_wait3A_788 : memref<10240x16xf32, #tpu.memory_space<vmem_shared>>)
        %dma_wait3A_789 = arith.constant 0 : i32
        %dma_wait3A_790 = arith.constant 128 : i32
        %dma_wait3A_791 = arith.constant 0 : i32
        %dma_wait3A_792 = tpu.memref_slice %arg25[%dma_wait3A_790, %dma_wait3A_791] : memref<256x16xf32, #tpu.memory_space<vmem>> -> memref<128x16xf32, #tpu.memory_space<vmem>>
        %dma_wait3A_793 = arith.constant 0 : i32
        %dma_wait3A_794 = tpu.memref_slice %arg10[%dma_wait3A_789, %dma_wait3A_793] : memref<80x128xi32, #tpu.memory_space<vmem>> -> memref<1x128xi32, #tpu.memory_space<vmem>>
        %dma_wait3A_795 = tpu.memref_squeeze %dma_wait3A_794 : memref<1x128xi32, #tpu.memory_space<vmem>> -> memref<128xi32, #tpu.memory_space<vmem>>
        %dma_wait3A_796 = arith.constant 0 : i32
        %dma_wait3A_797 = arith.constant 0 : i32
        %dma_wait3A_798 = tpu.memref_slice %arg28[%dma_wait3A_796, %dma_wait3A_797] : memref<10240x16xf32, #tpu.memory_space<vmem_shared>> -> memref<10240x16xf32, #tpu.memory_space<vmem_shared>>
        tpu.wait_indirect_dma semaphore(%arg37 : memref<!tpu.dma_semaphore, #tpu.memory_space<semaphore_mem>>) src(%dma_wait3A_792 : memref<128x16xf32, #tpu.memory_space<vmem>>) dst(%dma_wait3A_798 : memref<10240x16xf32, #tpu.memory_space<vmem_shared>>)
        %dma_wait3A_799 = arith.constant 0 : i32
        %dma_wait3A_800 = arith.constant 128 : i32
        %dma_wait3A_801 = arith.constant 0 : i32
        %dma_wait3A_802 = tpu.memref_slice %arg26[%dma_wait3A_800, %dma_wait3A_801] : memref<256x16xf32, #tpu.memory_space<vmem>> -> memref<128x16xf32, #tpu.memory_space<vmem>>
        %dma_wait3A_803 = arith.constant 0 : i32
        %dma_wait3A_804 = tpu.memref_slice %arg10[%dma_wait3A_799, %dma_wait3A_803] : memref<80x128xi32, #tpu.memory_space<vmem>> -> memref<1x128xi32, #tpu.memory_space<vmem>>
        %dma_wait3A_805 = tpu.memref_squeeze %dma_wait3A_804 : memref<1x128xi32, #tpu.memory_space<vmem>> -> memref<128xi32, #tpu.memory_space<vmem>>
        %dma_wait3A_806 = arith.constant 0 : i32
        %dma_wait3A_807 = arith.constant 0 : i32
        %dma_wait3A_808 = tpu.memref_slice %arg29[%dma_wait3A_806, %dma_wait3A_807] : memref<10240x16xf32, #tpu.memory_space<vmem_shared>> -> memref<10240x16xf32, #tpu.memory_space<vmem_shared>>
        tpu.wait_indirect_dma semaphore(%arg37 : memref<!tpu.dma_semaphore, #tpu.memory_space<semaphore_mem>>) src(%dma_wait3A_802 : memref<128x16xf32, #tpu.memory_space<vmem>>) dst(%dma_wait3A_808 : memref<10240x16xf32, #tpu.memory_space<vmem_shared>>)
      } else {
      }
      %add3A_705 = arith.constant 4 : i32
      %add3A_706 = arith.addi %add3A_659, %add3A_705 : i32
      %sub3A_707 = arith.constant 1 : i32
      %sub3A_708 = arith.subi %add3A_706, %sub3A_707 : i32
      %lt3A_709 = arith.constant 40 : i32
      %lt3A_710 = arith.cmpi slt, %sub3A_708, %lt3A_709 : i32
      %convert_element_type3A_711 = arith.extui %lt3A_710 : i1 to i32
      %cond3A_712 = arith.constant 0 : i32
      %cond3A_713 = arith.cmpi ne, %convert_element_type3A_711, %cond3A_712 : i32
      scf.if %cond3A_713 {
        %add3A_769 = arith.constant 4 : i32
        %add3A_770 = arith.addi %add3A_659, %add3A_769 : i32
        %sub3A_771 = arith.constant 1 : i32
        %sub3A_772 = arith.subi %add3A_770, %sub3A_771 : i32
        %mul3A_773 = arith.constant 2 : i32
        %mul3A_774 = arith.muli %sub3A_772, %mul3A_773 : i32
        %add3A_775 = arith.constant 0 : i32
        %add3A_776 = arith.addi %mul3A_774, %add3A_775 : i32
        %dma_start3A_777 = arith.constant 0 : i32
        %dma_start3A_778 = arith.constant 0 : i32
        %dma_start3A_779 = tpu.memref_slice %arg15[%dma_start3A_777, %dma_start3A_778] : memref<256x16xf32, #tpu.memory_space<vmem>> -> memref<128x16xf32, #tpu.memory_space<vmem>>
        %dma_start3A_780 = arith.constant 0 : i32
        %dma_start3A_781 = tpu.memref_slice %arg9[%add3A_776, %dma_start3A_780] : memref<80x128xi32, #tpu.memory_space<vmem>> -> memref<1x128xi32, #tpu.memory_space<vmem>>
        %dma_start3A_782 = tpu.memref_squeeze %dma_start3A_781 : memref<1x128xi32, #tpu.memory_space<vmem>> -> memref<128xi32, #tpu.memory_space<vmem>>
        %dma_start3A_783 = arith.constant 0 : i32
        %dma_start3A_784 = arith.constant 0 : i32
        %dma_start3A_785 = tpu.memref_slice %arg4[%dma_start3A_783, %dma_start3A_784] : memref<10240x16xf32, #tpu.memory_space<hbm>> -> memref<10240x16xf32, #tpu.memory_space<hbm>>
        tpu.enqueue_indirect_dma source(%dma_start3A_785 : memref<10240x16xf32, #tpu.memory_space<hbm>>) target(%dma_start3A_779 : memref<128x16xf32, #tpu.memory_space<vmem>>) offsets(%dma_start3A_782 : memref<128xi32, #tpu.memory_space<vmem>>) semaphore(%arg32 : memref<!tpu.dma_semaphore, #tpu.memory_space<semaphore_mem>>)
        %mul3A_786 = arith.constant 2 : i32
        %mul3A_787 = arith.muli %sub3A_772, %mul3A_786 : i32
        %add3A_788 = arith.constant 0 : i32
        %add3A_789 = arith.addi %mul3A_787, %add3A_788 : i32
        %dma_start3A_790 = arith.constant 0 : i32
        %dma_start3A_791 = arith.constant 0 : i32
        %dma_start3A_792 = tpu.memref_slice %arg16[%dma_start3A_790, %dma_start3A_791] : memref<256x16xf32, #tpu.memory_space<vmem>> -> memref<128x16xf32, #tpu.memory_space<vmem>>
        %dma_start3A_793 = arith.constant 0 : i32
        %dma_start3A_794 = tpu.memref_slice %arg10[%add3A_789, %dma_start3A_793] : memref<80x128xi32, #tpu.memory_space<vmem>> -> memref<1x128xi32, #tpu.memory_space<vmem>>
        %dma_start3A_795 = tpu.memref_squeeze %dma_start3A_794 : memref<1x128xi32, #tpu.memory_space<vmem>> -> memref<128xi32, #tpu.memory_space<vmem>>
        %dma_start3A_796 = arith.constant 0 : i32
        %dma_start3A_797 = arith.constant 0 : i32
        %dma_start3A_798 = tpu.memref_slice %arg5[%dma_start3A_796, %dma_start3A_797] : memref<10240x16xf32, #tpu.memory_space<hbm>> -> memref<10240x16xf32, #tpu.memory_space<hbm>>
        tpu.enqueue_indirect_dma source(%dma_start3A_798 : memref<10240x16xf32, #tpu.memory_space<hbm>>) target(%dma_start3A_792 : memref<128x16xf32, #tpu.memory_space<vmem>>) offsets(%dma_start3A_795 : memref<128xi32, #tpu.memory_space<vmem>>) semaphore(%arg32 : memref<!tpu.dma_semaphore, #tpu.memory_space<semaphore_mem>>)
        %mul3A_799 = arith.constant 2 : i32
        %mul3A_800 = arith.muli %sub3A_772, %mul3A_799 : i32
        %add3A_801 = arith.constant 1 : i32
        %add3A_802 = arith.addi %mul3A_800, %add3A_801 : i32
        %dma_start3A_803 = arith.constant 128 : i32
        %dma_start3A_804 = arith.constant 0 : i32
        %dma_start3A_805 = tpu.memref_slice %arg15[%dma_start3A_803, %dma_start3A_804] : memref<256x16xf32, #tpu.memory_space<vmem>> -> memref<128x16xf32, #tpu.memory_space<vmem>>
        %dma_start3A_806 = arith.constant 0 : i32
        %dma_start3A_807 = tpu.memref_slice %arg9[%add3A_802, %dma_start3A_806] : memref<80x128xi32, #tpu.memory_space<vmem>> -> memref<1x128xi32, #tpu.memory_space<vmem>>
        %dma_start3A_808 = tpu.memref_squeeze %dma_start3A_807 : memref<1x128xi32, #tpu.memory_space<vmem>> -> memref<128xi32, #tpu.memory_space<vmem>>
        %dma_start3A_809 = arith.constant 0 : i32
        %dma_start3A_810 = arith.constant 0 : i32
        %dma_start3A_811 = tpu.memref_slice %arg4[%dma_start3A_809, %dma_start3A_810] : memref<10240x16xf32, #tpu.memory_space<hbm>> -> memref<10240x16xf32, #tpu.memory_space<hbm>>
        tpu.enqueue_indirect_dma source(%dma_start3A_811 : memref<10240x16xf32, #tpu.memory_space<hbm>>) target(%dma_start3A_805 : memref<128x16xf32, #tpu.memory_space<vmem>>) offsets(%dma_start3A_808 : memref<128xi32, #tpu.memory_space<vmem>>) semaphore(%arg32 : memref<!tpu.dma_semaphore, #tpu.memory_space<semaphore_mem>>)
        %mul3A_812 = arith.constant 2 : i32
        %mul3A_813 = arith.muli %sub3A_772, %mul3A_812 : i32
        %add3A_814 = arith.constant 1 : i32
        %add3A_815 = arith.addi %mul3A_813, %add3A_814 : i32
        %dma_start3A_816 = arith.constant 128 : i32
        %dma_start3A_817 = arith.constant 0 : i32
        %dma_start3A_818 = tpu.memref_slice %arg16[%dma_start3A_816, %dma_start3A_817] : memref<256x16xf32, #tpu.memory_space<vmem>> -> memref<128x16xf32, #tpu.memory_space<vmem>>
        %dma_start3A_819 = arith.constant 0 : i32
        %dma_start3A_820 = tpu.memref_slice %arg10[%add3A_815, %dma_start3A_819] : memref<80x128xi32, #tpu.memory_space<vmem>> -> memref<1x128xi32, #tpu.memory_space<vmem>>
        %dma_start3A_821 = tpu.memref_squeeze %dma_start3A_820 : memref<1x128xi32, #tpu.memory_space<vmem>> -> memref<128xi32, #tpu.memory_space<vmem>>
        %dma_start3A_822 = arith.constant 0 : i32
        %dma_start3A_823 = arith.constant 0 : i32
        %dma_start3A_824 = tpu.memref_slice %arg5[%dma_start3A_822, %dma_start3A_823] : memref<10240x16xf32, #tpu.memory_space<hbm>> -> memref<10240x16xf32, #tpu.memory_space<hbm>>
        tpu.enqueue_indirect_dma source(%dma_start3A_824 : memref<10240x16xf32, #tpu.memory_space<hbm>>) target(%dma_start3A_818 : memref<128x16xf32, #tpu.memory_space<vmem>>) offsets(%dma_start3A_821 : memref<128xi32, #tpu.memory_space<vmem>>) semaphore(%arg32 : memref<!tpu.dma_semaphore, #tpu.memory_space<semaphore_mem>>)
      } else {
      }
      %parallel_loop3A_714 = arith.constant 0 : i32
      %parallel_loop3A_715 = arith.constant 256 : i32
      %parallel_loop3A_716 = arith.constant 1 : i32
      scf.for %parallel_loop3A_769 = %parallel_loop3A_714 to %parallel_loop3A_715 step %parallel_loop3A_716  : i32 {
        %parallel_loop3A_770 = arith.index_cast %parallel_loop3A_769 : i32 to index
        %parallel_loop3A_771 = arith.constant 0 : index
        %parallel_loop3A_772 = tpu.vector_load %arg17[%parallel_loop3A_770, %parallel_loop3A_771] {strides = array<i32>} : memref<256x16xf32, #tpu.memory_space<vmem>>, vector<1x16xf32>,
        %parallel_loop3A_773 = vector.shape_cast %parallel_loop3A_772 : vector<1x16xf32> to vector<16xf32>
        %parallel_loop3A_774 = arith.index_cast %parallel_loop3A_769 : i32 to index
        %parallel_loop3A_775 = arith.constant 0 : index
        %parallel_loop3A_776 = tpu.vector_load %arg18[%parallel_loop3A_774, %parallel_loop3A_775] {strides = array<i32>} : memref<256x16xf32, #tpu.memory_space<vmem>>, vector<1x16xf32>,
        %parallel_loop3A_777 = vector.shape_cast %parallel_loop3A_776 : vector<1x16xf32> to vector<16xf32>
        %parallel_loop3A_778 = arith.addf %parallel_loop3A_773, %parallel_loop3A_777 : vector<16xf32>
        %parallel_loop3A_779 = arith.constant 0.000000e+00 : f32
        %parallel_loop3A_780 = vector.broadcast %parallel_loop3A_779 : f32 to vector<16xf32>
        %parallel_loop3A_781 = arith.cmpf ogt, %parallel_loop3A_778, %parallel_loop3A_780 : vector<16xf32>
        %parallel_loop3A_782 = arith.mulf %parallel_loop3A_778, %get3A_18 : vector<16xf32>
        %parallel_loop3A_783 = arith.mulf %parallel_loop3A_778, %mul3A_21 : vector<16xf32>
        %parallel_loop3A_784 = arith.select %parallel_loop3A_781, %parallel_loop3A_782, %parallel_loop3A_783 : vector<16xi1>, vector<16xf32>
        %parallel_loop3A_785 = vector.shape_cast %xor3A_23 : vector<16xi32> to vector<16x1xi32>
        %parallel_loop3A_786 = vector.shape_cast %parallel_loop3A_785 : vector<16x1xi32> to vector<16xi32>
        %parallel_loop3A_787 = tpu.dynamic_gather %parallel_loop3A_784[%parallel_loop3A_786] in [0] : vector<16xf32>, vector<16xi32> -> vector<16xf32>
        %parallel_loop3A_788 = arith.addf %parallel_loop3A_784, %parallel_loop3A_787 : vector<16xf32>
        %parallel_loop3A_789 = vector.shape_cast %xor3A_27 : vector<16xi32> to vector<16x1xi32>
        %parallel_loop3A_790 = vector.shape_cast %parallel_loop3A_789 : vector<16x1xi32> to vector<16xi32>
        %parallel_loop3A_791 = tpu.dynamic_gather %parallel_loop3A_788[%parallel_loop3A_790] in [0] : vector<16xf32>, vector<16xi32> -> vector<16xf32>
        %parallel_loop3A_792 = arith.addf %parallel_loop3A_788, %parallel_loop3A_791 : vector<16xf32>
        %parallel_loop3A_793 = vector.shape_cast %xor3A_31 : vector<16xi32> to vector<16x1xi32>
        %parallel_loop3A_794 = vector.shape_cast %parallel_loop3A_793 : vector<16x1xi32> to vector<16xi32>
        %parallel_loop3A_795 = tpu.dynamic_gather %parallel_loop3A_792[%parallel_loop3A_794] in [0] : vector<16xf32>, vector<16xi32> -> vector<16xf32>
        %parallel_loop3A_796 = arith.addf %parallel_loop3A_792, %parallel_loop3A_795 : vector<16xf32>
        %parallel_loop3A_797 = vector.shape_cast %xor3A_35 : vector<16xi32> to vector<16x1xi32>
        %parallel_loop3A_798 = vector.shape_cast %parallel_loop3A_797 : vector<16x1xi32> to vector<16xi32>
        %parallel_loop3A_799 = tpu.dynamic_gather %parallel_loop3A_796[%parallel_loop3A_798] in [0] : vector<16xf32>, vector<16xi32> -> vector<16xf32>
        %parallel_loop3A_800 = arith.addf %parallel_loop3A_796, %parallel_loop3A_799 : vector<16xf32>
        %parallel_loop3A_801 = math.exp %parallel_loop3A_800 : vector<16xf32>
        %parallel_loop3A_802 = arith.index_cast %parallel_loop3A_769 : i32 to index
        %parallel_loop3A_803 = arith.constant 0 : index
        %parallel_loop3A_804 = tpu.vector_load %arg25[%parallel_loop3A_802, %parallel_loop3A_803] {strides = array<i32>} : memref<256x16xf32, #tpu.memory_space<vmem>>, vector<1x16xf32>,
        %parallel_loop3A_805 = vector.shape_cast %parallel_loop3A_804 : vector<1x16xf32> to vector<16xf32>
        %parallel_loop3A_806 = vector.shape_cast %parallel_loop3A_801 : vector<16xf32> to vector<1x16xf32>
        tpu.vector_store %arg25[%parallel_loop3A_802, %parallel_loop3A_803], %parallel_loop3A_806 {strides = array<i32>} : memref<256x16xf32, #tpu.memory_space<vmem>>, vector<1x16xf32>,
        %parallel_loop3A_807 = arith.mulf %parallel_loop3A_801, %parallel_loop3A_773 : vector<16xf32>
        %parallel_loop3A_808 = arith.index_cast %parallel_loop3A_769 : i32 to index
        %parallel_loop3A_809 = arith.constant 0 : index
        %parallel_loop3A_810 = tpu.vector_load %arg26[%parallel_loop3A_808, %parallel_loop3A_809] {strides = array<i32>} : memref<256x16xf32, #tpu.memory_space<vmem>>, vector<1x16xf32>,
        %parallel_loop3A_811 = vector.shape_cast %parallel_loop3A_810 : vector<1x16xf32> to vector<16xf32>
        %parallel_loop3A_812 = vector.shape_cast %parallel_loop3A_807 : vector<16xf32> to vector<1x16xf32>
        tpu.vector_store %arg26[%parallel_loop3A_808, %parallel_loop3A_809], %parallel_loop3A_812 {strides = array<i32>} : memref<256x16xf32, #tpu.memory_space<vmem>>, vector<1x16xf32>,
      } {sc.loop_unroll_factor = 4 : i64, sc.parallel_access}
      %mul3A_717 = arith.constant 2 : i32
      %mul3A_718 = arith.muli %add3A_659, %mul3A_717 : i32
      %add3A_719 = arith.constant 0 : i32
      %add3A_720 = arith.addi %mul3A_718, %add3A_719 : i32
      %dma_start3A_721 = arith.constant 0 : i32
      %dma_start3A_722 = arith.constant 0 : i32
      %dma_start3A_723 = tpu.memref_slice %arg25[%dma_start3A_721, %dma_start3A_722] : memref<256x16xf32, #tpu.memory_space<vmem>> -> memref<128x16xf32, #tpu.memory_space<vmem>>
      %dma_start3A_724 = arith.constant 0 : i32
      %dma_start3A_725 = tpu.memref_slice %arg10[%add3A_720, %dma_start3A_724] : memref<80x128xi32, #tpu.memory_space<vmem>> -> memref<1x128xi32, #tpu.memory_space<vmem>>
      %dma_start3A_726 = tpu.memref_squeeze %dma_start3A_725 : memref<1x128xi32, #tpu.memory_space<vmem>> -> memref<128xi32, #tpu.memory_space<vmem>>
      %dma_start3A_727 = arith.constant 0 : i32
      %dma_start3A_728 = arith.constant 0 : i32
      %dma_start3A_729 = tpu.memref_slice %arg28[%dma_start3A_727, %dma_start3A_728] : memref<10240x16xf32, #tpu.memory_space<vmem_shared>> -> memref<10240x16xf32, #tpu.memory_space<vmem_shared>>
      tpu.enqueue_indirect_dma source(%dma_start3A_723 : memref<128x16xf32, #tpu.memory_space<vmem>>) target(%dma_start3A_729 : memref<10240x16xf32, #tpu.memory_space<vmem_shared>>) offsets(%dma_start3A_726 : memref<128xi32, #tpu.memory_space<vmem>>) semaphore(%arg37 : memref<!tpu.dma_semaphore, #tpu.memory_space<semaphore_mem>>) {add = true}
      %mul3A_730 = arith.constant 2 : i32
      %mul3A_731 = arith.muli %add3A_659, %mul3A_730 : i32
      %add3A_732 = arith.constant 0 : i32
      %add3A_733 = arith.addi %mul3A_731, %add3A_732 : i32
      %dma_start3A_734 = arith.constant 0 : i32
      %dma_start3A_735 = arith.constant 0 : i32
      %dma_start3A_736 = tpu.memref_slice %arg26[%dma_start3A_734, %dma_start3A_735] : memref<256x16xf32, #tpu.memory_space<vmem>> -> memref<128x16xf32, #tpu.memory_space<vmem>>
      %dma_start3A_737 = arith.constant 0 : i32
      %dma_start3A_738 = tpu.memref_slice %arg10[%add3A_733, %dma_start3A_737] : memref<80x128xi32, #tpu.memory_space<vmem>> -> memref<1x128xi32, #tpu.memory_space<vmem>>
      %dma_start3A_739 = tpu.memref_squeeze %dma_start3A_738 : memref<1x128xi32, #tpu.memory_space<vmem>> -> memref<128xi32, #tpu.memory_space<vmem>>
      %dma_start3A_740 = arith.constant 0 : i32
      %dma_start3A_741 = arith.constant 0 : i32
      %dma_start3A_742 = tpu.memref_slice %arg29[%dma_start3A_740, %dma_start3A_741] : memref<10240x16xf32, #tpu.memory_space<vmem_shared>> -> memref<10240x16xf32, #tpu.memory_space<vmem_shared>>
      tpu.enqueue_indirect_dma source(%dma_start3A_736 : memref<128x16xf32, #tpu.memory_space<vmem>>) target(%dma_start3A_742 : memref<10240x16xf32, #tpu.memory_space<vmem_shared>>) offsets(%dma_start3A_739 : memref<128xi32, #tpu.memory_space<vmem>>) semaphore(%arg37 : memref<!tpu.dma_semaphore, #tpu.memory_space<semaphore_mem>>) {add = true}
      %mul3A_743 = arith.constant 2 : i32
      %mul3A_744 = arith.muli %add3A_659, %mul3A_743 : i32
      %add3A_745 = arith.constant 1 : i32
      %add3A_746 = arith.addi %mul3A_744, %add3A_745 : i32
      %dma_start3A_747 = arith.constant 128 : i32
      %dma_start3A_748 = arith.constant 0 : i32
      %dma_start3A_749 = tpu.memref_slice %arg25[%dma_start3A_747, %dma_start3A_748] : memref<256x16xf32, #tpu.memory_space<vmem>> -> memref<128x16xf32, #tpu.memory_space<vmem>>
      %dma_start3A_750 = arith.constant 0 : i32
      %dma_start3A_751 = tpu.memref_slice %arg10[%add3A_746, %dma_start3A_750] : memref<80x128xi32, #tpu.memory_space<vmem>> -> memref<1x128xi32, #tpu.memory_space<vmem>>
      %dma_start3A_752 = tpu.memref_squeeze %dma_start3A_751 : memref<1x128xi32, #tpu.memory_space<vmem>> -> memref<128xi32, #tpu.memory_space<vmem>>
      %dma_start3A_753 = arith.constant 0 : i32
      %dma_start3A_754 = arith.constant 0 : i32
      %dma_start3A_755 = tpu.memref_slice %arg28[%dma_start3A_753, %dma_start3A_754] : memref<10240x16xf32, #tpu.memory_space<vmem_shared>> -> memref<10240x16xf32, #tpu.memory_space<vmem_shared>>
      tpu.enqueue_indirect_dma source(%dma_start3A_749 : memref<128x16xf32, #tpu.memory_space<vmem>>) target(%dma_start3A_755 : memref<10240x16xf32, #tpu.memory_space<vmem_shared>>) offsets(%dma_start3A_752 : memref<128xi32, #tpu.memory_space<vmem>>) semaphore(%arg37 : memref<!tpu.dma_semaphore, #tpu.memory_space<semaphore_mem>>) {add = true}
      %mul3A_756 = arith.constant 2 : i32
      %mul3A_757 = arith.muli %add3A_659, %mul3A_756 : i32
      %add3A_758 = arith.constant 1 : i32
      %add3A_759 = arith.addi %mul3A_757, %add3A_758 : i32
      %dma_start3A_760 = arith.constant 128 : i32
      %dma_start3A_761 = arith.constant 0 : i32
      %dma_start3A_762 = tpu.memref_slice %arg26[%dma_start3A_760, %dma_start3A_761] : memref<256x16xf32, #tpu.memory_space<vmem>> -> memref<128x16xf32, #tpu.memory_space<vmem>>
      %dma_start3A_763 = arith.constant 0 : i32
      %dma_start3A_764 = tpu.memref_slice %arg10[%add3A_759, %dma_start3A_763] : memref<80x128xi32, #tpu.memory_space<vmem>> -> memref<1x128xi32, #tpu.memory_space<vmem>>
      %dma_start3A_765 = tpu.memref_squeeze %dma_start3A_764 : memref<1x128xi32, #tpu.memory_space<vmem>> -> memref<128xi32, #tpu.memory_space<vmem>>
      %dma_start3A_766 = arith.constant 0 : i32
      %dma_start3A_767 = arith.constant 0 : i32
      %dma_start3A_768 = tpu.memref_slice %arg29[%dma_start3A_766, %dma_start3A_767] : memref<10240x16xf32, #tpu.memory_space<vmem_shared>> -> memref<10240x16xf32, #tpu.memory_space<vmem_shared>>
      tpu.enqueue_indirect_dma source(%dma_start3A_762 : memref<128x16xf32, #tpu.memory_space<vmem>>) target(%dma_start3A_768 : memref<10240x16xf32, #tpu.memory_space<vmem_shared>>) offsets(%dma_start3A_765 : memref<128xi32, #tpu.memory_space<vmem>>) semaphore(%arg37 : memref<!tpu.dma_semaphore, #tpu.memory_space<semaphore_mem>>) {add = true}
    }
    %scan3A_160 = arith.constant 10 : i32
    %dma_wait3A = arith.constant 0 : i32
    %dma_wait3A_161 = arith.constant 0 : i32
    %dma_wait3A_162 = arith.constant 0 : i32
    %dma_wait3A_163 = tpu.memref_slice %arg19[%dma_wait3A_161, %dma_wait3A_162] : memref<256x16xf32, #tpu.memory_space<vmem>> -> memref<128x16xf32, #tpu.memory_space<vmem>>
    %dma_wait3A_164 = arith.constant 0 : i32
    %dma_wait3A_165 = tpu.memref_slice %arg10[%dma_wait3A, %dma_wait3A_164] : memref<80x128xi32, #tpu.memory_space<vmem>> -> memref<1x128xi32, #tpu.memory_space<vmem>>
    %dma_wait3A_166 = tpu.memref_squeeze %dma_wait3A_165 : memref<1x128xi32, #tpu.memory_space<vmem>> -> memref<128xi32, #tpu.memory_space<vmem>>
    %dma_wait3A_167 = arith.constant 0 : i32
    %dma_wait3A_168 = arith.constant 0 : i32
    %dma_wait3A_169 = tpu.memref_slice %arg28[%dma_wait3A_167, %dma_wait3A_168] : memref<10240x16xf32, #tpu.memory_space<vmem_shared>> -> memref<10240x16xf32, #tpu.memory_space<vmem_shared>>
    tpu.wait_indirect_dma semaphore(%arg34 : memref<!tpu.dma_semaphore, #tpu.memory_space<semaphore_mem>>) src(%dma_wait3A_163 : memref<128x16xf32, #tpu.memory_space<vmem>>) dst(%dma_wait3A_169 : memref<10240x16xf32, #tpu.memory_space<vmem_shared>>)
    %dma_wait3A_170 = arith.constant 0 : i32
    %dma_wait3A_171 = arith.constant 0 : i32
    %dma_wait3A_172 = arith.constant 0 : i32
    %dma_wait3A_173 = tpu.memref_slice %arg20[%dma_wait3A_171, %dma_wait3A_172] : memref<256x16xf32, #tpu.memory_space<vmem>> -> memref<128x16xf32, #tpu.memory_space<vmem>>
    %dma_wait3A_174 = arith.constant 0 : i32
    %dma_wait3A_175 = tpu.memref_slice %arg10[%dma_wait3A_170, %dma_wait3A_174] : memref<80x128xi32, #tpu.memory_space<vmem>> -> memref<1x128xi32, #tpu.memory_space<vmem>>
    %dma_wait3A_176 = tpu.memref_squeeze %dma_wait3A_175 : memref<1x128xi32, #tpu.memory_space<vmem>> -> memref<128xi32, #tpu.memory_space<vmem>>
    %dma_wait3A_177 = arith.constant 0 : i32
    %dma_wait3A_178 = arith.constant 0 : i32
    %dma_wait3A_179 = tpu.memref_slice %arg29[%dma_wait3A_177, %dma_wait3A_178] : memref<10240x16xf32, #tpu.memory_space<vmem_shared>> -> memref<10240x16xf32, #tpu.memory_space<vmem_shared>>
    tpu.wait_indirect_dma semaphore(%arg34 : memref<!tpu.dma_semaphore, #tpu.memory_space<semaphore_mem>>) src(%dma_wait3A_173 : memref<128x16xf32, #tpu.memory_space<vmem>>) dst(%dma_wait3A_179 : memref<10240x16xf32, #tpu.memory_space<vmem_shared>>)
    %dma_wait3A_180 = arith.constant 0 : i32
    %dma_wait3A_181 = arith.constant 128 : i32
    %dma_wait3A_182 = arith.constant 0 : i32
    %dma_wait3A_183 = tpu.memref_slice %arg19[%dma_wait3A_181, %dma_wait3A_182] : memref<256x16xf32, #tpu.memory_space<vmem>> -> memref<128x16xf32, #tpu.memory_space<vmem>>
    %dma_wait3A_184 = arith.constant 0 : i32
    %dma_wait3A_185 = tpu.memref_slice %arg10[%dma_wait3A_180, %dma_wait3A_184] : memref<80x128xi32, #tpu.memory_space<vmem>> -> memref<1x128xi32, #tpu.memory_space<vmem>>
    %dma_wait3A_186 = tpu.memref_squeeze %dma_wait3A_185 : memref<1x128xi32, #tpu.memory_space<vmem>> -> memref<128xi32, #tpu.memory_space<vmem>>
    %dma_wait3A_187 = arith.constant 0 : i32
    %dma_wait3A_188 = arith.constant 0 : i32
    %dma_wait3A_189 = tpu.memref_slice %arg28[%dma_wait3A_187, %dma_wait3A_188] : memref<10240x16xf32, #tpu.memory_space<vmem_shared>> -> memref<10240x16xf32, #tpu.memory_space<vmem_shared>>
    tpu.wait_indirect_dma semaphore(%arg34 : memref<!tpu.dma_semaphore, #tpu.memory_space<semaphore_mem>>) src(%dma_wait3A_183 : memref<128x16xf32, #tpu.memory_space<vmem>>) dst(%dma_wait3A_189 : memref<10240x16xf32, #tpu.memory_space<vmem_shared>>)
    %dma_wait3A_190 = arith.constant 0 : i32
    %dma_wait3A_191 = arith.constant 128 : i32
    %dma_wait3A_192 = arith.constant 0 : i32
    %dma_wait3A_193 = tpu.memref_slice %arg20[%dma_wait3A_191, %dma_wait3A_192] : memref<256x16xf32, #tpu.memory_space<vmem>> -> memref<128x16xf32, #tpu.memory_space<vmem>>
    %dma_wait3A_194 = arith.constant 0 : i32
    %dma_wait3A_195 = tpu.memref_slice %arg10[%dma_wait3A_190, %dma_wait3A_194] : memref<80x128xi32, #tpu.memory_space<vmem>> -> memref<1x128xi32, #tpu.memory_space<vmem>>
    %dma_wait3A_196 = tpu.memref_squeeze %dma_wait3A_195 : memref<1x128xi32, #tpu.memory_space<vmem>> -> memref<128xi32, #tpu.memory_space<vmem>>
    %dma_wait3A_197 = arith.constant 0 : i32
    %dma_wait3A_198 = arith.constant 0 : i32
    %dma_wait3A_199 = tpu.memref_slice %arg29[%dma_wait3A_197, %dma_wait3A_198] : memref<10240x16xf32, #tpu.memory_space<vmem_shared>> -> memref<10240x16xf32, #tpu.memory_space<vmem_shared>>
    tpu.wait_indirect_dma semaphore(%arg34 : memref<!tpu.dma_semaphore, #tpu.memory_space<semaphore_mem>>) src(%dma_wait3A_193 : memref<128x16xf32, #tpu.memory_space<vmem>>) dst(%dma_wait3A_199 : memref<10240x16xf32, #tpu.memory_space<vmem_shared>>)
    %dma_wait3A_200 = arith.constant 0 : i32
    %dma_wait3A_201 = arith.constant 0 : i32
    %dma_wait3A_202 = arith.constant 0 : i32
    %dma_wait3A_203 = tpu.memref_slice %arg21[%dma_wait3A_201, %dma_wait3A_202] : memref<256x16xf32, #tpu.memory_space<vmem>> -> memref<128x16xf32, #tpu.memory_space<vmem>>
    %dma_wait3A_204 = arith.constant 0 : i32
    %dma_wait3A_205 = tpu.memref_slice %arg10[%dma_wait3A_200, %dma_wait3A_204] : memref<80x128xi32, #tpu.memory_space<vmem>> -> memref<1x128xi32, #tpu.memory_space<vmem>>
    %dma_wait3A_206 = tpu.memref_squeeze %dma_wait3A_205 : memref<1x128xi32, #tpu.memory_space<vmem>> -> memref<128xi32, #tpu.memory_space<vmem>>
    %dma_wait3A_207 = arith.constant 0 : i32
    %dma_wait3A_208 = arith.constant 0 : i32
    %dma_wait3A_209 = tpu.memref_slice %arg28[%dma_wait3A_207, %dma_wait3A_208] : memref<10240x16xf32, #tpu.memory_space<vmem_shared>> -> memref<10240x16xf32, #tpu.memory_space<vmem_shared>>
    tpu.wait_indirect_dma semaphore(%arg35 : memref<!tpu.dma_semaphore, #tpu.memory_space<semaphore_mem>>) src(%dma_wait3A_203 : memref<128x16xf32, #tpu.memory_space<vmem>>) dst(%dma_wait3A_209 : memref<10240x16xf32, #tpu.memory_space<vmem_shared>>)
    %dma_wait3A_210 = arith.constant 0 : i32
    %dma_wait3A_211 = arith.constant 0 : i32
    %dma_wait3A_212 = arith.constant 0 : i32
    %dma_wait3A_213 = tpu.memref_slice %arg22[%dma_wait3A_211, %dma_wait3A_212] : memref<256x16xf32, #tpu.memory_space<vmem>> -> memref<128x16xf32, #tpu.memory_space<vmem>>
    %dma_wait3A_214 = arith.constant 0 : i32
    %dma_wait3A_215 = tpu.memref_slice %arg10[%dma_wait3A_210, %dma_wait3A_214] : memref<80x128xi32, #tpu.memory_space<vmem>> -> memref<1x128xi32, #tpu.memory_space<vmem>>
    %dma_wait3A_216 = tpu.memref_squeeze %dma_wait3A_215 : memref<1x128xi32, #tpu.memory_space<vmem>> -> memref<128xi32, #tpu.memory_space<vmem>>
    %dma_wait3A_217 = arith.constant 0 : i32
    %dma_wait3A_218 = arith.constant 0 : i32
    %dma_wait3A_219 = tpu.memref_slice %arg29[%dma_wait3A_217, %dma_wait3A_218] : memref<10240x16xf32, #tpu.memory_space<vmem_shared>> -> memref<10240x16xf32, #tpu.memory_space<vmem_shared>>
    tpu.wait_indirect_dma semaphore(%arg35 : memref<!tpu.dma_semaphore, #tpu.memory_space<semaphore_mem>>) src(%dma_wait3A_213 : memref<128x16xf32, #tpu.memory_space<vmem>>) dst(%dma_wait3A_219 : memref<10240x16xf32, #tpu.memory_space<vmem_shared>>)
    %dma_wait3A_220 = arith.constant 0 : i32
    %dma_wait3A_221 = arith.constant 128 : i32
    %dma_wait3A_222 = arith.constant 0 : i32
    %dma_wait3A_223 = tpu.memref_slice %arg21[%dma_wait3A_221, %dma_wait3A_222] : memref<256x16xf32, #tpu.memory_space<vmem>> -> memref<128x16xf32, #tpu.memory_space<vmem>>
    %dma_wait3A_224 = arith.constant 0 : i32
    %dma_wait3A_225 = tpu.memref_slice %arg10[%dma_wait3A_220, %dma_wait3A_224] : memref<80x128xi32, #tpu.memory_space<vmem>> -> memref<1x128xi32, #tpu.memory_space<vmem>>
    %dma_wait3A_226 = tpu.memref_squeeze %dma_wait3A_225 : memref<1x128xi32, #tpu.memory_space<vmem>> -> memref<128xi32, #tpu.memory_space<vmem>>
    %dma_wait3A_227 = arith.constant 0 : i32
    %dma_wait3A_228 = arith.constant 0 : i32
    %dma_wait3A_229 = tpu.memref_slice %arg28[%dma_wait3A_227, %dma_wait3A_228] : memref<10240x16xf32, #tpu.memory_space<vmem_shared>> -> memref<10240x16xf32, #tpu.memory_space<vmem_shared>>
    tpu.wait_indirect_dma semaphore(%arg35 : memref<!tpu.dma_semaphore, #tpu.memory_space<semaphore_mem>>) src(%dma_wait3A_223 : memref<128x16xf32, #tpu.memory_space<vmem>>) dst(%dma_wait3A_229 : memref<10240x16xf32, #tpu.memory_space<vmem_shared>>)
    %dma_wait3A_230 = arith.constant 0 : i32
    %dma_wait3A_231 = arith.constant 128 : i32
    %dma_wait3A_232 = arith.constant 0 : i32
    %dma_wait3A_233 = tpu.memref_slice %arg22[%dma_wait3A_231, %dma_wait3A_232] : memref<256x16xf32, #tpu.memory_space<vmem>> -> memref<128x16xf32, #tpu.memory_space<vmem>>
    %dma_wait3A_234 = arith.constant 0 : i32
    %dma_wait3A_235 = tpu.memref_slice %arg10[%dma_wait3A_230, %dma_wait3A_234] : memref<80x128xi32, #tpu.memory_space<vmem>> -> memref<1x128xi32, #tpu.memory_space<vmem>>
    %dma_wait3A_236 = tpu.memref_squeeze %dma_wait3A_235 : memref<1x128xi32, #tpu.memory_space<vmem>> -> memref<128xi32, #tpu.memory_space<vmem>>
    %dma_wait3A_237 = arith.constant 0 : i32
    %dma_wait3A_238 = arith.constant 0 : i32
    %dma_wait3A_239 = tpu.memref_slice %arg29[%dma_wait3A_237, %dma_wait3A_238] : memref<10240x16xf32, #tpu.memory_space<vmem_shared>> -> memref<10240x16xf32, #tpu.memory_space<vmem_shared>>
    tpu.wait_indirect_dma semaphore(%arg35 : memref<!tpu.dma_semaphore, #tpu.memory_space<semaphore_mem>>) src(%dma_wait3A_233 : memref<128x16xf32, #tpu.memory_space<vmem>>) dst(%dma_wait3A_239 : memref<10240x16xf32, #tpu.memory_space<vmem_shared>>)
    %dma_wait3A_240 = arith.constant 0 : i32
    %dma_wait3A_241 = arith.constant 0 : i32
    %dma_wait3A_242 = arith.constant 0 : i32
    %dma_wait3A_243 = tpu.memref_slice %arg23[%dma_wait3A_241, %dma_wait3A_242] : memref<256x16xf32, #tpu.memory_space<vmem>> -> memref<128x16xf32, #tpu.memory_space<vmem>>
    %dma_wait3A_244 = arith.constant 0 : i32
    %dma_wait3A_245 = tpu.memref_slice %arg10[%dma_wait3A_240, %dma_wait3A_244] : memref<80x128xi32, #tpu.memory_space<vmem>> -> memref<1x128xi32, #tpu.memory_space<vmem>>
    %dma_wait3A_246 = tpu.memref_squeeze %dma_wait3A_245 : memref<1x128xi32, #tpu.memory_space<vmem>> -> memref<128xi32, #tpu.memory_space<vmem>>
    %dma_wait3A_247 = arith.constant 0 : i32
    %dma_wait3A_248 = arith.constant 0 : i32
    %dma_wait3A_249 = tpu.memref_slice %arg28[%dma_wait3A_247, %dma_wait3A_248] : memref<10240x16xf32, #tpu.memory_space<vmem_shared>> -> memref<10240x16xf32, #tpu.memory_space<vmem_shared>>
    tpu.wait_indirect_dma semaphore(%arg36 : memref<!tpu.dma_semaphore, #tpu.memory_space<semaphore_mem>>) src(%dma_wait3A_243 : memref<128x16xf32, #tpu.memory_space<vmem>>) dst(%dma_wait3A_249 : memref<10240x16xf32, #tpu.memory_space<vmem_shared>>)
    %dma_wait3A_250 = arith.constant 0 : i32
    %dma_wait3A_251 = arith.constant 0 : i32
    %dma_wait3A_252 = arith.constant 0 : i32
    %dma_wait3A_253 = tpu.memref_slice %arg24[%dma_wait3A_251, %dma_wait3A_252] : memref<256x16xf32, #tpu.memory_space<vmem>> -> memref<128x16xf32, #tpu.memory_space<vmem>>
    %dma_wait3A_254 = arith.constant 0 : i32
    %dma_wait3A_255 = tpu.memref_slice %arg10[%dma_wait3A_250, %dma_wait3A_254] : memref<80x128xi32, #tpu.memory_space<vmem>> -> memref<1x128xi32, #tpu.memory_space<vmem>>
    %dma_wait3A_256 = tpu.memref_squeeze %dma_wait3A_255 : memref<1x128xi32, #tpu.memory_space<vmem>> -> memref<128xi32, #tpu.memory_space<vmem>>
    %dma_wait3A_257 = arith.constant 0 : i32
    %dma_wait3A_258 = arith.constant 0 : i32
    %dma_wait3A_259 = tpu.memref_slice %arg29[%dma_wait3A_257, %dma_wait3A_258] : memref<10240x16xf32, #tpu.memory_space<vmem_shared>> -> memref<10240x16xf32, #tpu.memory_space<vmem_shared>>
    tpu.wait_indirect_dma semaphore(%arg36 : memref<!tpu.dma_semaphore, #tpu.memory_space<semaphore_mem>>) src(%dma_wait3A_253 : memref<128x16xf32, #tpu.memory_space<vmem>>) dst(%dma_wait3A_259 : memref<10240x16xf32, #tpu.memory_space<vmem_shared>>)
    %dma_wait3A_260 = arith.constant 0 : i32
    %dma_wait3A_261 = arith.constant 128 : i32
    %dma_wait3A_262 = arith.constant 0 : i32
    %dma_wait3A_263 = tpu.memref_slice %arg23[%dma_wait3A_261, %dma_wait3A_262] : memref<256x16xf32, #tpu.memory_space<vmem>> -> memref<128x16xf32, #tpu.memory_space<vmem>>
    %dma_wait3A_264 = arith.constant 0 : i32
    %dma_wait3A_265 = tpu.memref_slice %arg10[%dma_wait3A_260, %dma_wait3A_264] : memref<80x128xi32, #tpu.memory_space<vmem>> -> memref<1x128xi32, #tpu.memory_space<vmem>>
    %dma_wait3A_266 = tpu.memref_squeeze %dma_wait3A_265 : memref<1x128xi32, #tpu.memory_space<vmem>> -> memref<128xi32, #tpu.memory_space<vmem>>
    %dma_wait3A_267 = arith.constant 0 : i32
    %dma_wait3A_268 = arith.constant 0 : i32
    %dma_wait3A_269 = tpu.memref_slice %arg28[%dma_wait3A_267, %dma_wait3A_268] : memref<10240x16xf32, #tpu.memory_space<vmem_shared>> -> memref<10240x16xf32, #tpu.memory_space<vmem_shared>>
    tpu.wait_indirect_dma semaphore(%arg36 : memref<!tpu.dma_semaphore, #tpu.memory_space<semaphore_mem>>) src(%dma_wait3A_263 : memref<128x16xf32, #tpu.memory_space<vmem>>) dst(%dma_wait3A_269 : memref<10240x16xf32, #tpu.memory_space<vmem_shared>>)
    %dma_wait3A_270 = arith.constant 0 : i32
    %dma_wait3A_271 = arith.constant 128 : i32
    %dma_wait3A_272 = arith.constant 0 : i32
    %dma_wait3A_273 = tpu.memref_slice %arg24[%dma_wait3A_271, %dma_wait3A_272] : memref<256x16xf32, #tpu.memory_space<vmem>> -> memref<128x16xf32, #tpu.memory_space<vmem>>
    %dma_wait3A_274 = arith.constant 0 : i32
    %dma_wait3A_275 = tpu.memref_slice %arg10[%dma_wait3A_270, %dma_wait3A_274] : memref<80x128xi32, #tpu.memory_space<vmem>> -> memref<1x128xi32, #tpu.memory_space<vmem>>
    %dma_wait3A_276 = tpu.memref_squeeze %dma_wait3A_275 : memref<1x128xi32, #tpu.memory_space<vmem>> -> memref<128xi32, #tpu.memory_space<vmem>>
    %dma_wait3A_277 = arith.constant 0 : i32
    %dma_wait3A_278 = arith.constant 0 : i32
    %dma_wait3A_279 = tpu.memref_slice %arg29[%dma_wait3A_277, %dma_wait3A_278] : memref<10240x16xf32, #tpu.memory_space<vmem_shared>> -> memref<10240x16xf32, #tpu.memory_space<vmem_shared>>
    tpu.wait_indirect_dma semaphore(%arg36 : memref<!tpu.dma_semaphore, #tpu.memory_space<semaphore_mem>>) src(%dma_wait3A_273 : memref<128x16xf32, #tpu.memory_space<vmem>>) dst(%dma_wait3A_279 : memref<10240x16xf32, #tpu.memory_space<vmem_shared>>)
    %dma_wait3A_280 = arith.constant 0 : i32
    %dma_wait3A_281 = arith.constant 0 : i32
    %dma_wait3A_282 = arith.constant 0 : i32
    %dma_wait3A_283 = tpu.memref_slice %arg25[%dma_wait3A_281, %dma_wait3A_282] : memref<256x16xf32, #tpu.memory_space<vmem>> -> memref<128x16xf32, #tpu.memory_space<vmem>>
    %dma_wait3A_284 = arith.constant 0 : i32
    %dma_wait3A_285 = tpu.memref_slice %arg10[%dma_wait3A_280, %dma_wait3A_284] : memref<80x128xi32, #tpu.memory_space<vmem>> -> memref<1x128xi32, #tpu.memory_space<vmem>>
    %dma_wait3A_286 = tpu.memref_squeeze %dma_wait3A_285 : memref<1x128xi32, #tpu.memory_space<vmem>> -> memref<128xi32, #tpu.memory_space<vmem>>
    %dma_wait3A_287 = arith.constant 0 : i32
    %dma_wait3A_288 = arith.constant 0 : i32
    %dma_wait3A_289 = tpu.memref_slice %arg28[%dma_wait3A_287, %dma_wait3A_288] : memref<10240x16xf32, #tpu.memory_space<vmem_shared>> -> memref<10240x16xf32, #tpu.memory_space<vmem_shared>>
    tpu.wait_indirect_dma semaphore(%arg37 : memref<!tpu.dma_semaphore, #tpu.memory_space<semaphore_mem>>) src(%dma_wait3A_283 : memref<128x16xf32, #tpu.memory_space<vmem>>) dst(%dma_wait3A_289 : memref<10240x16xf32, #tpu.memory_space<vmem_shared>>)
    %dma_wait3A_290 = arith.constant 0 : i32
    %dma_wait3A_291 = arith.constant 0 : i32
    %dma_wait3A_292 = arith.constant 0 : i32
    %dma_wait3A_293 = tpu.memref_slice %arg26[%dma_wait3A_291, %dma_wait3A_292] : memref<256x16xf32, #tpu.memory_space<vmem>> -> memref<128x16xf32, #tpu.memory_space<vmem>>
    %dma_wait3A_294 = arith.constant 0 : i32
    %dma_wait3A_295 = tpu.memref_slice %arg10[%dma_wait3A_290, %dma_wait3A_294] : memref<80x128xi32, #tpu.memory_space<vmem>> -> memref<1x128xi32, #tpu.memory_space<vmem>>
    %dma_wait3A_296 = tpu.memref_squeeze %dma_wait3A_295 : memref<1x128xi32, #tpu.memory_space<vmem>> -> memref<128xi32, #tpu.memory_space<vmem>>
    %dma_wait3A_297 = arith.constant 0 : i32
    %dma_wait3A_298 = arith.constant 0 : i32
    %dma_wait3A_299 = tpu.memref_slice %arg29[%dma_wait3A_297, %dma_wait3A_298] : memref<10240x16xf32, #tpu.memory_space<vmem_shared>> -> memref<10240x16xf32, #tpu.memory_space<vmem_shared>>
    tpu.wait_indirect_dma semaphore(%arg37 : memref<!tpu.dma_semaphore, #tpu.memory_space<semaphore_mem>>) src(%dma_wait3A_293 : memref<128x16xf32, #tpu.memory_space<vmem>>) dst(%dma_wait3A_299 : memref<10240x16xf32, #tpu.memory_space<vmem_shared>>)
    %dma_wait3A_300 = arith.constant 0 : i32
    %dma_wait3A_301 = arith.constant 128 : i32
    %dma_wait3A_302 = arith.constant 0 : i32
    %dma_wait3A_303 = tpu.memref_slice %arg25[%dma_wait3A_301, %dma_wait3A_302] : memref<256x16xf32, #tpu.memory_space<vmem>> -> memref<128x16xf32, #tpu.memory_space<vmem>>
    %dma_wait3A_304 = arith.constant 0 : i32
    %dma_wait3A_305 = tpu.memref_slice %arg10[%dma_wait3A_300, %dma_wait3A_304] : memref<80x128xi32, #tpu.memory_space<vmem>> -> memref<1x128xi32, #tpu.memory_space<vmem>>
    %dma_wait3A_306 = tpu.memref_squeeze %dma_wait3A_305 : memref<1x128xi32, #tpu.memory_space<vmem>> -> memref<128xi32, #tpu.memory_space<vmem>>
    %dma_wait3A_307 = arith.constant 0 : i32
    %dma_wait3A_308 = arith.constant 0 : i32
    %dma_wait3A_309 = tpu.memref_slice %arg28[%dma_wait3A_307, %dma_wait3A_308] : memref<10240x16xf32, #tpu.memory_space<vmem_shared>> -> memref<10240x16xf32, #tpu.memory_space<vmem_shared>>
    tpu.wait_indirect_dma semaphore(%arg37 : memref<!tpu.dma_semaphore, #tpu.memory_space<semaphore_mem>>) src(%dma_wait3A_303 : memref<128x16xf32, #tpu.memory_space<vmem>>) dst(%dma_wait3A_309 : memref<10240x16xf32, #tpu.memory_space<vmem_shared>>)
    %dma_wait3A_310 = arith.constant 0 : i32
    %dma_wait3A_311 = arith.constant 128 : i32
    %dma_wait3A_312 = arith.constant 0 : i32
    %dma_wait3A_313 = tpu.memref_slice %arg26[%dma_wait3A_311, %dma_wait3A_312] : memref<256x16xf32, #tpu.memory_space<vmem>> -> memref<128x16xf32, #tpu.memory_space<vmem>>
    %dma_wait3A_314 = arith.constant 0 : i32
    %dma_wait3A_315 = tpu.memref_slice %arg10[%dma_wait3A_310, %dma_wait3A_314] : memref<80x128xi32, #tpu.memory_space<vmem>> -> memref<1x128xi32, #tpu.memory_space<vmem>>
    %dma_wait3A_316 = tpu.memref_squeeze %dma_wait3A_315 : memref<1x128xi32, #tpu.memory_space<vmem>> -> memref<128xi32, #tpu.memory_space<vmem>>
    %dma_wait3A_317 = arith.constant 0 : i32
    %dma_wait3A_318 = arith.constant 0 : i32
    %dma_wait3A_319 = tpu.memref_slice %arg29[%dma_wait3A_317, %dma_wait3A_318] : memref<10240x16xf32, #tpu.memory_space<vmem_shared>> -> memref<10240x16xf32, #tpu.memory_space<vmem_shared>>
    tpu.wait_indirect_dma semaphore(%arg37 : memref<!tpu.dma_semaphore, #tpu.memory_space<semaphore_mem>>) src(%dma_wait3A_313 : memref<128x16xf32, #tpu.memory_space<vmem>>) dst(%dma_wait3A_319 : memref<10240x16xf32, #tpu.memory_space<vmem_shared>>)
    %barrier3A_320 = arith.constant 0 : index
    tpu.barrier barrier_id(%barrier3A_320)
    %run_scoped3A = arith.constant 0 : i32
    "tpu.region"() ({
      %run_scoped3A_322 = tpu.sem_alloc : memref<!tpu.dma_semaphore, #tpu.memory_space<semaphore_mem>>
      %dma_start3A_323 = arith.constant 0 : i32
      %dma_start3A_324 = tpu.memref_slice %arg7[%arg0, %run_scoped3A, %mul3A_8, %dma_start3A_323] : memref<2x2x10240x16xf32, #tpu.memory_space<hbm>> -> memref<1x1x640x16xf32, #tpu.memory_space<hbm>>
      %dma_start3A_325 = tpu.memref_squeeze %dma_start3A_324 : memref<1x1x640x16xf32, #tpu.memory_space<hbm>> -> memref<640x16xf32, #tpu.memory_space<hbm>>
      %dma_start3A_326 = arith.constant 0 : i32
      %dma_start3A_327 = tpu.memref_slice %arg28[%mul3A_8, %dma_start3A_326] : memref<10240x16xf32, #tpu.memory_space<vmem_shared>> -> memref<640x16xf32, #tpu.memory_space<vmem_shared>>
      tpu.enqueue_dma source(%dma_start3A_327 : memref<640x16xf32, #tpu.memory_space<vmem_shared>>) target(%dma_start3A_325 : memref<640x16xf32, #tpu.memory_space<hbm>>) target_semaphore(%run_scoped3A_322 : memref<!tpu.dma_semaphore, #tpu.memory_space<semaphore_mem>>)
      %dma_wait3A_328 = arith.constant 0 : i32
      %dma_wait3A_329 = tpu.memref_slice %arg7[%arg0, %run_scoped3A, %mul3A_8, %dma_wait3A_328] : memref<2x2x10240x16xf32, #tpu.memory_space<hbm>> -> memref<1x1x640x16xf32, #tpu.memory_space<hbm>>
      %dma_wait3A_330 = tpu.memref_squeeze %dma_wait3A_329 : memref<1x1x640x16xf32, #tpu.memory_space<hbm>> -> memref<640x16xf32, #tpu.memory_space<hbm>>
      %dma_wait3A_331 = arith.constant 0 : i32
      %dma_wait3A_332 = tpu.memref_slice %arg28[%mul3A_8, %dma_wait3A_331] : memref<10240x16xf32, #tpu.memory_space<vmem_shared>> -> memref<640x16xf32, #tpu.memory_space<vmem_shared>>
      tpu.wait_dma2 semaphore(%run_scoped3A_322 : memref<!tpu.dma_semaphore, #tpu.memory_space<semaphore_mem>>) src(%dma_wait3A_332 : memref<640x16xf32, #tpu.memory_space<vmem_shared>>) dst(%dma_wait3A_330 : memref<640x16xf32, #tpu.memory_space<hbm>>)
      tpu.yield
    }) : () -> ()
    %run_scoped3A_321 = arith.constant 1 : i32
    "tpu.region"() ({
      %run_scoped3A_322 = tpu.sem_alloc : memref<!tpu.dma_semaphore, #tpu.memory_space<semaphore_mem>>
      %dma_start3A_323 = arith.constant 0 : i32
      %dma_start3A_324 = tpu.memref_slice %arg7[%arg0, %run_scoped3A_321, %mul3A_8, %dma_start3A_323] : memref<2x2x10240x16xf32, #tpu.memory_space<hbm>> -> memref<1x1x640x16xf32, #tpu.memory_space<hbm>>
      %dma_start3A_325 = tpu.memref_squeeze %dma_start3A_324 : memref<1x1x640x16xf32, #tpu.memory_space<hbm>> -> memref<640x16xf32, #tpu.memory_space<hbm>>
      %dma_start3A_326 = arith.constant 0 : i32
      %dma_start3A_327 = tpu.memref_slice %arg29[%mul3A_8, %dma_start3A_326] : memref<10240x16xf32, #tpu.memory_space<vmem_shared>> -> memref<640x16xf32, #tpu.memory_space<vmem_shared>>
      tpu.enqueue_dma source(%dma_start3A_327 : memref<640x16xf32, #tpu.memory_space<vmem_shared>>) target(%dma_start3A_325 : memref<640x16xf32, #tpu.memory_space<hbm>>) target_semaphore(%run_scoped3A_322 : memref<!tpu.dma_semaphore, #tpu.memory_space<semaphore_mem>>)
      %dma_wait3A_328 = arith.constant 0 : i32
      %dma_wait3A_329 = tpu.memref_slice %arg7[%arg0, %run_scoped3A_321, %mul3A_8, %dma_wait3A_328] : memref<2x2x10240x16xf32, #tpu.memory_space<hbm>> -> memref<1x1x640x16xf32, #tpu.memory_space<hbm>>
      %dma_wait3A_330 = tpu.memref_squeeze %dma_wait3A_329 : memref<1x1x640x16xf32, #tpu.memory_space<hbm>> -> memref<640x16xf32, #tpu.memory_space<hbm>>
      %dma_wait3A_331 = arith.constant 0 : i32
      %dma_wait3A_332 = tpu.memref_slice %arg29[%mul3A_8, %dma_wait3A_331] : memref<10240x16xf32, #tpu.memory_space<vmem_shared>> -> memref<640x16xf32, #tpu.memory_space<vmem_shared>>
      tpu.wait_dma2 semaphore(%run_scoped3A_322 : memref<!tpu.dma_semaphore, #tpu.memory_space<semaphore_mem>>) src(%dma_wait3A_332 : memref<640x16xf32, #tpu.memory_space<vmem_shared>>) dst(%dma_wait3A_330 : memref<640x16xf32, #tpu.memory_space<hbm>>)
      tpu.yield
    }) : () -> ()
    return
  }
}

module attributes {stable_mosaic.version = 14 : i64} {
  func.func @_proj1_body(%arg0: memref<10240x128xf32, #tpu.memory_space<vmem>>, %arg1: memref<128x32xf32, #tpu.memory_space<vmem>>, %arg2: memref<1x32xf32, #tpu.memory_space<vmem>>, %arg3: memref<2x320000xi32, #tpu.memory_space<vmem>>, %arg4: memref<60x128xi32, #tpu.memory_space<vmem>>, %arg5: memref<10240x16xf32, #tpu.memory_space<vmem>>, %arg6: memref<10240x16xf32, #tpu.memory_space<vmem>>, %arg7: memref<2560x128xi32, #tpu.memory_space<vmem>>, %arg8: memref<2560x128xi32, #tpu.memory_space<vmem>>) attributes {dimension_semantics = [], scalar_prefetch = 0 : i64, scratch_operands = 0 : i64, tpu.core_type = #tpu.core_type<tc>} {
    %get3A = arith.constant 0 : index
    %get3A_0 = arith.constant 0 : index
    %get3A_1 = vector.load %arg0[%get3A, %get3A_0] : memref<10240x128xf32, #tpu.memory_space<vmem>>, vector<10240x128xf32>
    %get3A_2 = arith.constant 0 : index
    %get3A_3 = arith.constant 0 : index
    %get3A_4 = vector.load %arg1[%get3A_2, %get3A_3] : memref<128x32xf32, #tpu.memory_space<vmem>>, vector<128x32xf32>
    %dot_general3A = arith.constant dense<0.000000e+00> : vector<10240x32xf32>
    %dot_general3A_5 = tpu.matmul %get3A_1, %get3A_4, %dot_general3A {dimension_numbers = #tpu.dot_dimension_numbers<[1], [0], [0], [1], [0, 0, 1, 1], [], []>, transpose_lhs_hint = false} : vector<10240x128xf32>, vector<128x32xf32>, vector<10240x32xf32> -> vector<10240x32xf32>
    %get3A_6 = arith.constant 0 : index
    %get3A_7 = arith.constant 0 : index
    %get3A_8 = vector.load %arg2[%get3A_6, %get3A_7] : memref<1x32xf32, #tpu.memory_space<vmem>>, vector<1x32xf32>
    %add3A = vector.broadcast %get3A_8 : vector<1x32xf32> to vector<10240x32xf32>
    %add3A_9 = arith.addf %dot_general3A_5, %add3A : vector<10240x32xf32>
    %slice3A = vector.extract_strided_slice %add3A_9 {offsets = [0, 0], sizes = [10240, 16], strides = [1, 1]} : vector<10240x32xf32> to vector<10240x16xf32>
    %swap3A = arith.constant 0 : index
    %swap3A_10 = arith.constant 0 : index
    %swap3A_11 = vector.load %arg5[%swap3A, %swap3A_10] : memref<10240x16xf32, #tpu.memory_space<vmem>>, vector<10240x16xf32>
    tpu.vector_store %arg5[%swap3A, %swap3A_10], %slice3A {strides = array<i32>} : memref<10240x16xf32, #tpu.memory_space<vmem>>, vector<10240x16xf32>,
    %slice3A_12 = vector.extract_strided_slice %add3A_9 {offsets = [0, 16], sizes = [10240, 16], strides = [1, 1]} : vector<10240x32xf32> to vector<10240x16xf32>
    %swap3A_13 = arith.constant 0 : index
    %swap3A_14 = arith.constant 0 : index
    %swap3A_15 = vector.load %arg6[%swap3A_13, %swap3A_14] : memref<10240x16xf32, #tpu.memory_space<vmem>>, vector<10240x16xf32>
    tpu.vector_store %arg6[%swap3A_13, %swap3A_14], %slice3A_12 {strides = array<i32>} : memref<10240x16xf32, #tpu.memory_space<vmem>>, vector<10240x16xf32>,
    %get3A_16 = arith.constant 0 : index
    %get3A_17 = arith.constant 0 : index
    %get3A_18 = vector.load %arg4[%get3A_16, %get3A_17] : memref<60x128xi32, #tpu.memory_space<vmem>>, vector<60x128xi32>
    %get3A_19 = arith.constant 0 : index
    %get3A_20 = arith.constant 0 : index
    %get3A_21 = vector.load %arg3[%get3A_19, %get3A_20] : memref<2x320000xi32, #tpu.memory_space<vmem>>, vector<1x320000xi32>
    %get3A_22 = vector.shape_cast %get3A_21 : vector<1x320000xi32> to vector<320000xi32>
    %reshape3A = vector.shape_cast %get3A_22 : vector<320000xi32> to vector<2500x128xi32>
    %concatenate3A = tpu.concatenate %reshape3A, %get3A_18 in 0 : vector<2500x128xi32>, vector<60x128xi32> -> vector<2560x128xi32>
    %swap3A_23 = arith.constant 0 : index
    %swap3A_24 = arith.constant 0 : index
    %swap3A_25 = vector.load %arg7[%swap3A_23, %swap3A_24] : memref<2560x128xi32, #tpu.memory_space<vmem>>, vector<2560x128xi32>
    tpu.vector_store %arg7[%swap3A_23, %swap3A_24], %concatenate3A {strides = array<i32>} : memref<2560x128xi32, #tpu.memory_space<vmem>>, vector<2560x128xi32>,
    %get3A_26 = arith.constant 1 : index
    %get3A_27 = arith.constant 0 : index
    %get3A_28 = vector.load %arg3[%get3A_26, %get3A_27] : memref<2x320000xi32, #tpu.memory_space<vmem>>, vector<1x320000xi32>
    %get3A_29 = vector.shape_cast %get3A_28 : vector<1x320000xi32> to vector<320000xi32>
    %reshape3A_30 = vector.shape_cast %get3A_29 : vector<320000xi32> to vector<2500x128xi32>
    %concatenate3A_31 = tpu.concatenate %reshape3A_30, %get3A_18 in 0 : vector<2500x128xi32>, vector<60x128xi32> -> vector<2560x128xi32>
    %swap3A_32 = arith.constant 0 : index
    %swap3A_33 = arith.constant 0 : index
    %swap3A_34 = vector.load %arg8[%swap3A_32, %swap3A_33] : memref<2560x128xi32, #tpu.memory_space<vmem>>, vector<2560x128xi32>
    tpu.vector_store %arg8[%swap3A_32, %swap3A_33], %concatenate3A_31 {strides = array<i32>} : memref<2560x128xi32, #tpu.memory_space<vmem>>, vector<2560x128xi32>,
    return
  }
}

module attributes {stable_mosaic.version = 14 : i64} {
  func.func @_fuse_body(%arg0: memref<2x2x10240x16xf32, #tpu.memory_space<vmem>>, %arg1: memref<10240x16xf32, #tpu.memory_space<vmem>>, %arg2: memref<10240x16xf32, #tpu.memory_space<vmem>>, %arg3: memref<1x16xf32, #tpu.memory_space<vmem>>, %arg4: memref<16x16xf32, #tpu.memory_space<vmem>>, %arg5: memref<1x16xf32, #tpu.memory_space<vmem>>, %arg6: memref<16x32xf32, #tpu.memory_space<vmem>>, %arg7: memref<1x32xf32, #tpu.memory_space<vmem>>, %arg8: memref<10240x16xf32, #tpu.memory_space<vmem>>, %arg9: memref<10240x16xf32, #tpu.memory_space<vmem>>) attributes {dimension_semantics = [], scalar_prefetch = 0 : i64, scratch_operands = 0 : i64, tpu.core_type = #tpu.core_type<tc>} {
    %get3A = arith.constant 0 : index
    %get3A_0 = arith.constant 0 : index
    %get3A_1 = vector.load %arg1[%get3A, %get3A_0] : memref<10240x16xf32, #tpu.memory_space<vmem>>, vector<10240x16xf32>
    %get3A_2 = arith.constant 0 : index
    %get3A_3 = arith.constant 0 : index
    %get3A_4 = vector.load %arg2[%get3A_2, %get3A_3] : memref<10240x16xf32, #tpu.memory_space<vmem>>, vector<10240x16xf32>
    %add3A = arith.addf %get3A_1, %get3A_4 : vector<10240x16xf32>
    %gt3A = arith.constant 0.000000e+00 : f32
    %gt3A_5 = vector.broadcast %gt3A : f32 to vector<10240x16xf32>
    %gt3A_6 = arith.cmpf ogt, %add3A, %gt3A_5 : vector<10240x16xf32>
    %mul3A = arith.constant 2.000000e-01 : f32
    %mul3A_7 = vector.broadcast %mul3A : f32 to vector<10240x16xf32>
    %mul3A_8 = arith.mulf %add3A, %mul3A_7 : vector<10240x16xf32>
    %select_n3A = arith.select %gt3A_6, %add3A, %mul3A_8 : vector<10240x16xi1>, vector<10240x16xf32>
    %get3A_9 = arith.constant 0 : index
    %get3A_10 = arith.constant 0 : index
    %get3A_11 = vector.load %arg3[%get3A_9, %get3A_10] : memref<1x16xf32, #tpu.memory_space<vmem>>, vector<1x16xf32>
    %mul3A_12 = vector.broadcast %get3A_11 : vector<1x16xf32> to vector<10240x16xf32>
    %mul3A_13 = arith.mulf %select_n3A, %mul3A_12 : vector<10240x16xf32>
    %get3A_14 = arith.constant 0 : index
    %get3A_15 = arith.constant 0 : index
    %get3A_16 = vector.load %arg4[%get3A_14, %get3A_15] : memref<16x16xf32, #tpu.memory_space<vmem>>, vector<16x16xf32>
    %dot_general3A = arith.constant dense<0.000000e+00> : vector<10240x16xf32>
    %dot_general3A_17 = tpu.matmul %mul3A_13, %get3A_16, %dot_general3A {dimension_numbers = #tpu.dot_dimension_numbers<[1], [0], [0], [1], [0, 0, 1, 1], [], []>, transpose_lhs_hint = false} : vector<10240x16xf32>, vector<16x16xf32>, vector<10240x16xf32> -> vector<10240x16xf32>
    %exp3A = math.exp %dot_general3A_17 : vector<10240x16xf32>
    %get3A_18 = arith.constant 0 : index
    %get3A_19 = arith.constant 0 : index
    %get3A_20 = arith.constant 0 : index
    %get3A_21 = arith.constant 0 : index
    %get3A_22 = vector.load %arg0[%get3A_18, %get3A_19, %get3A_20, %get3A_21] : memref<2x2x10240x16xf32, #tpu.memory_space<vmem>>, vector<1x1x10240x16xf32>
    %get3A_23 = vector.shape_cast %get3A_22 : vector<1x1x10240x16xf32> to vector<10240x16xf32>
    %get3A_24 = arith.constant 1 : index
    %get3A_25 = arith.constant 0 : index
    %get3A_26 = arith.constant 0 : index
    %get3A_27 = arith.constant 0 : index
    %get3A_28 = vector.load %arg0[%get3A_24, %get3A_25, %get3A_26, %get3A_27] : memref<2x2x10240x16xf32, #tpu.memory_space<vmem>>, vector<1x1x10240x16xf32>
    %get3A_29 = vector.shape_cast %get3A_28 : vector<1x1x10240x16xf32> to vector<10240x16xf32>
    %add3A_30 = arith.addf %get3A_23, %get3A_29 : vector<10240x16xf32>
    %add3A_31 = arith.addf %add3A_30, %exp3A : vector<10240x16xf32>
    %get3A_32 = arith.constant 0 : index
    %get3A_33 = arith.constant 1 : index
    %get3A_34 = arith.constant 0 : index
    %get3A_35 = arith.constant 0 : index
    %get3A_36 = vector.load %arg0[%get3A_32, %get3A_33, %get3A_34, %get3A_35] : memref<2x2x10240x16xf32, #tpu.memory_space<vmem>>, vector<1x1x10240x16xf32>
    %get3A_37 = vector.shape_cast %get3A_36 : vector<1x1x10240x16xf32> to vector<10240x16xf32>
    %get3A_38 = arith.constant 1 : index
    %get3A_39 = arith.constant 1 : index
    %get3A_40 = arith.constant 0 : index
    %get3A_41 = arith.constant 0 : index
    %get3A_42 = vector.load %arg0[%get3A_38, %get3A_39, %get3A_40, %get3A_41] : memref<2x2x10240x16xf32, #tpu.memory_space<vmem>>, vector<1x1x10240x16xf32>
    %get3A_43 = vector.shape_cast %get3A_42 : vector<1x1x10240x16xf32> to vector<10240x16xf32>
    %add3A_44 = arith.addf %get3A_37, %get3A_43 : vector<10240x16xf32>
    %mul3A_45 = arith.mulf %exp3A, %get3A_1 : vector<10240x16xf32>
    %add3A_46 = arith.addf %add3A_44, %mul3A_45 : vector<10240x16xf32>
    %add3A_47 = arith.constant 1.000000e-16 : f32
    %add3A_48 = vector.broadcast %add3A_47 : f32 to vector<10240x16xf32>
    %add3A_49 = arith.addf %add3A_31, %add3A_48 : vector<10240x16xf32>
    %div3A = arith.divf %add3A_46, %add3A_49 : vector<10240x16xf32>
    %get3A_50 = arith.constant 0 : index
    %get3A_51 = arith.constant 0 : index
    %get3A_52 = vector.load %arg5[%get3A_50, %get3A_51] : memref<1x16xf32, #tpu.memory_space<vmem>>, vector<1x16xf32>
    %add3A_53 = vector.broadcast %get3A_52 : vector<1x16xf32> to vector<10240x16xf32>
    %add3A_54 = arith.addf %div3A, %add3A_53 : vector<10240x16xf32>
    %max3A = arith.constant 0.000000e+00 : f32
    %max3A_55 = vector.broadcast %max3A : f32 to vector<10240x16xf32>
    %max3A_56 = arith.maximumf %add3A_54, %max3A_55 : vector<10240x16xf32>
    %get3A_57 = arith.constant 0 : index
    %get3A_58 = arith.constant 0 : index
    %get3A_59 = vector.load %arg6[%get3A_57, %get3A_58] : memref<16x32xf32, #tpu.memory_space<vmem>>, vector<16x32xf32>
    %dot_general3A_60 = arith.constant dense<0.000000e+00> : vector<10240x32xf32>
    %dot_general3A_61 = tpu.matmul %max3A_56, %get3A_59, %dot_general3A_60 {dimension_numbers = #tpu.dot_dimension_numbers<[1], [0], [0], [1], [0, 0, 1, 1], [], []>, transpose_lhs_hint = false} : vector<10240x16xf32>, vector<16x32xf32>, vector<10240x32xf32> -> vector<10240x32xf32>
    %get3A_62 = arith.constant 0 : index
    %get3A_63 = arith.constant 0 : index
    %get3A_64 = vector.load %arg7[%get3A_62, %get3A_63] : memref<1x32xf32, #tpu.memory_space<vmem>>, vector<1x32xf32>
    %add3A_65 = vector.broadcast %get3A_64 : vector<1x32xf32> to vector<10240x32xf32>
    %add3A_66 = arith.addf %dot_general3A_61, %add3A_65 : vector<10240x32xf32>
    %slice3A = vector.extract_strided_slice %add3A_66 {offsets = [0, 0], sizes = [10240, 16], strides = [1, 1]} : vector<10240x32xf32> to vector<10240x16xf32>
    %swap3A = arith.constant 0 : index
    %swap3A_67 = arith.constant 0 : index
    %swap3A_68 = vector.load %arg8[%swap3A, %swap3A_67] : memref<10240x16xf32, #tpu.memory_space<vmem>>, vector<10240x16xf32>
    tpu.vector_store %arg8[%swap3A, %swap3A_67], %slice3A {strides = array<i32>} : memref<10240x16xf32, #tpu.memory_space<vmem>>, vector<10240x16xf32>,
    %slice3A_69 = vector.extract_strided_slice %add3A_66 {offsets = [0, 16], sizes = [10240, 16], strides = [1, 1]} : vector<10240x32xf32> to vector<10240x16xf32>
    %swap3A_70 = arith.constant 0 : index
    %swap3A_71 = arith.constant 0 : index
    %swap3A_72 = vector.load %arg9[%swap3A_70, %swap3A_71] : memref<10240x16xf32, #tpu.memory_space<vmem>>, vector<10240x16xf32>
    tpu.vector_store %arg9[%swap3A_70, %swap3A_71], %slice3A_69 {strides = array<i32>} : memref<10240x16xf32, #tpu.memory_space<vmem>>, vector<10240x16xf32>,
    return
  }
}

module attributes {stable_mosaic.version = 14 : i64} {
  func.func @_final_body(%arg0: memref<2x2x10240x16xf32, #tpu.memory_space<vmem>>, %arg1: memref<10240x16xf32, #tpu.memory_space<vmem>>, %arg2: memref<10240x16xf32, #tpu.memory_space<vmem>>, %arg3: memref<1x16xf32, #tpu.memory_space<vmem>>, %arg4: memref<16x16xf32, #tpu.memory_space<vmem>>, %arg5: memref<1x16xf32, #tpu.memory_space<vmem>>, %arg6: memref<10000x16xf32, #tpu.memory_space<vmem>>) attributes {dimension_semantics = [], scalar_prefetch = 0 : i64, scratch_operands = 0 : i64, tpu.core_type = #tpu.core_type<tc>} {
    %get3A = arith.constant 0 : index
    %get3A_0 = arith.constant 0 : index
    %get3A_1 = vector.load %arg1[%get3A, %get3A_0] : memref<10240x16xf32, #tpu.memory_space<vmem>>, vector<10240x16xf32>
    %get3A_2 = arith.constant 0 : index
    %get3A_3 = arith.constant 0 : index
    %get3A_4 = vector.load %arg2[%get3A_2, %get3A_3] : memref<10240x16xf32, #tpu.memory_space<vmem>>, vector<10240x16xf32>
    %add3A = arith.addf %get3A_1, %get3A_4 : vector<10240x16xf32>
    %gt3A = arith.constant 0.000000e+00 : f32
    %gt3A_5 = vector.broadcast %gt3A : f32 to vector<10240x16xf32>
    %gt3A_6 = arith.cmpf ogt, %add3A, %gt3A_5 : vector<10240x16xf32>
    %mul3A = arith.constant 2.000000e-01 : f32
    %mul3A_7 = vector.broadcast %mul3A : f32 to vector<10240x16xf32>
    %mul3A_8 = arith.mulf %add3A, %mul3A_7 : vector<10240x16xf32>
    %select_n3A = arith.select %gt3A_6, %add3A, %mul3A_8 : vector<10240x16xi1>, vector<10240x16xf32>
    %get3A_9 = arith.constant 0 : index
    %get3A_10 = arith.constant 0 : index
    %get3A_11 = vector.load %arg3[%get3A_9, %get3A_10] : memref<1x16xf32, #tpu.memory_space<vmem>>, vector<1x16xf32>
    %mul3A_12 = vector.broadcast %get3A_11 : vector<1x16xf32> to vector<10240x16xf32>
    %mul3A_13 = arith.mulf %select_n3A, %mul3A_12 : vector<10240x16xf32>
    %get3A_14 = arith.constant 0 : index
    %get3A_15 = arith.constant 0 : index
    %get3A_16 = vector.load %arg4[%get3A_14, %get3A_15] : memref<16x16xf32, #tpu.memory_space<vmem>>, vector<16x16xf32>
    %dot_general3A = arith.constant dense<0.000000e+00> : vector<10240x16xf32>
    %dot_general3A_17 = tpu.matmul %mul3A_13, %get3A_16, %dot_general3A {dimension_numbers = #tpu.dot_dimension_numbers<[1], [0], [0], [1], [0, 0, 1, 1], [], []>, transpose_lhs_hint = false} : vector<10240x16xf32>, vector<16x16xf32>, vector<10240x16xf32> -> vector<10240x16xf32>
    %exp3A = math.exp %dot_general3A_17 : vector<10240x16xf32>
    %get3A_18 = arith.constant 0 : index
    %get3A_19 = arith.constant 0 : index
    %get3A_20 = arith.constant 0 : index
    %get3A_21 = arith.constant 0 : index
    %get3A_22 = vector.load %arg0[%get3A_18, %get3A_19, %get3A_20, %get3A_21] : memref<2x2x10240x16xf32, #tpu.memory_space<vmem>>, vector<1x1x10240x16xf32>
    %get3A_23 = vector.shape_cast %get3A_22 : vector<1x1x10240x16xf32> to vector<10240x16xf32>
    %get3A_24 = arith.constant 1 : index
    %get3A_25 = arith.constant 0 : index
    %get3A_26 = arith.constant 0 : index
    %get3A_27 = arith.constant 0 : index
    %get3A_28 = vector.load %arg0[%get3A_24, %get3A_25, %get3A_26, %get3A_27] : memref<2x2x10240x16xf32, #tpu.memory_space<vmem>>, vector<1x1x10240x16xf32>
    %get3A_29 = vector.shape_cast %get3A_28 : vector<1x1x10240x16xf32> to vector<10240x16xf32>
    %add3A_30 = arith.addf %get3A_23, %get3A_29 : vector<10240x16xf32>
    %add3A_31 = arith.addf %add3A_30, %exp3A : vector<10240x16xf32>
    %get3A_32 = arith.constant 0 : index
    %get3A_33 = arith.constant 1 : index
    %get3A_34 = arith.constant 0 : index
    %get3A_35 = arith.constant 0 : index
    %get3A_36 = vector.load %arg0[%get3A_32, %get3A_33, %get3A_34, %get3A_35] : memref<2x2x10240x16xf32, #tpu.memory_space<vmem>>, vector<1x1x10240x16xf32>
    %get3A_37 = vector.shape_cast %get3A_36 : vector<1x1x10240x16xf32> to vector<10240x16xf32>
    %get3A_38 = arith.constant 1 : index
    %get3A_39 = arith.constant 1 : index
    %get3A_40 = arith.constant 0 : index
    %get3A_41 = arith.constant 0 : index
    %get3A_42 = vector.load %arg0[%get3A_38, %get3A_39, %get3A_40, %get3A_41] : memref<2x2x10240x16xf32, #tpu.memory_space<vmem>>, vector<1x1x10240x16xf32>
    %get3A_43 = vector.shape_cast %get3A_42 : vector<1x1x10240x16xf32> to vector<10240x16xf32>
    %add3A_44 = arith.addf %get3A_37, %get3A_43 : vector<10240x16xf32>
    %mul3A_45 = arith.mulf %exp3A, %get3A_1 : vector<10240x16xf32>
    %add3A_46 = arith.addf %add3A_44, %mul3A_45 : vector<10240x16xf32>
    %add3A_47 = arith.constant 1.000000e-16 : f32
    %add3A_48 = vector.broadcast %add3A_47 : f32 to vector<10240x16xf32>
    %add3A_49 = arith.addf %add3A_31, %add3A_48 : vector<10240x16xf32>
    %div3A = arith.divf %add3A_46, %add3A_49 : vector<10240x16xf32>
    %get3A_50 = arith.constant 0 : index
    %get3A_51 = arith.constant 0 : index
    %get3A_52 = vector.load %arg5[%get3A_50, %get3A_51] : memref<1x16xf32, #tpu.memory_space<vmem>>, vector<1x16xf32>
    %add3A_53 = vector.broadcast %get3A_52 : vector<1x16xf32> to vector<10240x16xf32>
    %add3A_54 = arith.addf %div3A, %add3A_53 : vector<10240x16xf32>
    %slice3A = vector.extract_strided_slice %add3A_54 {offsets = [0, 0], sizes = [10000, 16], strides = [1, 1]} : vector<10240x16xf32> to vector<10000x16xf32>
    %swap3A = arith.constant 0 : index
    %swap3A_55 = arith.constant 0 : index
    %swap3A_56 = vector.load %arg6[%swap3A, %swap3A_55] : memref<10000x16xf32, #tpu.memory_space<vmem>>, vector<10000x16xf32>
    tpu.vector_store %arg6[%swap3A, %swap3A_55], %slice3A {strides = array<i32>} : memref<10000x16xf32, #tpu.memory_space<vmem>>, vector<10000x16xf32>,
    return
  }
}

</mosaic_0001>

<sc_bundles>
// kernel: gat_edge_pass.4.cloned.1.call-start
scs
__scs_entry_jumppad:
0x0: {  	(pc) =	sbr.rel $0x88, $3  }
0x1: {  	(tag) =	ssettag $0x0;
	lr =	simm.s32 $0x1  }
0x2: {  	[smem:$0x3F93] =	sst lr;
	_ =	strace $0xD0000000  }
0x3: {  	_ = 	snop  }
0x4: {  	_ = 	snop  }
0x5: {  	_ = 	snop  }
0x6: {  	_ = 	snop  }
0x7: {  	_ = 	snop  }
__scs_overlays_trampoline_lowered:
0x8: {  	[smem:$0x3FA2] =	sst s0  }
0x9: {  	[smem:$0x3FA3] =	sst s1  }
0xa: {  	[smem:$0x3FA4] =	sst s2  }
0xb: {  	[smem:$0x3FA5] =	sst s3  }
0xc: {  	[smem:$0x3FA6] =	sst s4  }
0xd: {  	[smem:$0x3FA7] =	sst s5  }
0xe: {  	[smem:$0x3FA8] =	sst s6  }
0xf: {  	[smem:$0x3FA9] =	sst s7  }
0x10: {  	[smem:$0x3FAA] =	sst s8  }
0x11: {  	[smem:$0x3FAB] =	sst s9;
	s0 =	simm.s32 @!p0 $0x0  }
0x12: {  	s1 =	sld [smem:$0x3F91];
	s0 =	simm.s32 @p0 $0x1  }
0x13: {  	[smem:$0x3FAC] =	sst s0;
	s0 =	simm.s32 @!p1 $0x0  }
0x14: {  	s2 =	sld [smem:$0x3F90];
	s0 =	simm.s32 @p1 $0x1  }
0x15: {  	[smem:$0x3FAD] =	sst s0;
	s0 =	simm.s32 @!p2 $0x0  }
0x16: {  	s3 =	sld [smem:$0x3FDB];
	s0 =	simm.s32 @p2 $0x1  }
0x17: {  	s4 =	simm.s32 $0x1BF5;
	[smem:$0x3FAF] =	sst s0  }
0x18: {  	s0 =	sld [smem:$0x3F92];
	_ =	swait.ge [sflag:s4], $0x0  }
0x19: {  	s7 =	sld [smem:$0x3F93]  }
0x1a: {  	s8 =	sadd.s32 $0xFFFFE003, lr  }
0x1b: {  	s9 =	sadd.s32 $0xFFFFFEF7, lr;
	s5 =	simm.s32 $0xFFFFFFFF;
	p2 =	slt.u32 s8, $0xFFFFF086  }
0x1c: {  	p1 =	slt.u32 s9, $0xF7A;
	s5 =	simm.s32 @!p2 $0x0  }
0x1d: {  	s5 =	simm.s32 @p1 $0x1;
	p0 =	seq.s32 s7, s2  }
0x1e: {  	s7 =	smul.u32 @!p0 $0xF7A, s2;
	p2 =	seq.s32 @!p0 s5, $0x0  }
0x1f: {  	s9 =	smul.u32 $0xF7A, s1;
	s8 =	simm.s32 @!p0 $0x1BF5;
	p2 =	por !p2, p0  }
0x20: {  	[sflag:s8] =	ssyncset.s32 @!p0 $0xFFFFF086;
	s6 =	sadd.s32 @!p0 s3, s7;
	s7 =	simm.s32 @!p0 $0x108  }
0x21: {  	s3 =	sadd.s32 s3, s9;
	s6 =	sadd.s32 @!p0 $0x88, s6;
	s7 =	simm.s32 @p2 $0x1082  }
0x22: {  	[simem:s7], [sflag:s8] =	dma.local @!p0 [hbm:s6], $0xF7A  }
0x23: {  	s9 =	sor.u32 $0xD0000000, s2;
	s6 =	simm.s32 $0x108;
	_ =	swait.ge @!p0 [sflag:s8], $0x0  }
0x24: {  	s3 =	sadd.s32 $0x88, s3;
	s6 =	simm.s32 @!p1 $0x1082;
	[sflag:s4] =	ssyncset.s32 $0xFFFFF086  }
0x25: {  	[simem:s6], [sflag:s4] =	dma.local [hbm:s3], $0xF7A  }
0x26: {  	[smem:$0x3F93] =	sst s1;
	(tag) =	ssettag s2;
	_ =	strace s9  }
0x27: {  	s1 =	sld [smem:$0x3FA3]  }
0x28: {  	s2 =	sld [smem:$0x3FA4]  }
0x29: {  	s4 =	sld [smem:$0x3FA6]  }
0x2a: {  	p0 =	seq.s32 s5, $0x0;
	s5 =	sld [smem:$0x3FA7]  }
0x2b: {  	s6 =	sld [smem:$0x3FA8]  }
0x2c: {  	s7 =	sld [smem:$0x3FA9]  }
0x2d: {  	s3 =	simm.s32 $0x108;
	s8 =	sld [smem:$0x3FAA]  }
0x2e: {  	s3 =	simm.s32 @!p0 $0x1082;
	s9 =	sld [smem:$0x3FAB]  }
0x2f: {  	lr =	sadd.s32 s0, s3;
	s0 =	sld [smem:$0x3FA2]  }
0x30: {  	s3 =	sld [smem:$0x3FA5]  }
0x31: {  	[smem:$0x3FAE] =	sst s10  }
0x32: {  	s10 =	sld [smem:$0x3FAC];
	_ =	sdelay $0x3  }
0x33: {  	p0 =	seq.s32 s10, $0x1;
	s10 =	sld [smem:$0x3FAE];
	_ =	sdelay $0x3  }
0x34: {  	[smem:$0x3FAE] =	sst s10  }
0x35: {  	s10 =	sld [smem:$0x3FAD];
	_ =	sdelay $0x3  }
0x36: {  	p1 =	seq.s32 s10, $0x1;
	s10 =	sld [smem:$0x3FAE];
	_ =	sdelay $0x3  }
0x37: {  	[smem:$0x3FAE] =	sst s10  }
0x38: {  	s10 =	sld [smem:$0x3FAF]  }
0x39: {  	_ = 	snop;
	(pc) =	sbr.ind lr, $3  }
0x3a: {  	_ = 	snop  }
0x3b: {  	_ = 	snop  }
0x3c: {  	p2 =	seq.s32 s10, $0x1;
	s10 =	sld [smem:$0x3FAE]  }
0x3d: {  	_ =	shalt  }
0x3e: {  	_ =	shalt  }
0x3f: {  	_ =	shalt  }
0x40: {  	_ =	shalt  }
0x41: {  	_ =	shalt  }
0x42: {  	_ =	shalt  }
0x43: {  	_ =	shalt  }
0x44: {  	_ =	shalt  }
0x45: {  	_ =	shalt  }
0x46: {  	_ =	shalt  }
0x47: {  	_ =	shalt  }
0x48: {  	_ =	shalt  }
0x49: {  	_ =	shalt  }
0x4a: {  	_ =	shalt  }
0x4b: {  	_ =	shalt  }
0x4c: {  	_ =	shalt  }
0x4d: {  	_ =	shalt  }
0x4e: {  	_ =	shalt  }
0x4f: {  	_ =	shalt  }
0x50: {  	_ =	shalt  }
0x51: {  	_ =	shalt  }
0x52: {  	_ =	shalt  }
0x53: {  	_ =	shalt  }
0x54: {  	_ =	shalt  }
0x55: {  	_ =	shalt  }
0x56: {  	_ =	shalt  }
0x57: {  	_ =	shalt  }
0x58: {  	_ =	shalt  }
0x59: {  	_ =	shalt  }
0x5a: {  	_ =	shalt  }
0x5b: {  	_ =	shalt  }
0x5c: {  	_ =	shalt  }
0x5d: {  	_ =	shalt  }
0x5e: {  	_ =	shalt  }
0x5f: {  	_ =	shalt  }
0x60: {  	_ =	shalt  }
0x61: {  	_ =	shalt  }
0x62: {  	_ =	shalt  }
0x63: {  	_ =	shalt  }
0x64: {  	_ =	shalt  }
0x65: {  	_ =	shalt  }
0x66: {  	_ =	shalt  }
0x67: {  	_ =	shalt  }
0x68: {  	_ =	shalt  }
0x69: {  	_ =	shalt  }
0x6a: {  	_ =	shalt  }
0x6b: {  	_ =	shalt  }
0x6c: {  	_ =	shalt  }
0x6d: {  	_ =	shalt  }
0x6e: {  	_ =	shalt  }
0x6f: {  	_ =	shalt  }
0x70: {  	_ =	shalt  }
0x71: {  	_ =	shalt  }
0x72: {  	_ =	shalt  }
0x73: {  	_ =	shalt  }
0x74: {  	_ =	shalt  }
0x75: {  	_ =	shalt  }
0x76: {  	_ =	shalt  }
0x77: {  	_ =	shalt  }
0x78: {  	_ =	shalt  }
0x79: {  	_ =	shalt  }
0x7a: {  	_ =	shalt  }
0x7b: {  	_ =	shalt  }
0x7c: {  	_ =	shalt  }
0x7d: {  	_ =	shalt  }
0x7e: {  	_ =	shalt  }
0x7f: {  	_ =	shalt  }
0x80: {  	_ =	shalt  }
0x81: {  	_ =	shalt  }
0x82: {  	_ =	shalt  }
0x83: {  	_ =	shalt  }
0x84: {  	_ =	shalt  }
0x85: {  	_ =	shalt  }
0x86: {  	_ =	shalt  }
0x87: {  	_ =	shalt  }
.Lfunc_end0:
.L_simem_size_0:
called_computation_lowered:
.L_overlay_start_0:
0x88: {  	s2 =	sld [smem:$0x3FD9]  }
0x89: {  	s3 =	sld [smem:$0x3FFE];
	_ =	sdelay $0x1  }
0x8a: {  	s1 =	srdreg.scid  }
0x8b: {  	s0 =	sand.u32 $0x1, s1  }
0x8c: {  	s17 =	sshll.u32 s0, $0xA;
	s2 =	sadd.s32 s3, s2  }
0x8d: {  	s2 =	sadd.s32 s2, s17  }
0x8e: {  	[smem:$0x3FBA] =	sst s2  }
0x8f: {  	_ = 	snop  }
0x90: {  	s2 =	sld [smem:$0x3FD0];
	(tm) =	ssettm $0x1  }
0x91: {  	s18 =	sld [smem:$0x3FFB];
	_ =	sdelay $0x3  }
0x92: {  	_ =	strace s18  }
0x93: {  	s3 =	sld [smem:$0x3FFC];
	_ =	sdelay $0x3  }
0x94: {  	_ =	strace s3  }
0x95: {  	s3 =	sld [smem:$0x3FFD];
	_ =	sdelay $0x3  }
0x96: {  	_ =	strace s3  }
0x97: {  	_ =	strace $0x8FFFFFFF  }
0x98: {  	s19 =	sld [smem:$0x3FDB];
	_ =	sdelay $0x1  }
0x99: {  	s4 =	simm.s32 $_scs_section_size  }
0x9a: {  	s5 =	simm.s32 $_size__tile_overlayer_lowered;
	s6 =	simm.s32 $_tile_overlayer_lowered  }
0x9b: {  	s22 =	simm.s32 $0x1BFF;
	s21 =	sshll.u32 s6, $0x1;
	s3 =	sadd.s32 s4, s19  }
0x9c: {  	s7 =	simm.s32 $0x0;
	s20 =	sshll.u32 s5, $0x1;
	s5 =	sadd.s32 s21, s3  }
0x9d: {  	[timem:s7], [sflag:s22] =	dma.local [hbm:s5], s20  }
0x9e: {  	_ =	swait.ge [sflag:s22], s20  }
0x9f: {  	s4 =	ssub.s32 $0x0, s20;
	[sflag:s22] =	ssyncset.done $0x0  }
0xa0: {  	[sflag:s22] =	ssyncadd.s32 s4;
	_ =	sdelay $0x1  }
0xa1: {  	s23 =	simm.s32 $0x1B8B  }
0xa2: {  	_ =	swait.ge [sflag:s23], $0x1  }
0xa3: {  	[sflag:s23] =	ssyncset.done $0x0  }
0xa4: {  	s25 =	simm.s32 $0x1B8E;
	s24 =	sld [smem:$0x3FFE];
	[sflag:s23] =	ssyncadd.s32 $0xFFFFFFFF  }
0xa5: {  	s26 =	simm.s32 $execute0_lowered;
	[smem:$0x3FD2] =	sst s25  }
0xa6: {  	s5 =	sshll.u32 s26, $0x1;
	_ =	strace $0x80000046;
	[dreg:$0x1] =	wrdreg $0xFFFFFFFF  }
0xa7: {  	s28 =	simm.s32 $_size_execute0_lowered;
	s3 =	sadd.s32 s3, s5;
	[dreg:$0x0] =	wrdreg $0x0  }
0xa8: {  	s5 =	sshll.u32 s28, $0x1;
	[dreg:$0x2] =	wrdreg s3  }
0xa9: {  	[dreg:$0x3] =	wrdreg s5  }
0xaa: {  	[dreg:$0x4] =	wrdreg $0xC0  }
0xab: {  	_ =	task [dreg:s7], $0x5FFFF  }
0xac: {  	[dreg:$0x1] =	wrdreg $0xFFFFFFFF  }
0xad: {  	[dreg:$0x0] =	wrdreg $0x60  }
0xae: {  	[dreg:$0x2] =	wrdreg s24  }
0xaf: {  	[dreg:$0x3] =	wrdreg s2  }
0xb0: {  	[dreg:$0x4] =	wrdreg $0x164100  }
0xb1: {  	[dreg:$0x5] =	wrdreg $0x18C100  }
0xb2: {  	[dreg:$0x6] =	wrdreg $0x9  }
0xb3: {  	_ =	task.clear_ibuf [dreg:s7], $0x7FFFF;
	_ =	strace $0x90000046  }
0xb4: {  	s29 =	simm.s32 $0x9;
	_ =	strace $0x80000048  }
0xb5: {  	_ =	swait.ge [sflag:s29], $0x1  }
0xb6: {  	[sflag:s29] =	ssyncadd.s32 $0xFFFFFFFF  }
0xb7: {  	_ =	strace $0x90000048  }
0xb8: {  	_ =	sfence  }
0xb9: {  	s30 =	sld [smem:$0x0];
	_ =	sdelay $0x2  }
0xba: {  	s31 =	sshll.u32 s1, $0xD;
	s1 =	sshrl.u32 s1, $0x2  }
0xbb: {  	s3 =	sand.u32 $0x4000, s31;
	s1 =	sadd.s32 s1, s30  }
0xbc: {  	s0 =	sor.u32 s3, s0;
	s1 =	sshll.u32 s1, $0x11  }
0xbd: {  	s0 =	sor.u32 s1, s0  }
0xbe: {  	s0 =	sadd.s32 $0x8F2B, s0  }
0xbf: {  	[sflag:s0] =	ssyncadd.remote.s32 $0x1  }
0xc0: {  	_ =	sfence.sel $0xFFFF  }
0xc1: {  	[dreg:$0x0] =	wrdreg $0xFFFFFFFF;
	(pc) =	sbr.abs _section_cstart, $3  }
0xc2: {  	[dreg:$0x1] =	wrdreg $0xFFFFFFFF  }
0xc3: {  	_ =	task.clear_ibuf [dreg:s7], $0x2FFFF;
	_ =	strace $0x9FFFFFFF  }
0xc4: {  	(tm) =	ssettm $0x7FFFFFFF  }
0xc5: {  	_ =	shalt  }
tec
execute0_lowered:
.L_overlay_start_1:
0x0: {  	(tag) =	ssettag $0x1  }
0x1: {  	s1 =	rddreg [dreg:$0x0]  }
0x2: {  	s0 =	srdreg.scid;
	s3 =	rddreg [dreg:$0x2]  }
0x3: {  	s5 =	stileid.u32;
	s4 =	rddreg [dreg:$0x3]  }
0x4: {  	s9 =	simm.s32 $0x0;
	s24 =	simm.s32 $0x9;
	s21 =	simm.s32 $0x80  }
0x5: {  	s31 =	simm.s32 $0x1;
	s20 =	simm.s32 $0x2;
	s11 =	simm.s32 $0x10010  }
0x6: {  	s12 =	simm.s32 $0xF810;
	s13 =	simm.s32 $0x10810;
	s14 =	simm.s32 $0x3  }
0x7: {  	s15 =	simm.s32 $0x11010;
	s16 =	simm.s32 $0x12010;
	s17 =	simm.s32 $0x11810  }
0x8: {  	s22 =	simm.s32 $0x14010;
	s23 =	simm.s32 $0x13810;
	s0 =	sand.u32 $0x1, s0  }
0x9: {  	s2 =	sshll.u32 s5, $0x1;
	s5 =	smul.u32 $0x2800, s5;
	[smem:$0x7FF] =	sst s9  }
0xa: {  	s2 =	sor.u32 s0, s2;
	s6 =	smul.u32 $0x50000, s0;
	s0 =	ssub.s32 $0x2, s0  }
0xb: {  	_ =	strace $0x80000047;
	s2 =	smul.u32 $0x500, s2;
	s25 =	sshrl.u32 s0, $0x1  }
0xc: {  	s18 =	sadd.s32 s5, s3;
	s26 =	sadd.s32 $0x1400, s5;
	s19 =	sadd.s32 s5, s4  }
0xd: {  	v0 =	vimm.s32 $0xEFCDAB89;
	v1 =	vimm.s32 $0x67452301;
	s7 =	sadd.s32 s5, s6;
	s6 =	sadd.s32 $0x44400, s1;
	[dreg:$0x6] =	wrdreg s18  }
0xe: {  	v2 =	vimm.s32 $0xDCFE98BA;
	v3 =	vimm.s32 $0x54761032;
	v0 =	vunpack.c.l.s4.s8 v0;
	s0 =	ssub.s32 s0, s25;
	s10 =	sadd.s32 s26, s3;
	[dreg:$0x8] =	wrdreg s19  }
0xf: {  	v1 =	vunpack.c.l.s4.s8 v1;
	v2 =	vunpack.c.l.s4.s8 v2;
	v3 =	vunpack.c.l.s4.s8 v3;
	s28 =	sadd.s32 s26, s4;
	s2 =	sadd.s32 s2, s1;
	[dreg:$0x7] =	wrdreg s10  }
0x10: {  	v0 =	vunpack.c.0.s8.s32 v0;
	s8 =	sshrl.u32 s7, $0x3;
	[dreg:$0x9] =	wrdreg s28;
	s0 =	smax.u32 s0, $0x1  }
0x11: {  	v1 =	vunpack.c.0.s8.s32 v1;
	v2 =	vunpack.c.0.s8.s32 v2;
	v3 =	vunpack.c.0.s8.s32 v3;
	s7 =	sadd.s32 $0x3F400, s1;
	s29 =	sadd.s32 $0x3400, s2;
	[dreg:$0xe] =	wrdreg s0  }
0x12: {  	s1 =	sadd.s32 s8, s1;
	s2 =	sadd.s32 $0xD400, s2;
	[dreg:$0xa] =	wrdreg s29  }
0x13: {  	s5 =	simm.s32 $0x13010;
	v1 =	vcombine.low v1, v0;
	v2 =	vcombine.low v3, v2;
	[dreg:$0xb] =	wrdreg s2;
	s30 =	sadd.s32 $0x49400, s1  }
0x14: {  	s25 =	simm.s32 $0x14810;
	s1 =	sadd.s32 $0x4E400, s1;
	[dreg:$0xc] =	wrdreg s30  }
0x15: {  	s10 =	simm.s32 $0x4;
	v0 =	vimm.f32 $0.0e+00;
	s8 =	simm.s32 $0x12810;
	v1 =	vand.u32 $0xF, v1;
	v2 =	vand.u32 $0xF, v2;
	[dreg:$0xd] =	wrdreg s1  }
.LBB2_1:
0x16: {  	[dreg:$0x5] =	wrdreg s9;
	s0 =	simm.s32 $0x40;
	s1 =	simm.s32 $0x0  }
.LBB2_2:
0x17: {  	p0 =	sne.s32 s0, $0x4FC0;
	[tilespmem:s1+$0x15010] =	vst v0;
	s1 =	smov.u32 s0;
	s0 =	sadd.s32 $0x40, s0  }
.Ltmp0:
0x18: {  	(pc) =	sbr.rel @p0 .LBB2_2-.Ltmp0, $2  }
0x19: {  	_ =	sdelay $0x2  }
0x1a: {  	s1 =	sshra.s32 s1, $0x2  }
0x1b: {  	[tilespmem:s1+$0x15010] =	vst v0;
	s9 =	simm.s32 $0x15010  }
0x1c: {  	[spmem:s18] =	stream.linear.scatter [tilespmem:s9], [sflag:$0x9], $0x1400, $0x38;
	[tilespmem:$0x1B410] =	vst v63  }
0x1d: {  	_ =	swait.ge [sflag:s24], $0x1400  }
0x1e: {  	[sflag:s24] =	ssyncset.done $0x0  }
0x1f: {  	s0 =	rddreg [dreg:$0x7];
	[sflag:s24] =	ssyncadd.s32 $0xFFFFEC00  }
0x20: {  	[spmem:s0] =	stream.linear.scatter [tilespmem:s9], [sflag:$0x9], $0x1400, $0x38;
	[tilespmem:$0x1B410] =	vst v63  }
0x21: {  	_ =	swait.ge [sflag:s24], $0x1400  }
0x22: {  	[sflag:s24] =	ssyncset.done $0x0  }
0x23: {  	[sflag:s24] =	ssyncadd.s32 $0xFFFFEC00  }
0x24: {  	[spmem:s19] =	stream.linear.scatter [tilespmem:s9], [sflag:$0x9], $0x1400, $0x38;
	[tilespmem:$0x1B410] =	vst v63  }
0x25: {  	_ =	swait.ge [sflag:s24], $0x1400  }
0x26: {  	[sflag:s24] =	ssyncset.done $0x0  }
0x27: {  	s19 =	rddreg [dreg:$0x9];
	[sflag:s24] =	ssyncadd.s32 $0xFFFFEC00  }
0x28: {  	[spmem:s19] =	stream.linear.scatter [tilespmem:s9], [sflag:$0x9], $0x1400, $0x38;
	[tilespmem:$0x1B410] =	vst v63  }
0x29: {  	_ =	swait.ge [sflag:s24], $0x1400  }
0x2a: {  	[sflag:s24] =	ssyncset.done $0x0  }
0x2b: {  	[sflag:s24] =	ssyncadd.s32 $0xFFFFEC00  }
0x2c: {  	s28 =	simm.s32 $0x0;
	s26 =	rddreg [dreg:$0x1]  }
0x2d: {  	[tilespmem:s28], [sflag:$0x9] =	stream.linear.gather [hbm4b:s26+s28], $0x10, $0x38;
	[tilespmem:$0x1B410] =	vst v63  }
0x2e: {  	_ =	swait.ge [sflag:s24], $0x10  }
0x2f: {  	[sflag:s24] =	ssyncset.done $0x0  }
0x30: {  	s30 =	simm.s32 $0x10;
	s29 =	rddreg [dreg:$0xa];
	[sflag:s24] =	ssyncadd.s32 $0xFFFFFFF0  }
0x31: {  	[tilespmem:s30], [sflag:$0x9] =	stream.linear.gather [hbm4b:s29+s28], $0x2800, $0x38;
	[tilespmem:$0x1B410] =	vst v63  }
0x32: {  	_ =	swait.ge [sflag:s24], $0x2800  }
0x33: {  	[sflag:s24] =	ssyncset.done $0x0  }
0x34: {  	s2 =	simm.s32 $0x2810;
	s9 =	rddreg [dreg:$0xb];
	[sflag:s24] =	ssyncadd.s32 $0xFFFFD800  }
0x35: {  	[tilespmem:s2], [sflag:$0x9] =	stream.linear.gather [hbm4b:s9+s28], $0x2800, $0x38;
	[tilespmem:$0x1B410] =	vst v63  }
0x36: {  	_ =	swait.ge [sflag:s24], $0x2800  }
0x37: {  	[sflag:s24] =	ssyncset.done $0x0  }
0x38: {  	[sflag:s24] =	ssyncadd.s32 $0xFFFFD800  }
0x39: {  	s18 =	simm.s32 $0x5010;
	[bflag:$0x0] =	sbarrier.arrive $0xFFFF  }
0x3a: {  	v3 =	vld [tilespmem:$0x0];
	[tilespmem:s18], [sflag:$0x1] =	stream.indirect.gather [hbm4b:s6+s21], $0x10, s30, s21, $0xb8  }
0x3b: {  	s19 =	simm.s32 $0x6010  }
0x3c: {  	[tilespmem:s19], [sflag:$0x1] =	stream.indirect.gather [hbm4b:s7+s21], $0x10, s2, s21, $0xb8;
	[tilespmem:$0x1B410] =	vst v63  }
0x3d: {  	s26 =	simm.s32 $0x5810;
	s24 =	simm.s32 $0x90  }
0x3e: {  	[tilespmem:s26], [sflag:$0x1] =	stream.indirect.gather [hbm4b:s6+s21], $0x10, s24, s21, $0xb8;
	[tilespmem:$0x1B410] =	vst v63  }
0x3f: {  	s29 =	simm.s32 $0x2890;
	s30 =	simm.s32 $0x6810  }
0x40: {  	[tilespmem:s30], [sflag:$0x1] =	stream.indirect.gather [hbm4b:s7+s21], $0x10, s29, s21, $0xb8;
	[tilespmem:$0x1B410] =	vst v63  }
0x41: {  	s9 =	simm.s32 $0x7010;
	s2 =	simm.s32 $0x110  }
0x42: {  	[tilespmem:s9], [sflag:$0x2] =	stream.indirect.gather [hbm4b:s6+s21], $0x10, s2, s21, $0xb8;
	[tilespmem:$0x1B410] =	vst v63  }
0x43: {  	s18 =	simm.s32 $0x2910;
	s19 =	simm.s32 $0x8010  }
0x44: {  	[tilespmem:s19], [sflag:$0x2] =	stream.indirect.gather [hbm4b:s7+s21], $0x10, s18, s21, $0xb8;
	[tilespmem:$0x1B410] =	vst v63  }
0x45: {  	s24 =	simm.s32 $0x190;
	s26 =	simm.s32 $0x7810  }
0x46: {  	[tilespmem:s26], [sflag:$0x2] =	stream.indirect.gather [hbm4b:s6+s21], $0x10, s24, s21, $0xb8;
	[tilespmem:$0x1B410] =	vst v63  }
0x47: {  	s29 =	simm.s32 $0x2990;
	s30 =	simm.s32 $0x8810  }
0x48: {  	[tilespmem:s30], [sflag:$0x2] =	stream.indirect.gather [hbm4b:s7+s21], $0x10, s29, s21, $0xb8;
	[tilespmem:$0x1B410] =	vst v63  }
0x49: {  	s2 =	simm.s32 $0x210;
	s9 =	simm.s32 $0x9010  }
0x4a: {  	[tilespmem:s9], [sflag:$0x3] =	stream.indirect.gather [hbm4b:s6+s21], $0x10, s2, s21, $0xb8;
	[tilespmem:$0x1B410] =	vst v63  }
0x4b: {  	s18 =	simm.s32 $0x2A10;
	s19 =	simm.s32 $0xA010  }
0x4c: {  	[tilespmem:s19], [sflag:$0x3] =	stream.indirect.gather [hbm4b:s7+s21], $0x10, s18, s21, $0xb8;
	[tilespmem:$0x1B410] =	vst v63  }
0x4d: {  	s24 =	simm.s32 $0x290;
	s26 =	simm.s32 $0x9810  }
0x4e: {  	[tilespmem:s26], [sflag:$0x3] =	stream.indirect.gather [hbm4b:s6+s21], $0x10, s24, s21, $0xb8;
	[tilespmem:$0x1B410] =	vst v63  }
0x4f: {  	v4 =	vmul.f32 $2.000000030e-01, v3;
	s29 =	simm.s32 $0x2A90;
	s30 =	simm.s32 $0xA810  }
0x50: {  	[tilespmem:s30], [sflag:$0x3] =	stream.indirect.gather [hbm4b:s7+s21], $0x10, s29, s21, $0xb8;
	[tilespmem:$0x1B410] =	vst v63  }
.LBB2_4:
0x51: {  	_ =	swait.ge [sflag:s31], $0x800  }
0x52: {  	[sflag:s31] =	ssyncset.done $0x0  }
0x53: {  	[sflag:s31] =	ssyncadd.s32 $0xFFFFF800  }
0x54: {  	_ =	swait.ge [sflag:s31], $0x800  }
0x55: {  	[sflag:s31] =	ssyncset.done $0x0  }
0x56: {  	[sflag:s31] =	ssyncadd.s32 $0xFFFFF800  }
0x57: {  	_ =	swait.ge [sflag:s31], $0x800  }
0x58: {  	[sflag:s31] =	ssyncset.done $0x0  }
0x59: {  	[sflag:s31] =	ssyncadd.s32 $0xFFFFF800  }
0x5a: {  	_ =	swait.ge [sflag:s31], $0x800  }
0x5b: {  	p0 =	seq.s32 s28, $0x0;
	[sflag:s31] =	ssyncset.done $0x0  }
0x5c: {  	s0 =	simm.s32 @!p0 $0x5;
	[sflag:s31] =	ssyncadd.s32 $0xFFFFF800  }
0x5d: {  	_ =	swait.ge @!p0 [sflag:s0], $0x800  }
0x5e: {  	[sflag:s0] =	ssyncset.done @!p0 $0x0  }
0x5f: {  	[sflag:s0] =	ssyncadd.s32 @!p0 $0xFFFFF800  }
0x60: {  	_ =	swait.ge @!p0 [sflag:s0], $0x800  }
0x61: {  	[sflag:s0] =	ssyncset.done @!p0 $0x0  }
0x62: {  	[sflag:s0] =	ssyncadd.s32 @!p0 $0xFFFFF800  }
0x63: {  	_ =	swait.ge @!p0 [sflag:s0], $0x800  }
0x64: {  	[sflag:s0] =	ssyncset.done @!p0 $0x0  }
0x65: {  	s1 =	sshll.u32 s28, $0x2;
	[sflag:s0] =	ssyncadd.s32 @!p0 $0xFFFFF800  }
0x66: {  	s1 =	sor.u32 $0x3, s1;
	_ =	swait.ge @!p0 [sflag:s0], $0x800  }
0x67: {  	s18 =	sshll.u32 s1, $0x8;
	[sflag:s0] =	ssyncset.done @!p0 $0x0  }
0x68: {  	s30 =	simm.s32 $0xB010;
	s26 =	sor.u32 $0x10, s18;
	[sflag:s0] =	ssyncadd.s32 @!p0 $0xFFFFF800  }
0x69: {  	[tilespmem:s30], [sflag:$0x4] =	stream.indirect.gather [hbm4b:s6+s21], $0x10, s26, s21, $0xb8;
	[tilespmem:$0x1B410] =	vst v63  }
0x6a: {  	s9 =	simm.s32 $0xC010;
	s2 =	sadd.s32 $0x2810, s18  }
0x6b: {  	[tilespmem:s9], [sflag:$0x4] =	stream.indirect.gather [hbm4b:s7+s21], $0x10, s2, s21, $0xb8;
	[tilespmem:$0x1B410] =	vst v63  }
0x6c: {  	s24 =	simm.s32 $0xB810;
	s19 =	sor.u32 $0x90, s18  }
0x6d: {  	[tilespmem:s24], [sflag:$0x4] =	stream.indirect.gather [hbm4b:s6+s21], $0x10, s19, s21, $0xb8;
	[tilespmem:$0x1B410] =	vst v63  }
0x6e: {  	s26 =	sadd.s32 $0x2890, s18;
	s30 =	simm.s32 $0xC810;
	s2 =	simm.s32 $0x5030  }
0x6f: {  	[tilespmem:s30], [sflag:$0x4] =	stream.indirect.gather [hbm4b:s7+s21], $0x10, s26, s21, $0xb8;
	[tilespmem:$0x1B410] =	vst v63  }
0x70: {  	s9 =	simm.s32 $0x6030;
	v10 =	vld [tilespmem:s2+$0xFFFFFFF0]  }
0x71: {  	v6 =	vld [tilespmem:s9+$0xFFFFFFE0]  }
0x72: {  	v5 =	vld [tilespmem:s9+$0x10]  }
0x73: {  	v7 =	vld [tilespmem:s9+$0xFFFFFFF0]  }
0x74: {  	v12 =	vld [tilespmem:s2+$0x10]  }
0x75: {  	v8 =	vld [tilespmem:s2+$0xFFFFFFE0]  }
0x76: {  	v9 =	vld [tilespmem:s2+$0x0]  }
0x77: {  	s24 =	simm.s32 $0x6070;
	v11 =	vld [tilespmem:s9+$0x0]  }
0x78: {  	v14 =	vld [tilespmem:s24+$0xFFFFFFE0]  }
0x79: {  	s19 =	simm.s32 $0x5070;
	v17 =	vld [tilespmem:s24+$0xFFFFFFF0];
	v7 =	vadd.f32 v7, v10  }
0x7a: {  	v13 =	vadd.f32 v5, v12;
	v5 =	vld [tilespmem:s19+$0xFFFFFFF0];
	v18 =	vadd.f32 v6, v8  }
0x7b: {  	v6 =	vld [tilespmem:s19+$0xFFFFFFE0];
	vm0 =	vgt.f32 v7, $0.0e+00  }
0x7c: {  	v16 =	vadd.f32 v11, v9;
	vm1 =	vgt.f32 v18, $0.0e+00;
	v15 =	vsel vm0, v3, v4  }
0x7d: {  	vm0 =	vgt.f32 v13, $0.0e+00;
	v21 =	vsel vm1, v3, v4;
	v7 =	vmul.f32 v15, v7  }
0x7e: {  	v11 =	vsel vm0, v3, v4;
	vm0 =	vgt.f32 v16, $0.0e+00;
	v18 =	vmul.f32 v21, v18  }
0x7f: {  	v15 =	vld [tilespmem:s24+$0x10];
	v13 =	vmul.f32 v11, v13;
	v20 =	vsel vm0, v3, v4;
	v17 =	vadd.f32 v17, v5  }
0x80: {  	v11 =	vld [tilespmem:s19+$0x10];
	v14 =	vadd.f32 v14, v6;
	v19 =	vperm.xlane v7, v1;
	v16 =	vmul.f32 v20, v16  }
0x81: {  	v23 =	vperm.xlane v18, v1;
	v22 =	vperm.xlane v13, v1;
	vm0 =	vgt.f32 v17, $0.0e+00  }
0x82: {  	v21 =	vld [tilespmem:s24+$0x0];
	vm1 =	vgt.f32 v14, $0.0e+00;
	v19 =	vadd.f32 v7, v19;
	v25 =	vsel vm0, v3, v4  }
0x83: {  	v7 =	vld [tilespmem:s19+$0x0];
	v26 =	vsel vm1, v3, v4;
	v20 =	vadd.f32 v13, v22;
	v13 =	vperm.xlane v16, v1  }
0x84: {  	v17 =	vmul.f32 v25, v17;
	v30 =	vmul.f32 v26, v14  }
0x85: {  	v22 =	vperm.xlane v19, v2;
	v15 =	vadd.f32 v15, v11;
	v24 =	vadd.f32 v16, v13  }
0x86: {  	s30 =	simm.s32 $0x60B0;
	v16 =	vperm.xlane v20, v2;
	v32 =	vperm.xlane v30, v1  }
0x87: {  	s26 =	simm.s32 $0x50B0;
	v25 =	vld [tilespmem:s30+$0xFFFFFFF0];
	v19 =	vadd.f32 v19, v22;
	vm0 =	vgt.f32 v15, $0.0e+00;
	v27 =	vperm.xlane v24, v2  }
0x88: {  	v14 =	vld [tilespmem:s26+$0xFFFFFFE0];
	v21 =	vadd.f32 v21, v7;
	v22 =	vsel vm0, v3, v4;
	v16 =	vadd.f32 v20, v16  }
0x89: {  	v18 =	vadd.f32 v18, v23;
	v20 =	vld [tilespmem:s30+$0xFFFFFFE0];
	v15 =	vmul.f32 v22, v15;
	v19 =	vmul.f32 $1.442695020e+00, v19  }
0x8a: {  	v13 =	vld [tilespmem:s26+$0xFFFFFFF0];
	v22 =	vperm.xlane v17, v1;
	vm0 =	vgt.f32 v21, $0.0e+00;
	v28 =	vmul.f32 $1.442695020e+00, v16  }
0x8b: {  	v23 =	vsel vm0, v3, v4;
	v26 =	vperm.xlane v15, v1;
	(erf) = vpow2.f32 v19  }
0x8c: {  	v16 =	vld [tilespmem:s26+$0x10];
	v22 =	vadd.f32 v17, v22;
	v17 =	vperm.xlane v18, v2;
	(erf) = vpow2.f32 v28  }
0x8d: {  	v19 =	vld [tilespmem:s30+$0x10];
	v29 =	vmul.f32 v23, v21;
	v21 =	vadd.f32 v24, v27;
	v31 =	vadd.f32 v15, v26  }
0x8e: {  	v33 =	vld [tilespmem:s30+$0x0];
	v26 =	vperm.xlane v22, v2;
	v18 =	vadd.f32 v18, v17;
	v20 =	vadd.f32 v20, v14  }
0x8f: {  	v23 =	vadd.f32 v25, v13;
	v15 =	vld [tilespmem:s26+$0x0];
	v24 =	vperm.xlane v29, v1;
	v21 =	vmul.f32 $1.442695020e+00, v21  }
0x90: {  	v28 =	vperm.xlane v31, v2;
	v25 =	vmul.f32 $1.442695020e+00, v18;
	vm1 =	vgt.f32 v20, $0.0e+00  }
0x91: {  	v26 =	vadd.f32 v22, v26;
	v22 =	vadd.f32 v30, v32;
	v18 =	vsel vm1, v3, v4  }
0x92: {  	s29 =	simm.s32 $0x8;
	vm0 =	vgt.f32 v23, $0.0e+00;
	v17 =	vadd.f32 v29, v24;
	v27 =	vadd.f32 v19, v16  }
0x93: {  	s1 =	simm.s32 $0xE030;
	s0 =	simm.s32 $0x60F0;
	s2 =	simm.s32 $0xD030;
	v29 =	vsel vm0, v3, v4;
	v20 =	vmul.f32 v18, v20;
	v28 =	vadd.f32 v31, v28  }
0x94: {  	s24 =	simm.s32 $0xE030;
	s19 =	simm.s32 $0x50F0;
	s26 =	simm.s32 $0xD030;
	v19 =	vperm.xlane v17, v2;
	v24 =	vadd.f32 v33, v15;
	vm0 =	vgt.f32 v27, $0.0e+00;
	v18 =	vpop (erf)  }
.LBB2_5:
0x95: {  	v30 =	vld [tilespmem:s19+$0xFFFFFFF0];
	s29 =	sadd.s32 $0x4, s29;
	v23 =	vmul.f32 v29, v23;
	v32 =	vsel vm0, v3, v4;
	s1 =	sadd.s32 $0x40, s1;
	s2 =	sadd.s32 $0x40, s2;
	(erf) = vpow2.f32 v25;
	v25 =	vpop (erf)  }
0x96: {  	v29 =	vmovc v8;
	v8 =	vmovc v6;
	v31 =	vld [tilespmem:s0+$0xFFFFFFE0];
	p1 =	slt.u32 s29, $0xFC;
	vm0 =	vgt.f32 v24, $0.0e+00;
	v27 =	vmul.f32 v32, v27;
	[tilespmem:s26+$0x10] =	vst v25;
	(erf) = vpow2.f32 v21  }
0x97: {  	v28 =	vmul.f32 $1.442695020e+00, v28;
	v6 =	vmovc v14;
	v34 =	vmovc v9;
	v32 =	vld [tilespmem:s0+$0x10];
	v21 =	vperm.xlane v23, v1;
	v33 =	vsel vm0, v3, v4  }
0x98: {  	v26 =	vmul.f32 $1.442695020e+00, v26;
	v9 =	vmovc v7;
	v7 =	vmovc v15;
	v37 =	vmov v20;
	v35 =	vld [tilespmem:s0+$0xFFFFFFF0];
	v36 =	vperm.xlane v27, v1  }
0x99: {  	v20 =	vperm.xlane v22, v2;
	v14 =	vld [tilespmem:s19+$0xFFFFFFE0];
	v38 =	vadd.f32 v23, v21;
	v21 =	vmul.f32 v25, v12;
	v12 =	vmovc v11  }
0x9a: {  	v24 =	vmul.f32 v33, v24;
	v11 =	vmovc v16;
	v15 =	vld [tilespmem:s19+$0x0];
	v33 =	vadd.f32 v27, v36;
	(erf) = vpow2.f32 v26  }
0x9b: {  	v17 =	vadd.f32 v17, v19;
	v16 =	vld [tilespmem:s19+$0x10];
	v26 =	vperm.xlane v38, v2;
	(erf) = vpow2.f32 v28;
	[tilespmem:s24+$0x10] =	vst v21  }
0x9c: {  	v20 =	vadd.f32 v22, v20;
	v22 =	vmul.f32 v18, v10;
	v10 =	vmovc v5;
	v19 =	vperm.xlane v24, v1  }
0x9d: {  	v5 =	vmovc v13;
	v21 =	vmul.f32 $1.442695020e+00, v17;
	v23 =	vadd.f32 v35, v30;
	v35 =	vperm.xlane v37, v1;
	[tilespmem:s26+$0xFFFFFFF0] =	vst v18  }
0x9e: {  	v25 =	vmul.f32 $1.442695020e+00, v20;
	v28 =	vperm.xlane v33, v2;
	v18 =	vadd.f32 v31, v14;
	v31 =	vld [tilespmem:s0+$0x0];
	[tilespmem:s24+$0xFFFFFFF0] =	vst v22;
	v13 =	vpop (erf)  }
.Ltmp1:
0x9f: {  	v17 =	vadd.f32 v24, v19;
	vm0 =	vgt.f32 v23, $0.0e+00;
	[tilespmem:s26+$0xFFFFFFE0] =	vst v13;
	v20 =	vmul.f32 v13, v29;
	v13 =	vpop (erf);
	(pc) =	sbr.rel @p1 .LBB2_5-.Ltmp1, $4  }
0xa0: {  	vm1 =	vgt.f32 v18, $0.0e+00;
	v29 =	vsel vm0, v3, v4;
	[tilespmem:s26+$0x0] =	vst v13;
	v22 =	vmul.f32 v13, v34;
	v13 =	vmovc v30;
	s26 =	smov.u32 s2  }
0xa1: {  	v19 =	vperm.xlane v17, v2;
	v27 =	vadd.f32 v32, v16;
	v24 =	vsel vm1, v3, v4;
	[tilespmem:s24+$0xFFFFFFE0] =	vst v20  }
0xa2: {  	v26 =	vadd.f32 v38, v26;
	v28 =	vadd.f32 v33, v28;
	v20 =	vmul.f32 v24, v18;
	[tilespmem:s24+$0x0] =	vst v22;
	s24 =	smov.u32 s1  }
0xa3: {  	s19 =	sadd.s32 $0x40, s19;
	s0 =	sadd.s32 $0x40, s0;
	vm0 =	vgt.f32 v27, $0.0e+00;
	v22 =	vadd.f32 v37, v35;
	v24 =	vadd.f32 v31, v15;
	v18 =	vpop (erf)  }
0xa4: {  	(erf) = vpow2.f32 v25;
	v23 =	vmul.f32 v29, v23  }
0xa5: {  	v25 =	vsel vm0, v3, v4;
	v26 =	vmul.f32 $1.442695020e+00, v26;
	(erf) = vpow2.f32 v21  }
0xa6: {  	v17 =	vadd.f32 v17, v19;
	v21 =	vmul.f32 v25, v27;
	v25 =	vperm.xlane v23, v1  }
0xa7: {  	v10 =	vmul.f32 v18, v10;
	vm0 =	vgt.f32 v24, $0.0e+00;
	v27 =	vmul.f32 $1.442695020e+00, v28;
	v28 =	vpop (erf)  }
0xa8: {  	v12 =	vmul.f32 v28, v12;
	v23 =	vadd.f32 v23, v25;
	v25 =	vperm.xlane v22, v2  }
0xa9: {  	v29 =	vsel vm0, v3, v4;
	(erf) = vpow2.f32 v26;
	v30 =	vperm.xlane v21, v1  }
0xaa: {  	v17 =	vmul.f32 $1.442695020e+00, v17;
	v26 =	vperm.xlane v23, v2;
	v22 =	vadd.f32 v22, v25  }
0xab: {  	v24 =	vmul.f32 v29, v24;
	(erf) = vpow2.f32 v27;
	v21 =	vadd.f32 v21, v30  }
0xac: {  	[tilespmem:s26+$0xFFFFFFF0] =	vst v18;
	v25 =	vperm.xlane v20, v1;
	v22 =	vmul.f32 $1.442695020e+00, v22;
	v23 =	vadd.f32 v23, v26  }
0xad: {  	[tilespmem:s26+$0x10] =	vst v28;
	v19 =	vperm.xlane v24, v1;
	v27 =	vperm.xlane v21, v2  }
0xae: {  	[tilespmem:s24+$0xFFFFFFF0] =	vst v10;
	v18 =	vadd.f32 v20, v25;
	v29 =	vpop (erf);
	(erf) = vpow2.f32 v22;
	v20 =	vmul.f32 $1.442695020e+00, v23  }
0xaf: {  	[tilespmem:s24+$0x10] =	vst v12;
	v12 =	vadd.f32 v21, v27;
	v28 =	vpop (erf);
	v8 =	vmul.f32 v29, v8  }
0xb0: {  	v10 =	vadd.f32 v24, v19;
	[tilespmem:s26+$0xFFFFFFE0] =	vst v29;
	v9 =	vmul.f32 v28, v9;
	(erf) = vpow2.f32 v17  }
0xb1: {  	v12 =	vmul.f32 $1.442695020e+00, v12;
	v17 =	vperm.xlane v18, v2;
	[tilespmem:s26+$0x0] =	vst v28  }
0xb2: {  	v19 =	vperm.xlane v10, v2;
	(erf) = vpow2.f32 v20;
	[tilespmem:s24+$0xFFFFFFE0] =	vst v8;
	v20 =	vpop (erf)  }
0xb3: {  	s0 =	sadd.s32 $0x40, s2;
	[tilespmem:s24+$0x0] =	vst v9;
	(erf) = vpow2.f32 v12;
	v12 =	vadd.f32 v18, v17;
	v5 =	vmul.f32 v20, v5  }
0xb4: {  	v8 =	vpop (erf);
	[tilespmem:s0+$0xFFFFFFF0] =	vst v20  }
0xb5: {  	s1 =	sadd.s32 $0x40, s1;
	v10 =	vadd.f32 v10, v19;
	v9 =	vmul.f32 v8, v11;
	[tilespmem:s0+$0x10] =	vst v8;
	v8 =	vmul.f32 $1.442695020e+00, v12  }
0xb6: {  	[tilespmem:s1+$0xFFFFFFF0] =	vst v5  }
0xb7: {  	[tilespmem:s1+$0x10] =	vst v9;
	v9 =	vmul.f32 $1.442695020e+00, v10;
	v5 =	vpop (erf)  }
0xb8: {  	(erf) = vpow2.f32 v8;
	[tilespmem:s0+$0xFFFFFFE0] =	vst v5;
	v5 =	vmul.f32 v5, v6  }
0xb9: {  	(erf) = vpow2.f32 v9;
	v8 =	vpop (erf)  }
0xba: {  	[tilespmem:s0+$0x0] =	vst v8;
	v6 =	vmul.f32 v8, v7  }
0xbb: {  	v7 =	vpop (erf);
	[tilespmem:s1+$0xFFFFFFE0] =	vst v5  }
0xbc: {  	s0 =	sadd.s32 $0x40, s0;
	[tilespmem:s1+$0x0] =	vst v6;
	v5 =	vpop (erf)  }
0xbd: {  	v6 =	vmul.f32 v5, v16;
	[tilespmem:s0+$0x10] =	vst v5;
	v5 =	vmul.f32 v7, v13;
	_ =	sdelay $0x1  }
0xbe: {  	s24 =	sadd.s32 $0x40, s1;
	[tilespmem:s0+$0xFFFFFFF0] =	vst v7  }
0xbf: {  	[tilespmem:s24+$0x10] =	vst v6  }
0xc0: {  	[tilespmem:s24+$0xFFFFFFF0] =	vst v5;
	v5 =	vpop (erf)  }
0xc1: {  	[tilespmem:s0+$0xFFFFFFE0] =	vst v5;
	v5 =	vmul.f32 v5, v14;
	v6 =	vpop (erf)  }
0xc2: {  	[tilespmem:s0+$0x0] =	vst v6;
	v6 =	vmul.f32 v6, v15;
	s0 =	sshll.u32 s28, $0xA  }
0xc3: {  	[tilespmem:s24+$0xFFFFFFE0] =	vst v5;
	s1 =	sand.u32 $0x3FFFFC00, s0  }
0xc4: {  	s9 =	simm.s32 $0xD010;
	[tilespmem:s24+$0x0] =	vst v6;
	s26 =	sadd.s32 $0x2810, s1  }
0xc5: {  	[spmem:s3] =	stream.indirect.scatter.add.f32 [tilespmem:s9], [sflag:$0x5], $0x10, s26, s21, $0xb8;
	[tilespmem:$0x1B410] =	vst v63  }
0xc6: {  	s19 =	simm.s32 $0xE010  }
0xc7: {  	[spmem:s4] =	stream.indirect.scatter.add.f32 [tilespmem:s19], [sflag:$0x5], $0x10, s26, s21, $0xb8;
	[tilespmem:$0x1B410] =	vst v63  }
0xc8: {  	s24 =	sadd.s32 $0x2890, s1;
	s26 =	simm.s32 $0xD810  }
0xc9: {  	[spmem:s3] =	stream.indirect.scatter.add.f32 [tilespmem:s26], [sflag:$0x5], $0x10, s24, s21, $0xb8;
	[tilespmem:$0x1B410] =	vst v63  }
0xca: {  	s19 =	simm.s32 $0xE810  }
0xcb: {  	[spmem:s4] =	stream.indirect.scatter.add.f32 [tilespmem:s19], [sflag:$0x5], $0x10, s24, s21, $0xb8;
	[tilespmem:$0x1B410] =	vst v63  }
0xcc: {  	_ =	swait.ge [sflag:s20], $0x800  }
0xcd: {  	[sflag:s20] =	ssyncset.done $0x0  }
0xce: {  	[sflag:s20] =	ssyncadd.s32 $0xFFFFF800  }
0xcf: {  	_ =	swait.ge [sflag:s20], $0x800  }
0xd0: {  	[sflag:s20] =	ssyncset.done $0x0  }
0xd1: {  	[sflag:s20] =	ssyncadd.s32 $0xFFFFF800  }
0xd2: {  	_ =	swait.ge [sflag:s20], $0x800  }
0xd3: {  	[sflag:s20] =	ssyncset.done $0x0  }
0xd4: {  	[sflag:s20] =	ssyncadd.s32 $0xFFFFF800  }
0xd5: {  	_ =	swait.ge [sflag:s20], $0x800  }
0xd6: {  	[sflag:s20] =	ssyncset.done $0x0  }
0xd7: {  	s2 =	simm.s32 @!p0 $0x6;
	[sflag:s20] =	ssyncadd.s32 $0xFFFFF800  }
0xd8: {  	_ =	swait.ge @!p0 [sflag:s2], $0x800  }
0xd9: {  	[sflag:s2] =	ssyncset.done @!p0 $0x0  }
0xda: {  	[sflag:s2] =	ssyncadd.s32 @!p0 $0xFFFFF800  }
0xdb: {  	_ =	swait.ge @!p0 [sflag:s2], $0x800  }
0xdc: {  	[sflag:s2] =	ssyncset.done @!p0 $0x0  }
0xdd: {  	[sflag:s2] =	ssyncadd.s32 @!p0 $0xFFFFF800  }
0xde: {  	_ =	swait.ge @!p0 [sflag:s2], $0x800  }
0xdf: {  	[sflag:s2] =	ssyncset.done @!p0 $0x0  }
0xe0: {  	[sflag:s2] =	ssyncadd.s32 @!p0 $0xFFFFF800  }
0xe1: {  	p1 =	seq.s32 @!p0 s28, $0x9;
	_ =	swait.ge @!p0 [sflag:s2], $0x800  }
0xe2: {  	p2 =	por p0, !p1;
	[sflag:s2] =	ssyncset.done @!p0 $0x0  }
0xe3: {  	s9 =	simm.s32 @p2 $0x5010;
	[sflag:s2] =	ssyncadd.s32 @!p0 $0xFFFFF800;
	s2 =	sadd.s32 @p2 $0x410, s0  }
0xe4: {  	[tilespmem:s9], [sflag:$0x1] =	stream.indirect.gather @p2 [hbm4b:s6+s21], $0x10, s2, s21, $0xb8;
	[tilespmem:$0x1B410] =	vst v63  }
0xe5: {  	s2 =	sadd.s32 @p2 $0x2C10, s0;
	s9 =	simm.s32 @p2 $0x6010  }
0xe6: {  	[tilespmem:s9], [sflag:$0x1] =	stream.indirect.gather @p2 [hbm4b:s7+s21], $0x10, s2, s21, $0xb8;
	[tilespmem:$0x1B410] =	vst v63  }
0xe7: {  	s2 =	sadd.s32 @p2 $0x490, s0;
	s9 =	simm.s32 @p2 $0x5810  }
0xe8: {  	[tilespmem:s9], [sflag:$0x1] =	stream.indirect.gather @p2 [hbm4b:s6+s21], $0x10, s2, s21, $0xb8;
	[tilespmem:$0x1B410] =	vst v63  }
0xe9: {  	s24 =	simm.s32 $0x7030;
	s0 =	sadd.s32 @p2 $0x2C90, s0;
	s2 =	simm.s32 @p2 $0x6810  }
0xea: {  	[tilespmem:s2], [sflag:$0x1] =	stream.indirect.gather @p2 [hbm4b:s7+s21], $0x10, s0, s21, $0xb8;
	[tilespmem:$0x1B410] =	vst v63  }
0xeb: {  	s26 =	simm.s32 $0x8030;
	v10 =	vld [tilespmem:s24+$0xFFFFFFF0]  }
0xec: {  	v6 =	vld [tilespmem:s26+$0xFFFFFFE0]  }
0xed: {  	v5 =	vld [tilespmem:s26+$0x10]  }
0xee: {  	v7 =	vld [tilespmem:s26+$0xFFFFFFF0]  }
0xef: {  	v12 =	vld [tilespmem:s24+$0x10]  }
0xf0: {  	v8 =	vld [tilespmem:s24+$0xFFFFFFE0]  }
0xf1: {  	v9 =	vld [tilespmem:s24+$0x0]  }
0xf2: {  	s19 =	simm.s32 $0x8070;
	v11 =	vld [tilespmem:s26+$0x0]  }
0xf3: {  	v14 =	vld [tilespmem:s19+$0xFFFFFFE0]  }
0xf4: {  	s9 =	simm.s32 $0x7070;
	v17 =	vld [tilespmem:s19+$0xFFFFFFF0];
	v7 =	vadd.f32 v7, v10  }
0xf5: {  	v13 =	vadd.f32 v5, v12;
	v5 =	vld [tilespmem:s9+$0xFFFFFFF0];
	v18 =	vadd.f32 v6, v8  }
0xf6: {  	v6 =	vld [tilespmem:s9+$0xFFFFFFE0];
	vm0 =	vgt.f32 v7, $0.0e+00  }
0xf7: {  	v16 =	vadd.f32 v11, v9;
	vm1 =	vgt.f32 v18, $0.0e+00;
	v15 =	vsel vm0, v3, v4  }
0xf8: {  	vm0 =	vgt.f32 v13, $0.0e+00;
	v21 =	vsel vm1, v3, v4;
	v7 =	vmul.f32 v15, v7  }
0xf9: {  	v11 =	vsel vm0, v3, v4;
	vm0 =	vgt.f32 v16, $0.0e+00;
	v18 =	vmul.f32 v21, v18  }
0xfa: {  	v15 =	vld [tilespmem:s19+$0x10];
	v13 =	vmul.f32 v11, v13;
	v20 =	vsel vm0, v3, v4;
	v17 =	vadd.f32 v17, v5  }
0xfb: {  	v11 =	vld [tilespmem:s9+$0x10];
	v14 =	vadd.f32 v14, v6;
	v19 =	vperm.xlane v7, v1;
	v16 =	vmul.f32 v20, v16  }
0xfc: {  	v23 =	vperm.xlane v18, v1;
	v22 =	vperm.xlane v13, v1;
	vm0 =	vgt.f32 v17, $0.0e+00  }
0xfd: {  	v21 =	vld [tilespmem:s19+$0x0];
	vm1 =	vgt.f32 v14, $0.0e+00;
	v19 =	vadd.f32 v7, v19;
	v25 =	vsel vm0, v3, v4  }
0xfe: {  	v7 =	vld [tilespmem:s9+$0x0];
	v26 =	vsel vm1, v3, v4;
	v20 =	vadd.f32 v13, v22;
	v13 =	vperm.xlane v16, v1  }
0xff: {  	v17 =	vmul.f32 v25, v17;
	v30 =	vmul.f32 v26, v14  }
0x100: {  	v22 =	vperm.xlane v19, v2;
	v15 =	vadd.f32 v15, v11;
	v24 =	vadd.f32 v16, v13  }
0x101: {  	s26 =	simm.s32 $0x80B0;
	v16 =	vperm.xlane v20, v2;
	v32 =	vperm.xlane v30, v1  }
0x102: {  	s24 =	simm.s32 $0x70B0;
	v25 =	vld [tilespmem:s26+$0xFFFFFFF0];
	v19 =	vadd.f32 v19, v22;
	vm0 =	vgt.f32 v15, $0.0e+00;
	v27 =	vperm.xlane v24, v2  }
0x103: {  	v14 =	vld [tilespmem:s24+$0xFFFFFFE0];
	v21 =	vadd.f32 v21, v7;
	v22 =	vsel vm0, v3, v4;
	v16 =	vadd.f32 v20, v16  }
0x104: {  	v18 =	vadd.f32 v18, v23;
	v20 =	vld [tilespmem:s26+$0xFFFFFFE0];
	v15 =	vmul.f32 v22, v15;
	v19 =	vmul.f32 $1.442695020e+00, v19  }
0x105: {  	v13 =	vld [tilespmem:s24+$0xFFFFFFF0];
	v22 =	vperm.xlane v17, v1;
	vm0 =	vgt.f32 v21, $0.0e+00;
	v28 =	vmul.f32 $1.442695020e+00, v16  }
0x106: {  	v23 =	vsel vm0, v3, v4;
	v26 =	vperm.xlane v15, v1;
	(erf) = vpow2.f32 v19  }
0x107: {  	v16 =	vld [tilespmem:s24+$0x10];
	v22 =	vadd.f32 v17, v22;
	v17 =	vperm.xlane v18, v2;
	(erf) = vpow2.f32 v28  }
0x108: {  	v19 =	vld [tilespmem:s26+$0x10];
	v29 =	vmul.f32 v23, v21;
	v21 =	vadd.f32 v24, v27;
	v31 =	vadd.f32 v15, v26  }
0x109: {  	v33 =	vld [tilespmem:s26+$0x0];
	v26 =	vperm.xlane v22, v2;
	v18 =	vadd.f32 v18, v17;
	v20 =	vadd.f32 v20, v14  }
0x10a: {  	v23 =	vadd.f32 v25, v13;
	v15 =	vld [tilespmem:s24+$0x0];
	v24 =	vperm.xlane v29, v1;
	v21 =	vmul.f32 $1.442695020e+00, v21  }
0x10b: {  	v28 =	vperm.xlane v31, v2;
	v25 =	vmul.f32 $1.442695020e+00, v18;
	vm1 =	vgt.f32 v20, $0.0e+00  }
0x10c: {  	v26 =	vadd.f32 v22, v26;
	v22 =	vadd.f32 v30, v32;
	v18 =	vsel vm1, v3, v4  }
0x10d: {  	s30 =	simm.s32 $0x8;
	s29 =	simm.s32 $0xF030;
	p1 =	por @!p0 $0x1, $0x1;
	vm0 =	vgt.f32 v23, $0.0e+00;
	v17 =	vadd.f32 v29, v24;
	v27 =	vadd.f32 v19, v16  }
0x10e: {  	p1 =	por @p2 $0x0, $0x0;
	s2 =	simm.s32 $0x10030;
	s0 =	simm.s32 $0x80F0;
	v29 =	vsel vm0, v3, v4;
	v20 =	vmul.f32 v18, v20;
	v28 =	vadd.f32 v31, v28  }
0x10f: {  	s19 =	simm.s32 $0x70F0;
	s26 =	simm.s32 $0x10030;
	s24 =	simm.s32 $0xF030;
	v19 =	vperm.xlane v17, v2;
	v24 =	vadd.f32 v33, v15;
	vm0 =	vgt.f32 v27, $0.0e+00;
	v18 =	vpop (erf)  }
.LBB2_7:
0x110: {  	v30 =	vld [tilespmem:s19+$0xFFFFFFF0];
	s30 =	sadd.s32 $0x4, s30;
	v23 =	vmul.f32 v29, v23;
	v32 =	vsel vm0, v3, v4;
	s2 =	sadd.s32 $0x40, s2;
	s24 =	sadd.s32 $0x40, s24;
	(erf) = vpow2.f32 v25;
	v25 =	vpop (erf)  }
0x111: {  	v29 =	vmovc v8;
	v8 =	vmovc v6;
	v31 =	vld [tilespmem:s0+$0xFFFFFFE0];
	p2 =	slt.u32 s30, $0xFC;
	vm0 =	vgt.f32 v24, $0.0e+00;
	v27 =	vmul.f32 v32, v27;
	[tilespmem:s29+$0x10] =	vst v25;
	(erf) = vpow2.f32 v21  }
0x112: {  	v28 =	vmul.f32 $1.442695020e+00, v28;
	v6 =	vmovc v14;
	v34 =	vmovc v9;
	v32 =	vld [tilespmem:s0+$0x10];
	v21 =	vperm.xlane v23, v1;
	v33 =	vsel vm0, v3, v4  }
0x113: {  	v26 =	vmul.f32 $1.442695020e+00, v26;
	v9 =	vmovc v7;
	v7 =	vmovc v15;
	v37 =	vmov v20;
	v35 =	vld [tilespmem:s0+$0xFFFFFFF0];
	v36 =	vperm.xlane v27, v1  }
0x114: {  	v20 =	vperm.xlane v22, v2;
	v14 =	vld [tilespmem:s19+$0xFFFFFFE0];
	v38 =	vadd.f32 v23, v21;
	v21 =	vmul.f32 v25, v12;
	v12 =	vmovc v11  }
0x115: {  	v24 =	vmul.f32 v33, v24;
	v11 =	vmovc v16;
	v15 =	vld [tilespmem:s19+$0x0];
	v33 =	vadd.f32 v27, v36;
	(erf) = vpow2.f32 v26  }
0x116: {  	v17 =	vadd.f32 v17, v19;
	v16 =	vld [tilespmem:s19+$0x10];
	v26 =	vperm.xlane v38, v2;
	(erf) = vpow2.f32 v28;
	[tilespmem:s26+$0x10] =	vst v21  }
0x117: {  	v20 =	vadd.f32 v22, v20;
	v22 =	vmul.f32 v18, v10;
	v10 =	vmovc v5;
	v19 =	vperm.xlane v24, v1  }
0x118: {  	v5 =	vmovc v13;
	v21 =	vmul.f32 $1.442695020e+00, v17;
	v23 =	vadd.f32 v35, v30;
	v35 =	vperm.xlane v37, v1;
	[tilespmem:s29+$0xFFFFFFF0] =	vst v18  }
0x119: {  	v25 =	vmul.f32 $1.442695020e+00, v20;
	v28 =	vperm.xlane v33, v2;
	v18 =	vadd.f32 v31, v14;
	v31 =	vld [tilespmem:s0+$0x0];
	[tilespmem:s26+$0xFFFFFFF0] =	vst v22;
	v13 =	vpop (erf)  }
.Ltmp2:
0x11a: {  	v17 =	vadd.f32 v24, v19;
	vm0 =	vgt.f32 v23, $0.0e+00;
	[tilespmem:s29+$0xFFFFFFE0] =	vst v13;
	v20 =	vmul.f32 v13, v29;
	v13 =	vpop (erf);
	(pc) =	sbr.rel @p2 .LBB2_7-.Ltmp2, $4  }
0x11b: {  	vm1 =	vgt.f32 v18, $0.0e+00;
	v29 =	vsel vm0, v3, v4;
	[tilespmem:s29+$0x0] =	vst v13;
	v22 =	vmul.f32 v13, v34;
	v13 =	vmovc v30;
	s29 =	smov.u32 s24  }
0x11c: {  	v19 =	vperm.xlane v17, v2;
	v27 =	vadd.f32 v32, v16;
	v24 =	vsel vm1, v3, v4;
	[tilespmem:s26+$0xFFFFFFE0] =	vst v20  }
0x11d: {  	v26 =	vadd.f32 v38, v26;
	v28 =	vadd.f32 v33, v28;
	v20 =	vmul.f32 v24, v18;
	[tilespmem:s26+$0x0] =	vst v22;
	s26 =	smov.u32 s2  }
0x11e: {  	s19 =	sadd.s32 $0x40, s19;
	s0 =	sadd.s32 $0x40, s0;
	vm0 =	vgt.f32 v27, $0.0e+00;
	v22 =	vadd.f32 v37, v35;
	v24 =	vadd.f32 v31, v15;
	v18 =	vpop (erf)  }
0x11f: {  	(erf) = vpow2.f32 v25;
	v23 =	vmul.f32 v29, v23  }
0x120: {  	v25 =	vsel vm0, v3, v4;
	v26 =	vmul.f32 $1.442695020e+00, v26;
	(erf) = vpow2.f32 v21  }
0x121: {  	v17 =	vadd.f32 v17, v19;
	v21 =	vmul.f32 v25, v27;
	v25 =	vperm.xlane v23, v1  }
0x122: {  	v10 =	vmul.f32 v18, v10;
	vm0 =	vgt.f32 v24, $0.0e+00;
	v27 =	vmul.f32 $1.442695020e+00, v28;
	v28 =	vpop (erf)  }
0x123: {  	v12 =	vmul.f32 v28, v12;
	v23 =	vadd.f32 v23, v25;
	v25 =	vperm.xlane v22, v2  }
0x124: {  	v29 =	vsel vm0, v3, v4;
	(erf) = vpow2.f32 v26;
	v30 =	vperm.xlane v21, v1  }
0x125: {  	v17 =	vmul.f32 $1.442695020e+00, v17;
	v26 =	vperm.xlane v23, v2;
	v22 =	vadd.f32 v22, v25  }
0x126: {  	v24 =	vmul.f32 v29, v24;
	(erf) = vpow2.f32 v27;
	v21 =	vadd.f32 v21, v30  }
0x127: {  	[tilespmem:s29+$0xFFFFFFF0] =	vst v18;
	v25 =	vperm.xlane v20, v1;
	v22 =	vmul.f32 $1.442695020e+00, v22;
	v23 =	vadd.f32 v23, v26  }
0x128: {  	[tilespmem:s29+$0x10] =	vst v28;
	v19 =	vperm.xlane v24, v1;
	v27 =	vperm.xlane v21, v2  }
0x129: {  	[tilespmem:s26+$0xFFFFFFF0] =	vst v10;
	v18 =	vadd.f32 v20, v25;
	v29 =	vpop (erf);
	(erf) = vpow2.f32 v22;
	v20 =	vmul.f32 $1.442695020e+00, v23  }
0x12a: {  	[tilespmem:s26+$0x10] =	vst v12;
	v12 =	vadd.f32 v21, v27;
	v28 =	vpop (erf);
	v8 =	vmul.f32 v29, v8  }
0x12b: {  	v10 =	vadd.f32 v24, v19;
	[tilespmem:s29+$0xFFFFFFE0] =	vst v29;
	v9 =	vmul.f32 v28, v9;
	(erf) = vpow2.f32 v17  }
0x12c: {  	v12 =	vmul.f32 $1.442695020e+00, v12;
	v17 =	vperm.xlane v18, v2;
	[tilespmem:s29+$0x0] =	vst v28  }
0x12d: {  	v19 =	vperm.xlane v10, v2;
	(erf) = vpow2.f32 v20;
	[tilespmem:s26+$0xFFFFFFE0] =	vst v8;
	v20 =	vpop (erf)  }
0x12e: {  	s0 =	sadd.s32 $0x40, s24;
	[tilespmem:s26+$0x0] =	vst v9;
	(erf) = vpow2.f32 v12;
	v12 =	vadd.f32 v18, v17;
	v5 =	vmul.f32 v20, v5  }
0x12f: {  	v8 =	vpop (erf);
	[tilespmem:s0+$0xFFFFFFF0] =	vst v20  }
0x130: {  	s2 =	sadd.s32 $0x40, s2;
	v10 =	vadd.f32 v10, v19;
	v9 =	vmul.f32 v8, v11;
	[tilespmem:s0+$0x10] =	vst v8;
	v8 =	vmul.f32 $1.442695020e+00, v12  }
0x131: {  	[tilespmem:s2+$0xFFFFFFF0] =	vst v5  }
0x132: {  	[tilespmem:s2+$0x10] =	vst v9;
	v9 =	vmul.f32 $1.442695020e+00, v10;
	v5 =	vpop (erf)  }
0x133: {  	(erf) = vpow2.f32 v8;
	[tilespmem:s0+$0xFFFFFFE0] =	vst v5;
	v5 =	vmul.f32 v5, v6  }
0x134: {  	(erf) = vpow2.f32 v9;
	v8 =	vpop (erf)  }
0x135: {  	[tilespmem:s0+$0x0] =	vst v8;
	v6 =	vmul.f32 v8, v7  }
0x136: {  	v7 =	vpop (erf);
	[tilespmem:s2+$0xFFFFFFE0] =	vst v5  }
0x137: {  	s0 =	sadd.s32 $0x40, s0;
	[tilespmem:s2+$0x0] =	vst v6;
	v5 =	vpop (erf)  }
0x138: {  	v6 =	vmul.f32 v5, v16;
	[tilespmem:s0+$0x10] =	vst v5;
	v5 =	vmul.f32 v7, v13;
	_ =	sdelay $0x1  }
0x139: {  	[tilespmem:s0+$0xFFFFFFF0] =	vst v7;
	s2 =	sadd.s32 $0x40, s2  }
0x13a: {  	[tilespmem:s2+$0x10] =	vst v6  }
0x13b: {  	[tilespmem:s2+$0xFFFFFFF0] =	vst v5;
	v5 =	vpop (erf)  }
0x13c: {  	[tilespmem:s0+$0xFFFFFFE0] =	vst v5;
	v5 =	vmul.f32 v5, v14;
	v6 =	vpop (erf)  }
0x13d: {  	[tilespmem:s0+$0x0] =	vst v6;
	v6 =	vmul.f32 v6, v15  }
0x13e: {  	[tilespmem:s2+$0xFFFFFFE0] =	vst v5  }
0x13f: {  	s9 =	simm.s32 $0xF010;
	s26 =	sadd.s32 $0x2910, s1;
	[tilespmem:s2+$0x0] =	vst v6  }
0x140: {  	[spmem:s3] =	stream.indirect.scatter.add.f32 [tilespmem:s9], [sflag:$0x6], $0x10, s26, s21, $0xb8;
	[tilespmem:$0x1B410] =	vst v63  }
0x141: {  	_ = 	snop  }
0x142: {  	[spmem:s4] =	stream.indirect.scatter.add.f32 [tilespmem:s11], [sflag:$0x6], $0x10, s26, s21, $0xb8;
	[tilespmem:$0x1B410] =	vst v63  }
0x143: {  	s19 =	sadd.s32 $0x2990, s1  }
0x144: {  	[spmem:s3] =	stream.indirect.scatter.add.f32 [tilespmem:s12], [sflag:$0x6], $0x10, s19, s21, $0xb8;
	[tilespmem:$0x1B410] =	vst v63  }
0x145: {  	_ = 	snop  }
0x146: {  	[spmem:s4] =	stream.indirect.scatter.add.f32 [tilespmem:s13], [sflag:$0x6], $0x10, s19, s21, $0xb8;
	[tilespmem:$0x1B410] =	vst v63  }
0x147: {  	_ =	swait.ge [sflag:s14], $0x800  }
0x148: {  	[sflag:s14] =	ssyncset.done $0x0  }
0x149: {  	[sflag:s14] =	ssyncadd.s32 $0xFFFFF800  }
0x14a: {  	_ =	swait.ge [sflag:s14], $0x800  }
0x14b: {  	[sflag:s14] =	ssyncset.done $0x0  }
0x14c: {  	[sflag:s14] =	ssyncadd.s32 $0xFFFFF800  }
0x14d: {  	_ =	swait.ge [sflag:s14], $0x800  }
0x14e: {  	[sflag:s14] =	ssyncset.done $0x0  }
0x14f: {  	[sflag:s14] =	ssyncadd.s32 $0xFFFFF800  }
0x150: {  	_ =	swait.ge [sflag:s14], $0x800  }
0x151: {  	[sflag:s14] =	ssyncset.done $0x0  }
0x152: {  	s0 =	simm.s32 @!p0 $0x7;
	[sflag:s14] =	ssyncadd.s32 $0xFFFFF800  }
0x153: {  	_ =	swait.ge @!p0 [sflag:s0], $0x800  }
0x154: {  	[sflag:s0] =	ssyncset.done @!p0 $0x0  }
0x155: {  	[sflag:s0] =	ssyncadd.s32 @!p0 $0xFFFFF800  }
0x156: {  	_ =	swait.ge @!p0 [sflag:s0], $0x800  }
0x157: {  	[sflag:s0] =	ssyncset.done @!p0 $0x0  }
0x158: {  	[sflag:s0] =	ssyncadd.s32 @!p0 $0xFFFFF800  }
0x159: {  	_ =	swait.ge @!p0 [sflag:s0], $0x800  }
0x15a: {  	[sflag:s0] =	ssyncset.done @!p0 $0x0  }
0x15b: {  	[sflag:s0] =	ssyncadd.s32 @!p0 $0xFFFFF800  }
0x15c: {  	_ =	swait.ge @!p0 [sflag:s0], $0x800  }
0x15d: {  	s2 =	sshll.u32 @!p1 s28, $0xA;
	s9 =	simm.s32 @!p1 $0x80;
	[sflag:s0] =	ssyncset.done @!p0 $0x0  }
0x15e: {  	s19 =	simm.s32 @!p1 $0x7010;
	[sflag:s0] =	ssyncadd.s32 @!p0 $0xFFFFF800;
	s0 =	sadd.s32 @!p1 $0x510, s2  }
0x15f: {  	[tilespmem:s19], [sflag:$0x2] =	stream.indirect.gather @!p1 [hbm4b:s6+s9], $0x10, s0, s9, $0xb8;
	[tilespmem:$0x1B410] =	vst v63  }
0x160: {  	s0 =	sadd.s32 @!p1 $0x2D10, s2;
	s19 =	simm.s32 @!p1 $0x8010  }
0x161: {  	[tilespmem:s19], [sflag:$0x2] =	stream.indirect.gather @!p1 [hbm4b:s7+s9], $0x10, s0, s9, $0xb8;
	[tilespmem:$0x1B410] =	vst v63  }
0x162: {  	s0 =	sadd.s32 @!p1 $0x590, s2;
	s19 =	simm.s32 @!p1 $0x7810  }
0x163: {  	[tilespmem:s19], [sflag:$0x2] =	stream.indirect.gather @!p1 [hbm4b:s6+s9], $0x10, s0, s9, $0xb8;
	[tilespmem:$0x1B410] =	vst v63  }
0x164: {  	s24 =	simm.s32 $0x9030;
	s0 =	sadd.s32 @!p1 $0x2D90, s2;
	s19 =	simm.s32 @!p1 $0x8810  }
0x165: {  	[tilespmem:s19], [sflag:$0x2] =	stream.indirect.gather @!p1 [hbm4b:s7+s9], $0x10, s0, s9, $0xb8;
	[tilespmem:$0x1B410] =	vst v63  }
0x166: {  	s26 =	simm.s32 $0xA030;
	v10 =	vld [tilespmem:s24+$0xFFFFFFF0]  }
0x167: {  	v6 =	vld [tilespmem:s26+$0xFFFFFFE0]  }
0x168: {  	v5 =	vld [tilespmem:s26+$0x10]  }
0x169: {  	v7 =	vld [tilespmem:s26+$0xFFFFFFF0]  }
0x16a: {  	v12 =	vld [tilespmem:s24+$0x10]  }
0x16b: {  	v8 =	vld [tilespmem:s24+$0xFFFFFFE0]  }
0x16c: {  	v9 =	vld [tilespmem:s24+$0x0]  }
0x16d: {  	s19 =	simm.s32 $0xA070;
	v11 =	vld [tilespmem:s26+$0x0]  }
0x16e: {  	v14 =	vld [tilespmem:s19+$0xFFFFFFE0]  }
0x16f: {  	s9 =	simm.s32 $0x9070;
	v17 =	vld [tilespmem:s19+$0xFFFFFFF0];
	v7 =	vadd.f32 v7, v10  }
0x170: {  	v13 =	vadd.f32 v5, v12;
	v5 =	vld [tilespmem:s9+$0xFFFFFFF0];
	v18 =	vadd.f32 v6, v8  }
0x171: {  	v6 =	vld [tilespmem:s9+$0xFFFFFFE0];
	vm0 =	vgt.f32 v7, $0.0e+00  }
0x172: {  	v16 =	vadd.f32 v11, v9;
	vm1 =	vgt.f32 v18, $0.0e+00;
	v15 =	vsel vm0, v3, v4  }
0x173: {  	vm0 =	vgt.f32 v13, $0.0e+00;
	v21 =	vsel vm1, v3, v4;
	v7 =	vmul.f32 v15, v7  }
0x174: {  	v11 =	vsel vm0, v3, v4;
	vm0 =	vgt.f32 v16, $0.0e+00;
	v18 =	vmul.f32 v21, v18  }
0x175: {  	v15 =	vld [tilespmem:s19+$0x10];
	v13 =	vmul.f32 v11, v13;
	v20 =	vsel vm0, v3, v4;
	v17 =	vadd.f32 v17, v5  }
0x176: {  	v11 =	vld [tilespmem:s9+$0x10];
	v14 =	vadd.f32 v14, v6;
	v19 =	vperm.xlane v7, v1;
	v16 =	vmul.f32 v20, v16  }
0x177: {  	v23 =	vperm.xlane v18, v1;
	v22 =	vperm.xlane v13, v1;
	vm0 =	vgt.f32 v17, $0.0e+00  }
0x178: {  	v21 =	vld [tilespmem:s19+$0x0];
	vm1 =	vgt.f32 v14, $0.0e+00;
	v19 =	vadd.f32 v7, v19;
	v25 =	vsel vm0, v3, v4  }
0x179: {  	v7 =	vld [tilespmem:s9+$0x0];
	v26 =	vsel vm1, v3, v4;
	v20 =	vadd.f32 v13, v22;
	v13 =	vperm.xlane v16, v1  }
0x17a: {  	v17 =	vmul.f32 v25, v17;
	v30 =	vmul.f32 v26, v14  }
0x17b: {  	v22 =	vperm.xlane v19, v2;
	v15 =	vadd.f32 v15, v11;
	v24 =	vadd.f32 v16, v13  }
0x17c: {  	s26 =	simm.s32 $0xA0B0;
	v16 =	vperm.xlane v20, v2;
	v32 =	vperm.xlane v30, v1  }
0x17d: {  	s24 =	simm.s32 $0x90B0;
	v25 =	vld [tilespmem:s26+$0xFFFFFFF0];
	v19 =	vadd.f32 v19, v22;
	vm0 =	vgt.f32 v15, $0.0e+00;
	v27 =	vperm.xlane v24, v2  }
0x17e: {  	v14 =	vld [tilespmem:s24+$0xFFFFFFE0];
	v21 =	vadd.f32 v21, v7;
	v22 =	vsel vm0, v3, v4;
	v16 =	vadd.f32 v20, v16  }
0x17f: {  	v18 =	vadd.f32 v18, v23;
	v20 =	vld [tilespmem:s26+$0xFFFFFFE0];
	v15 =	vmul.f32 v22, v15;
	v19 =	vmul.f32 $1.442695020e+00, v19  }
0x180: {  	v13 =	vld [tilespmem:s24+$0xFFFFFFF0];
	v22 =	vperm.xlane v17, v1;
	vm0 =	vgt.f32 v21, $0.0e+00;
	v28 =	vmul.f32 $1.442695020e+00, v16  }
0x181: {  	v23 =	vsel vm0, v3, v4;
	v26 =	vperm.xlane v15, v1;
	(erf) = vpow2.f32 v19  }
0x182: {  	v16 =	vld [tilespmem:s24+$0x10];
	v22 =	vadd.f32 v17, v22;
	v17 =	vperm.xlane v18, v2;
	(erf) = vpow2.f32 v28  }
0x183: {  	v19 =	vld [tilespmem:s26+$0x10];
	v29 =	vmul.f32 v23, v21;
	v21 =	vadd.f32 v24, v27;
	v31 =	vadd.f32 v15, v26  }
0x184: {  	v33 =	vld [tilespmem:s26+$0x0];
	v26 =	vperm.xlane v22, v2;
	v18 =	vadd.f32 v18, v17;
	v20 =	vadd.f32 v20, v14  }
0x185: {  	v23 =	vadd.f32 v25, v13;
	v15 =	vld [tilespmem:s24+$0x0];
	v24 =	vperm.xlane v29, v1;
	v21 =	vmul.f32 $1.442695020e+00, v21  }
0x186: {  	v28 =	vperm.xlane v31, v2;
	v25 =	vmul.f32 $1.442695020e+00, v18;
	vm1 =	vgt.f32 v20, $0.0e+00  }
0x187: {  	v26 =	vadd.f32 v22, v26;
	v22 =	vadd.f32 v30, v32;
	v18 =	vsel vm1, v3, v4  }
0x188: {  	s30 =	simm.s32 $0x11030;
	vm0 =	vgt.f32 v23, $0.0e+00;
	v17 =	vadd.f32 v29, v24;
	v27 =	vadd.f32 v19, v16  }
0x189: {  	s29 =	simm.s32 $0x12030;
	s0 =	simm.s32 $0x8;
	s19 =	simm.s32 $0xA0F0;
	v29 =	vsel vm0, v3, v4;
	v20 =	vmul.f32 v18, v20;
	v28 =	vadd.f32 v31, v28  }
0x18a: {  	s9 =	simm.s32 $0x90F0;
	s26 =	simm.s32 $0x11030;
	s24 =	simm.s32 $0x12030;
	v19 =	vperm.xlane v17, v2;
	v24 =	vadd.f32 v33, v15;
	vm0 =	vgt.f32 v27, $0.0e+00;
	v18 =	vpop (erf)  }
.LBB2_9:
0x18b: {  	v30 =	vld [tilespmem:s9+$0xFFFFFFF0];
	s0 =	sadd.s32 $0x4, s0;
	v23 =	vmul.f32 v29, v23;
	v32 =	vsel vm0, v3, v4;
	s24 =	sadd.s32 $0x40, s24;
	s26 =	sadd.s32 $0x40, s26;
	(erf) = vpow2.f32 v25;
	v25 =	vpop (erf)  }
0x18c: {  	v29 =	vmovc v8;
	v8 =	vmovc v6;
	v31 =	vld [tilespmem:s19+$0xFFFFFFE0];
	p2 =	slt.u32 s0, $0xFC;
	vm0 =	vgt.f32 v24, $0.0e+00;
	v27 =	vmul.f32 v32, v27;
	[tilespmem:s30+$0x10] =	vst v25;
	(erf) = vpow2.f32 v21  }
0x18d: {  	v28 =	vmul.f32 $1.442695020e+00, v28;
	v6 =	vmovc v14;
	v34 =	vmovc v9;
	v32 =	vld [tilespmem:s19+$0x10];
	v21 =	vperm.xlane v23, v1;
	v33 =	vsel vm0, v3, v4  }
0x18e: {  	v26 =	vmul.f32 $1.442695020e+00, v26;
	v9 =	vmovc v7;
	v7 =	vmovc v15;
	v37 =	vmov v20;
	v35 =	vld [tilespmem:s19+$0xFFFFFFF0];
	v36 =	vperm.xlane v27, v1  }
0x18f: {  	v20 =	vperm.xlane v22, v2;
	v14 =	vld [tilespmem:s9+$0xFFFFFFE0];
	v38 =	vadd.f32 v23, v21;
	v21 =	vmul.f32 v25, v12;
	v12 =	vmovc v11  }
0x190: {  	v24 =	vmul.f32 v33, v24;
	v11 =	vmovc v16;
	v15 =	vld [tilespmem:s9+$0x0];
	v33 =	vadd.f32 v27, v36;
	(erf) = vpow2.f32 v26  }
0x191: {  	v17 =	vadd.f32 v17, v19;
	v16 =	vld [tilespmem:s9+$0x10];
	v26 =	vperm.xlane v38, v2;
	(erf) = vpow2.f32 v28;
	[tilespmem:s29+$0x10] =	vst v21  }
0x192: {  	v20 =	vadd.f32 v22, v20;
	v22 =	vmul.f32 v18, v10;
	v10 =	vmovc v5;
	v19 =	vperm.xlane v24, v1  }
0x193: {  	v5 =	vmovc v13;
	v21 =	vmul.f32 $1.442695020e+00, v17;
	v23 =	vadd.f32 v35, v30;
	v35 =	vperm.xlane v37, v1;
	[tilespmem:s30+$0xFFFFFFF0] =	vst v18  }
0x194: {  	v25 =	vmul.f32 $1.442695020e+00, v20;
	v28 =	vperm.xlane v33, v2;
	v18 =	vadd.f32 v31, v14;
	v31 =	vld [tilespmem:s19+$0x0];
	[tilespmem:s29+$0xFFFFFFF0] =	vst v22;
	v13 =	vpop (erf)  }
.Ltmp3:
0x195: {  	v17 =	vadd.f32 v24, v19;
	vm0 =	vgt.f32 v23, $0.0e+00;
	[tilespmem:s30+$0xFFFFFFE0] =	vst v13;
	v20 =	vmul.f32 v13, v29;
	v13 =	vpop (erf);
	(pc) =	sbr.rel @p2 .LBB2_9-.Ltmp3, $4  }
0x196: {  	vm1 =	vgt.f32 v18, $0.0e+00;
	v29 =	vsel vm0, v3, v4;
	[tilespmem:s30+$0x0] =	vst v13;
	v22 =	vmul.f32 v13, v34;
	v13 =	vmovc v30;
	s30 =	smov.u32 s26  }
0x197: {  	v19 =	vperm.xlane v17, v2;
	v27 =	vadd.f32 v32, v16;
	v24 =	vsel vm1, v3, v4;
	[tilespmem:s29+$0xFFFFFFE0] =	vst v20  }
0x198: {  	v26 =	vadd.f32 v38, v26;
	v28 =	vadd.f32 v33, v28;
	v20 =	vmul.f32 v24, v18;
	[tilespmem:s29+$0x0] =	vst v22;
	s29 =	smov.u32 s24  }
0x199: {  	s9 =	sadd.s32 $0x40, s9;
	s19 =	sadd.s32 $0x40, s19;
	vm0 =	vgt.f32 v27, $0.0e+00;
	v22 =	vadd.f32 v37, v35;
	v24 =	vadd.f32 v31, v15;
	v18 =	vpop (erf)  }
0x19a: {  	(erf) = vpow2.f32 v25;
	v23 =	vmul.f32 v29, v23  }
0x19b: {  	v25 =	vsel vm0, v3, v4;
	v26 =	vmul.f32 $1.442695020e+00, v26;
	(erf) = vpow2.f32 v21  }
0x19c: {  	v17 =	vadd.f32 v17, v19;
	v21 =	vmul.f32 v25, v27;
	v25 =	vperm.xlane v23, v1  }
0x19d: {  	v10 =	vmul.f32 v18, v10;
	vm0 =	vgt.f32 v24, $0.0e+00;
	v27 =	vmul.f32 $1.442695020e+00, v28;
	v28 =	vpop (erf)  }
0x19e: {  	v12 =	vmul.f32 v28, v12;
	v23 =	vadd.f32 v23, v25;
	v25 =	vperm.xlane v22, v2  }
0x19f: {  	v29 =	vsel vm0, v3, v4;
	(erf) = vpow2.f32 v26;
	v30 =	vperm.xlane v21, v1  }
0x1a0: {  	v17 =	vmul.f32 $1.442695020e+00, v17;
	v26 =	vperm.xlane v23, v2;
	v22 =	vadd.f32 v22, v25  }
0x1a1: {  	v24 =	vmul.f32 v29, v24;
	(erf) = vpow2.f32 v27;
	v21 =	vadd.f32 v21, v30  }
0x1a2: {  	[tilespmem:s30+$0xFFFFFFF0] =	vst v18;
	v25 =	vperm.xlane v20, v1;
	v22 =	vmul.f32 $1.442695020e+00, v22;
	v23 =	vadd.f32 v23, v26  }
0x1a3: {  	[tilespmem:s30+$0x10] =	vst v28;
	v19 =	vperm.xlane v24, v1;
	v27 =	vperm.xlane v21, v2  }
0x1a4: {  	[tilespmem:s29+$0xFFFFFFF0] =	vst v10;
	v18 =	vadd.f32 v20, v25;
	v29 =	vpop (erf);
	(erf) = vpow2.f32 v22;
	v20 =	vmul.f32 $1.442695020e+00, v23  }
0x1a5: {  	[tilespmem:s29+$0x10] =	vst v12;
	v12 =	vadd.f32 v21, v27;
	v28 =	vpop (erf);
	v8 =	vmul.f32 v29, v8  }
0x1a6: {  	v10 =	vadd.f32 v24, v19;
	[tilespmem:s30+$0xFFFFFFE0] =	vst v29;
	v9 =	vmul.f32 v28, v9;
	(erf) = vpow2.f32 v17  }
0x1a7: {  	v12 =	vmul.f32 $1.442695020e+00, v12;
	v17 =	vperm.xlane v18, v2;
	[tilespmem:s30+$0x0] =	vst v28  }
0x1a8: {  	v19 =	vperm.xlane v10, v2;
	(erf) = vpow2.f32 v20;
	[tilespmem:s29+$0xFFFFFFE0] =	vst v8;
	v20 =	vpop (erf)  }
0x1a9: {  	s0 =	sadd.s32 $0x40, s26;
	[tilespmem:s29+$0x0] =	vst v9;
	(erf) = vpow2.f32 v12;
	v12 =	vadd.f32 v18, v17;
	v5 =	vmul.f32 v20, v5  }
0x1aa: {  	v8 =	vpop (erf);
	[tilespmem:s0+$0xFFFFFFF0] =	vst v20  }
0x1ab: {  	s9 =	sadd.s32 $0x40, s24;
	v10 =	vadd.f32 v10, v19;
	v9 =	vmul.f32 v8, v11;
	[tilespmem:s0+$0x10] =	vst v8;
	v8 =	vmul.f32 $1.442695020e+00, v12  }
0x1ac: {  	[tilespmem:s9+$0xFFFFFFF0] =	vst v5  }
0x1ad: {  	[tilespmem:s9+$0x10] =	vst v9;
	v9 =	vmul.f32 $1.442695020e+00, v10;
	v5 =	vpop (erf)  }
0x1ae: {  	(erf) = vpow2.f32 v8;
	[tilespmem:s0+$0xFFFFFFE0] =	vst v5;
	v5 =	vmul.f32 v5, v6  }
0x1af: {  	(erf) = vpow2.f32 v9;
	v8 =	vpop (erf)  }
0x1b0: {  	[tilespmem:s0+$0x0] =	vst v8;
	v6 =	vmul.f32 v8, v7  }
0x1b1: {  	v7 =	vpop (erf);
	[tilespmem:s9+$0xFFFFFFE0] =	vst v5  }
0x1b2: {  	s0 =	sadd.s32 $0x40, s0;
	[tilespmem:s9+$0x0] =	vst v6;
	v5 =	vpop (erf)  }
0x1b3: {  	v6 =	vmul.f32 v5, v16;
	[tilespmem:s0+$0x10] =	vst v5;
	v5 =	vmul.f32 v7, v13;
	_ =	sdelay $0x1  }
0x1b4: {  	[tilespmem:s0+$0xFFFFFFF0] =	vst v7;
	s9 =	sadd.s32 $0x40, s9  }
0x1b5: {  	[tilespmem:s9+$0x10] =	vst v6  }
0x1b6: {  	[tilespmem:s9+$0xFFFFFFF0] =	vst v5;
	v5 =	vpop (erf)  }
0x1b7: {  	[tilespmem:s0+$0xFFFFFFE0] =	vst v5;
	v5 =	vmul.f32 v5, v14;
	v6 =	vpop (erf)  }
0x1b8: {  	[tilespmem:s0+$0x0] =	vst v6;
	v6 =	vmul.f32 v6, v15  }
0x1b9: {  	[tilespmem:s9+$0xFFFFFFE0] =	vst v5  }
0x1ba: {  	s30 =	sadd.s32 $0x2A10, s1;
	[tilespmem:s9+$0x0] =	vst v6  }
0x1bb: {  	[spmem:s3] =	stream.indirect.scatter.add.f32 [tilespmem:s15], [sflag:$0x7], $0x10, s30, s21, $0xb8;
	[tilespmem:$0x1B410] =	vst v63  }
0x1bc: {  	_ = 	snop  }
0x1bd: {  	[spmem:s4] =	stream.indirect.scatter.add.f32 [tilespmem:s16], [sflag:$0x7], $0x10, s30, s21, $0xb8;
	[tilespmem:$0x1B410] =	vst v63  }
0x1be: {  	s1 =	sadd.s32 $0x2A90, s1  }
0x1bf: {  	[spmem:s3] =	stream.indirect.scatter.add.f32 [tilespmem:s17], [sflag:$0x7], $0x10, s1, s21, $0xb8;
	[tilespmem:$0x1B410] =	vst v63  }
0x1c0: {  	_ = 	snop  }
0x1c1: {  	[spmem:s4] =	stream.indirect.scatter.add.f32 [tilespmem:s8], [sflag:$0x7], $0x10, s1, s21, $0xb8;
	[tilespmem:$0x1B410] =	vst v63  }
0x1c2: {  	_ =	swait.ge [sflag:s10], $0x800  }
0x1c3: {  	[sflag:s10] =	ssyncset.done $0x0  }
0x1c4: {  	[sflag:s10] =	ssyncadd.s32 $0xFFFFF800  }
0x1c5: {  	_ =	swait.ge [sflag:s10], $0x800  }
0x1c6: {  	[sflag:s10] =	ssyncset.done $0x0  }
0x1c7: {  	[sflag:s10] =	ssyncadd.s32 $0xFFFFF800  }
0x1c8: {  	_ =	swait.ge [sflag:s10], $0x800  }
0x1c9: {  	[sflag:s10] =	ssyncset.done $0x0  }
0x1ca: {  	[sflag:s10] =	ssyncadd.s32 $0xFFFFF800  }
0x1cb: {  	_ =	swait.ge [sflag:s10], $0x800  }
0x1cc: {  	[sflag:s10] =	ssyncset.done $0x0  }
0x1cd: {  	s0 =	simm.s32 @!p0 $0x8;
	[sflag:s10] =	ssyncadd.s32 $0xFFFFF800  }
0x1ce: {  	_ =	swait.ge @!p0 [sflag:s0], $0x800  }
0x1cf: {  	[sflag:s0] =	ssyncset.done @!p0 $0x0  }
0x1d0: {  	[sflag:s0] =	ssyncadd.s32 @!p0 $0xFFFFF800  }
0x1d1: {  	_ =	swait.ge @!p0 [sflag:s0], $0x800  }
0x1d2: {  	[sflag:s0] =	ssyncset.done @!p0 $0x0  }
0x1d3: {  	[sflag:s0] =	ssyncadd.s32 @!p0 $0xFFFFF800  }
0x1d4: {  	_ =	swait.ge @!p0 [sflag:s0], $0x800  }
0x1d5: {  	[sflag:s0] =	ssyncset.done @!p0 $0x0  }
0x1d6: {  	[sflag:s0] =	ssyncadd.s32 @!p0 $0xFFFFF800  }
0x1d7: {  	_ =	swait.ge @!p0 [sflag:s0], $0x800  }
0x1d8: {  	s9 =	simm.s32 @!p1 $0x9010;
	[sflag:s0] =	ssyncset.done @!p0 $0x0  }
0x1d9: {  	s1 =	simm.s32 @!p1 $0x80;
	[sflag:s0] =	ssyncadd.s32 @!p0 $0xFFFFF800;
	s0 =	sadd.s32 @!p1 $0x610, s2  }
0x1da: {  	[tilespmem:s9], [sflag:$0x3] =	stream.indirect.gather @!p1 [hbm4b:s6+s1], $0x10, s0, s1, $0xb8;
	[tilespmem:$0x1B410] =	vst v63  }
0x1db: {  	s0 =	sadd.s32 @!p1 $0x2E10, s2;
	s9 =	simm.s32 @!p1 $0xA010  }
0x1dc: {  	[tilespmem:s9], [sflag:$0x3] =	stream.indirect.gather @!p1 [hbm4b:s7+s1], $0x10, s0, s1, $0xb8;
	[tilespmem:$0x1B410] =	vst v63  }
0x1dd: {  	s0 =	sadd.s32 @!p1 $0x690, s2;
	s9 =	simm.s32 @!p1 $0x9810  }
0x1de: {  	[tilespmem:s9], [sflag:$0x3] =	stream.indirect.gather @!p1 [hbm4b:s6+s1], $0x10, s0, s1, $0xb8;
	[tilespmem:$0x1B410] =	vst v63  }
0x1df: {  	s0 =	sadd.s32 @!p1 $0x2E90, s2;
	s2 =	simm.s32 @!p1 $0xA810;
	s9 =	simm.s32 $0xB030  }
0x1e0: {  	[tilespmem:s2], [sflag:$0x3] =	stream.indirect.gather @!p1 [hbm4b:s7+s1], $0x10, s0, s1, $0xb8;
	[tilespmem:$0x1B410] =	vst v63  }
0x1e1: {  	s19 =	simm.s32 $0xC030;
	v10 =	vld [tilespmem:s9+$0xFFFFFFF0]  }
0x1e2: {  	v6 =	vld [tilespmem:s19+$0xFFFFFFE0]  }
0x1e3: {  	v5 =	vld [tilespmem:s19+$0x10]  }
0x1e4: {  	v7 =	vld [tilespmem:s19+$0xFFFFFFF0]  }
0x1e5: {  	v12 =	vld [tilespmem:s9+$0x10]  }
0x1e6: {  	v8 =	vld [tilespmem:s9+$0xFFFFFFE0]  }
0x1e7: {  	v9 =	vld [tilespmem:s9+$0x0]  }
0x1e8: {  	s26 =	simm.s32 $0xC070;
	v11 =	vld [tilespmem:s19+$0x0]  }
0x1e9: {  	v14 =	vld [tilespmem:s26+$0xFFFFFFE0]  }
0x1ea: {  	s24 =	simm.s32 $0xB070;
	v17 =	vld [tilespmem:s26+$0xFFFFFFF0];
	v7 =	vadd.f32 v7, v10  }
0x1eb: {  	v13 =	vadd.f32 v5, v12;
	v5 =	vld [tilespmem:s24+$0xFFFFFFF0];
	v18 =	vadd.f32 v6, v8  }
0x1ec: {  	v6 =	vld [tilespmem:s24+$0xFFFFFFE0];
	vm0 =	vgt.f32 v7, $0.0e+00  }
0x1ed: {  	v16 =	vadd.f32 v11, v9;
	vm1 =	vgt.f32 v18, $0.0e+00;
	v15 =	vsel vm0, v3, v4  }
0x1ee: {  	vm0 =	vgt.f32 v13, $0.0e+00;
	v21 =	vsel vm1, v3, v4;
	v7 =	vmul.f32 v15, v7  }
0x1ef: {  	v11 =	vsel vm0, v3, v4;
	vm0 =	vgt.f32 v16, $0.0e+00;
	v18 =	vmul.f32 v21, v18  }
0x1f0: {  	v15 =	vld [tilespmem:s26+$0x10];
	v13 =	vmul.f32 v11, v13;
	v20 =	vsel vm0, v3, v4;
	v17 =	vadd.f32 v17, v5  }
0x1f1: {  	v11 =	vld [tilespmem:s24+$0x10];
	v14 =	vadd.f32 v14, v6;
	v19 =	vperm.xlane v7, v1;
	v16 =	vmul.f32 v20, v16  }
0x1f2: {  	v23 =	vperm.xlane v18, v1;
	v22 =	vperm.xlane v13, v1;
	vm0 =	vgt.f32 v17, $0.0e+00  }
0x1f3: {  	v21 =	vld [tilespmem:s26+$0x0];
	vm1 =	vgt.f32 v14, $0.0e+00;
	v19 =	vadd.f32 v7, v19;
	v25 =	vsel vm0, v3, v4  }
0x1f4: {  	v7 =	vld [tilespmem:s24+$0x0];
	v26 =	vsel vm1, v3, v4;
	v20 =	vadd.f32 v13, v22;
	v13 =	vperm.xlane v16, v1  }
0x1f5: {  	v17 =	vmul.f32 v25, v17;
	v30 =	vmul.f32 v26, v14  }
0x1f6: {  	v22 =	vperm.xlane v19, v2;
	v15 =	vadd.f32 v15, v11;
	v24 =	vadd.f32 v16, v13  }
0x1f7: {  	s30 =	simm.s32 $0xC0B0;
	v16 =	vperm.xlane v20, v2;
	v32 =	vperm.xlane v30, v1  }
0x1f8: {  	s29 =	simm.s32 $0xB0B0;
	v25 =	vld [tilespmem:s30+$0xFFFFFFF0];
	v19 =	vadd.f32 v19, v22;
	vm0 =	vgt.f32 v15, $0.0e+00;
	v27 =	vperm.xlane v24, v2  }
0x1f9: {  	v14 =	vld [tilespmem:s29+$0xFFFFFFE0];
	v21 =	vadd.f32 v21, v7;
	v22 =	vsel vm0, v3, v4;
	v16 =	vadd.f32 v20, v16  }
0x1fa: {  	v18 =	vadd.f32 v18, v23;
	v20 =	vld [tilespmem:s30+$0xFFFFFFE0];
	v15 =	vmul.f32 v22, v15;
	v19 =	vmul.f32 $1.442695020e+00, v19  }
0x1fb: {  	v13 =	vld [tilespmem:s29+$0xFFFFFFF0];
	v22 =	vperm.xlane v17, v1;
	vm0 =	vgt.f32 v21, $0.0e+00;
	v28 =	vmul.f32 $1.442695020e+00, v16  }
0x1fc: {  	v23 =	vsel vm0, v3, v4;
	v26 =	vperm.xlane v15, v1;
	(erf) = vpow2.f32 v19  }
0x1fd: {  	v16 =	vld [tilespmem:s29+$0x10];
	v22 =	vadd.f32 v17, v22;
	v17 =	vperm.xlane v18, v2;
	(erf) = vpow2.f32 v28  }
0x1fe: {  	v19 =	vld [tilespmem:s30+$0x10];
	v29 =	vmul.f32 v23, v21;
	v21 =	vadd.f32 v24, v27;
	v31 =	vadd.f32 v15, v26  }
0x1ff: {  	v33 =	vld [tilespmem:s30+$0x0];
	v26 =	vperm.xlane v22, v2;
	v18 =	vadd.f32 v18, v17;
	v20 =	vadd.f32 v20, v14  }
0x200: {  	v23 =	vadd.f32 v25, v13;
	v15 =	vld [tilespmem:s29+$0x0];
	v24 =	vperm.xlane v29, v1;
	v21 =	vmul.f32 $1.442695020e+00, v21  }
0x201: {  	v28 =	vperm.xlane v31, v2;
	v25 =	vmul.f32 $1.442695020e+00, v18;
	vm1 =	vgt.f32 v20, $0.0e+00  }
0x202: {  	v26 =	vadd.f32 v22, v26;
	v22 =	vadd.f32 v30, v32;
	v18 =	vsel vm1, v3, v4  }
0x203: {  	s1 =	simm.s32 $0x14030;
	vm0 =	vgt.f32 v23, $0.0e+00;
	v17 =	vadd.f32 v29, v24;
	v27 =	vadd.f32 v19, v16  }
0x204: {  	s2 =	simm.s32 $0x13030;
	s0 =	simm.s32 $0x8;
	s19 =	simm.s32 $0xC0F0;
	v29 =	vsel vm0, v3, v4;
	v20 =	vmul.f32 v18, v20;
	v28 =	vadd.f32 v31, v28  }
0x205: {  	s9 =	simm.s32 $0xB0F0;
	s26 =	simm.s32 $0x13030;
	s24 =	simm.s32 $0x14030;
	v19 =	vperm.xlane v17, v2;
	v24 =	vadd.f32 v33, v15;
	vm0 =	vgt.f32 v27, $0.0e+00;
	v18 =	vpop (erf)  }
.LBB2_11:
0x206: {  	v30 =	vld [tilespmem:s9+$0xFFFFFFF0];
	s0 =	sadd.s32 $0x4, s0;
	v23 =	vmul.f32 v29, v23;
	v32 =	vsel vm0, v3, v4;
	s1 =	sadd.s32 $0x40, s1;
	s2 =	sadd.s32 $0x40, s2;
	(erf) = vpow2.f32 v25;
	v25 =	vpop (erf)  }
0x207: {  	v29 =	vmovc v8;
	v8 =	vmovc v6;
	v31 =	vld [tilespmem:s19+$0xFFFFFFE0];
	p0 =	slt.u32 s0, $0xFC;
	vm0 =	vgt.f32 v24, $0.0e+00;
	v27 =	vmul.f32 v32, v27;
	[tilespmem:s26+$0x10] =	vst v25;
	(erf) = vpow2.f32 v21  }
0x208: {  	v28 =	vmul.f32 $1.442695020e+00, v28;
	v6 =	vmovc v14;
	v34 =	vmovc v9;
	v32 =	vld [tilespmem:s19+$0x10];
	v21 =	vperm.xlane v23, v1;
	v33 =	vsel vm0, v3, v4  }
0x209: {  	v26 =	vmul.f32 $1.442695020e+00, v26;
	v9 =	vmovc v7;
	v7 =	vmovc v15;
	v37 =	vmov v20;
	v35 =	vld [tilespmem:s19+$0xFFFFFFF0];
	v36 =	vperm.xlane v27, v1  }
0x20a: {  	v20 =	vperm.xlane v22, v2;
	v14 =	vld [tilespmem:s9+$0xFFFFFFE0];
	v38 =	vadd.f32 v23, v21;
	v21 =	vmul.f32 v25, v12;
	v12 =	vmovc v11  }
0x20b: {  	v24 =	vmul.f32 v33, v24;
	v11 =	vmovc v16;
	v15 =	vld [tilespmem:s9+$0x0];
	v33 =	vadd.f32 v27, v36;
	(erf) = vpow2.f32 v26  }
0x20c: {  	v17 =	vadd.f32 v17, v19;
	v16 =	vld [tilespmem:s9+$0x10];
	v26 =	vperm.xlane v38, v2;
	(erf) = vpow2.f32 v28;
	[tilespmem:s24+$0x10] =	vst v21  }
0x20d: {  	v20 =	vadd.f32 v22, v20;
	v22 =	vmul.f32 v18, v10;
	v10 =	vmovc v5;
	v19 =	vperm.xlane v24, v1  }
0x20e: {  	v5 =	vmovc v13;
	v21 =	vmul.f32 $1.442695020e+00, v17;
	v23 =	vadd.f32 v35, v30;
	v35 =	vperm.xlane v37, v1;
	[tilespmem:s26+$0xFFFFFFF0] =	vst v18  }
0x20f: {  	v25 =	vmul.f32 $1.442695020e+00, v20;
	v28 =	vperm.xlane v33, v2;
	v18 =	vadd.f32 v31, v14;
	v31 =	vld [tilespmem:s19+$0x0];
	[tilespmem:s24+$0xFFFFFFF0] =	vst v22;
	v13 =	vpop (erf)  }
.Ltmp4:
0x210: {  	v17 =	vadd.f32 v24, v19;
	vm0 =	vgt.f32 v23, $0.0e+00;
	[tilespmem:s26+$0xFFFFFFE0] =	vst v13;
	v20 =	vmul.f32 v13, v29;
	v13 =	vpop (erf);
	(pc) =	sbr.rel @p0 .LBB2_11-.Ltmp4, $4  }
0x211: {  	vm1 =	vgt.f32 v18, $0.0e+00;
	v29 =	vsel vm0, v3, v4;
	[tilespmem:s26+$0x0] =	vst v13;
	v22 =	vmul.f32 v13, v34;
	v13 =	vmovc v30;
	s26 =	smov.u32 s2  }
0x212: {  	v19 =	vperm.xlane v17, v2;
	v27 =	vadd.f32 v32, v16;
	v24 =	vsel vm1, v3, v4;
	[tilespmem:s24+$0xFFFFFFE0] =	vst v20  }
0x213: {  	v26 =	vadd.f32 v38, v26;
	v28 =	vadd.f32 v33, v28;
	v20 =	vmul.f32 v24, v18;
	[tilespmem:s24+$0x0] =	vst v22;
	s24 =	smov.u32 s1  }
0x214: {  	s9 =	sadd.s32 $0x40, s9;
	s19 =	sadd.s32 $0x40, s19;
	vm0 =	vgt.f32 v27, $0.0e+00;
	v22 =	vadd.f32 v37, v35;
	v24 =	vadd.f32 v31, v15;
	v18 =	vpop (erf)  }
0x215: {  	(erf) = vpow2.f32 v25  }
0x216: {  	v23 =	vmul.f32 v29, v23;
	v41 =	vmul.f32 $1.442695020e+00, v28  }
0x217: {  	v26 =	vmul.f32 $1.442695020e+00, v26;
	v10 =	vmul.f32 v18, v10  }
0x218: {  	v38 =	vsel vm0, v3, v4;
	v48 =	vperm.xlane v20, v1;
	(erf) = vpow2.f32 v21  }
0x219: {  	v42 =	vpop (erf);
	v39 =	vmul.f32 v38, v27;
	v44 =	vperm.xlane v22, v2  }
0x21a: {  	v12 =	vmul.f32 v42, v12;
	v40 =	vperm.xlane v23, v1  }
0x21b: {  	vm15 =	vgt.f32 v24, $0.0e+00;
	(erf) = vpow2.f32 v26;
	v30 =	vperm.xlane v39, v1  }
0x21c: {  	v43 =	vsel vm15, v3, v4;
	v22 =	vadd.f32 v22, v44;
	v23 =	vadd.f32 v23, v40  }
0x21d: {  	v45 =	vmul.f32 v43, v24;
	(erf) = vpow2.f32 v41;
	v21 =	vadd.f32 v39, v30  }
0x21e: {  	v17 =	vadd.f32 v17, v19;
	v22 =	vmul.f32 $1.442695020e+00, v22;
	v46 =	vperm.xlane v23, v2  }
0x21f: {  	v53 =	vadd.f32 v20, v48;
	v47 =	vperm.xlane v45, v1;
	v49 =	vperm.xlane v21, v2  }
0x220: {  	[tilespmem:s26+$0xFFFFFFF0] =	vst v18;
	v17 =	vmul.f32 $1.442695020e+00, v17;
	v23 =	vadd.f32 v23, v46;
	v50 =	vpop (erf);
	(erf) = vpow2.f32 v22  }
0x221: {  	[tilespmem:s26+$0x10] =	vst v42;
	v56 =	vperm.xlane v53, v2;
	v55 =	vadd.f32 v45, v47;
	v52 =	vadd.f32 v21, v49  }
0x222: {  	[tilespmem:s24+$0xFFFFFFF0] =	vst v10;
	v51 =	vpop (erf);
	v54 =	vmul.f32 $1.442695020e+00, v23;
	(erf) = vpow2.f32 v17  }
0x223: {  	[tilespmem:s24+$0x10] =	vst v12;
	v19 =	vperm.xlane v55, v2;
	v12 =	vmul.f32 $1.442695020e+00, v52  }
0x224: {  	v8 =	vmul.f32 v50, v8;
	[tilespmem:s26+$0xFFFFFFE0] =	vst v50;
	v57 =	vpop (erf);
	(erf) = vpow2.f32 v54  }
0x225: {  	[tilespmem:s26+$0x0] =	vst v51;
	v5 =	vmul.f32 v57, v5;
	(erf) = vpow2.f32 v12  }
0x226: {  	s0 =	sadd.s32 $0x40, s2;
	v59 =	vadd.f32 v53, v56;
	v9 =	vmul.f32 v51, v9;
	[tilespmem:s24+$0xFFFFFFE0] =	vst v8  }
0x227: {  	v10 =	vadd.f32 v55, v19;
	[tilespmem:s0+$0xFFFFFFF0] =	vst v57  }
0x228: {  	s1 =	sadd.s32 $0x40, s1;
	v61 =	vmul.f32 $1.442695020e+00, v59;
	v58 =	vpop (erf);
	[tilespmem:s24+$0x0] =	vst v9  }
0x229: {  	v62 =	vmul.f32 $1.442695020e+00, v10;
	[tilespmem:s1+$0xFFFFFFF0] =	vst v5;
	v5 =	vpop (erf)  }
0x22a: {  	(erf) = vpow2.f32 v61;
	[tilespmem:s0+$0xFFFFFFE0] =	vst v5;
	v5 =	vmul.f32 v5, v6  }
0x22b: {  	[tilespmem:s0+$0x10] =	vst v58;
	(erf) = vpow2.f32 v62;
	v63 =	vpop (erf)  }
0x22c: {  	[tilespmem:s0+$0x0] =	vst v63;
	v6 =	vmul.f32 v63, v7  }
0x22d: {  	v7 =	vpop (erf);
	[tilespmem:s1+$0xFFFFFFE0] =	vst v5  }
0x22e: {  	v60 =	vmul.f32 v58, v11;
	s0 =	sadd.s32 $0x40, s0;
	[tilespmem:s1+$0x0] =	vst v6;
	v5 =	vpop (erf)  }
0x22f: {  	v6 =	vmul.f32 v5, v16;
	[tilespmem:s0+$0x10] =	vst v5;
	v5 =	vmul.f32 v7, v13  }
0x230: {  	[tilespmem:s1+$0x10] =	vst v60  }
0x231: {  	s1 =	sadd.s32 $0x40, s1;
	[tilespmem:s0+$0xFFFFFFF0] =	vst v7  }
0x232: {  	[tilespmem:s1+$0x10] =	vst v6  }
0x233: {  	[tilespmem:s1+$0xFFFFFFF0] =	vst v5;
	v5 =	vpop (erf)  }
0x234: {  	[tilespmem:s0+$0xFFFFFFE0] =	vst v5;
	v5 =	vmul.f32 v5, v14;
	v6 =	vpop (erf)  }
0x235: {  	[tilespmem:s0+$0x0] =	vst v6;
	v6 =	vmul.f32 v6, v15  }
0x236: {  	s29 =	sand.u32 $0x3FFFFF00, s18;
	[tilespmem:s1+$0xFFFFFFE0] =	vst v5  }
0x237: {  	s28 =	sadd.s32 $0x1, s28;
	s30 =	sadd.s32 $0x2810, s29;
	[tilespmem:s1+$0x0] =	vst v6  }
0x238: {  	[spmem:s3] =	stream.indirect.scatter.add.f32 [tilespmem:s5], [sflag:$0x8], $0x10, s30, s21, $0xb8;
	[tilespmem:$0x1B410] =	vst v63  }
0x239: {  	p0 =	sne.s32 s28, $0xA  }
0x23a: {  	[spmem:s4] =	stream.indirect.scatter.add.f32 [tilespmem:s22], [sflag:$0x8], $0x10, s30, s21, $0xb8;
	[tilespmem:$0x1B410] =	vst v63  }
.Ltmp5:
0x23b: {  	_ = 	snop;
	(pc) =	sbr.rel @p0 .LBB2_4-.Ltmp5, $4  }
0x23c: {  	s0 =	sadd.s32 $0x2890, s29  }
0x23d: {  	[spmem:s3] =	stream.indirect.scatter.add.f32 [tilespmem:s23], [sflag:$0x8], $0x10, s0, s21, $0xb8;
	[tilespmem:$0x1B410] =	vst v63  }
0x23e: {  	_ = 	snop  }
0x23f: {  	[spmem:s4] =	stream.indirect.scatter.add.f32 [tilespmem:s25], [sflag:$0x8], $0x10, s0, s21, $0xb8;
	[tilespmem:$0x1B410] =	vst v63  }
0x240: {  	s0 =	simm.s32 $0x5  }
0x241: {  	_ =	swait.ge [sflag:s0], $0x800  }
0x242: {  	[sflag:s0] =	ssyncset.done $0x0  }
0x243: {  	[sflag:s0] =	ssyncadd.s32 $0xFFFFF800  }
0x244: {  	_ =	swait.ge [sflag:s0], $0x800  }
0x245: {  	[sflag:s0] =	ssyncset.done $0x0  }
0x246: {  	[sflag:s0] =	ssyncadd.s32 $0xFFFFF800  }
0x247: {  	_ =	swait.ge [sflag:s0], $0x800  }
0x248: {  	[sflag:s0] =	ssyncset.done $0x0  }
0x249: {  	[sflag:s0] =	ssyncadd.s32 $0xFFFFF800  }
0x24a: {  	_ =	swait.ge [sflag:s0], $0x800  }
0x24b: {  	[sflag:s0] =	ssyncset.done $0x0  }
0x24c: {  	s18 =	simm.s32 $0x6;
	[sflag:s0] =	ssyncadd.s32 $0xFFFFF800  }
0x24d: {  	_ =	swait.ge [sflag:s18], $0x800  }
0x24e: {  	[sflag:s18] =	ssyncset.done $0x0  }
0x24f: {  	[sflag:s18] =	ssyncadd.s32 $0xFFFFF800  }
0x250: {  	_ =	swait.ge [sflag:s18], $0x800  }
0x251: {  	[sflag:s18] =	ssyncset.done $0x0  }
0x252: {  	[sflag:s18] =	ssyncadd.s32 $0xFFFFF800  }
0x253: {  	_ =	swait.ge [sflag:s18], $0x800  }
0x254: {  	[sflag:s18] =	ssyncset.done $0x0  }
0x255: {  	[sflag:s18] =	ssyncadd.s32 $0xFFFFF800  }
0x256: {  	_ =	swait.ge [sflag:s18], $0x800  }
0x257: {  	[sflag:s18] =	ssyncset.done $0x0  }
0x258: {  	s19 =	simm.s32 $0x7;
	[sflag:s18] =	ssyncadd.s32 $0xFFFFF800  }
0x259: {  	_ =	swait.ge [sflag:s19], $0x800  }
0x25a: {  	[sflag:s19] =	ssyncset.done $0x0  }
0x25b: {  	[sflag:s19] =	ssyncadd.s32 $0xFFFFF800  }
0x25c: {  	_ =	swait.ge [sflag:s19], $0x800  }
0x25d: {  	[sflag:s19] =	ssyncset.done $0x0  }
0x25e: {  	[sflag:s19] =	ssyncadd.s32 $0xFFFFF800  }
0x25f: {  	_ =	swait.ge [sflag:s19], $0x800  }
0x260: {  	[sflag:s19] =	ssyncset.done $0x0  }
0x261: {  	[sflag:s19] =	ssyncadd.s32 $0xFFFFF800  }
0x262: {  	_ =	swait.ge [sflag:s19], $0x800  }
0x263: {  	[sflag:s19] =	ssyncset.done $0x0  }
0x264: {  	s24 =	simm.s32 $0x8;
	[sflag:s19] =	ssyncadd.s32 $0xFFFFF800  }
0x265: {  	_ =	swait.ge [sflag:s24], $0x800  }
0x266: {  	[sflag:s24] =	ssyncset.done $0x0  }
0x267: {  	[sflag:s24] =	ssyncadd.s32 $0xFFFFF800  }
0x268: {  	_ =	swait.ge [sflag:s24], $0x800  }
0x269: {  	[sflag:s24] =	ssyncset.done $0x0  }
0x26a: {  	[sflag:s24] =	ssyncadd.s32 $0xFFFFF800  }
0x26b: {  	_ =	swait.ge [sflag:s24], $0x800  }
0x26c: {  	[sflag:s24] =	ssyncset.done $0x0  }
0x26d: {  	[sflag:s24] =	ssyncadd.s32 $0xFFFFF800  }
0x26e: {  	_ =	swait.ge [sflag:s24], $0x800  }
0x26f: {  	[sflag:s24] =	ssyncset.done $0x0  }
0x270: {  	s26 =	stileid.u32;
	[sflag:s24] =	ssyncadd.s32 $0xFFFFF800  }
0x271: {  	s0 =	sshll.u32 s26, $0x6;
	[bflag:$0x0] =	sbarrier.arrive $0xFFFF  }
0x272: {  	s0 =	sor.u32 $0x1C09, s0;
	s18 =	rddreg [dreg:$0x6]  }
0x273: {  	s24 =	simm.s32 $0x9;
	s2 =	rddreg [dreg:$0xc];
	s1 =	sshrl.u32 s18, $0x3  }
0x274: {  	[hbm:s2], [sflag:s0] =	dma.local [spmem:s1], $0x500  }
0x275: {  	_ =	swait.ge [sflag:s24], $0x500  }
0x276: {  	[sflag:s24] =	ssyncset.done $0x0;
	s19 =	rddreg [dreg:$0x8]  }
0x277: {  	s29 =	rddreg [dreg:$0xd];
	[sflag:s24] =	ssyncadd.s32 $0xFFFFFB00;
	s28 =	sshrl.u32 s19, $0x3  }
0x278: {  	[hbm:s29], [sflag:s0] =	dma.local [spmem:s28], $0x500  }
0x279: {  	_ =	swait.ge [sflag:s24], $0x500  }
0x27a: {  	s9 =	rddreg [dreg:$0x5]  }
0x27b: {  	s30 =	rddreg [dreg:$0xe];
	s9 =	sadd.s32 $0x1, s9  }
0x27c: {  	p0 =	sne.s32 s9, s30  }
.Ltmp6:
0x27d: {  	_ = 	snop;
	(pc) =	sbr.rel @p0 .LBB2_1-.Ltmp6, $3  }
0x27e: {  	_ =	sdelay $0x1  }
0x27f: {  	[sflag:s24] =	ssyncset.done $0x0  }
0x280: {  	[sflag:s24] =	ssyncadd.s32 $0xFFFFFB00  }
0x281: {  	_ =	sfence.sel $0x180000  }
0x282: {  	[bflag:$0x0] =	sbarrier.arrive $0xFFFF  }
0x283: {  	_ =	strace $0x90000047  }
0x284: {  	s0 =	stileid.u32;
	[bflag:$0x2] =	sbarrier.arrive $0xFFFF  }
0x285: {  	p0 =	sne.s32 s0, $0x0;
	s0 =	rddreg [dreg:$0x4]  }
0x286: {  	s0 =	sadd.s32 @!p0 $0x100000, s0  }
0x287: {  	[sflag:s0] =	ssyncadd.tile.s32 @!p0 $0x1;
	_ =	shalt  }
.Lfunc_end2:
_tile_overlayer_lowered:
.L_overlay_start_2:
0x288: {  	(tag) =	ssettag $0x2  }
0x289: {  	s0 =	rddreg [dreg:$0x0];
	s2 =	stileid.u32  }
0x28a: {  	s1 =	rddreg [dreg:$0x1];
	p0 =	sne.s32 s2, $0x0  }
0x28b: {  	s3 =	rddreg [dreg:$0x2];
	[bflag:$0x3] =	sbarrier.arrive $0xFFFF;
	s2 =	simm.s32 @!p0 $0x1C09  }
0x28c: {  	[timem:s3], [sflag:s2] =	dma.local @!p0 [hbm:s0], s1  }
0x28d: {  	s0 =	simm.s32 @!p0 $0x9  }
0x28e: {  	_ =	swait.ge @!p0 [sflag:s0], s1  }
0x28f: {  	s1 =	ssub.s32 @!p0 $0x0, s1;
	[sflag:s0] =	ssyncset.done @!p0 $0x0  }
0x290: {  	[sflag:s0] =	ssyncadd.s32 @!p0 s1  }
0x291: {  	[bflag:$0x3] =	sbarrier.arrive $0xFFFF  }
0x292: {  	_ =	shalt  }

// kernel: gat_edge_pass.7.cloned.1.call-start
scs
__scs_entry_jumppad:
0x0: {  	(pc) =	sbr.rel $0x88, $3  }
0x1: {  	(tag) =	ssettag $0x0;
	lr =	simm.s32 $0x1  }
0x2: {  	[smem:$0x3F93] =	sst lr;
	_ =	strace $0xD0000000  }
0x3: {  	_ = 	snop  }
0x4: {  	_ = 	snop  }
0x5: {  	_ = 	snop  }
0x6: {  	_ = 	snop  }
0x7: {  	_ = 	snop  }
__scs_overlays_trampoline_lowered:
0x8: {  	[smem:$0x3FA2] =	sst s0  }
0x9: {  	[smem:$0x3FA3] =	sst s1  }
0xa: {  	[smem:$0x3FA4] =	sst s2  }
0xb: {  	[smem:$0x3FA5] =	sst s3  }
0xc: {  	[smem:$0x3FA6] =	sst s4  }
0xd: {  	[smem:$0x3FA7] =	sst s5  }
0xe: {  	[smem:$0x3FA8] =	sst s6  }
0xf: {  	[smem:$0x3FA9] =	sst s7  }
0x10: {  	[smem:$0x3FAA] =	sst s8  }
0x11: {  	[smem:$0x3FAB] =	sst s9;
	s0 =	simm.s32 @!p0 $0x0  }
0x12: {  	s1 =	sld [smem:$0x3F91];
	s0 =	simm.s32 @p0 $0x1  }
0x13: {  	[smem:$0x3FAC] =	sst s0;
	s0 =	simm.s32 @!p1 $0x0  }
0x14: {  	s2 =	sld [smem:$0x3F90];
	s0 =	simm.s32 @p1 $0x1  }
0x15: {  	[smem:$0x3FAD] =	sst s0;
	s0 =	simm.s32 @!p2 $0x0  }
0x16: {  	s3 =	sld [smem:$0x3FDB];
	s0 =	simm.s32 @p2 $0x1  }
0x17: {  	s4 =	simm.s32 $0x1BF5;
	[smem:$0x3FAF] =	sst s0  }
0x18: {  	s0 =	sld [smem:$0x3F92];
	_ =	swait.ge [sflag:s4], $0x0  }
0x19: {  	s7 =	sld [smem:$0x3F93]  }
0x1a: {  	s8 =	sadd.s32 $0xFFFFE003, lr  }
0x1b: {  	s9 =	sadd.s32 $0xFFFFFEF7, lr;
	s5 =	simm.s32 $0xFFFFFFFF;
	p2 =	slt.u32 s8, $0xFFFFF086  }
0x1c: {  	p1 =	slt.u32 s9, $0xF7A;
	s5 =	simm.s32 @!p2 $0x0  }
0x1d: {  	s5 =	simm.s32 @p1 $0x1;
	p0 =	seq.s32 s7, s2  }
0x1e: {  	s7 =	smul.u32 @!p0 $0xF7A, s2;
	p2 =	seq.s32 @!p0 s5, $0x0  }
0x1f: {  	s9 =	smul.u32 $0xF7A, s1;
	s8 =	simm.s32 @!p0 $0x1BF5;
	p2 =	por !p2, p0  }
0x20: {  	[sflag:s8] =	ssyncset.s32 @!p0 $0xFFFFF086;
	s6 =	sadd.s32 @!p0 s3, s7;
	s7 =	simm.s32 @!p0 $0x108  }
0x21: {  	s3 =	sadd.s32 s3, s9;
	s6 =	sadd.s32 @!p0 $0x88, s6;
	s7 =	simm.s32 @p2 $0x1082  }
0x22: {  	[simem:s7], [sflag:s8] =	dma.local @!p0 [hbm:s6], $0xF7A  }
0x23: {  	s9 =	sor.u32 $0xD0000000, s2;
	s6 =	simm.s32 $0x108;
	_ =	swait.ge @!p0 [sflag:s8], $0x0  }
0x24: {  	s3 =	sadd.s32 $0x88, s3;
	s6 =	simm.s32 @!p1 $0x1082;
	[sflag:s4] =	ssyncset.s32 $0xFFFFF086  }
0x25: {  	[simem:s6], [sflag:s4] =	dma.local [hbm:s3], $0xF7A  }
0x26: {  	[smem:$0x3F93] =	sst s1;
	(tag) =	ssettag s2;
	_ =	strace s9  }
0x27: {  	s1 =	sld [smem:$0x3FA3]  }
0x28: {  	s2 =	sld [smem:$0x3FA4]  }
0x29: {  	s4 =	sld [smem:$0x3FA6]  }
0x2a: {  	p0 =	seq.s32 s5, $0x0;
	s5 =	sld [smem:$0x3FA7]  }
0x2b: {  	s6 =	sld [smem:$0x3FA8]  }
0x2c: {  	s7 =	sld [smem:$0x3FA9]  }
0x2d: {  	s3 =	simm.s32 $0x108;
	s8 =	sld [smem:$0x3FAA]  }
0x2e: {  	s3 =	simm.s32 @!p0 $0x1082;
	s9 =	sld [smem:$0x3FAB]  }
0x2f: {  	lr =	sadd.s32 s0, s3;
	s0 =	sld [smem:$0x3FA2]  }
0x30: {  	s3 =	sld [smem:$0x3FA5]  }
0x31: {  	[smem:$0x3FAE] =	sst s10  }
0x32: {  	s10 =	sld [smem:$0x3FAC];
	_ =	sdelay $0x3  }
0x33: {  	p0 =	seq.s32 s10, $0x1;
	s10 =	sld [smem:$0x3FAE];
	_ =	sdelay $0x3  }
0x34: {  	[smem:$0x3FAE] =	sst s10  }
0x35: {  	s10 =	sld [smem:$0x3FAD];
	_ =	sdelay $0x3  }
0x36: {  	p1 =	seq.s32 s10, $0x1;
	s10 =	sld [smem:$0x3FAE];
	_ =	sdelay $0x3  }
0x37: {  	[smem:$0x3FAE] =	sst s10  }
0x38: {  	s10 =	sld [smem:$0x3FAF]  }
0x39: {  	_ = 	snop;
	(pc) =	sbr.ind lr, $3  }
0x3a: {  	_ = 	snop  }
0x3b: {  	_ = 	snop  }
0x3c: {  	p2 =	seq.s32 s10, $0x1;
	s10 =	sld [smem:$0x3FAE]  }
0x3d: {  	_ =	shalt  }
0x3e: {  	_ =	shalt  }
0x3f: {  	_ =	shalt  }
0x40: {  	_ =	shalt  }
0x41: {  	_ =	shalt  }
0x42: {  	_ =	shalt  }
0x43: {  	_ =	shalt  }
0x44: {  	_ =	shalt  }
0x45: {  	_ =	shalt  }
0x46: {  	_ =	shalt  }
0x47: {  	_ =	shalt  }
0x48: {  	_ =	shalt  }
0x49: {  	_ =	shalt  }
0x4a: {  	_ =	shalt  }
0x4b: {  	_ =	shalt  }
0x4c: {  	_ =	shalt  }
0x4d: {  	_ =	shalt  }
0x4e: {  	_ =	shalt  }
0x4f: {  	_ =	shalt  }
0x50: {  	_ =	shalt  }
0x51: {  	_ =	shalt  }
0x52: {  	_ =	shalt  }
0x53: {  	_ =	shalt  }
0x54: {  	_ =	shalt  }
0x55: {  	_ =	shalt  }
0x56: {  	_ =	shalt  }
0x57: {  	_ =	shalt  }
0x58: {  	_ =	shalt  }
0x59: {  	_ =	shalt  }
0x5a: {  	_ =	shalt  }
0x5b: {  	_ =	shalt  }
0x5c: {  	_ =	shalt  }
0x5d: {  	_ =	shalt  }
0x5e: {  	_ =	shalt  }
0x5f: {  	_ =	shalt  }
0x60: {  	_ =	shalt  }
0x61: {  	_ =	shalt  }
0x62: {  	_ =	shalt  }
0x63: {  	_ =	shalt  }
0x64: {  	_ =	shalt  }
0x65: {  	_ =	shalt  }
0x66: {  	_ =	shalt  }
0x67: {  	_ =	shalt  }
0x68: {  	_ =	shalt  }
0x69: {  	_ =	shalt  }
0x6a: {  	_ =	shalt  }
0x6b: {  	_ =	shalt  }
0x6c: {  	_ =	shalt  }
0x6d: {  	_ =	shalt  }
0x6e: {  	_ =	shalt  }
0x6f: {  	_ =	shalt  }
0x70: {  	_ =	shalt  }
0x71: {  	_ =	shalt  }
0x72: {  	_ =	shalt  }
0x73: {  	_ =	shalt  }
0x74: {  	_ =	shalt  }
0x75: {  	_ =	shalt  }
0x76: {  	_ =	shalt  }
0x77: {  	_ =	shalt  }
0x78: {  	_ =	shalt  }
0x79: {  	_ =	shalt  }
0x7a: {  	_ =	shalt  }
0x7b: {  	_ =	shalt  }
0x7c: {  	_ =	shalt  }
0x7d: {  	_ =	shalt  }
0x7e: {  	_ =	shalt  }
0x7f: {  	_ =	shalt  }
0x80: {  	_ =	shalt  }
0x81: {  	_ =	shalt  }
0x82: {  	_ =	shalt  }
0x83: {  	_ =	shalt  }
0x84: {  	_ =	shalt  }
0x85: {  	_ =	shalt  }
0x86: {  	_ =	shalt  }
0x87: {  	_ =	shalt  }
.Lfunc_end0:
.L_simem_size_0:
called_computation.1_lowered:
.L_overlay_start_0:
0x88: {  	s2 =	sld [smem:$0x3FD9]  }
0x89: {  	s3 =	sld [smem:$0x3FFE];
	_ =	sdelay $0x1  }
0x8a: {  	s1 =	srdreg.scid  }
0x8b: {  	s0 =	sand.u32 $0x1, s1  }
0x8c: {  	s17 =	sshll.u32 s0, $0xA;
	s2 =	sadd.s32 s3, s2  }
0x8d: {  	s2 =	sadd.s32 s2, s17  }
0x8e: {  	[smem:$0x3FBA] =	sst s2  }
0x8f: {  	_ = 	snop  }
0x90: {  	s2 =	sld [smem:$0x3FBD];
	(tm) =	ssettm $0x1  }
0x91: {  	s18 =	sld [smem:$0x3FFB];
	_ =	sdelay $0x3  }
0x92: {  	_ =	strace s18  }
0x93: {  	s3 =	sld [smem:$0x3FFC];
	_ =	sdelay $0x3  }
0x94: {  	_ =	strace s3  }
0x95: {  	s3 =	sld [smem:$0x3FFD];
	_ =	sdelay $0x3  }
0x96: {  	_ =	strace s3  }
0x97: {  	_ =	strace $0x8FFFFFFF  }
0x98: {  	s19 =	sld [smem:$0x3FDB];
	_ =	sdelay $0x1  }
0x99: {  	s4 =	simm.s32 $_scs_section_size  }
0x9a: {  	s5 =	simm.s32 $_size__tile_overlayer_lowered;
	s6 =	simm.s32 $_tile_overlayer_lowered  }
0x9b: {  	s22 =	simm.s32 $0x1BFF;
	s21 =	sshll.u32 s6, $0x1;
	s3 =	sadd.s32 s4, s19  }
0x9c: {  	s7 =	simm.s32 $0x0;
	s20 =	sshll.u32 s5, $0x1;
	s5 =	sadd.s32 s21, s3  }
0x9d: {  	[timem:s7], [sflag:s22] =	dma.local [hbm:s5], s20  }
0x9e: {  	_ =	swait.ge [sflag:s22], s20  }
0x9f: {  	s4 =	ssub.s32 $0x0, s20;
	[sflag:s22] =	ssyncset.done $0x0  }
0xa0: {  	[sflag:s22] =	ssyncadd.s32 s4;
	_ =	sdelay $0x1  }
0xa1: {  	s23 =	simm.s32 $0x1B8B  }
0xa2: {  	_ =	swait.ge [sflag:s23], $0x1  }
0xa3: {  	[sflag:s23] =	ssyncset.done $0x0  }
0xa4: {  	s25 =	simm.s32 $0x1B8E;
	s24 =	sld [smem:$0x3FFE];
	[sflag:s23] =	ssyncadd.s32 $0xFFFFFFFF  }
0xa5: {  	s26 =	simm.s32 $execute0_lowered;
	[smem:$0x3FD2] =	sst s25  }
0xa6: {  	s5 =	sshll.u32 s26, $0x1;
	_ =	strace $0x80000049;
	[dreg:$0x1] =	wrdreg $0xFFFFFFFF  }
0xa7: {  	s28 =	simm.s32 $_size_execute0_lowered;
	s3 =	sadd.s32 s3, s5;
	[dreg:$0x0] =	wrdreg $0x0  }
0xa8: {  	s5 =	sshll.u32 s28, $0x1;
	[dreg:$0x2] =	wrdreg s3  }
0xa9: {  	[dreg:$0x3] =	wrdreg s5  }
0xaa: {  	[dreg:$0x4] =	wrdreg $0xC0  }
0xab: {  	_ =	task [dreg:s7], $0x5FFFF  }
0xac: {  	[dreg:$0x1] =	wrdreg $0xFFFFFFFF  }
0xad: {  	[dreg:$0x0] =	wrdreg $0x60  }
0xae: {  	[dreg:$0x2] =	wrdreg s24  }
0xaf: {  	[dreg:$0x3] =	wrdreg s2  }
0xb0: {  	[dreg:$0x4] =	wrdreg $0x164100  }
0xb1: {  	[dreg:$0x5] =	wrdreg $0x18C100  }
0xb2: {  	[dreg:$0x6] =	wrdreg $0x9  }
0xb3: {  	_ =	task.clear_ibuf [dreg:s7], $0x7FFFF;
	_ =	strace $0x90000049  }
0xb4: {  	s29 =	simm.s32 $0x9;
	_ =	strace $0x8000004B  }
0xb5: {  	_ =	swait.ge [sflag:s29], $0x1  }
0xb6: {  	[sflag:s29] =	ssyncadd.s32 $0xFFFFFFFF  }
0xb7: {  	_ =	strace $0x9000004B  }
0xb8: {  	_ =	sfence  }
0xb9: {  	s30 =	sld [smem:$0x0];
	_ =	sdelay $0x2  }
0xba: {  	s31 =	sshll.u32 s1, $0xD;
	s1 =	sshrl.u32 s1, $0x2  }
0xbb: {  	s3 =	sand.u32 $0x4000, s31;
	s1 =	sadd.s32 s1, s30  }
0xbc: {  	s0 =	sor.u32 s3, s0;
	s1 =	sshll.u32 s1, $0x11  }
0xbd: {  	s0 =	sor.u32 s1, s0  }
0xbe: {  	s0 =	sadd.s32 $0x8F2B, s0  }
0xbf: {  	[sflag:s0] =	ssyncadd.remote.s32 $0x1  }
0xc0: {  	_ =	sfence.sel $0xFFFF  }
0xc1: {  	[dreg:$0x0] =	wrdreg $0xFFFFFFFF;
	(pc) =	sbr.abs _section_cstart, $3  }
0xc2: {  	[dreg:$0x1] =	wrdreg $0xFFFFFFFF  }
0xc3: {  	_ =	task.clear_ibuf [dreg:s7], $0x2FFFF;
	_ =	strace $0x9FFFFFFF  }
0xc4: {  	(tm) =	ssettm $0x7FFFFFFF  }
0xc5: {  	_ =	shalt  }
tec
execute0_lowered:
.L_overlay_start_1:
0x0: {  	(tag) =	ssettag $0x1  }
0x1: {  	s1 =	rddreg [dreg:$0x0]  }
0x2: {  	s0 =	srdreg.scid;
	s3 =	rddreg [dreg:$0x2]  }
0x3: {  	s5 =	stileid.u32;
	s4 =	rddreg [dreg:$0x3];
	s18 =	simm.s32 $0x0  }
0x4: {  	s21 =	simm.s32 $0x80;
	s31 =	simm.s32 $0x1;
	s20 =	simm.s32 $0x2  }
0x5: {  	s11 =	simm.s32 $0x10010;
	s12 =	simm.s32 $0xF810;
	s13 =	simm.s32 $0x10810  }
0x6: {  	s14 =	simm.s32 $0x3;
	s15 =	simm.s32 $0x11010;
	s16 =	simm.s32 $0x12010  }
0x7: {  	s17 =	simm.s32 $0x11810;
	s10 =	simm.s32 $0x4;
	s22 =	simm.s32 $0x14010  }
0x8: {  	s23 =	simm.s32 $0x13810;
	s0 =	sand.u32 $0x1, s0;
	s2 =	sshll.u32 s5, $0x1  }
0x9: {  	v0 =	vimm.s32 $0xEFCDAB89;
	v1 =	vimm.s32 $0x67452301;
	s5 =	smul.u32 $0x2800, s5;
	[smem:$0x7FF] =	sst s18;
	s2 =	sor.u32 s0, s2  }
0xa: {  	v2 =	vimm.s32 $0xDCFE98BA;
	s6 =	smul.u32 $0x50000, s0;
	_ =	strace $0x8000004A;
	s0 =	ssub.s32 $0x2, s0  }
0xb: {  	v3 =	vimm.s32 $0x54761032;
	v4 =	vimm.s32 $0xBA98FEDC;
	s2 =	smul.u32 $0x500, s2;
	s25 =	sshrl.u32 s0, $0x1;
	s19 =	sadd.s32 s5, s3  }
0xc: {  	v5 =	vimm.s32 $0x32107654;
	v6 =	vimm.s32 $0xFEDCBA98;
	s26 =	sadd.s32 $0x1400, s5;
	s24 =	sadd.s32 s5, s4;
	s7 =	sadd.s32 s5, s6  }
0xd: {  	v7 =	vimm.s32 $0x76543210;
	v0 =	vunpack.c.l.s4.s8 v0;
	v1 =	vunpack.c.l.s4.s8 v1;
	s6 =	sadd.s32 $0x1C400, s1;
	s0 =	ssub.s32 s0, s25;
	[dreg:$0x6] =	wrdreg s19  }
0xe: {  	v2 =	vunpack.c.l.s4.s8 v2;
	v3 =	vunpack.c.l.s4.s8 v3;
	v4 =	vunpack.c.l.s4.s8 v4;
	s9 =	sadd.s32 s26, s3;
	s28 =	sadd.s32 s26, s4;
	[dreg:$0x8] =	wrdreg s24  }
0xf: {  	v5 =	vunpack.c.l.s4.s8 v5;
	v6 =	vunpack.c.l.s4.s8 v6;
	v7 =	vunpack.c.l.s4.s8 v7;
	s26 =	simm.s32 $0x9;
	s2 =	sadd.s32 s2, s1;
	[dreg:$0x7] =	wrdreg s9  }
0x10: {  	v0 =	vunpack.c.0.s8.s32 v0;
	v1 =	vunpack.c.0.s8.s32 v1;
	v2 =	vunpack.c.0.s8.s32 v2;
	s8 =	sshrl.u32 s7, $0x3;
	[dreg:$0x9] =	wrdreg s28;
	s0 =	smax.u32 s0, $0x1  }
0x11: {  	v3 =	vunpack.c.0.s8.s32 v3;
	v4 =	vunpack.c.0.s8.s32 v4;
	v5 =	vunpack.c.0.s8.s32 v5;
	s7 =	sadd.s32 $0x17400, s1;
	s29 =	sadd.s32 $0x3400, s2;
	[dreg:$0xe] =	wrdreg s0  }
0x12: {  	v6 =	vunpack.c.0.s8.s32 v6;
	v1 =	vcombine.low v1, v0;
	s1 =	sadd.s32 s8, s1;
	s2 =	sadd.s32 $0xD400, s2;
	[dreg:$0xa] =	wrdreg s29  }
0x13: {  	s5 =	simm.s32 $0x13010;
	v2 =	vcombine.low v3, v2;
	v3 =	vcombine.low v5, v4;
	v4 =	vunpack.c.0.s8.s32 v7;
	[dreg:$0xb] =	wrdreg s2;
	s30 =	sadd.s32 $0x21400, s1  }
0x14: {  	s25 =	simm.s32 $0x14810;
	v0 =	vimm.f32 $0.0e+00;
	v5 =	vand.u32 $0xF, v6;
	s1 =	sadd.s32 $0x26400, s1;
	v1 =	vand.u32 $0xF, v1;
	[dreg:$0xc] =	wrdreg s30  }
0x15: {  	s9 =	simm.s32 $0xF010;
	s8 =	simm.s32 $0x12810;
	v2 =	vand.u32 $0xF, v2;
	v3 =	vand.u32 $0xF, v3;
	v4 =	vcombine.low v5, v4;
	[dreg:$0xd] =	wrdreg s1  }
.LBB2_1:
0x16: {  	[dreg:$0x5] =	wrdreg s18;
	s0 =	simm.s32 $0x40;
	s1 =	simm.s32 $0x0  }
.LBB2_2:
0x17: {  	p0 =	sne.s32 s0, $0x4FC0;
	[tilespmem:s1+$0x15010] =	vst v0;
	s1 =	smov.u32 s0;
	s0 =	sadd.s32 $0x40, s0  }
.Ltmp0:
0x18: {  	(pc) =	sbr.rel @p0 .LBB2_2-.Ltmp0, $2  }
0x19: {  	_ =	sdelay $0x2  }
0x1a: {  	s1 =	sshra.s32 s1, $0x2  }
0x1b: {  	[tilespmem:s1+$0x15010] =	vst v0;
	s2 =	simm.s32 $0x15010  }
0x1c: {  	[spmem:s19] =	stream.linear.scatter [tilespmem:s2], [sflag:$0x9], $0x1400, $0x38;
	[tilespmem:$0x1B410] =	vst v63  }
0x1d: {  	_ =	swait.ge [sflag:s26], $0x1400  }
0x1e: {  	[sflag:s26] =	ssyncset.done $0x0  }
0x1f: {  	s0 =	rddreg [dreg:$0x7];
	[sflag:s26] =	ssyncadd.s32 $0xFFFFEC00  }
0x20: {  	[spmem:s0] =	stream.linear.scatter [tilespmem:s2], [sflag:$0x9], $0x1400, $0x38;
	[tilespmem:$0x1B410] =	vst v63  }
0x21: {  	_ =	swait.ge [sflag:s26], $0x1400  }
0x22: {  	[sflag:s26] =	ssyncset.done $0x0  }
0x23: {  	[sflag:s26] =	ssyncadd.s32 $0xFFFFEC00  }
0x24: {  	[spmem:s24] =	stream.linear.scatter [tilespmem:s2], [sflag:$0x9], $0x1400, $0x38;
	[tilespmem:$0x1B410] =	vst v63  }
0x25: {  	_ =	swait.ge [sflag:s26], $0x1400  }
0x26: {  	[sflag:s26] =	ssyncset.done $0x0  }
0x27: {  	s18 =	rddreg [dreg:$0x9];
	[sflag:s26] =	ssyncadd.s32 $0xFFFFEC00  }
0x28: {  	[spmem:s18] =	stream.linear.scatter [tilespmem:s2], [sflag:$0x9], $0x1400, $0x38;
	[tilespmem:$0x1B410] =	vst v63  }
0x29: {  	_ =	swait.ge [sflag:s26], $0x1400  }
0x2a: {  	[sflag:s26] =	ssyncset.done $0x0  }
0x2b: {  	[sflag:s26] =	ssyncadd.s32 $0xFFFFEC00  }
0x2c: {  	s28 =	simm.s32 $0x0;
	s19 =	rddreg [dreg:$0x1]  }
0x2d: {  	[tilespmem:s28], [sflag:$0x9] =	stream.linear.gather [hbm4b:s19+s28], $0x10, $0x38;
	[tilespmem:$0x1B410] =	vst v63  }
0x2e: {  	_ =	swait.ge [sflag:s26], $0x10  }
0x2f: {  	[sflag:s26] =	ssyncset.done $0x0  }
0x30: {  	s29 =	simm.s32 $0x10;
	s24 =	rddreg [dreg:$0xa];
	[sflag:s26] =	ssyncadd.s32 $0xFFFFFFF0  }
0x31: {  	[tilespmem:s29], [sflag:$0x9] =	stream.linear.gather [hbm4b:s24+s28], $0x2800, $0x38;
	[tilespmem:$0x1B410] =	vst v63  }
0x32: {  	_ =	swait.ge [sflag:s26], $0x2800  }
0x33: {  	[sflag:s26] =	ssyncset.done $0x0  }
0x34: {  	s2 =	simm.s32 $0x2810;
	s30 =	rddreg [dreg:$0xb];
	[sflag:s26] =	ssyncadd.s32 $0xFFFFD800  }
0x35: {  	[tilespmem:s2], [sflag:$0x9] =	stream.linear.gather [hbm4b:s30+s28], $0x2800, $0x38;
	[tilespmem:$0x1B410] =	vst v63  }
0x36: {  	_ =	swait.ge [sflag:s26], $0x2800  }
0x37: {  	[sflag:s26] =	ssyncset.done $0x0  }
0x38: {  	[sflag:s26] =	ssyncadd.s32 $0xFFFFD800  }
0x39: {  	s18 =	simm.s32 $0x5010;
	[bflag:$0x0] =	sbarrier.arrive $0xFFFF  }
0x3a: {  	v5 =	vld [tilespmem:$0x0];
	[tilespmem:s18], [sflag:$0x1] =	stream.indirect.gather [hbm4b:s6+s21], $0x10, s29, s21, $0xb8  }
0x3b: {  	s19 =	simm.s32 $0x6010  }
0x3c: {  	[tilespmem:s19], [sflag:$0x1] =	stream.indirect.gather [hbm4b:s7+s21], $0x10, s2, s21, $0xb8;
	[tilespmem:$0x1B410] =	vst v63  }
0x3d: {  	s24 =	simm.s32 $0x90;
	s26 =	simm.s32 $0x5810  }
0x3e: {  	[tilespmem:s26], [sflag:$0x1] =	stream.indirect.gather [hbm4b:s6+s21], $0x10, s24, s21, $0xb8;
	[tilespmem:$0x1B410] =	vst v63  }
0x3f: {  	s30 =	simm.s32 $0x6810;
	s29 =	simm.s32 $0x2890  }
0x40: {  	[tilespmem:s30], [sflag:$0x1] =	stream.indirect.gather [hbm4b:s7+s21], $0x10, s29, s21, $0xb8;
	[tilespmem:$0x1B410] =	vst v63  }
0x41: {  	s1 =	simm.s32 $0x110;
	s2 =	simm.s32 $0x7010  }
0x42: {  	[tilespmem:s2], [sflag:$0x2] =	stream.indirect.gather [hbm4b:s6+s21], $0x10, s1, s21, $0xb8;
	[tilespmem:$0x1B410] =	vst v63  }
0x43: {  	s18 =	simm.s32 $0x2910;
	s19 =	simm.s32 $0x8010  }
0x44: {  	[tilespmem:s19], [sflag:$0x2] =	stream.indirect.gather [hbm4b:s7+s21], $0x10, s18, s21, $0xb8;
	[tilespmem:$0x1B410] =	vst v63  }
0x45: {  	s24 =	simm.s32 $0x190;
	s26 =	simm.s32 $0x7810  }
0x46: {  	[tilespmem:s26], [sflag:$0x2] =	stream.indirect.gather [hbm4b:s6+s21], $0x10, s24, s21, $0xb8;
	[tilespmem:$0x1B410] =	vst v63  }
0x47: {  	s29 =	simm.s32 $0x2990;
	s30 =	simm.s32 $0x8810  }
0x48: {  	[tilespmem:s30], [sflag:$0x2] =	stream.indirect.gather [hbm4b:s7+s21], $0x10, s29, s21, $0xb8;
	[tilespmem:$0x1B410] =	vst v63  }
0x49: {  	s1 =	simm.s32 $0x210;
	s2 =	simm.s32 $0x9010  }
0x4a: {  	[tilespmem:s2], [sflag:$0x3] =	stream.indirect.gather [hbm4b:s6+s21], $0x10, s1, s21, $0xb8;
	[tilespmem:$0x1B410] =	vst v63  }
0x4b: {  	s18 =	simm.s32 $0x2A10;
	s19 =	simm.s32 $0xA010  }
0x4c: {  	[tilespmem:s19], [sflag:$0x3] =	stream.indirect.gather [hbm4b:s7+s21], $0x10, s18, s21, $0xb8;
	[tilespmem:$0x1B410] =	vst v63  }
0x4d: {  	s24 =	simm.s32 $0x290;
	s26 =	simm.s32 $0x9810  }
0x4e: {  	[tilespmem:s26], [sflag:$0x3] =	stream.indirect.gather [hbm4b:s6+s21], $0x10, s24, s21, $0xb8;
	[tilespmem:$0x1B410] =	vst v63  }
0x4f: {  	s29 =	simm.s32 $0x2A90;
	s30 =	simm.s32 $0xA810  }
0x50: {  	v6 =	vmul.f32 $2.000000030e-01, v5;
	[tilespmem:s30], [sflag:$0x3] =	stream.indirect.gather [hbm4b:s7+s21], $0x10, s29, s21, $0xb8;
	[tilespmem:$0x1B410] =	vst v63  }
.LBB2_4:
0x51: {  	_ =	swait.ge [sflag:s31], $0x800  }
0x52: {  	[sflag:s31] =	ssyncset.done $0x0  }
0x53: {  	[sflag:s31] =	ssyncadd.s32 $0xFFFFF800  }
0x54: {  	_ =	swait.ge [sflag:s31], $0x800  }
0x55: {  	[sflag:s31] =	ssyncset.done $0x0  }
0x56: {  	[sflag:s31] =	ssyncadd.s32 $0xFFFFF800  }
0x57: {  	_ =	swait.ge [sflag:s31], $0x800  }
0x58: {  	[sflag:s31] =	ssyncset.done $0x0  }
0x59: {  	[sflag:s31] =	ssyncadd.s32 $0xFFFFF800  }
0x5a: {  	_ =	swait.ge [sflag:s31], $0x800  }
0x5b: {  	p0 =	seq.s32 s28, $0x0;
	[sflag:s31] =	ssyncset.done $0x0  }
0x5c: {  	s0 =	simm.s32 @!p0 $0x5;
	[sflag:s31] =	ssyncadd.s32 $0xFFFFF800  }
0x5d: {  	_ =	swait.ge @!p0 [sflag:s0], $0x800  }
0x5e: {  	[sflag:s0] =	ssyncset.done @!p0 $0x0  }
0x5f: {  	[sflag:s0] =	ssyncadd.s32 @!p0 $0xFFFFF800  }
0x60: {  	_ =	swait.ge @!p0 [sflag:s0], $0x800  }
0x61: {  	[sflag:s0] =	ssyncset.done @!p0 $0x0  }
0x62: {  	[sflag:s0] =	ssyncadd.s32 @!p0 $0xFFFFF800  }
0x63: {  	_ =	swait.ge @!p0 [sflag:s0], $0x800  }
0x64: {  	[sflag:s0] =	ssyncset.done @!p0 $0x0  }
0x65: {  	s1 =	sshll.u32 s28, $0x2;
	[sflag:s0] =	ssyncadd.s32 @!p0 $0xFFFFF800  }
0x66: {  	s1 =	sor.u32 $0x3, s1;
	_ =	swait.ge @!p0 [sflag:s0], $0x800  }
0x67: {  	s18 =	sshll.u32 s1, $0x8;
	[sflag:s0] =	ssyncset.done @!p0 $0x0  }
0x68: {  	s30 =	simm.s32 $0xB010;
	s26 =	sor.u32 $0x10, s18;
	[sflag:s0] =	ssyncadd.s32 @!p0 $0xFFFFF800  }
0x69: {  	[tilespmem:s30], [sflag:$0x4] =	stream.indirect.gather [hbm4b:s6+s21], $0x10, s26, s21, $0xb8;
	[tilespmem:$0x1B410] =	vst v63  }
0x6a: {  	s2 =	simm.s32 $0xC010;
	s1 =	sadd.s32 $0x2810, s18  }
0x6b: {  	[tilespmem:s2], [sflag:$0x4] =	stream.indirect.gather [hbm4b:s7+s21], $0x10, s1, s21, $0xb8;
	[tilespmem:$0x1B410] =	vst v63  }
0x6c: {  	s24 =	simm.s32 $0xB810;
	s19 =	sor.u32 $0x90, s18  }
0x6d: {  	[tilespmem:s24], [sflag:$0x4] =	stream.indirect.gather [hbm4b:s6+s21], $0x10, s19, s21, $0xb8;
	[tilespmem:$0x1B410] =	vst v63  }
0x6e: {  	s26 =	sadd.s32 $0x2890, s18;
	s30 =	simm.s32 $0xC810;
	s2 =	simm.s32 $0x5030  }
0x6f: {  	[tilespmem:s30], [sflag:$0x4] =	stream.indirect.gather [hbm4b:s7+s21], $0x10, s26, s21, $0xb8;
	[tilespmem:$0x1B410] =	vst v63  }
0x70: {  	s19 =	simm.s32 $0x6030;
	v13 =	vld [tilespmem:s2+$0x10]  }
0x71: {  	v8 =	vld [tilespmem:s19+$0x10]  }
0x72: {  	v7 =	vld [tilespmem:s2+$0xFFFFFFF0]  }
0x73: {  	v11 =	vld [tilespmem:s19+$0xFFFFFFF0]  }
0x74: {  	v10 =	vld [tilespmem:s2+$0x0]  }
0x75: {  	v12 =	vld [tilespmem:s19+$0x0]  }
0x76: {  	v9 =	vld [tilespmem:s19+$0xFFFFFFE0]  }
0x77: {  	v14 =	vadd.f32 v8, v13;
	v8 =	vld [tilespmem:s2+$0xFFFFFFE0];
	_ =	sdelay $0x1  }
0x78: {  	v11 =	vadd.f32 v11, v7;
	vm0 =	vgt.f32 v14, $0.0e+00  }
0x79: {  	v12 =	vadd.f32 v12, v10;
	v15 =	vsel vm0, v5, v6  }
0x7a: {  	vm6 =	vgt.f32 v11, $0.0e+00;
	v14 =	vmul.f32 v15, v14  }
0x7b: {  	vm7 =	vgt.f32 v12, $0.0e+00;
	v15 =	vsel vm6, v5, v6;
	v9 =	vadd.f32 v9, v8  }
0x7c: {  	v11 =	vmul.f32 v15, v11;
	v15 =	vsel vm7, v5, v6;
	v16 =	vperm.xlane v14, v1  }
0x7d: {  	v12 =	vmul.f32 v15, v12;
	vm1 =	vgt.f32 v9, $0.0e+00  }
0x7e: {  	v17 =	vperm.xlane v11, v1;
	v14 =	vadd.f32 v14, v16;
	v16 =	vsel vm1, v5, v6  }
0x7f: {  	v9 =	vmul.f32 v16, v9;
	v16 =	vperm.xlane v12, v1  }
0x80: {  	s26 =	simm.s32 $0x6070;
	v11 =	vadd.f32 v11, v17;
	v15 =	vperm.xlane v14, v2  }
0x81: {  	s24 =	simm.s32 $0x5070;
	v18 =	vld [tilespmem:s26+$0x10];
	v17 =	vperm.xlane v9, v1;
	v16 =	vadd.f32 v12, v16  }
0x82: {  	v12 =	vld [tilespmem:s24+$0x10];
	v14 =	vadd.f32 v14, v15;
	v15 =	vperm.xlane v11, v2  }
0x83: {  	v9 =	vadd.f32 v9, v17;
	v19 =	vperm.xlane v16, v2  }
0x84: {  	v17 =	vperm.xlane v14, v3;
	v15 =	vadd.f32 v11, v15;
	v11 =	vld [tilespmem:s24+$0xFFFFFFF0]  }
0x85: {  	v21 =	vperm.xlane v9, v2;
	v16 =	vadd.f32 v16, v19;
	v19 =	vld [tilespmem:s26+$0xFFFFFFF0]  }
0x86: {  	v20 =	vld [tilespmem:s26+$0xFFFFFFE0];
	v14 =	vadd.f32 v14, v17;
	v17 =	vperm.xlane v15, v3  }
0x87: {  	v24 =	vld [tilespmem:s26+$0x0];
	v18 =	vadd.f32 v18, v12;
	v21 =	vadd.f32 v9, v21;
	v23 =	vperm.xlane v16, v3  }
0x88: {  	v22 =	vperm.xlane v14, v4;
	v15 =	vadd.f32 v15, v17;
	v17 =	vld [tilespmem:s24+$0xFFFFFFE0]  }
0x89: {  	v9 =	vld [tilespmem:s24+$0x0];
	vm8 =	vgt.f32 v18, $0.0e+00;
	v25 =	vperm.xlane v21, v3;
	v16 =	vadd.f32 v16, v23  }
0x8a: {  	v23 =	vsel vm8, v5, v6;
	v14 =	vadd.f32 v14, v22;
	v19 =	vadd.f32 v19, v11  }
0x8b: {  	v22 =	vperm.xlane v15, v4;
	v18 =	vmul.f32 v23, v18;
	v21 =	vadd.f32 v21, v25  }
0x8c: {  	v25 =	vperm.xlane v16, v4;
	v14 =	vmul.f32 $1.442695020e+00, v14;
	vm9 =	vgt.f32 v19, $0.0e+00  }
0x8d: {  	v15 =	vadd.f32 v15, v22;
	v20 =	vadd.f32 v20, v17;
	v23 =	vsel vm9, v5, v6  }
0x8e: {  	(erf) = vpow2.f32 v14;
	v14 =	vadd.f32 v24, v9;
	v24 =	vperm.xlane v18, v1  }
0x8f: {  	v26 =	vperm.xlane v21, v4;
	v19 =	vmul.f32 v23, v19;
	vm11 =	vgt.f32 v20, $0.0e+00  }
0x90: {  	vm10 =	vgt.f32 v14, $0.0e+00;
	v18 =	vadd.f32 v18, v24;
	v24 =	vsel vm11, v5, v6  }
0x91: {  	v27 =	vperm.xlane v19, v1;
	v23 =	vsel vm10, v5, v6;
	v20 =	vmul.f32 v24, v20  }
0x92: {  	v16 =	vadd.f32 v16, v25;
	v14 =	vmul.f32 v23, v14;
	v23 =	vperm.xlane v18, v2  }
0x93: {  	s1 =	simm.s32 $0x60B0;
	v21 =	vadd.f32 v21, v26;
	v19 =	vadd.f32 v19, v27;
	v24 =	vperm.xlane v20, v1  }
0x94: {  	v25 =	vld [tilespmem:s1+$0x10];
	v15 =	vmul.f32 $1.442695020e+00, v15;
	v22 =	vperm.xlane v14, v1;
	v18 =	vadd.f32 v18, v23  }
0x95: {  	s30 =	simm.s32 $0x50B0;
	v21 =	vmul.f32 $1.442695020e+00, v21;
	v27 =	vld [tilespmem:s1+$0xFFFFFFE0];
	v23 =	vperm.xlane v19, v2;
	v20 =	vadd.f32 v20, v24  }
0x96: {  	v16 =	vmul.f32 $1.442695020e+00, v16;
	v22 =	vadd.f32 v14, v22;
	v14 =	vld [tilespmem:s30+$0x10];
	v24 =	vperm.xlane v18, v3  }
0x97: {  	v19 =	vadd.f32 v19, v23;
	v26 =	vpop (erf);
	v28 =	vperm.xlane v20, v2;
	(erf) = vpow2.f32 v21;
	v21 =	vld [tilespmem:s1+$0xFFFFFFF0]  }
0x98: {  	v23 =	vperm.xlane v22, v2;
	v18 =	vadd.f32 v18, v24;
	v24 =	vmul.f32 v26, v13;
	v13 =	vld [tilespmem:s30+$0xFFFFFFF0]  }
0x99: {  	v29 =	vperm.xlane v19, v3;
	(erf) = vpow2.f32 v15;
	v15 =	vld [tilespmem:s30+$0x0];
	v20 =	vadd.f32 v20, v28  }
0x9a: {  	(erf) = vpow2.f32 v16;
	v16 =	vld [tilespmem:s30+$0xFFFFFFE0];
	v22 =	vadd.f32 v22, v23;
	v23 =	vperm.xlane v18, v4  }
0x9b: {  	v19 =	vadd.f32 v19, v29;
	v29 =	vld [tilespmem:s1+$0x0];
	v25 =	vadd.f32 v25, v14;
	v30 =	vperm.xlane v20, v3  }
0x9c: {  	v28 =	vperm.xlane v22, v3;
	v18 =	vadd.f32 v18, v23  }
0x9d: {  	v23 =	vperm.xlane v19, v4;
	vm12 =	vgt.f32 v25, $0.0e+00;
	v20 =	vadd.f32 v20, v30  }
0x9e: {  	v21 =	vadd.f32 v21, v13;
	v22 =	vadd.f32 v22, v28;
	v18 =	vmul.f32 $1.442695020e+00, v18  }
0x9f: {  	v28 =	vsel vm12, v5, v6;
	v31 =	vadd.f32 v19, v23;
	v23 =	vadd.f32 v27, v16  }
0xa0: {  	vm13 =	vgt.f32 v21, $0.0e+00;
	(erf) = vpow2.f32 v18;
	v18 =	vadd.f32 v29, v15  }
0xa1: {  	v25 =	vmul.f32 v28, v25;
	v19 =	vperm.xlane v20, v4;
	v27 =	vsel vm13, v5, v6  }
0xa2: {  	v21 =	vmul.f32 v27, v21;
	vm14 =	vgt.f32 v18, $0.0e+00  }
0xa3: {  	s2 =	simm.s32 $0xD030;
	v28 =	vperm.xlane v25, v1;
	v27 =	vadd.f32 v20, v19;
	v19 =	vsel vm14, v5, v6  }
0xa4: {  	[tilespmem:s2+$0x10] =	vst v26;
	vm15 =	vgt.f32 v23, $0.0e+00;
	v26 =	vperm.xlane v21, v1;
	v32 =	vmul.f32 v19, v18  }
0xa5: {  	v30 =	vperm.xlane v22, v4;
	v20 =	vsel vm15, v5, v6;
	v25 =	vadd.f32 v25, v28  }
0xa6: {  	s24 =	simm.s32 $0xE030;
	v28 =	vmul.f32 v20, v23;
	v23 =	vadd.f32 v21, v26;
	v26 =	vperm.xlane v32, v1  }
0xa7: {  	[tilespmem:s24+$0x10] =	vst v24;
	v22 =	vadd.f32 v22, v30;
	v29 =	vperm.xlane v25, v2;
	v19 =	vpop (erf)  }
0xa8: {  	v24 =	vmul.f32 $1.442695020e+00, v27;
	[tilespmem:s2+$0xFFFFFFE0] =	vst v19;
	v20 =	vpop (erf)  }
0xa9: {  	v22 =	vmul.f32 $1.442695020e+00, v22;
	v30 =	vperm.xlane v28, v1;
	v27 =	vadd.f32 v25, v29;
	[tilespmem:s2+$0xFFFFFFF0] =	vst v20;
	v18 =	vpop (erf)  }
0xaa: {  	s29 =	simm.s32 $0x8;
	s0 =	simm.s32 $0x50F0;
	s26 =	simm.s32 $0xE030;
	v21 =	vmul.f32 $1.442695020e+00, v31;
	v29 =	vperm.xlane v23, v2;
	v25 =	vadd.f32 v32, v26;
	[tilespmem:s2+$0x0] =	vst v18;
	v26 =	vpop (erf)  }
.LBB2_5:
0xab: {  	v28 =	vadd.f32 v28, v30;
	v30 =	vperm.xlane v27, v3;
	s1 =	sadd.s32 $0x40, s1;
	v31 =	vmul.f32 v26, v12;
	s2 =	sadd.s32 $0x40, s2;
	v12 =	vmovc v14;
	v14 =	vld [tilespmem:s0+$0x10]  }
0xac: {  	s29 =	sadd.s32 $0x4, s29;
	s24 =	sadd.s32 $0x40, s24;
	v32 =	vld [tilespmem:s1+$0x10];
	v23 =	vadd.f32 v23, v29;
	v29 =	vperm.xlane v25, v2;
	[tilespmem:s2+$0x10] =	vst v26;
	(erf) = vpow2.f32 v24  }
0xad: {  	p1 =	slt.u32 s29, $0xFC;
	v24 =	vld [tilespmem:s1+$0xFFFFFFE0];
	v26 =	vperm.xlane v28, v2;
	v27 =	vadd.f32 v27, v30;
	[tilespmem:s24+$0x10] =	vst v31;
	(erf) = vpow2.f32 v21  }
0xae: {  	v21 =	vld [tilespmem:s0+$0xFFFFFFF0];
	v30 =	vperm.xlane v23, v3;
	v25 =	vadd.f32 v25, v29;
	(erf) = vpow2.f32 v22  }
0xaf: {  	v19 =	vmul.f32 v19, v8;
	v8 =	vmovc v17;
	v22 =	vld [tilespmem:s1+$0xFFFFFFF0];
	v26 =	vadd.f32 v28, v26;
	v28 =	vperm.xlane v27, v4  }
0xb0: {  	v20 =	vmul.f32 v20, v7;
	v7 =	vmovc v11;
	v17 =	vld [tilespmem:s0+$0x0];
	v23 =	vadd.f32 v23, v30;
	v29 =	vperm.xlane v25, v3  }
0xb1: {  	v30 =	vld [tilespmem:s1+$0x0];
	v31 =	vadd.f32 v32, v14;
	v33 =	vperm.xlane v26, v3;
	v27 =	vadd.f32 v27, v28;
	[tilespmem:s26+$0xFFFFFFE0] =	vst v19  }
0xb2: {  	v10 =	vmul.f32 v18, v10;
	v32 =	vld [tilespmem:s0+$0xFFFFFFE0];
	v28 =	vperm.xlane v23, v4;
	v25 =	vadd.f32 v25, v29;
	[tilespmem:s26+$0xFFFFFFF0] =	vst v20  }
0xb3: {  	v11 =	vmovc v13;
	vm0 =	vgt.f32 v31, $0.0e+00;
	v26 =	vadd.f32 v26, v33;
	v18 =	vmul.f32 $1.442695020e+00, v27;
	v13 =	vmovc v21  }
0xb4: {  	v21 =	vadd.f32 v22, v13;
	v33 =	vsel vm0, v5, v6;
	v22 =	vperm.xlane v25, v4;
	[tilespmem:s26+$0x0] =	vst v10;
	s26 =	smov.u32 s24  }
0xb5: {  	v29 =	vadd.f32 v23, v28;
	v27 =	vmul.f32 v33, v31;
	(erf) = vpow2.f32 v18;
	v19 =	vpop (erf)  }
0xb6: {  	v31 =	vperm.xlane v26, v4;
	vm0 =	vgt.f32 v21, $0.0e+00;
	v23 =	vadd.f32 v30, v17;
	[tilespmem:s2+$0xFFFFFFE0] =	vst v19;
	v20 =	vpop (erf)  }
0xb7: {  	v24 =	vadd.f32 v24, v32;
	v28 =	vsel vm0, v5, v6;
	v30 =	vperm.xlane v27, v1;
	[tilespmem:s2+$0xFFFFFFF0] =	vst v20;
	v18 =	vpop (erf)  }
0xb8: {  	v10 =	vmovc v9;
	v26 =	vadd.f32 v26, v31;
	v21 =	vmul.f32 v28, v21;
	vm0 =	vgt.f32 v23, $0.0e+00;
	[tilespmem:s2+$0x0] =	vst v18  }
0xb9: {  	v9 =	vmovc v15;
	v15 =	vmovc v17;
	vm1 =	vgt.f32 v24, $0.0e+00;
	v28 =	vsel vm0, v5, v6;
	v27 =	vadd.f32 v27, v30  }
.Ltmp1:
0xba: {  	v17 =	vmovc v16;
	v30 =	vsel vm1, v5, v6;
	v31 =	vperm.xlane v21, v1;
	v33 =	vmul.f32 v28, v23;
	(pc) =	sbr.rel @p1 .LBB2_5-.Ltmp1, $4  }
0xbb: {  	v22 =	vadd.f32 v25, v22;
	v16 =	vmovc v32;
	v28 =	vmul.f32 v30, v24;
	v34 =	vperm.xlane v27, v2  }
0xbc: {  	v24 =	vmul.f32 $1.442695020e+00, v26;
	v23 =	vadd.f32 v21, v31;
	v25 =	vperm.xlane v33, v1  }
0xbd: {  	v21 =	vmul.f32 $1.442695020e+00, v29;
	v30 =	vperm.xlane v28, v1;
	v27 =	vadd.f32 v27, v34  }
0xbe: {  	s0 =	sadd.s32 $0x40, s0;
	v22 =	vmul.f32 $1.442695020e+00, v22;
	v29 =	vperm.xlane v23, v2;
	v25 =	vadd.f32 v33, v25;
	v26 =	vpop (erf)  }
0xbf: {  	v28 =	vadd.f32 v28, v30  }
0xc0: {  	v30 =	vperm.xlane v27, v3  }
0xc1: {  	v31 =	vperm.xlane v28, v2  }
0xc2: {  	(erf) = vpow2.f32 v24;
	v27 =	vadd.f32 v27, v30  }
0xc3: {  	v23 =	vadd.f32 v23, v29;
	v30 =	vperm.xlane v25, v2;
	v28 =	vadd.f32 v28, v31  }
0xc4: {  	(erf) = vpow2.f32 v21;
	v31 =	vperm.xlane v27, v4  }
0xc5: {  	v21 =	vperm.xlane v23, v3;
	v24 =	vadd.f32 v25, v30;
	v25 =	vperm.xlane v28, v3  }
0xc6: {  	v12 =	vmul.f32 v26, v12;
	v8 =	vmul.f32 v19, v8;
	v27 =	vadd.f32 v27, v31  }
0xc7: {  	v21 =	vadd.f32 v23, v21;
	v29 =	vperm.xlane v24, v3;
	v25 =	vadd.f32 v28, v25  }
0xc8: {  	(erf) = vpow2.f32 v22;
	v27 =	vmul.f32 $1.442695020e+00, v27  }
0xc9: {  	v22 =	vadd.f32 v24, v29;
	v24 =	vperm.xlane v21, v4;
	v23 =	vperm.xlane v25, v4  }
0xca: {  	s0 =	sadd.s32 $0x40, s2;
	v7 =	vmul.f32 v20, v7;
	(erf) = vpow2.f32 v27  }
0xcb: {  	[tilespmem:s0+$0x10] =	vst v26;
	v27 =	vperm.xlane v22, v4;
	v19 =	vadd.f32 v21, v24;
	v23 =	vadd.f32 v25, v23  }
0xcc: {  	s1 =	sadd.s32 $0x40, s24;
	[tilespmem:s26+$0xFFFFFFE0] =	vst v8;
	v8 =	vmul.f32 v18, v10  }
0xcd: {  	[tilespmem:s1+$0x10] =	vst v12;
	v12 =	vadd.f32 v22, v27;
	v10 =	vmul.f32 $1.442695020e+00, v19;
	v20 =	vmul.f32 $1.442695020e+00, v23;
	_ =	sdelay $0x1  }
0xce: {  	[tilespmem:s26+$0xFFFFFFF0] =	vst v7;
	v7 =	vpop (erf);
	v12 =	vmul.f32 $1.442695020e+00, v12;
	(erf) = vpow2.f32 v20  }
0xcf: {  	[tilespmem:s26+$0x0] =	vst v8;
	v8 =	vpop (erf);
	(erf) = vpow2.f32 v10  }
0xd0: {  	[tilespmem:s0+$0xFFFFFFE0] =	vst v7;
	v7 =	vmul.f32 v7, v17;
	v10 =	vpop (erf);
	(erf) = vpow2.f32 v12  }
0xd1: {  	[tilespmem:s0+$0xFFFFFFF0] =	vst v8;
	v8 =	vmul.f32 v8, v11  }
0xd2: {  	[tilespmem:s1+$0xFFFFFFE0] =	vst v7  }
0xd3: {  	[tilespmem:s1+$0xFFFFFFF0] =	vst v8;
	v7 =	vmul.f32 v10, v9  }
0xd4: {  	[tilespmem:s0+$0x0] =	vst v10;
	s0 =	sadd.s32 $0x40, s0;
	v12 =	vpop (erf)  }
0xd5: {  	v14 =	vmul.f32 v12, v14;
	[tilespmem:s0+$0x10] =	vst v12  }
0xd6: {  	s19 =	sadd.s32 $0x40, s1;
	[tilespmem:s1+$0x0] =	vst v7  }
0xd7: {  	[tilespmem:s19+$0x10] =	vst v14;
	v7 =	vpop (erf)  }
0xd8: {  	[tilespmem:s0+$0xFFFFFFE0] =	vst v7;
	v8 =	vpop (erf)  }
0xd9: {  	v7 =	vmul.f32 v7, v16;
	[tilespmem:s0+$0xFFFFFFF0] =	vst v8;
	v9 =	vpop (erf)  }
0xda: {  	v8 =	vmul.f32 v8, v13;
	[tilespmem:s0+$0x0] =	vst v9  }
0xdb: {  	[tilespmem:s19+$0xFFFFFFE0] =	vst v7;
	v7 =	vmul.f32 v9, v15;
	s0 =	sshll.u32 s28, $0xA  }
0xdc: {  	[tilespmem:s19+$0xFFFFFFF0] =	vst v8;
	s1 =	sand.u32 $0x3FFFFC00, s0  }
0xdd: {  	[tilespmem:s19+$0x0] =	vst v7;
	s24 =	sadd.s32 $0x2810, s1;
	s19 =	simm.s32 $0xD010  }
0xde: {  	[spmem:s3] =	stream.indirect.scatter.add.f32 [tilespmem:s19], [sflag:$0x5], $0x10, s24, s21, $0xb8;
	[tilespmem:$0x1B410] =	vst v63  }
0xdf: {  	s26 =	simm.s32 $0xE010  }
0xe0: {  	[spmem:s4] =	stream.indirect.scatter.add.f32 [tilespmem:s26], [sflag:$0x5], $0x10, s24, s21, $0xb8;
	[tilespmem:$0x1B410] =	vst v63  }
0xe1: {  	s2 =	sadd.s32 $0x2890, s1;
	s24 =	simm.s32 $0xD810  }
0xe2: {  	[spmem:s3] =	stream.indirect.scatter.add.f32 [tilespmem:s24], [sflag:$0x5], $0x10, s2, s21, $0xb8;
	[tilespmem:$0x1B410] =	vst v63  }
0xe3: {  	s26 =	simm.s32 $0xE810  }
0xe4: {  	[spmem:s4] =	stream.indirect.scatter.add.f32 [tilespmem:s26], [sflag:$0x5], $0x10, s2, s21, $0xb8;
	[tilespmem:$0x1B410] =	vst v63  }
0xe5: {  	_ =	swait.ge [sflag:s20], $0x800  }
0xe6: {  	[sflag:s20] =	ssyncset.done $0x0  }
0xe7: {  	[sflag:s20] =	ssyncadd.s32 $0xFFFFF800  }
0xe8: {  	_ =	swait.ge [sflag:s20], $0x800  }
0xe9: {  	[sflag:s20] =	ssyncset.done $0x0  }
0xea: {  	[sflag:s20] =	ssyncadd.s32 $0xFFFFF800  }
0xeb: {  	_ =	swait.ge [sflag:s20], $0x800  }
0xec: {  	[sflag:s20] =	ssyncset.done $0x0  }
0xed: {  	[sflag:s20] =	ssyncadd.s32 $0xFFFFF800  }
0xee: {  	_ =	swait.ge [sflag:s20], $0x800  }
0xef: {  	[sflag:s20] =	ssyncset.done $0x0  }
0xf0: {  	s2 =	simm.s32 @!p0 $0x6;
	[sflag:s20] =	ssyncadd.s32 $0xFFFFF800  }
0xf1: {  	_ =	swait.ge @!p0 [sflag:s2], $0x800  }
0xf2: {  	[sflag:s2] =	ssyncset.done @!p0 $0x0  }
0xf3: {  	[sflag:s2] =	ssyncadd.s32 @!p0 $0xFFFFF800  }
0xf4: {  	_ =	swait.ge @!p0 [sflag:s2], $0x800  }
0xf5: {  	[sflag:s2] =	ssyncset.done @!p0 $0x0  }
0xf6: {  	[sflag:s2] =	ssyncadd.s32 @!p0 $0xFFFFF800  }
0xf7: {  	_ =	swait.ge @!p0 [sflag:s2], $0x800  }
0xf8: {  	[sflag:s2] =	ssyncset.done @!p0 $0x0  }
0xf9: {  	[sflag:s2] =	ssyncadd.s32 @!p0 $0xFFFFF800  }
0xfa: {  	p1 =	seq.s32 @!p0 s28, $0x9;
	_ =	swait.ge @!p0 [sflag:s2], $0x800  }
0xfb: {  	p2 =	por p0, !p1;
	[sflag:s2] =	ssyncset.done @!p0 $0x0  }
0xfc: {  	s19 =	simm.s32 @p2 $0x5010;
	[sflag:s2] =	ssyncadd.s32 @!p0 $0xFFFFF800;
	s2 =	sadd.s32 @p2 $0x410, s0  }
0xfd: {  	[tilespmem:s19], [sflag:$0x1] =	stream.indirect.gather @p2 [hbm4b:s6+s21], $0x10, s2, s21, $0xb8;
	[tilespmem:$0x1B410] =	vst v63  }
0xfe: {  	s2 =	sadd.s32 @p2 $0x2C10, s0;
	s19 =	simm.s32 @p2 $0x6010  }
0xff: {  	[tilespmem:s19], [sflag:$0x1] =	stream.indirect.gather @p2 [hbm4b:s7+s21], $0x10, s2, s21, $0xb8;
	[tilespmem:$0x1B410] =	vst v63  }
0x100: {  	s2 =	sadd.s32 @p2 $0x490, s0;
	s19 =	simm.s32 @p2 $0x5810  }
0x101: {  	[tilespmem:s19], [sflag:$0x1] =	stream.indirect.gather @p2 [hbm4b:s6+s21], $0x10, s2, s21, $0xb8;
	[tilespmem:$0x1B410] =	vst v63  }
0x102: {  	s24 =	simm.s32 $0x7030;
	s0 =	sadd.s32 @p2 $0x2C90, s0;
	s2 =	simm.s32 @p2 $0x6810  }
0x103: {  	[tilespmem:s2], [sflag:$0x1] =	stream.indirect.gather @p2 [hbm4b:s7+s21], $0x10, s0, s21, $0xb8;
	[tilespmem:$0x1B410] =	vst v63  }
0x104: {  	s26 =	simm.s32 $0x8030;
	v13 =	vld [tilespmem:s24+$0x10]  }
0x105: {  	v8 =	vld [tilespmem:s26+$0x10]  }
0x106: {  	v7 =	vld [tilespmem:s24+$0xFFFFFFF0]  }
0x107: {  	v11 =	vld [tilespmem:s26+$0xFFFFFFF0]  }
0x108: {  	v10 =	vld [tilespmem:s24+$0x0]  }
0x109: {  	v12 =	vld [tilespmem:s26+$0x0]  }
0x10a: {  	v9 =	vld [tilespmem:s26+$0xFFFFFFE0]  }
0x10b: {  	v14 =	vadd.f32 v8, v13;
	v8 =	vld [tilespmem:s24+$0xFFFFFFE0];
	_ =	sdelay $0x1  }
0x10c: {  	v11 =	vadd.f32 v11, v7;
	vm0 =	vgt.f32 v14, $0.0e+00  }
0x10d: {  	v12 =	vadd.f32 v12, v10;
	v15 =	vsel vm0, v5, v6  }
0x10e: {  	vm6 =	vgt.f32 v11, $0.0e+00;
	v14 =	vmul.f32 v15, v14  }
0x10f: {  	vm7 =	vgt.f32 v12, $0.0e+00;
	v15 =	vsel vm6, v5, v6;
	v9 =	vadd.f32 v9, v8  }
0x110: {  	v11 =	vmul.f32 v15, v11;
	v15 =	vsel vm7, v5, v6;
	v16 =	vperm.xlane v14, v1  }
0x111: {  	v12 =	vmul.f32 v15, v12;
	vm1 =	vgt.f32 v9, $0.0e+00  }
0x112: {  	v17 =	vperm.xlane v11, v1;
	v14 =	vadd.f32 v14, v16;
	v16 =	vsel vm1, v5, v6  }
0x113: {  	v9 =	vmul.f32 v16, v9;
	v16 =	vperm.xlane v12, v1  }
0x114: {  	s24 =	simm.s32 $0x8070;
	v11 =	vadd.f32 v11, v17;
	v15 =	vperm.xlane v14, v2  }
0x115: {  	s19 =	simm.s32 $0x7070;
	v18 =	vld [tilespmem:s24+$0x10];
	v17 =	vperm.xlane v9, v1;
	v16 =	vadd.f32 v12, v16  }
0x116: {  	v12 =	vld [tilespmem:s19+$0x10];
	v14 =	vadd.f32 v14, v15;
	v15 =	vperm.xlane v11, v2  }
0x117: {  	v9 =	vadd.f32 v9, v17;
	v19 =	vperm.xlane v16, v2  }
0x118: {  	v17 =	vperm.xlane v14, v3;
	v15 =	vadd.f32 v11, v15;
	v11 =	vld [tilespmem:s19+$0xFFFFFFF0]  }
0x119: {  	v21 =	vperm.xlane v9, v2;
	v16 =	vadd.f32 v16, v19;
	v19 =	vld [tilespmem:s24+$0xFFFFFFF0]  }
0x11a: {  	v20 =	vld [tilespmem:s24+$0xFFFFFFE0];
	v14 =	vadd.f32 v14, v17;
	v17 =	vperm.xlane v15, v3  }
0x11b: {  	v24 =	vld [tilespmem:s24+$0x0];
	v18 =	vadd.f32 v18, v12;
	v21 =	vadd.f32 v9, v21;
	v23 =	vperm.xlane v16, v3  }
0x11c: {  	v22 =	vperm.xlane v14, v4;
	v15 =	vadd.f32 v15, v17;
	v17 =	vld [tilespmem:s19+$0xFFFFFFE0]  }
0x11d: {  	v9 =	vld [tilespmem:s19+$0x0];
	vm8 =	vgt.f32 v18, $0.0e+00;
	v25 =	vperm.xlane v21, v3;
	v16 =	vadd.f32 v16, v23  }
0x11e: {  	v23 =	vsel vm8, v5, v6;
	v14 =	vadd.f32 v14, v22;
	v19 =	vadd.f32 v19, v11  }
0x11f: {  	v22 =	vperm.xlane v15, v4;
	v18 =	vmul.f32 v23, v18;
	v21 =	vadd.f32 v21, v25  }
0x120: {  	v25 =	vperm.xlane v16, v4;
	v14 =	vmul.f32 $1.442695020e+00, v14;
	vm9 =	vgt.f32 v19, $0.0e+00  }
0x121: {  	v15 =	vadd.f32 v15, v22;
	v20 =	vadd.f32 v20, v17;
	v23 =	vsel vm9, v5, v6  }
0x122: {  	(erf) = vpow2.f32 v14;
	v14 =	vadd.f32 v24, v9;
	v24 =	vperm.xlane v18, v1  }
0x123: {  	v26 =	vperm.xlane v21, v4;
	v19 =	vmul.f32 v23, v19;
	vm11 =	vgt.f32 v20, $0.0e+00  }
0x124: {  	vm10 =	vgt.f32 v14, $0.0e+00;
	v18 =	vadd.f32 v18, v24;
	v24 =	vsel vm11, v5, v6  }
0x125: {  	v27 =	vperm.xlane v19, v1;
	v23 =	vsel vm10, v5, v6;
	v20 =	vmul.f32 v24, v20  }
0x126: {  	v16 =	vadd.f32 v16, v25;
	v14 =	vmul.f32 v23, v14;
	v23 =	vperm.xlane v18, v2  }
0x127: {  	s2 =	simm.s32 $0x80B0;
	v21 =	vadd.f32 v21, v26;
	v19 =	vadd.f32 v19, v27;
	v24 =	vperm.xlane v20, v1  }
0x128: {  	v25 =	vld [tilespmem:s2+$0x10];
	v15 =	vmul.f32 $1.442695020e+00, v15;
	v22 =	vperm.xlane v14, v1;
	v18 =	vadd.f32 v18, v23  }
0x129: {  	s26 =	simm.s32 $0x70B0;
	v21 =	vmul.f32 $1.442695020e+00, v21;
	v27 =	vld [tilespmem:s2+$0xFFFFFFE0];
	v23 =	vperm.xlane v19, v2;
	v20 =	vadd.f32 v20, v24  }
0x12a: {  	v16 =	vmul.f32 $1.442695020e+00, v16;
	v22 =	vadd.f32 v14, v22;
	v14 =	vld [tilespmem:s26+$0x10];
	v24 =	vperm.xlane v18, v3  }
0x12b: {  	(erf) = vpow2.f32 v21;
	v21 =	vld [tilespmem:s2+$0xFFFFFFF0];
	v19 =	vadd.f32 v19, v23;
	v28 =	vperm.xlane v20, v2  }
0x12c: {  	(erf) = vpow2.f32 v15;
	v15 =	vld [tilespmem:s26+$0x0];
	v26 =	vpop (erf);
	v23 =	vperm.xlane v22, v2;
	v18 =	vadd.f32 v18, v24  }
0x12d: {  	v24 =	vmul.f32 v26, v13;
	v13 =	vld [tilespmem:s26+$0xFFFFFFF0];
	v29 =	vperm.xlane v19, v3;
	v20 =	vadd.f32 v20, v28  }
0x12e: {  	(erf) = vpow2.f32 v16;
	v16 =	vld [tilespmem:s26+$0xFFFFFFE0];
	v22 =	vadd.f32 v22, v23;
	v23 =	vperm.xlane v18, v4  }
0x12f: {  	v19 =	vadd.f32 v19, v29;
	v29 =	vld [tilespmem:s2+$0x0];
	v25 =	vadd.f32 v25, v14;
	v30 =	vperm.xlane v20, v3  }
0x130: {  	v28 =	vperm.xlane v22, v3;
	v18 =	vadd.f32 v18, v23  }
0x131: {  	v23 =	vperm.xlane v19, v4;
	vm12 =	vgt.f32 v25, $0.0e+00;
	v20 =	vadd.f32 v20, v30  }
0x132: {  	v21 =	vadd.f32 v21, v13;
	v22 =	vadd.f32 v22, v28;
	v18 =	vmul.f32 $1.442695020e+00, v18  }
0x133: {  	v28 =	vsel vm12, v5, v6;
	v31 =	vadd.f32 v19, v23;
	v23 =	vadd.f32 v27, v16  }
0x134: {  	vm13 =	vgt.f32 v21, $0.0e+00;
	(erf) = vpow2.f32 v18;
	v18 =	vadd.f32 v29, v15  }
0x135: {  	v25 =	vmul.f32 v28, v25;
	v19 =	vperm.xlane v20, v4;
	v27 =	vsel vm13, v5, v6  }
0x136: {  	v21 =	vmul.f32 v27, v21;
	vm14 =	vgt.f32 v18, $0.0e+00  }
0x137: {  	s24 =	simm.s32 $0xF030;
	v28 =	vperm.xlane v25, v1;
	v27 =	vadd.f32 v20, v19;
	v19 =	vsel vm14, v5, v6  }
0x138: {  	[tilespmem:s24+$0x10] =	vst v26;
	vm15 =	vgt.f32 v23, $0.0e+00;
	v26 =	vperm.xlane v21, v1;
	v32 =	vmul.f32 v19, v18  }
0x139: {  	v30 =	vperm.xlane v22, v4;
	v20 =	vsel vm15, v5, v6;
	v25 =	vadd.f32 v25, v28  }
0x13a: {  	s26 =	simm.s32 $0x10030;
	v28 =	vmul.f32 v20, v23;
	v23 =	vadd.f32 v21, v26;
	v26 =	vperm.xlane v32, v1  }
0x13b: {  	[tilespmem:s26+$0x10] =	vst v24;
	v22 =	vadd.f32 v22, v30;
	v29 =	vperm.xlane v25, v2;
	v19 =	vpop (erf)  }
0x13c: {  	v24 =	vmul.f32 $1.442695020e+00, v27;
	[tilespmem:s24+$0xFFFFFFE0] =	vst v19;
	v20 =	vpop (erf)  }
0x13d: {  	s30 =	simm.s32 $0x8;
	p1 =	por @!p0 $0x1, $0x1;
	v22 =	vmul.f32 $1.442695020e+00, v22;
	v30 =	vperm.xlane v28, v1;
	v27 =	vadd.f32 v25, v29;
	[tilespmem:s24+$0xFFFFFFF0] =	vst v20;
	v18 =	vpop (erf)  }
0x13e: {  	s29 =	simm.s32 $0x10030;
	p1 =	por @p2 $0x0, $0x0;
	s0 =	simm.s32 $0x70F0;
	v21 =	vmul.f32 $1.442695020e+00, v31;
	v29 =	vperm.xlane v23, v2;
	v25 =	vadd.f32 v32, v26;
	[tilespmem:s24+$0x0] =	vst v18;
	v26 =	vpop (erf)  }
.LBB2_7:
0x13f: {  	v28 =	vadd.f32 v28, v30;
	v30 =	vperm.xlane v27, v3;
	s2 =	sadd.s32 $0x40, s2;
	v31 =	vmul.f32 v26, v12;
	s24 =	sadd.s32 $0x40, s24;
	v12 =	vmovc v14;
	v14 =	vld [tilespmem:s0+$0x10]  }
0x140: {  	s30 =	sadd.s32 $0x4, s30;
	s26 =	sadd.s32 $0x40, s26;
	v32 =	vld [tilespmem:s2+$0x10];
	v23 =	vadd.f32 v23, v29;
	v29 =	vperm.xlane v25, v2;
	[tilespmem:s24+$0x10] =	vst v26;
	(erf) = vpow2.f32 v24  }
0x141: {  	p2 =	slt.u32 s30, $0xFC;
	v24 =	vld [tilespmem:s2+$0xFFFFFFE0];
	v26 =	vperm.xlane v28, v2;
	v27 =	vadd.f32 v27, v30;
	[tilespmem:s26+$0x10] =	vst v31;
	(erf) = vpow2.f32 v21  }
0x142: {  	v21 =	vld [tilespmem:s0+$0xFFFFFFF0];
	v30 =	vperm.xlane v23, v3;
	v25 =	vadd.f32 v25, v29;
	(erf) = vpow2.f32 v22  }
0x143: {  	v19 =	vmul.f32 v19, v8;
	v8 =	vmovc v17;
	v22 =	vld [tilespmem:s2+$0xFFFFFFF0];
	v26 =	vadd.f32 v28, v26;
	v28 =	vperm.xlane v27, v4  }
0x144: {  	v20 =	vmul.f32 v20, v7;
	v7 =	vmovc v11;
	v17 =	vld [tilespmem:s0+$0x0];
	v23 =	vadd.f32 v23, v30;
	v29 =	vperm.xlane v25, v3  }
0x145: {  	v30 =	vld [tilespmem:s2+$0x0];
	v31 =	vadd.f32 v32, v14;
	v33 =	vperm.xlane v26, v3;
	v27 =	vadd.f32 v27, v28;
	[tilespmem:s29+$0xFFFFFFE0] =	vst v19  }
0x146: {  	v10 =	vmul.f32 v18, v10;
	v32 =	vld [tilespmem:s0+$0xFFFFFFE0];
	v28 =	vperm.xlane v23, v4;
	v25 =	vadd.f32 v25, v29;
	[tilespmem:s29+$0xFFFFFFF0] =	vst v20  }
0x147: {  	v11 =	vmovc v13;
	vm0 =	vgt.f32 v31, $0.0e+00;
	v26 =	vadd.f32 v26, v33;
	v18 =	vmul.f32 $1.442695020e+00, v27;
	v13 =	vmovc v21  }
0x148: {  	v21 =	vadd.f32 v22, v13;
	v33 =	vsel vm0, v5, v6;
	v22 =	vperm.xlane v25, v4;
	[tilespmem:s29+$0x0] =	vst v10;
	s29 =	smov.u32 s26  }
0x149: {  	v29 =	vadd.f32 v23, v28;
	v27 =	vmul.f32 v33, v31;
	(erf) = vpow2.f32 v18;
	v19 =	vpop (erf)  }
0x14a: {  	v31 =	vperm.xlane v26, v4;
	vm0 =	vgt.f32 v21, $0.0e+00;
	v23 =	vadd.f32 v30, v17;
	[tilespmem:s24+$0xFFFFFFE0] =	vst v19;
	v20 =	vpop (erf)  }
0x14b: {  	v24 =	vadd.f32 v24, v32;
	v28 =	vsel vm0, v5, v6;
	v30 =	vperm.xlane v27, v1;
	[tilespmem:s24+$0xFFFFFFF0] =	vst v20;
	v18 =	vpop (erf)  }
0x14c: {  	v10 =	vmovc v9;
	v26 =	vadd.f32 v26, v31;
	v21 =	vmul.f32 v28, v21;
	vm0 =	vgt.f32 v23, $0.0e+00;
	[tilespmem:s24+$0x0] =	vst v18  }
0x14d: {  	v9 =	vmovc v15;
	v15 =	vmovc v17;
	vm1 =	vgt.f32 v24, $0.0e+00;
	v28 =	vsel vm0, v5, v6;
	v27 =	vadd.f32 v27, v30  }
.Ltmp2:
0x14e: {  	v17 =	vmovc v16;
	v30 =	vsel vm1, v5, v6;
	v31 =	vperm.xlane v21, v1;
	v33 =	vmul.f32 v28, v23;
	(pc) =	sbr.rel @p2 .LBB2_7-.Ltmp2, $4  }
0x14f: {  	v22 =	vadd.f32 v25, v22;
	v16 =	vmovc v32;
	v28 =	vmul.f32 v30, v24;
	v34 =	vperm.xlane v27, v2  }
0x150: {  	v24 =	vmul.f32 $1.442695020e+00, v26;
	v23 =	vadd.f32 v21, v31;
	v25 =	vperm.xlane v33, v1  }
0x151: {  	v21 =	vmul.f32 $1.442695020e+00, v29;
	v30 =	vperm.xlane v28, v1;
	v27 =	vadd.f32 v27, v34  }
0x152: {  	s0 =	sadd.s32 $0x40, s0;
	v22 =	vmul.f32 $1.442695020e+00, v22;
	v29 =	vperm.xlane v23, v2;
	v25 =	vadd.f32 v33, v25;
	v26 =	vpop (erf)  }
0x153: {  	v28 =	vadd.f32 v28, v30  }
0x154: {  	v30 =	vperm.xlane v27, v3  }
0x155: {  	v31 =	vperm.xlane v28, v2  }
0x156: {  	(erf) = vpow2.f32 v24;
	v27 =	vadd.f32 v27, v30  }
0x157: {  	v23 =	vadd.f32 v23, v29;
	v30 =	vperm.xlane v25, v2;
	v28 =	vadd.f32 v28, v31  }
0x158: {  	(erf) = vpow2.f32 v21;
	v31 =	vperm.xlane v27, v4  }
0x159: {  	v21 =	vperm.xlane v23, v3;
	v24 =	vadd.f32 v25, v30;
	v25 =	vperm.xlane v28, v3  }
0x15a: {  	v12 =	vmul.f32 v26, v12;
	v8 =	vmul.f32 v19, v8;
	v27 =	vadd.f32 v27, v31  }
0x15b: {  	v21 =	vadd.f32 v23, v21;
	v29 =	vperm.xlane v24, v3;
	v25 =	vadd.f32 v28, v25  }
0x15c: {  	(erf) = vpow2.f32 v22;
	v27 =	vmul.f32 $1.442695020e+00, v27  }
0x15d: {  	v22 =	vadd.f32 v24, v29;
	v24 =	vperm.xlane v21, v4;
	v23 =	vperm.xlane v25, v4  }
0x15e: {  	s0 =	sadd.s32 $0x40, s24;
	v7 =	vmul.f32 v20, v7;
	(erf) = vpow2.f32 v27  }
0x15f: {  	[tilespmem:s0+$0x10] =	vst v26;
	v27 =	vperm.xlane v22, v4;
	v19 =	vadd.f32 v21, v24;
	v23 =	vadd.f32 v25, v23  }
0x160: {  	s2 =	sadd.s32 $0x40, s26;
	[tilespmem:s29+$0xFFFFFFE0] =	vst v8;
	v8 =	vmul.f32 v18, v10  }
0x161: {  	[tilespmem:s2+$0x10] =	vst v12;
	v12 =	vadd.f32 v22, v27;
	v10 =	vmul.f32 $1.442695020e+00, v19;
	v20 =	vmul.f32 $1.442695020e+00, v23;
	_ =	sdelay $0x1  }
0x162: {  	[tilespmem:s29+$0xFFFFFFF0] =	vst v7;
	v7 =	vpop (erf);
	v12 =	vmul.f32 $1.442695020e+00, v12;
	(erf) = vpow2.f32 v20  }
0x163: {  	[tilespmem:s29+$0x0] =	vst v8;
	v8 =	vpop (erf);
	(erf) = vpow2.f32 v10  }
0x164: {  	[tilespmem:s0+$0xFFFFFFE0] =	vst v7;
	v7 =	vmul.f32 v7, v17;
	v10 =	vpop (erf);
	(erf) = vpow2.f32 v12  }
0x165: {  	[tilespmem:s0+$0xFFFFFFF0] =	vst v8;
	v8 =	vmul.f32 v8, v11  }
0x166: {  	[tilespmem:s2+$0xFFFFFFE0] =	vst v7  }
0x167: {  	[tilespmem:s2+$0xFFFFFFF0] =	vst v8;
	v7 =	vmul.f32 v10, v9  }
0x168: {  	[tilespmem:s0+$0x0] =	vst v10;
	s0 =	sadd.s32 $0x40, s0;
	v12 =	vpop (erf)  }
0x169: {  	v14 =	vmul.f32 v12, v14;
	[tilespmem:s0+$0x10] =	vst v12  }
0x16a: {  	s19 =	sadd.s32 $0x40, s2;
	[tilespmem:s2+$0x0] =	vst v7  }
0x16b: {  	[tilespmem:s19+$0x10] =	vst v14;
	v7 =	vpop (erf)  }
0x16c: {  	[tilespmem:s0+$0xFFFFFFE0] =	vst v7;
	v8 =	vpop (erf)  }
0x16d: {  	v7 =	vmul.f32 v7, v16;
	[tilespmem:s0+$0xFFFFFFF0] =	vst v8;
	v9 =	vpop (erf)  }
0x16e: {  	v8 =	vmul.f32 v8, v13;
	[tilespmem:s0+$0x0] =	vst v9  }
0x16f: {  	[tilespmem:s19+$0xFFFFFFE0] =	vst v7;
	v7 =	vmul.f32 v9, v15  }
0x170: {  	[tilespmem:s19+$0xFFFFFFF0] =	vst v8  }
0x171: {  	[tilespmem:s19+$0x0] =	vst v7;
	s19 =	sadd.s32 $0x2910, s1  }
0x172: {  	[spmem:s3] =	stream.indirect.scatter.add.f32 [tilespmem:s9], [sflag:$0x6], $0x10, s19, s21, $0xb8;
	[tilespmem:$0x1B410] =	vst v63  }
0x173: {  	_ = 	snop  }
0x174: {  	[spmem:s4] =	stream.indirect.scatter.add.f32 [tilespmem:s11], [sflag:$0x6], $0x10, s19, s21, $0xb8;
	[tilespmem:$0x1B410] =	vst v63  }
0x175: {  	s24 =	sadd.s32 $0x2990, s1  }
0x176: {  	[spmem:s3] =	stream.indirect.scatter.add.f32 [tilespmem:s12], [sflag:$0x6], $0x10, s24, s21, $0xb8;
	[tilespmem:$0x1B410] =	vst v63  }
0x177: {  	_ = 	snop  }
0x178: {  	[spmem:s4] =	stream.indirect.scatter.add.f32 [tilespmem:s13], [sflag:$0x6], $0x10, s24, s21, $0xb8;
	[tilespmem:$0x1B410] =	vst v63  }
0x179: {  	_ =	swait.ge [sflag:s14], $0x800  }
0x17a: {  	[sflag:s14] =	ssyncset.done $0x0  }
0x17b: {  	[sflag:s14] =	ssyncadd.s32 $0xFFFFF800  }
0x17c: {  	_ =	swait.ge [sflag:s14], $0x800  }
0x17d: {  	[sflag:s14] =	ssyncset.done $0x0  }
0x17e: {  	[sflag:s14] =	ssyncadd.s32 $0xFFFFF800  }
0x17f: {  	_ =	swait.ge [sflag:s14], $0x800  }
0x180: {  	[sflag:s14] =	ssyncset.done $0x0  }
0x181: {  	[sflag:s14] =	ssyncadd.s32 $0xFFFFF800  }
0x182: {  	_ =	swait.ge [sflag:s14], $0x800  }
0x183: {  	[sflag:s14] =	ssyncset.done $0x0  }
0x184: {  	s0 =	simm.s32 @!p0 $0x7;
	[sflag:s14] =	ssyncadd.s32 $0xFFFFF800  }
0x185: {  	_ =	swait.ge @!p0 [sflag:s0], $0x800  }
0x186: {  	[sflag:s0] =	ssyncset.done @!p0 $0x0  }
0x187: {  	[sflag:s0] =	ssyncadd.s32 @!p0 $0xFFFFF800  }
0x188: {  	_ =	swait.ge @!p0 [sflag:s0], $0x800  }
0x189: {  	[sflag:s0] =	ssyncset.done @!p0 $0x0  }
0x18a: {  	[sflag:s0] =	ssyncadd.s32 @!p0 $0xFFFFF800  }
0x18b: {  	_ =	swait.ge @!p0 [sflag:s0], $0x800  }
0x18c: {  	[sflag:s0] =	ssyncset.done @!p0 $0x0  }
0x18d: {  	[sflag:s0] =	ssyncadd.s32 @!p0 $0xFFFFF800  }
0x18e: {  	_ =	swait.ge @!p0 [sflag:s0], $0x800  }
0x18f: {  	s2 =	sshll.u32 @!p1 s28, $0xA;
	s19 =	simm.s32 @!p1 $0x80;
	[sflag:s0] =	ssyncset.done @!p0 $0x0  }
0x190: {  	s24 =	simm.s32 @!p1 $0x7010;
	[sflag:s0] =	ssyncadd.s32 @!p0 $0xFFFFF800;
	s0 =	sadd.s32 @!p1 $0x510, s2  }
0x191: {  	[tilespmem:s24], [sflag:$0x2] =	stream.indirect.gather @!p1 [hbm4b:s6+s19], $0x10, s0, s19, $0xb8;
	[tilespmem:$0x1B410] =	vst v63  }
0x192: {  	s0 =	sadd.s32 @!p1 $0x2D10, s2;
	s24 =	simm.s32 @!p1 $0x8010  }
0x193: {  	[tilespmem:s24], [sflag:$0x2] =	stream.indirect.gather @!p1 [hbm4b:s7+s19], $0x10, s0, s19, $0xb8;
	[tilespmem:$0x1B410] =	vst v63  }
0x194: {  	s0 =	sadd.s32 @!p1 $0x590, s2;
	s24 =	simm.s32 @!p1 $0x7810  }
0x195: {  	[tilespmem:s24], [sflag:$0x2] =	stream.indirect.gather @!p1 [hbm4b:s6+s19], $0x10, s0, s19, $0xb8;
	[tilespmem:$0x1B410] =	vst v63  }
0x196: {  	s26 =	simm.s32 $0x9030;
	s0 =	sadd.s32 @!p1 $0x2D90, s2;
	s24 =	simm.s32 @!p1 $0x8810  }
0x197: {  	[tilespmem:s24], [sflag:$0x2] =	stream.indirect.gather @!p1 [hbm4b:s7+s19], $0x10, s0, s19, $0xb8;
	[tilespmem:$0x1B410] =	vst v63  }
0x198: {  	s24 =	simm.s32 $0xA030;
	v13 =	vld [tilespmem:s26+$0x10]  }
0x199: {  	v8 =	vld [tilespmem:s24+$0x10]  }
0x19a: {  	v7 =	vld [tilespmem:s26+$0xFFFFFFF0]  }
0x19b: {  	v11 =	vld [tilespmem:s24+$0xFFFFFFF0]  }
0x19c: {  	v10 =	vld [tilespmem:s26+$0x0]  }
0x19d: {  	v12 =	vld [tilespmem:s24+$0x0]  }
0x19e: {  	v9 =	vld [tilespmem:s24+$0xFFFFFFE0]  }
0x19f: {  	v14 =	vadd.f32 v8, v13;
	v8 =	vld [tilespmem:s26+$0xFFFFFFE0];
	_ =	sdelay $0x1  }
0x1a0: {  	v11 =	vadd.f32 v11, v7;
	vm0 =	vgt.f32 v14, $0.0e+00  }
0x1a1: {  	v12 =	vadd.f32 v12, v10;
	v15 =	vsel vm0, v5, v6  }
0x1a2: {  	vm6 =	vgt.f32 v11, $0.0e+00;
	v14 =	vmul.f32 v15, v14  }
0x1a3: {  	vm7 =	vgt.f32 v12, $0.0e+00;
	v15 =	vsel vm6, v5, v6;
	v9 =	vadd.f32 v9, v8  }
0x1a4: {  	v11 =	vmul.f32 v15, v11;
	v15 =	vsel vm7, v5, v6;
	v16 =	vperm.xlane v14, v1  }
0x1a5: {  	v12 =	vmul.f32 v15, v12;
	vm1 =	vgt.f32 v9, $0.0e+00  }
0x1a6: {  	v17 =	vperm.xlane v11, v1;
	v14 =	vadd.f32 v14, v16;
	v16 =	vsel vm1, v5, v6  }
0x1a7: {  	v9 =	vmul.f32 v16, v9;
	v16 =	vperm.xlane v12, v1  }
0x1a8: {  	s24 =	simm.s32 $0xA070;
	v11 =	vadd.f32 v11, v17;
	v15 =	vperm.xlane v14, v2  }
0x1a9: {  	v18 =	vld [tilespmem:s24+$0x10];
	s26 =	simm.s32 $0x9070;
	v17 =	vperm.xlane v9, v1;
	v16 =	vadd.f32 v12, v16  }
0x1aa: {  	v12 =	vld [tilespmem:s26+$0x10];
	v14 =	vadd.f32 v14, v15;
	v15 =	vperm.xlane v11, v2  }
0x1ab: {  	v9 =	vadd.f32 v9, v17;
	v19 =	vperm.xlane v16, v2  }
0x1ac: {  	v17 =	vperm.xlane v14, v3;
	v15 =	vadd.f32 v11, v15;
	v11 =	vld [tilespmem:s26+$0xFFFFFFF0]  }
0x1ad: {  	v21 =	vperm.xlane v9, v2;
	v16 =	vadd.f32 v16, v19;
	v19 =	vld [tilespmem:s24+$0xFFFFFFF0]  }
0x1ae: {  	v20 =	vld [tilespmem:s24+$0xFFFFFFE0];
	v14 =	vadd.f32 v14, v17;
	v17 =	vperm.xlane v15, v3  }
0x1af: {  	v24 =	vld [tilespmem:s24+$0x0];
	v18 =	vadd.f32 v18, v12;
	v21 =	vadd.f32 v9, v21;
	v23 =	vperm.xlane v16, v3  }
0x1b0: {  	v22 =	vperm.xlane v14, v4;
	v15 =	vadd.f32 v15, v17;
	v17 =	vld [tilespmem:s26+$0xFFFFFFE0]  }
0x1b1: {  	v9 =	vld [tilespmem:s26+$0x0];
	vm8 =	vgt.f32 v18, $0.0e+00;
	v25 =	vperm.xlane v21, v3;
	v16 =	vadd.f32 v16, v23  }
0x1b2: {  	v23 =	vsel vm8, v5, v6;
	v14 =	vadd.f32 v14, v22;
	v19 =	vadd.f32 v19, v11  }
0x1b3: {  	v22 =	vperm.xlane v15, v4;
	v18 =	vmul.f32 v23, v18;
	v21 =	vadd.f32 v21, v25  }
0x1b4: {  	v25 =	vperm.xlane v16, v4;
	v14 =	vmul.f32 $1.442695020e+00, v14;
	vm9 =	vgt.f32 v19, $0.0e+00  }
0x1b5: {  	v15 =	vadd.f32 v15, v22;
	v20 =	vadd.f32 v20, v17;
	v23 =	vsel vm9, v5, v6  }
0x1b6: {  	(erf) = vpow2.f32 v14;
	v14 =	vadd.f32 v24, v9;
	v24 =	vperm.xlane v18, v1  }
0x1b7: {  	v26 =	vperm.xlane v21, v4;
	v19 =	vmul.f32 v23, v19;
	vm11 =	vgt.f32 v20, $0.0e+00  }
0x1b8: {  	vm10 =	vgt.f32 v14, $0.0e+00;
	v18 =	vadd.f32 v18, v24;
	v24 =	vsel vm11, v5, v6  }
0x1b9: {  	v27 =	vperm.xlane v19, v1;
	v23 =	vsel vm10, v5, v6;
	v20 =	vmul.f32 v24, v20  }
0x1ba: {  	v16 =	vadd.f32 v16, v25;
	v14 =	vmul.f32 v23, v14;
	v23 =	vperm.xlane v18, v2  }
0x1bb: {  	s24 =	simm.s32 $0xA0B0;
	v21 =	vadd.f32 v21, v26;
	v19 =	vadd.f32 v19, v27;
	v24 =	vperm.xlane v20, v1  }
0x1bc: {  	v25 =	vld [tilespmem:s24+$0x10];
	v15 =	vmul.f32 $1.442695020e+00, v15;
	v22 =	vperm.xlane v14, v1;
	v18 =	vadd.f32 v18, v23  }
0x1bd: {  	s26 =	simm.s32 $0x90B0;
	v21 =	vmul.f32 $1.442695020e+00, v21;
	v27 =	vld [tilespmem:s24+$0xFFFFFFE0];
	v23 =	vperm.xlane v19, v2;
	v20 =	vadd.f32 v20, v24  }
0x1be: {  	v16 =	vmul.f32 $1.442695020e+00, v16;
	v22 =	vadd.f32 v14, v22;
	v14 =	vld [tilespmem:s26+$0x10];
	v24 =	vperm.xlane v18, v3  }
0x1bf: {  	(erf) = vpow2.f32 v21;
	v21 =	vld [tilespmem:s24+$0xFFFFFFF0];
	v19 =	vadd.f32 v19, v23;
	v28 =	vperm.xlane v20, v2  }
0x1c0: {  	(erf) = vpow2.f32 v15;
	v15 =	vld [tilespmem:s26+$0x0];
	v26 =	vpop (erf);
	v23 =	vperm.xlane v22, v2;
	v18 =	vadd.f32 v18, v24  }
0x1c1: {  	v24 =	vmul.f32 v26, v13;
	v13 =	vld [tilespmem:s26+$0xFFFFFFF0];
	v29 =	vperm.xlane v19, v3;
	v20 =	vadd.f32 v20, v28  }
0x1c2: {  	(erf) = vpow2.f32 v16;
	v16 =	vld [tilespmem:s26+$0xFFFFFFE0];
	v22 =	vadd.f32 v22, v23;
	v23 =	vperm.xlane v18, v4  }
0x1c3: {  	v19 =	vadd.f32 v19, v29;
	v29 =	vld [tilespmem:s24+$0x0];
	v25 =	vadd.f32 v25, v14;
	v30 =	vperm.xlane v20, v3  }
0x1c4: {  	v28 =	vperm.xlane v22, v3;
	v18 =	vadd.f32 v18, v23  }
0x1c5: {  	v23 =	vperm.xlane v19, v4;
	vm12 =	vgt.f32 v25, $0.0e+00;
	v20 =	vadd.f32 v20, v30  }
0x1c6: {  	v21 =	vadd.f32 v21, v13;
	v22 =	vadd.f32 v22, v28;
	v18 =	vmul.f32 $1.442695020e+00, v18  }
0x1c7: {  	v28 =	vsel vm12, v5, v6;
	v31 =	vadd.f32 v19, v23;
	v23 =	vadd.f32 v27, v16  }
0x1c8: {  	vm13 =	vgt.f32 v21, $0.0e+00;
	(erf) = vpow2.f32 v18;
	v18 =	vadd.f32 v29, v15  }
0x1c9: {  	v25 =	vmul.f32 v28, v25;
	v19 =	vperm.xlane v20, v4;
	v27 =	vsel vm13, v5, v6  }
0x1ca: {  	v21 =	vmul.f32 v27, v21;
	vm14 =	vgt.f32 v18, $0.0e+00  }
0x1cb: {  	s26 =	simm.s32 $0x11030;
	v28 =	vperm.xlane v25, v1;
	v27 =	vadd.f32 v20, v19;
	v19 =	vsel vm14, v5, v6  }
0x1cc: {  	[tilespmem:s26+$0x10] =	vst v26;
	vm15 =	vgt.f32 v23, $0.0e+00;
	v26 =	vperm.xlane v21, v1;
	v32 =	vmul.f32 v19, v18  }
0x1cd: {  	v30 =	vperm.xlane v22, v4;
	v20 =	vsel vm15, v5, v6;
	v25 =	vadd.f32 v25, v28  }
0x1ce: {  	s29 =	simm.s32 $0x12030;
	v28 =	vmul.f32 v20, v23;
	v23 =	vadd.f32 v21, v26;
	v26 =	vperm.xlane v32, v1  }
0x1cf: {  	[tilespmem:s29+$0x10] =	vst v24;
	v22 =	vadd.f32 v22, v30;
	v29 =	vperm.xlane v25, v2;
	v19 =	vpop (erf)  }
0x1d0: {  	v24 =	vmul.f32 $1.442695020e+00, v27;
	[tilespmem:s26+$0xFFFFFFE0] =	vst v19;
	v20 =	vpop (erf)  }
0x1d1: {  	v22 =	vmul.f32 $1.442695020e+00, v22;
	v30 =	vperm.xlane v28, v1;
	v27 =	vadd.f32 v25, v29;
	[tilespmem:s26+$0xFFFFFFF0] =	vst v20;
	v18 =	vpop (erf)  }
0x1d2: {  	s30 =	simm.s32 $0x12030;
	s0 =	simm.s32 $0x8;
	s19 =	simm.s32 $0x90F0;
	v21 =	vmul.f32 $1.442695020e+00, v31;
	v29 =	vperm.xlane v23, v2;
	v25 =	vadd.f32 v32, v26;
	[tilespmem:s26+$0x0] =	vst v18;
	v26 =	vpop (erf)  }
.LBB2_9:
0x1d3: {  	v28 =	vadd.f32 v28, v30;
	v30 =	vperm.xlane v27, v3;
	s24 =	sadd.s32 $0x40, s24;
	v31 =	vmul.f32 v26, v12;
	s26 =	sadd.s32 $0x40, s26;
	v12 =	vmovc v14;
	v14 =	vld [tilespmem:s19+$0x10]  }
0x1d4: {  	s0 =	sadd.s32 $0x4, s0;
	s29 =	sadd.s32 $0x40, s29;
	v32 =	vld [tilespmem:s24+$0x10];
	v23 =	vadd.f32 v23, v29;
	v29 =	vperm.xlane v25, v2;
	[tilespmem:s26+$0x10] =	vst v26;
	(erf) = vpow2.f32 v24  }
0x1d5: {  	p2 =	slt.u32 s0, $0xFC;
	v24 =	vld [tilespmem:s24+$0xFFFFFFE0];
	v26 =	vperm.xlane v28, v2;
	v27 =	vadd.f32 v27, v30;
	[tilespmem:s29+$0x10] =	vst v31;
	(erf) = vpow2.f32 v21  }
0x1d6: {  	v21 =	vld [tilespmem:s19+$0xFFFFFFF0];
	v30 =	vperm.xlane v23, v3;
	v25 =	vadd.f32 v25, v29;
	(erf) = vpow2.f32 v22  }
0x1d7: {  	v19 =	vmul.f32 v19, v8;
	v8 =	vmovc v17;
	v22 =	vld [tilespmem:s24+$0xFFFFFFF0];
	v26 =	vadd.f32 v28, v26;
	v28 =	vperm.xlane v27, v4  }
0x1d8: {  	v20 =	vmul.f32 v20, v7;
	v7 =	vmovc v11;
	v17 =	vld [tilespmem:s19+$0x0];
	v23 =	vadd.f32 v23, v30;
	v29 =	vperm.xlane v25, v3  }
0x1d9: {  	v30 =	vld [tilespmem:s24+$0x0];
	v31 =	vadd.f32 v32, v14;
	v33 =	vperm.xlane v26, v3;
	v27 =	vadd.f32 v27, v28;
	[tilespmem:s30+$0xFFFFFFE0] =	vst v19  }
0x1da: {  	v10 =	vmul.f32 v18, v10;
	v32 =	vld [tilespmem:s19+$0xFFFFFFE0];
	v28 =	vperm.xlane v23, v4;
	v25 =	vadd.f32 v25, v29;
	[tilespmem:s30+$0xFFFFFFF0] =	vst v20  }
0x1db: {  	v11 =	vmovc v13;
	vm0 =	vgt.f32 v31, $0.0e+00;
	v26 =	vadd.f32 v26, v33;
	v18 =	vmul.f32 $1.442695020e+00, v27;
	v13 =	vmovc v21  }
0x1dc: {  	v21 =	vadd.f32 v22, v13;
	v33 =	vsel vm0, v5, v6;
	v22 =	vperm.xlane v25, v4;
	[tilespmem:s30+$0x0] =	vst v10;
	s30 =	smov.u32 s29  }
0x1dd: {  	v29 =	vadd.f32 v23, v28;
	v27 =	vmul.f32 v33, v31;
	(erf) = vpow2.f32 v18;
	v19 =	vpop (erf)  }
0x1de: {  	v31 =	vperm.xlane v26, v4;
	vm0 =	vgt.f32 v21, $0.0e+00;
	v23 =	vadd.f32 v30, v17;
	[tilespmem:s26+$0xFFFFFFE0] =	vst v19;
	v20 =	vpop (erf)  }
0x1df: {  	v24 =	vadd.f32 v24, v32;
	v28 =	vsel vm0, v5, v6;
	v30 =	vperm.xlane v27, v1;
	[tilespmem:s26+$0xFFFFFFF0] =	vst v20;
	v18 =	vpop (erf)  }
0x1e0: {  	v10 =	vmovc v9;
	v26 =	vadd.f32 v26, v31;
	v21 =	vmul.f32 v28, v21;
	vm0 =	vgt.f32 v23, $0.0e+00;
	[tilespmem:s26+$0x0] =	vst v18  }
0x1e1: {  	v9 =	vmovc v15;
	v15 =	vmovc v17;
	vm1 =	vgt.f32 v24, $0.0e+00;
	v28 =	vsel vm0, v5, v6;
	v27 =	vadd.f32 v27, v30  }
.Ltmp3:
0x1e2: {  	v17 =	vmovc v16;
	v30 =	vsel vm1, v5, v6;
	v31 =	vperm.xlane v21, v1;
	v33 =	vmul.f32 v28, v23;
	(pc) =	sbr.rel @p2 .LBB2_9-.Ltmp3, $4  }
0x1e3: {  	v22 =	vadd.f32 v25, v22;
	v16 =	vmovc v32;
	v28 =	vmul.f32 v30, v24;
	v34 =	vperm.xlane v27, v2  }
0x1e4: {  	v24 =	vmul.f32 $1.442695020e+00, v26;
	v23 =	vadd.f32 v21, v31;
	v25 =	vperm.xlane v33, v1  }
0x1e5: {  	v21 =	vmul.f32 $1.442695020e+00, v29;
	v30 =	vperm.xlane v28, v1;
	v27 =	vadd.f32 v27, v34  }
0x1e6: {  	s19 =	sadd.s32 $0x40, s19;
	v22 =	vmul.f32 $1.442695020e+00, v22;
	v29 =	vperm.xlane v23, v2;
	v25 =	vadd.f32 v33, v25;
	v26 =	vpop (erf)  }
0x1e7: {  	v28 =	vadd.f32 v28, v30  }
0x1e8: {  	v30 =	vperm.xlane v27, v3  }
0x1e9: {  	v31 =	vperm.xlane v28, v2  }
0x1ea: {  	(erf) = vpow2.f32 v24;
	v27 =	vadd.f32 v27, v30  }
0x1eb: {  	v23 =	vadd.f32 v23, v29;
	v30 =	vperm.xlane v25, v2;
	v28 =	vadd.f32 v28, v31  }
0x1ec: {  	(erf) = vpow2.f32 v21;
	v31 =	vperm.xlane v27, v4  }
0x1ed: {  	v21 =	vperm.xlane v23, v3;
	v24 =	vadd.f32 v25, v30;
	v25 =	vperm.xlane v28, v3  }
0x1ee: {  	v12 =	vmul.f32 v26, v12;
	v8 =	vmul.f32 v19, v8;
	v27 =	vadd.f32 v27, v31  }
0x1ef: {  	v21 =	vadd.f32 v23, v21;
	v29 =	vperm.xlane v24, v3;
	v25 =	vadd.f32 v28, v25  }
0x1f0: {  	(erf) = vpow2.f32 v22;
	v27 =	vmul.f32 $1.442695020e+00, v27  }
0x1f1: {  	v22 =	vadd.f32 v24, v29;
	v24 =	vperm.xlane v21, v4;
	v23 =	vperm.xlane v25, v4  }
0x1f2: {  	s0 =	sadd.s32 $0x40, s26;
	v7 =	vmul.f32 v20, v7;
	(erf) = vpow2.f32 v27  }
0x1f3: {  	[tilespmem:s0+$0x10] =	vst v26;
	v27 =	vperm.xlane v22, v4;
	v19 =	vadd.f32 v21, v24;
	v23 =	vadd.f32 v25, v23  }
0x1f4: {  	s19 =	sadd.s32 $0x40, s29;
	[tilespmem:s30+$0xFFFFFFE0] =	vst v8;
	v8 =	vmul.f32 v18, v10  }
0x1f5: {  	[tilespmem:s19+$0x10] =	vst v12;
	v12 =	vadd.f32 v22, v27;
	v10 =	vmul.f32 $1.442695020e+00, v19;
	v20 =	vmul.f32 $1.442695020e+00, v23;
	_ =	sdelay $0x1  }
0x1f6: {  	[tilespmem:s30+$0xFFFFFFF0] =	vst v7;
	v7 =	vpop (erf);
	v12 =	vmul.f32 $1.442695020e+00, v12;
	(erf) = vpow2.f32 v20  }
0x1f7: {  	[tilespmem:s30+$0x0] =	vst v8;
	v8 =	vpop (erf);
	(erf) = vpow2.f32 v10  }
0x1f8: {  	[tilespmem:s0+$0xFFFFFFE0] =	vst v7;
	v7 =	vmul.f32 v7, v17;
	v10 =	vpop (erf);
	(erf) = vpow2.f32 v12  }
0x1f9: {  	[tilespmem:s0+$0xFFFFFFF0] =	vst v8;
	v8 =	vmul.f32 v8, v11  }
0x1fa: {  	[tilespmem:s19+$0xFFFFFFE0] =	vst v7  }
0x1fb: {  	[tilespmem:s19+$0xFFFFFFF0] =	vst v8;
	v7 =	vmul.f32 v10, v9  }
0x1fc: {  	[tilespmem:s0+$0x0] =	vst v10;
	s0 =	sadd.s32 $0x40, s0;
	v12 =	vpop (erf)  }
0x1fd: {  	v14 =	vmul.f32 v12, v14;
	[tilespmem:s0+$0x10] =	vst v12  }
0x1fe: {  	s24 =	sadd.s32 $0x40, s19;
	[tilespmem:s19+$0x0] =	vst v7  }
0x1ff: {  	[tilespmem:s24+$0x10] =	vst v14;
	v7 =	vpop (erf)  }
0x200: {  	[tilespmem:s0+$0xFFFFFFE0] =	vst v7;
	v8 =	vpop (erf)  }
0x201: {  	v7 =	vmul.f32 v7, v16;
	[tilespmem:s0+$0xFFFFFFF0] =	vst v8;
	v9 =	vpop (erf)  }
0x202: {  	v8 =	vmul.f32 v8, v13;
	[tilespmem:s0+$0x0] =	vst v9  }
0x203: {  	[tilespmem:s24+$0xFFFFFFE0] =	vst v7;
	v7 =	vmul.f32 v9, v15  }
0x204: {  	[tilespmem:s24+$0xFFFFFFF0] =	vst v8  }
0x205: {  	s30 =	sadd.s32 $0x2A10, s1;
	[tilespmem:s24+$0x0] =	vst v7  }
0x206: {  	[spmem:s3] =	stream.indirect.scatter.add.f32 [tilespmem:s15], [sflag:$0x7], $0x10, s30, s21, $0xb8;
	[tilespmem:$0x1B410] =	vst v63  }
0x207: {  	_ = 	snop  }
0x208: {  	[spmem:s4] =	stream.indirect.scatter.add.f32 [tilespmem:s16], [sflag:$0x7], $0x10, s30, s21, $0xb8;
	[tilespmem:$0x1B410] =	vst v63  }
0x209: {  	s1 =	sadd.s32 $0x2A90, s1  }
0x20a: {  	[spmem:s3] =	stream.indirect.scatter.add.f32 [tilespmem:s17], [sflag:$0x7], $0x10, s1, s21, $0xb8;
	[tilespmem:$0x1B410] =	vst v63  }
0x20b: {  	_ = 	snop  }
0x20c: {  	[spmem:s4] =	stream.indirect.scatter.add.f32 [tilespmem:s8], [sflag:$0x7], $0x10, s1, s21, $0xb8;
	[tilespmem:$0x1B410] =	vst v63  }
0x20d: {  	_ =	swait.ge [sflag:s10], $0x800  }
0x20e: {  	[sflag:s10] =	ssyncset.done $0x0  }
0x20f: {  	[sflag:s10] =	ssyncadd.s32 $0xFFFFF800  }
0x210: {  	_ =	swait.ge [sflag:s10], $0x800  }
0x211: {  	[sflag:s10] =	ssyncset.done $0x0  }
0x212: {  	[sflag:s10] =	ssyncadd.s32 $0xFFFFF800  }
0x213: {  	_ =	swait.ge [sflag:s10], $0x800  }
0x214: {  	[sflag:s10] =	ssyncset.done $0x0  }
0x215: {  	[sflag:s10] =	ssyncadd.s32 $0xFFFFF800  }
0x216: {  	_ =	swait.ge [sflag:s10], $0x800  }
0x217: {  	[sflag:s10] =	ssyncset.done $0x0  }
0x218: {  	s0 =	simm.s32 @!p0 $0x8;
	[sflag:s10] =	ssyncadd.s32 $0xFFFFF800  }
0x219: {  	_ =	swait.ge @!p0 [sflag:s0], $0x800  }
0x21a: {  	[sflag:s0] =	ssyncset.done @!p0 $0x0  }
0x21b: {  	[sflag:s0] =	ssyncadd.s32 @!p0 $0xFFFFF800  }
0x21c: {  	_ =	swait.ge @!p0 [sflag:s0], $0x800  }
0x21d: {  	[sflag:s0] =	ssyncset.done @!p0 $0x0  }
0x21e: {  	[sflag:s0] =	ssyncadd.s32 @!p0 $0xFFFFF800  }
0x21f: {  	_ =	swait.ge @!p0 [sflag:s0], $0x800  }
0x220: {  	[sflag:s0] =	ssyncset.done @!p0 $0x0  }
0x221: {  	[sflag:s0] =	ssyncadd.s32 @!p0 $0xFFFFF800  }
0x222: {  	_ =	swait.ge @!p0 [sflag:s0], $0x800  }
0x223: {  	s19 =	simm.s32 @!p1 $0x9010;
	[sflag:s0] =	ssyncset.done @!p0 $0x0  }
0x224: {  	s1 =	simm.s32 @!p1 $0x80;
	[sflag:s0] =	ssyncadd.s32 @!p0 $0xFFFFF800;
	s0 =	sadd.s32 @!p1 $0x610, s2  }
0x225: {  	[tilespmem:s19], [sflag:$0x3] =	stream.indirect.gather @!p1 [hbm4b:s6+s1], $0x10, s0, s1, $0xb8;
	[tilespmem:$0x1B410] =	vst v63  }
0x226: {  	s0 =	sadd.s32 @!p1 $0x2E10, s2;
	s19 =	simm.s32 @!p1 $0xA010  }
0x227: {  	[tilespmem:s19], [sflag:$0x3] =	stream.indirect.gather @!p1 [hbm4b:s7+s1], $0x10, s0, s1, $0xb8;
	[tilespmem:$0x1B410] =	vst v63  }
0x228: {  	s0 =	sadd.s32 @!p1 $0x690, s2;
	s19 =	simm.s32 @!p1 $0x9810  }
0x229: {  	[tilespmem:s19], [sflag:$0x3] =	stream.indirect.gather @!p1 [hbm4b:s6+s1], $0x10, s0, s1, $0xb8;
	[tilespmem:$0x1B410] =	vst v63  }
0x22a: {  	s0 =	sadd.s32 @!p1 $0x2E90, s2;
	s2 =	simm.s32 @!p1 $0xA810;
	s19 =	simm.s32 $0xB030  }
0x22b: {  	[tilespmem:s2], [sflag:$0x3] =	stream.indirect.gather @!p1 [hbm4b:s7+s1], $0x10, s0, s1, $0xb8;
	[tilespmem:$0x1B410] =	vst v63  }
0x22c: {  	s24 =	simm.s32 $0xC030;
	v13 =	vld [tilespmem:s19+$0x10]  }
0x22d: {  	v8 =	vld [tilespmem:s24+$0x10]  }
0x22e: {  	v7 =	vld [tilespmem:s19+$0xFFFFFFF0]  }
0x22f: {  	v11 =	vld [tilespmem:s24+$0xFFFFFFF0]  }
0x230: {  	v10 =	vld [tilespmem:s19+$0x0]  }
0x231: {  	v12 =	vld [tilespmem:s24+$0x0]  }
0x232: {  	v9 =	vld [tilespmem:s24+$0xFFFFFFE0]  }
0x233: {  	v14 =	vadd.f32 v8, v13;
	v8 =	vld [tilespmem:s19+$0xFFFFFFE0];
	_ =	sdelay $0x1  }
0x234: {  	v11 =	vadd.f32 v11, v7;
	vm0 =	vgt.f32 v14, $0.0e+00  }
0x235: {  	v12 =	vadd.f32 v12, v10;
	v15 =	vsel vm0, v5, v6  }
0x236: {  	vm6 =	vgt.f32 v11, $0.0e+00;
	v14 =	vmul.f32 v15, v14  }
0x237: {  	vm7 =	vgt.f32 v12, $0.0e+00;
	v15 =	vsel vm6, v5, v6;
	v9 =	vadd.f32 v9, v8  }
0x238: {  	v11 =	vmul.f32 v15, v11;
	v15 =	vsel vm7, v5, v6;
	v16 =	vperm.xlane v14, v1  }
0x239: {  	v12 =	vmul.f32 v15, v12;
	vm1 =	vgt.f32 v9, $0.0e+00  }
0x23a: {  	v17 =	vperm.xlane v11, v1;
	v14 =	vadd.f32 v14, v16;
	v16 =	vsel vm1, v5, v6  }
0x23b: {  	v9 =	vmul.f32 v16, v9;
	v16 =	vperm.xlane v12, v1  }
0x23c: {  	s29 =	simm.s32 $0xC070;
	v11 =	vadd.f32 v11, v17;
	v15 =	vperm.xlane v14, v2  }
0x23d: {  	s26 =	simm.s32 $0xB070;
	v18 =	vld [tilespmem:s29+$0x10];
	v17 =	vperm.xlane v9, v1;
	v16 =	vadd.f32 v12, v16  }
0x23e: {  	v12 =	vld [tilespmem:s26+$0x10];
	v14 =	vadd.f32 v14, v15;
	v15 =	vperm.xlane v11, v2  }
0x23f: {  	v9 =	vadd.f32 v9, v17;
	v19 =	vperm.xlane v16, v2  }
0x240: {  	v17 =	vperm.xlane v14, v3;
	v15 =	vadd.f32 v11, v15;
	v11 =	vld [tilespmem:s26+$0xFFFFFFF0]  }
0x241: {  	v21 =	vperm.xlane v9, v2;
	v16 =	vadd.f32 v16, v19;
	v19 =	vld [tilespmem:s29+$0xFFFFFFF0]  }
0x242: {  	v20 =	vld [tilespmem:s29+$0xFFFFFFE0];
	v14 =	vadd.f32 v14, v17;
	v17 =	vperm.xlane v15, v3  }
0x243: {  	v24 =	vld [tilespmem:s29+$0x0];
	v18 =	vadd.f32 v18, v12;
	v21 =	vadd.f32 v9, v21;
	v23 =	vperm.xlane v16, v3  }
0x244: {  	v22 =	vperm.xlane v14, v4;
	v15 =	vadd.f32 v15, v17;
	v17 =	vld [tilespmem:s26+$0xFFFFFFE0]  }
0x245: {  	v9 =	vld [tilespmem:s26+$0x0];
	vm8 =	vgt.f32 v18, $0.0e+00;
	v25 =	vperm.xlane v21, v3;
	v16 =	vadd.f32 v16, v23  }
0x246: {  	v23 =	vsel vm8, v5, v6;
	v14 =	vadd.f32 v14, v22;
	v19 =	vadd.f32 v19, v11  }
0x247: {  	v22 =	vperm.xlane v15, v4;
	v18 =	vmul.f32 v23, v18;
	v21 =	vadd.f32 v21, v25  }
0x248: {  	v25 =	vperm.xlane v16, v4;
	v14 =	vmul.f32 $1.442695020e+00, v14;
	vm9 =	vgt.f32 v19, $0.0e+00  }
0x249: {  	v15 =	vadd.f32 v15, v22;
	v20 =	vadd.f32 v20, v17;
	v23 =	vsel vm9, v5, v6  }
0x24a: {  	(erf) = vpow2.f32 v14;
	v14 =	vadd.f32 v24, v9;
	v24 =	vperm.xlane v18, v1  }
0x24b: {  	v26 =	vperm.xlane v21, v4;
	v19 =	vmul.f32 v23, v19;
	vm11 =	vgt.f32 v20, $0.0e+00  }
0x24c: {  	vm10 =	vgt.f32 v14, $0.0e+00;
	v18 =	vadd.f32 v18, v24;
	v24 =	vsel vm11, v5, v6  }
0x24d: {  	v27 =	vperm.xlane v19, v1;
	v23 =	vsel vm10, v5, v6;
	v20 =	vmul.f32 v24, v20  }
0x24e: {  	v16 =	vadd.f32 v16, v25;
	v14 =	vmul.f32 v23, v14;
	v23 =	vperm.xlane v18, v2  }
0x24f: {  	s1 =	simm.s32 $0xC0B0;
	v21 =	vadd.f32 v21, v26;
	v19 =	vadd.f32 v19, v27;
	v24 =	vperm.xlane v20, v1  }
0x250: {  	v25 =	vld [tilespmem:s1+$0x10];
	v15 =	vmul.f32 $1.442695020e+00, v15;
	v22 =	vperm.xlane v14, v1;
	v18 =	vadd.f32 v18, v23  }
0x251: {  	s30 =	simm.s32 $0xB0B0;
	v21 =	vmul.f32 $1.442695020e+00, v21;
	v27 =	vld [tilespmem:s1+$0xFFFFFFE0];
	v23 =	vperm.xlane v19, v2;
	v20 =	vadd.f32 v20, v24  }
0x252: {  	v16 =	vmul.f32 $1.442695020e+00, v16;
	v22 =	vadd.f32 v14, v22;
	v14 =	vld [tilespmem:s30+$0x10];
	v24 =	vperm.xlane v18, v3  }
0x253: {  	(erf) = vpow2.f32 v21;
	v21 =	vld [tilespmem:s1+$0xFFFFFFF0];
	v19 =	vadd.f32 v19, v23;
	v28 =	vperm.xlane v20, v2  }
0x254: {  	(erf) = vpow2.f32 v15;
	v15 =	vld [tilespmem:s30+$0x0];
	v26 =	vpop (erf);
	v23 =	vperm.xlane v22, v2;
	v18 =	vadd.f32 v18, v24  }
0x255: {  	v24 =	vmul.f32 v26, v13;
	v13 =	vld [tilespmem:s30+$0xFFFFFFF0];
	v29 =	vperm.xlane v19, v3;
	v20 =	vadd.f32 v20, v28  }
0x256: {  	(erf) = vpow2.f32 v16;
	v16 =	vld [tilespmem:s30+$0xFFFFFFE0];
	v22 =	vadd.f32 v22, v23;
	v23 =	vperm.xlane v18, v4  }
0x257: {  	v19 =	vadd.f32 v19, v29;
	v29 =	vld [tilespmem:s1+$0x0];
	v25 =	vadd.f32 v25, v14;
	v30 =	vperm.xlane v20, v3  }
0x258: {  	v28 =	vperm.xlane v22, v3;
	v18 =	vadd.f32 v18, v23  }
0x259: {  	v23 =	vperm.xlane v19, v4;
	vm12 =	vgt.f32 v25, $0.0e+00;
	v20 =	vadd.f32 v20, v30  }
0x25a: {  	v21 =	vadd.f32 v21, v13;
	v22 =	vadd.f32 v22, v28;
	v18 =	vmul.f32 $1.442695020e+00, v18  }
0x25b: {  	v28 =	vsel vm12, v5, v6;
	v31 =	vadd.f32 v19, v23;
	v23 =	vadd.f32 v27, v16  }
0x25c: {  	vm13 =	vgt.f32 v21, $0.0e+00;
	(erf) = vpow2.f32 v18;
	v18 =	vadd.f32 v29, v15  }
0x25d: {  	v25 =	vmul.f32 v28, v25;
	v19 =	vperm.xlane v20, v4;
	v27 =	vsel vm13, v5, v6  }
0x25e: {  	v21 =	vmul.f32 v27, v21;
	vm14 =	vgt.f32 v18, $0.0e+00  }
0x25f: {  	s2 =	simm.s32 $0x13030;
	v28 =	vperm.xlane v25, v1;
	v27 =	vadd.f32 v20, v19;
	v19 =	vsel vm14, v5, v6  }
0x260: {  	[tilespmem:s2+$0x10] =	vst v26;
	vm15 =	vgt.f32 v23, $0.0e+00;
	v26 =	vperm.xlane v21, v1;
	v32 =	vmul.f32 v19, v18  }
0x261: {  	v30 =	vperm.xlane v22, v4;
	v20 =	vsel vm15, v5, v6;
	v25 =	vadd.f32 v25, v28  }
0x262: {  	s24 =	simm.s32 $0x14030;
	v28 =	vmul.f32 v20, v23;
	v23 =	vadd.f32 v21, v26;
	v26 =	vperm.xlane v32, v1  }
0x263: {  	[tilespmem:s24+$0x10] =	vst v24;
	v22 =	vadd.f32 v22, v30;
	v29 =	vperm.xlane v25, v2;
	v19 =	vpop (erf)  }
0x264: {  	v24 =	vmul.f32 $1.442695020e+00, v27;
	[tilespmem:s2+$0xFFFFFFE0] =	vst v19;
	v20 =	vpop (erf)  }
0x265: {  	v22 =	vmul.f32 $1.442695020e+00, v22;
	v30 =	vperm.xlane v28, v1;
	v27 =	vadd.f32 v25, v29;
	[tilespmem:s2+$0xFFFFFFF0] =	vst v20;
	v18 =	vpop (erf)  }
0x266: {  	s0 =	simm.s32 $0x8;
	s19 =	simm.s32 $0xB0F0;
	s26 =	simm.s32 $0x14030;
	v21 =	vmul.f32 $1.442695020e+00, v31;
	v29 =	vperm.xlane v23, v2;
	v25 =	vadd.f32 v32, v26;
	[tilespmem:s2+$0x0] =	vst v18;
	v26 =	vpop (erf)  }
.LBB2_11:
0x267: {  	v28 =	vadd.f32 v28, v30;
	v30 =	vperm.xlane v27, v3;
	s1 =	sadd.s32 $0x40, s1;
	v31 =	vmul.f32 v26, v12;
	s2 =	sadd.s32 $0x40, s2;
	v12 =	vmovc v14;
	v14 =	vld [tilespmem:s19+$0x10]  }
0x268: {  	s0 =	sadd.s32 $0x4, s0;
	s24 =	sadd.s32 $0x40, s24;
	v32 =	vld [tilespmem:s1+$0x10];
	v23 =	vadd.f32 v23, v29;
	v29 =	vperm.xlane v25, v2;
	[tilespmem:s2+$0x10] =	vst v26;
	(erf) = vpow2.f32 v24  }
0x269: {  	p0 =	slt.u32 s0, $0xFC;
	v24 =	vld [tilespmem:s1+$0xFFFFFFE0];
	v26 =	vperm.xlane v28, v2;
	v27 =	vadd.f32 v27, v30;
	[tilespmem:s24+$0x10] =	vst v31;
	(erf) = vpow2.f32 v21  }
0x26a: {  	v21 =	vld [tilespmem:s19+$0xFFFFFFF0];
	v30 =	vperm.xlane v23, v3;
	v25 =	vadd.f32 v25, v29;
	(erf) = vpow2.f32 v22  }
0x26b: {  	v19 =	vmul.f32 v19, v8;
	v8 =	vmovc v17;
	v22 =	vld [tilespmem:s1+$0xFFFFFFF0];
	v26 =	vadd.f32 v28, v26;
	v28 =	vperm.xlane v27, v4  }
0x26c: {  	v20 =	vmul.f32 v20, v7;
	v7 =	vmovc v11;
	v17 =	vld [tilespmem:s19+$0x0];
	v23 =	vadd.f32 v23, v30;
	v29 =	vperm.xlane v25, v3  }
0x26d: {  	v30 =	vld [tilespmem:s1+$0x0];
	v31 =	vadd.f32 v32, v14;
	v33 =	vperm.xlane v26, v3;
	v27 =	vadd.f32 v27, v28;
	[tilespmem:s26+$0xFFFFFFE0] =	vst v19  }
0x26e: {  	v10 =	vmul.f32 v18, v10;
	v32 =	vld [tilespmem:s19+$0xFFFFFFE0];
	v28 =	vperm.xlane v23, v4;
	v25 =	vadd.f32 v25, v29;
	[tilespmem:s26+$0xFFFFFFF0] =	vst v20  }
0x26f: {  	v11 =	vmovc v13;
	vm0 =	vgt.f32 v31, $0.0e+00;
	v26 =	vadd.f32 v26, v33;
	v18 =	vmul.f32 $1.442695020e+00, v27;
	v13 =	vmovc v21  }
0x270: {  	v21 =	vadd.f32 v22, v13;
	v33 =	vsel vm0, v5, v6;
	v22 =	vperm.xlane v25, v4;
	[tilespmem:s26+$0x0] =	vst v10;
	s26 =	smov.u32 s24  }
0x271: {  	v29 =	vadd.f32 v23, v28;
	v27 =	vmul.f32 v33, v31;
	(erf) = vpow2.f32 v18;
	v19 =	vpop (erf)  }
0x272: {  	v31 =	vperm.xlane v26, v4;
	vm0 =	vgt.f32 v21, $0.0e+00;
	v23 =	vadd.f32 v30, v17;
	[tilespmem:s2+$0xFFFFFFE0] =	vst v19;
	v20 =	vpop (erf)  }
0x273: {  	v24 =	vadd.f32 v24, v32;
	v28 =	vsel vm0, v5, v6;
	v30 =	vperm.xlane v27, v1;
	[tilespmem:s2+$0xFFFFFFF0] =	vst v20;
	v18 =	vpop (erf)  }
0x274: {  	v10 =	vmovc v9;
	v26 =	vadd.f32 v26, v31;
	v21 =	vmul.f32 v28, v21;
	vm0 =	vgt.f32 v23, $0.0e+00;
	[tilespmem:s2+$0x0] =	vst v18  }
0x275: {  	v9 =	vmovc v15;
	v15 =	vmovc v17;
	vm1 =	vgt.f32 v24, $0.0e+00;
	v28 =	vsel vm0, v5, v6;
	v27 =	vadd.f32 v27, v30  }
.Ltmp4:
0x276: {  	v17 =	vmovc v16;
	v30 =	vsel vm1, v5, v6;
	v31 =	vperm.xlane v21, v1;
	v33 =	vmul.f32 v28, v23;
	(pc) =	sbr.rel @p0 .LBB2_11-.Ltmp4, $4  }
0x277: {  	v22 =	vadd.f32 v25, v22;
	v16 =	vmovc v32;
	v28 =	vmul.f32 v30, v24;
	v34 =	vperm.xlane v27, v2  }
0x278: {  	v24 =	vmul.f32 $1.442695020e+00, v26;
	v23 =	vadd.f32 v21, v31;
	v25 =	vperm.xlane v33, v1  }
0x279: {  	v21 =	vmul.f32 $1.442695020e+00, v29;
	v30 =	vperm.xlane v28, v1;
	v27 =	vadd.f32 v27, v34  }
0x27a: {  	s19 =	sadd.s32 $0x40, s19;
	v22 =	vmul.f32 $1.442695020e+00, v22;
	v29 =	vperm.xlane v23, v2;
	v25 =	vadd.f32 v33, v25;
	v26 =	vpop (erf)  }
0x27b: {  	v28 =	vadd.f32 v28, v30;
	_ =	sdelay $0x1  }
0x27c: {  	v31 =	vperm.xlane v28, v2  }
0x27d: {  	v46 =	vperm.xlane v27, v3  }
0x27e: {  	v47 =	vperm.xlane v25, v2;
	v28 =	vadd.f32 v28, v31  }
0x27f: {  	(erf) = vpow2.f32 v24;
	v23 =	vadd.f32 v23, v29;
	v27 =	vadd.f32 v27, v46  }
0x280: {  	v12 =	vmul.f32 v26, v12;
	v49 =	vadd.f32 v25, v47;
	v50 =	vperm.xlane v28, v3  }
0x281: {  	v51 =	vperm.xlane v23, v3;
	v48 =	vperm.xlane v27, v4  }
0x282: {  	(erf) = vpow2.f32 v21;
	v52 =	vperm.xlane v49, v3;
	v25 =	vadd.f32 v28, v50  }
0x283: {  	(erf) = vpow2.f32 v22;
	v21 =	vadd.f32 v23, v51;
	v27 =	vadd.f32 v27, v48  }
0x284: {  	v8 =	vmul.f32 v19, v8;
	v53 =	vadd.f32 v49, v52;
	v54 =	vperm.xlane v25, v4  }
0x285: {  	v55 =	vperm.xlane v21, v4;
	v27 =	vmul.f32 $1.442695020e+00, v27  }
0x286: {  	v7 =	vmul.f32 v20, v7;
	v56 =	vperm.xlane v53, v4;
	v23 =	vadd.f32 v25, v54  }
0x287: {  	s0 =	sadd.s32 $0x40, s2;
	[tilespmem:s26+$0xFFFFFFE0] =	vst v8;
	v8 =	vmul.f32 v18, v10;
	v57 =	vadd.f32 v21, v55;
	(erf) = vpow2.f32 v27  }
0x288: {  	s1 =	sadd.s32 $0x40, s24;
	[tilespmem:s0+$0x10] =	vst v26;
	v58 =	vadd.f32 v53, v56;
	v59 =	vmul.f32 $1.442695020e+00, v23  }
0x289: {  	[tilespmem:s1+$0x10] =	vst v12;
	v60 =	vmul.f32 $1.442695020e+00, v57  }
0x28a: {  	[tilespmem:s26+$0xFFFFFFF0] =	vst v7;
	v7 =	vpop (erf);
	v12 =	vmul.f32 $1.442695020e+00, v58;
	(erf) = vpow2.f32 v59  }
0x28b: {  	[tilespmem:s26+$0x0] =	vst v8;
	v8 =	vpop (erf);
	(erf) = vpow2.f32 v60  }
0x28c: {  	[tilespmem:s0+$0xFFFFFFE0] =	vst v7;
	v61 =	vpop (erf);
	(erf) = vpow2.f32 v12  }
0x28d: {  	v7 =	vmul.f32 v7, v17;
	[tilespmem:s0+$0xFFFFFFF0] =	vst v8  }
0x28e: {  	v8 =	vmul.f32 v8, v11;
	[tilespmem:s0+$0x0] =	vst v61  }
0x28f: {  	[tilespmem:s1+$0xFFFFFFE0] =	vst v7;
	v7 =	vmul.f32 v61, v9  }
0x290: {  	[tilespmem:s1+$0xFFFFFFF0] =	vst v8;
	v62 =	vpop (erf)  }
0x291: {  	s0 =	sadd.s32 $0x40, s0;
	[tilespmem:s1+$0x0] =	vst v7;
	v14 =	vmul.f32 v62, v14  }
0x292: {  	s26 =	sadd.s32 $0x40, s1;
	[tilespmem:s0+$0x10] =	vst v62  }
0x293: {  	[tilespmem:s26+$0x10] =	vst v14;
	v7 =	vpop (erf)  }
0x294: {  	[tilespmem:s0+$0xFFFFFFE0] =	vst v7;
	v8 =	vpop (erf)  }
0x295: {  	v7 =	vmul.f32 v7, v16;
	[tilespmem:s0+$0xFFFFFFF0] =	vst v8;
	v63 =	vpop (erf)  }
0x296: {  	v8 =	vmul.f32 v8, v13;
	[tilespmem:s0+$0x0] =	vst v63  }
0x297: {  	[tilespmem:s26+$0xFFFFFFE0] =	vst v7;
	v7 =	vmul.f32 v63, v15  }
0x298: {  	s29 =	sand.u32 $0x3FFFFF00, s18;
	[tilespmem:s26+$0xFFFFFFF0] =	vst v8  }
0x299: {  	s28 =	sadd.s32 $0x1, s28;
	s30 =	sadd.s32 $0x2810, s29;
	[tilespmem:s26+$0x0] =	vst v7  }
0x29a: {  	[spmem:s3] =	stream.indirect.scatter.add.f32 [tilespmem:s5], [sflag:$0x8], $0x10, s30, s21, $0xb8;
	[tilespmem:$0x1B410] =	vst v63  }
0x29b: {  	p0 =	sne.s32 s28, $0xA  }
0x29c: {  	[spmem:s4] =	stream.indirect.scatter.add.f32 [tilespmem:s22], [sflag:$0x8], $0x10, s30, s21, $0xb8;
	[tilespmem:$0x1B410] =	vst v63  }
.Ltmp5:
0x29d: {  	_ = 	snop;
	(pc) =	sbr.rel @p0 .LBB2_4-.Ltmp5, $4  }
0x29e: {  	s0 =	sadd.s32 $0x2890, s29  }
0x29f: {  	[spmem:s3] =	stream.indirect.scatter.add.f32 [tilespmem:s23], [sflag:$0x8], $0x10, s0, s21, $0xb8;
	[tilespmem:$0x1B410] =	vst v63  }
0x2a0: {  	_ = 	snop  }
0x2a1: {  	[spmem:s4] =	stream.indirect.scatter.add.f32 [tilespmem:s25], [sflag:$0x8], $0x10, s0, s21, $0xb8;
	[tilespmem:$0x1B410] =	vst v63  }
0x2a2: {  	s0 =	simm.s32 $0x5  }
0x2a3: {  	_ =	swait.ge [sflag:s0], $0x800  }
0x2a4: {  	[sflag:s0] =	ssyncset.done $0x0  }
0x2a5: {  	[sflag:s0] =	ssyncadd.s32 $0xFFFFF800  }
0x2a6: {  	_ =	swait.ge [sflag:s0], $0x800  }
0x2a7: {  	[sflag:s0] =	ssyncset.done $0x0  }
0x2a8: {  	[sflag:s0] =	ssyncadd.s32 $0xFFFFF800  }
0x2a9: {  	_ =	swait.ge [sflag:s0], $0x800  }
0x2aa: {  	[sflag:s0] =	ssyncset.done $0x0  }
0x2ab: {  	[sflag:s0] =	ssyncadd.s32 $0xFFFFF800  }
0x2ac: {  	_ =	swait.ge [sflag:s0], $0x800  }
0x2ad: {  	[sflag:s0] =	ssyncset.done $0x0  }
0x2ae: {  	s18 =	simm.s32 $0x6;
	[sflag:s0] =	ssyncadd.s32 $0xFFFFF800  }
0x2af: {  	_ =	swait.ge [sflag:s18], $0x800  }
0x2b0: {  	[sflag:s18] =	ssyncset.done $0x0  }
0x2b1: {  	[sflag:s18] =	ssyncadd.s32 $0xFFFFF800  }
0x2b2: {  	_ =	swait.ge [sflag:s18], $0x800  }
0x2b3: {  	[sflag:s18] =	ssyncset.done $0x0  }
0x2b4: {  	[sflag:s18] =	ssyncadd.s32 $0xFFFFF800  }
0x2b5: {  	_ =	swait.ge [sflag:s18], $0x800  }
0x2b6: {  	[sflag:s18] =	ssyncset.done $0x0  }
0x2b7: {  	[sflag:s18] =	ssyncadd.s32 $0xFFFFF800  }
0x2b8: {  	_ =	swait.ge [sflag:s18], $0x800  }
0x2b9: {  	[sflag:s18] =	ssyncset.done $0x0  }
0x2ba: {  	s19 =	simm.s32 $0x7;
	[sflag:s18] =	ssyncadd.s32 $0xFFFFF800  }
0x2bb: {  	_ =	swait.ge [sflag:s19], $0x800  }
0x2bc: {  	[sflag:s19] =	ssyncset.done $0x0  }
0x2bd: {  	[sflag:s19] =	ssyncadd.s32 $0xFFFFF800  }
0x2be: {  	_ =	swait.ge [sflag:s19], $0x800  }
0x2bf: {  	[sflag:s19] =	ssyncset.done $0x0  }
0x2c0: {  	[sflag:s19] =	ssyncadd.s32 $0xFFFFF800  }
0x2c1: {  	_ =	swait.ge [sflag:s19], $0x800  }
0x2c2: {  	[sflag:s19] =	ssyncset.done $0x0  }
0x2c3: {  	[sflag:s19] =	ssyncadd.s32 $0xFFFFF800  }
0x2c4: {  	_ =	swait.ge [sflag:s19], $0x800  }
0x2c5: {  	[sflag:s19] =	ssyncset.done $0x0  }
0x2c6: {  	s24 =	simm.s32 $0x8;
	[sflag:s19] =	ssyncadd.s32 $0xFFFFF800  }
0x2c7: {  	_ =	swait.ge [sflag:s24], $0x800  }
0x2c8: {  	[sflag:s24] =	ssyncset.done $0x0  }
0x2c9: {  	[sflag:s24] =	ssyncadd.s32 $0xFFFFF800  }
0x2ca: {  	_ =	swait.ge [sflag:s24], $0x800  }
0x2cb: {  	[sflag:s24] =	ssyncset.done $0x0  }
0x2cc: {  	[sflag:s24] =	ssyncadd.s32 $0xFFFFF800  }
0x2cd: {  	_ =	swait.ge [sflag:s24], $0x800  }
0x2ce: {  	[sflag:s24] =	ssyncset.done $0x0  }
0x2cf: {  	[sflag:s24] =	ssyncadd.s32 $0xFFFFF800  }
0x2d0: {  	_ =	swait.ge [sflag:s24], $0x800  }
0x2d1: {  	[sflag:s24] =	ssyncset.done $0x0  }
0x2d2: {  	[sflag:s24] =	ssyncadd.s32 $0xFFFFF800  }
0x2d3: {  	s26 =	stileid.u32;
	[bflag:$0x0] =	sbarrier.arrive $0xFFFF  }
0x2d4: {  	s0 =	sshll.u32 s26, $0x6;
	s26 =	simm.s32 $0x9;
	s19 =	rddreg [dreg:$0x6]  }
0x2d5: {  	s0 =	sor.u32 $0x1C09, s0;
	s2 =	rddreg [dreg:$0xc];
	s1 =	sshrl.u32 s19, $0x3  }
0x2d6: {  	[hbm:s2], [sflag:s0] =	dma.local [spmem:s1], $0x500  }
0x2d7: {  	_ =	swait.ge [sflag:s26], $0x500  }
0x2d8: {  	[sflag:s26] =	ssyncset.done $0x0;
	s24 =	rddreg [dreg:$0x8]  }
0x2d9: {  	s29 =	rddreg [dreg:$0xd];
	[sflag:s26] =	ssyncadd.s32 $0xFFFFFB00;
	s28 =	sshrl.u32 s24, $0x3  }
0x2da: {  	[hbm:s29], [sflag:s0] =	dma.local [spmem:s28], $0x500  }
0x2db: {  	_ =	swait.ge [sflag:s26], $0x500  }
0x2dc: {  	s18 =	rddreg [dreg:$0x5]  }
0x2dd: {  	s30 =	rddreg [dreg:$0xe];
	s18 =	sadd.s32 $0x1, s18  }
0x2de: {  	p0 =	sne.s32 s18, s30  }
.Ltmp6:
0x2df: {  	_ = 	snop;
	(pc) =	sbr.rel @p0 .LBB2_1-.Ltmp6, $3  }
0x2e0: {  	_ =	sdelay $0x1  }
0x2e1: {  	[sflag:s26] =	ssyncset.done $0x0  }
0x2e2: {  	[sflag:s26] =	ssyncadd.s32 $0xFFFFFB00  }
0x2e3: {  	_ =	sfence.sel $0x180000  }
0x2e4: {  	[bflag:$0x0] =	sbarrier.arrive $0xFFFF  }
0x2e5: {  	_ =	strace $0x9000004A  }
0x2e6: {  	s0 =	stileid.u32;
	[bflag:$0x2] =	sbarrier.arrive $0xFFFF  }
0x2e7: {  	p0 =	sne.s32 s0, $0x0;
	s0 =	rddreg [dreg:$0x4]  }
0x2e8: {  	s0 =	sadd.s32 @!p0 $0x100000, s0  }
0x2e9: {  	[sflag:s0] =	ssyncadd.tile.s32 @!p0 $0x1;
	_ =	shalt  }
.Lfunc_end2:
_tile_overlayer_lowered:
.L_overlay_start_2:
0x2ea: {  	(tag) =	ssettag $0x2  }
0x2eb: {  	s0 =	rddreg [dreg:$0x0];
	s2 =	stileid.u32  }
0x2ec: {  	s1 =	rddreg [dreg:$0x1];
	p0 =	sne.s32 s2, $0x0  }
0x2ed: {  	s3 =	rddreg [dreg:$0x2];
	[bflag:$0x3] =	sbarrier.arrive $0xFFFF;
	s2 =	simm.s32 @!p0 $0x1C09  }
0x2ee: {  	[timem:s3], [sflag:s2] =	dma.local @!p0 [hbm:s0], s1  }
0x2ef: {  	s0 =	simm.s32 @!p0 $0x9  }
0x2f0: {  	_ =	swait.ge @!p0 [sflag:s0], s1  }
0x2f1: {  	s1 =	ssub.s32 @!p0 $0x0, s1;
	[sflag:s0] =	ssyncset.done @!p0 $0x0  }
0x2f2: {  	[sflag:s0] =	ssyncadd.s32 @!p0 s1  }
0x2f3: {  	[bflag:$0x3] =	sbarrier.arrive $0xFFFF  }
0x2f4: {  	_ =	shalt  }

</sc_bundles>
